<compile_context>
chip_gen: v7x
topology: tpu7x:2x2x1
jax: 0.10.2.dev20260603
libtpu: 0.0.44.dev20260713+nightly
codegen_flags: <defaults>
</compile_context>

<pallas_src>
import functools

import jax
import jax.numpy as jnp
from jax import lax
from jax.experimental import pallas as pl
from jax.experimental.pallas import tpu as pltpu
from jax.experimental.pallas import tpu_sc as plsc

VOCAB_SIZE = 1000
_NC = 2
_NS = 16
_LANES = 16


def _sc_kernel(n_total, n_words, vocab, bank_pad_w, rows_per_w):
    d = n_words * vocab
    n_chunk = (n_words + _LANES - 1) // _LANES

    def body(bank_hbm, idx_hbm, out_hbm, idx_v, bank_v, buf0, buf1,
             sem0, sem1):
        wid = lax.axis_index("s") * _NC + lax.axis_index("c")
        base = wid * rows_per_w
        cp = pltpu.make_async_copy(
            idx_hbm.at[pl.ds(base, rows_per_w)],
            idx_v.at[pl.ds(_LANES, rows_per_w)], sem0)
        cp.start()
        cp.wait()
        cp = pltpu.make_async_copy(
            bank_hbm, bank_v.at[pl.ds(1, bank_v.shape[0] - 1)], sem1)
        cp.start()
        cp.wait()

        zvec = jnp.zeros((_LANES,), jnp.float32)

        def zbody(r, carry):
            buf0[pl.ds(r * _LANES, _LANES)] = zvec
            buf1[pl.ds(r * _LANES, _LANES)] = zvec
            return carry

        lax.fori_loop(0, d // _LANES, zbody, 0)

        wio = lax.iota(jnp.int32, _LANES)
        ones = jnp.full((_LANES,), 1.0, jnp.float32)
        masks = [(wio + _LANES * c) < n_words for c in range(n_chunk)]
        bufs = (buf0, buf1)
        sems = (sem0, sem1)
        saved_offs = [None, None]

        locs = list(range(rows_per_w))
        for t, local in enumerate(locs):
            p = t % 2
            buf, sem = bufs[p], sems[p]
            if t >= 2:
                pltpu.make_async_copy(
                    buf, out_hbm.at[base + locs[t - 2]], sem).wait()
                for c in range(n_chunk):
                    plsc.store_scatter(
                        buf, [saved_offs[p][c]], zvec, mask=masks[c])
            ksp = plsc.load_gather(
                idx_v, [jnp.full((_LANES,), local + _LANES, jnp.int32)])
            offs = []
            for c in range(n_chunk):
                wv = wio + _LANES * c
                tok = plsc.load_gather(bank_v, [ksp + 1, wv])
                off = wv * vocab + tok
                off = jnp.where(masks[c], off, 0)
                plsc.store_scatter(buf, [off], ones, mask=masks[c])
                offs.append(off)
            saved_offs[p] = offs
            pltpu.make_async_copy(buf, out_hbm.at[base + local], sem).start()
        pltpu.make_async_copy(
            bufs[0], out_hbm.at[base + locs[-2]], sems[0]).wait()
        pltpu.make_async_copy(
            bufs[1], out_hbm.at[base + locs[-1]], sems[1]).wait()

    return body


def kernel(features, reports, sentence_bank, weights):
    B, n_sentences, n_words = reports.shape
    k_first, bank_w = sentence_bank.shape

    key = jax.random.key(42)
    idx = jax.random.categorical(key, jnp.log(weights), shape=(B, n_sentences))
    idx = idx.astype(jnp.int32).reshape(-1)

    bank = sentence_bank.astype(jnp.int32)
    if bank_w < n_words:
        bank = jnp.pad(bank, ((0, 0), (0, n_words - bank_w)))
    bank = bank[:, :n_words]
    pad_w = (-n_words) % _LANES
    bank = jnp.pad(bank, ((0, 0), (0, pad_w)))

    n_total = B * n_sentences
    rows_per_w = n_total // (_NC * _NS)
    d = n_words * VOCAB_SIZE

    mesh = plsc.VectorSubcoreMesh(core_axis_name="c", subcore_axis_name="s")
    sc_call = functools.partial(
        pl.kernel,
        out_type=jax.ShapeDtypeStruct((n_total, d), jnp.float32),
        mesh=mesh,
        compiler_params=pltpu.CompilerParams(needs_layout_passes=False),
        scratch_types=[
            pltpu.VMEM((rows_per_w + _LANES,), jnp.int32),
            pltpu.VMEM((k_first + 1, n_words + pad_w), jnp.int32),
            pltpu.VMEM((d,), jnp.float32),
            pltpu.VMEM((d,), jnp.float32),
            pltpu.SemaphoreType.DMA,
            pltpu.SemaphoreType.DMA,
        ],
    )(_sc_kernel(n_total, n_words, VOCAB_SIZE, n_words + pad_w, rows_per_w))
    out = sc_call(bank, idx)

    out = out.reshape(B, n_sentences, n_words, VOCAB_SIZE)
    stops = jnp.zeros((B, n_sentences), dtype=jnp.float32)
    return (out, stops)

# --- scband reference (transcript-rebuilt; emitter-appended) ---
"""Pipeline reference for scband-most-common-sentences-72799695667336 (READ-ONLY COPY).

The authoritative reference and input builder live on the scoring server;
editing this copy changes nothing except your own understanding.
"""

import jax, jax.numpy as jnp
import numpy as np

VOCAB_SIZE = 1000
K_FIRST = 100
N_WORDS_BANK = 50


def setup_inputs(seed: int = 0) -> dict:
    key = jax.random.key(seed)
    k1, k2, k3, k4, k5 = jax.random.split(key, 5)
    features = jax.random.normal(k1, (64, 512), dtype=jnp.float32)
    reports = jax.random.randint(k2, (64, 16, 50), 0, VOCAB_SIZE, dtype=jnp.int64 if jax.config.jax_enable_x64 else jnp.int32)
    # sentence bank: k_first most-common sentences, variable length, zero-padded (token 0 = pad)
    bank = jax.random.randint(k3, (K_FIRST, N_WORDS_BANK), 1, VOCAB_SIZE)
    lengths = jax.random.randint(k4, (K_FIRST,), 3, N_WORDS_BANK + 1)
    mask = jnp.arange(N_WORDS_BANK)[None, :] < lengths[:, None]
    sentence_bank = jnp.where(mask, bank, 0)
    # appearance counts used as sampling weights (random.choices semantics)
    weights = jax.random.uniform(k5, (K_FIRST,), minval=0.1, maxval=10.0, dtype=jnp.float32)
    return {"features": features, "reports": reports, "sentence_bank": sentence_bank, "weights": weights}


def reference(features, reports, sentence_bank, weights):
    B, n_sentences, n_words = reports.shape
    # weighted sampling with replacement of sentence indices (random.choices equivalent)
    key = jax.random.key(42)
    idx = jax.random.categorical(key, jnp.log(weights), shape=(B, n_sentences))
    # gather sampled sentences from the bank
    gathered = jnp.take(sentence_bank, idx, axis=0)  # [B, n_sentences, bank_w]
    bank_w = sentence_bank.shape[1]
    if bank_w >= n_words:
        gathered = gathered[..., :n_words]  # truncate (sentence[:n_words])
    else:
        gathered = jnp.pad(gathered, ((0, 0), (0, 0), (0, n_words - bank_w)))  # pad with 0
    reports_oh = jax.nn.one_hot(gathered, VOCAB_SIZE, dtype=jnp.float32)
    stops = jnp.zeros((B, n_sentences), dtype=jnp.float32)
    return (reports_oh, stops)

if __name__ == "__main__":
    import jax
    _d = setup_inputs()
    print(jax.jit(kernel)(*tuple(_d.values())))

</pallas_src>

<mosaic_0001>
#map = affine_map<(d0, d1) -> (0, 0)>
#map1 = affine_map<(d0, d1) -> (0)>
module attributes {stable_mosaic.version = 14 : i64} {
  func.func @body(%arg0: i32, %arg1: i32, %arg2: memref<100x64xi32, #tpu.memory_space<hbm>>, %arg3: memref<1024xi32, #tpu.memory_space<hbm>>, %arg4: memref<1024x50000xf32, #tpu.memory_space<hbm>>, %arg5: memref<48xi32, #tpu.memory_space<vmem>>, %arg6: memref<101x64xi32, #tpu.memory_space<vmem>>, %arg7: memref<50000xf32, #tpu.memory_space<vmem>>, %arg8: memref<50000xf32, #tpu.memory_space<vmem>>, %arg9: memref<!tpu.dma_semaphore, #tpu.memory_space<semaphore_mem>>, %arg10: memref<!tpu.dma_semaphore, #tpu.memory_space<semaphore_mem>>) attributes {dimension_semantics = [#tpu.dimension_semantics<core_parallel>, #tpu.dimension_semantics<subcore_parallel>], iteration_bounds = array<i64: 2, 16>, scalar_prefetch = 0 : i64, scratch_operands = 6 : i64, tpu.core_type = #tpu.core_type<sc_vector_subcore>, window_params = [{transform_indices = #map}, {transform_indices = #map1}, {transform_indices = #map}]} {
    %mul3A = arith.constant 2 : i32
    %mul3A_0 = arith.muli %arg1, %mul3A : i32
    %add3A = arith.addi %mul3A_0, %arg0 : i32
    %mul3A_1 = arith.constant 32 : i32
    %mul3A_2 = arith.muli %add3A, %mul3A_1 : i32
    %dma_start3A = arith.constant 16 : i32
    %dma_start3A_3 = tpu.memref_slice %arg5[%dma_start3A] : memref<48xi32, #tpu.memory_space<vmem>> -> memref<32xi32, #tpu.memory_space<vmem>>
    %dma_start3A_4 = tpu.memref_slice %arg3[%mul3A_2] : memref<1024xi32, #tpu.memory_space<hbm>> -> memref<32xi32, #tpu.memory_space<hbm>>
    %dma_start3A_5 = arith.constant 16 : i32
    %dma_start3A_6 = tpu.memref_slice %arg5[%dma_start3A_5] : memref<48xi32, #tpu.memory_space<vmem>> -> memref<32xi32, #tpu.memory_space<vmem>>
    %dma_start3A_7 = tpu.memref_slice %arg3[%mul3A_2] : memref<1024xi32, #tpu.memory_space<hbm>> -> memref<32xi32, #tpu.memory_space<hbm>>
    tpu.enqueue_dma source(%dma_start3A_7 : memref<32xi32, #tpu.memory_space<hbm>>) target(%dma_start3A_6 : memref<32xi32, #tpu.memory_space<vmem>>) target_semaphore(%arg9 : memref<!tpu.dma_semaphore, #tpu.memory_space<semaphore_mem>>)
    %dma_wait3A = arith.constant 16 : i32
    %dma_wait3A_8 = tpu.memref_slice %arg5[%dma_wait3A] : memref<48xi32, #tpu.memory_space<vmem>> -> memref<32xi32, #tpu.memory_space<vmem>>
    %dma_wait3A_9 = tpu.memref_slice %arg3[%mul3A_2] : memref<1024xi32, #tpu.memory_space<hbm>> -> memref<32xi32, #tpu.memory_space<hbm>>
    %dma_wait3A_10 = arith.constant 16 : i32
    %dma_wait3A_11 = tpu.memref_slice %arg5[%dma_wait3A_10] : memref<48xi32, #tpu.memory_space<vmem>> -> memref<32xi32, #tpu.memory_space<vmem>>
    %dma_wait3A_12 = tpu.memref_slice %arg3[%mul3A_2] : memref<1024xi32, #tpu.memory_space<hbm>> -> memref<32xi32, #tpu.memory_space<hbm>>
    tpu.wait_dma2 semaphore(%arg9 : memref<!tpu.dma_semaphore, #tpu.memory_space<semaphore_mem>>) src(%dma_wait3A_12 : memref<32xi32, #tpu.memory_space<hbm>>) dst(%dma_wait3A_11 : memref<32xi32, #tpu.memory_space<vmem>>)
    %dma_start3A_13 = arith.constant 1 : i32
    %dma_start3A_14 = arith.constant 0 : i32
    %dma_start3A_15 = tpu.memref_slice %arg6[%dma_start3A_13, %dma_start3A_14] : memref<101x64xi32, #tpu.memory_space<vmem>> -> memref<100x64xi32, #tpu.memory_space<vmem>>
    %dma_start3A_16 = arith.constant 1 : i32
    %dma_start3A_17 = arith.constant 0 : i32
    %dma_start3A_18 = tpu.memref_slice %arg6[%dma_start3A_16, %dma_start3A_17] : memref<101x64xi32, #tpu.memory_space<vmem>> -> memref<100x64xi32, #tpu.memory_space<vmem>>
    tpu.enqueue_dma source(%arg2 : memref<100x64xi32, #tpu.memory_space<hbm>>) target(%dma_start3A_18 : memref<100x64xi32, #tpu.memory_space<vmem>>) target_semaphore(%arg10 : memref<!tpu.dma_semaphore, #tpu.memory_space<semaphore_mem>>)
    %dma_wait3A_19 = arith.constant 1 : i32
    %dma_wait3A_20 = arith.constant 0 : i32
    %dma_wait3A_21 = tpu.memref_slice %arg6[%dma_wait3A_19, %dma_wait3A_20] : memref<101x64xi32, #tpu.memory_space<vmem>> -> memref<100x64xi32, #tpu.memory_space<vmem>>
    %dma_wait3A_22 = arith.constant 1 : i32
    %dma_wait3A_23 = arith.constant 0 : i32
    %dma_wait3A_24 = tpu.memref_slice %arg6[%dma_wait3A_22, %dma_wait3A_23] : memref<101x64xi32, #tpu.memory_space<vmem>> -> memref<100x64xi32, #tpu.memory_space<vmem>>
    tpu.wait_dma2 semaphore(%arg10 : memref<!tpu.dma_semaphore, #tpu.memory_space<semaphore_mem>>) src(%arg2 : memref<100x64xi32, #tpu.memory_space<hbm>>) dst(%dma_wait3A_24 : memref<100x64xi32, #tpu.memory_space<vmem>>)
    %broadcast_in_dim3A = arith.constant 0.000000e+00 : f32
    %broadcast_in_dim3A_25 = vector.broadcast %broadcast_in_dim3A : f32 to vector<16xf32>
    %scan3A = arith.constant 0 : i32
    %scan3A_26 = arith.constant 0 : i32
    %scan3A_27 = arith.constant 3125 : i32
    %scan3A_28 = arith.addi %scan3A_26, %scan3A_27 : i32
    %scan3A_29 = arith.constant 1 : i32
    scf.for %scan3A_2453 = %scan3A_26 to %scan3A_28 step %scan3A_29  : i32 {
      %mul3A_2454 = arith.constant 16 : i32
      %mul3A_2455 = arith.muli %scan3A_2453, %mul3A_2454 : i32
      %swap3A = arith.index_cast %mul3A_2455 : i32 to index
      %swap3A_2456 = tpu.vector_load %arg7[%swap3A] {strides = array<i32>} : memref<50000xf32, #tpu.memory_space<vmem>>, vector<16xf32>,
      tpu.vector_store %arg7[%swap3A], %broadcast_in_dim3A_25 {strides = array<i32>} : memref<50000xf32, #tpu.memory_space<vmem>>, vector<16xf32>,
      %mul3A_2457 = arith.constant 16 : i32
      %mul3A_2458 = arith.muli %scan3A_2453, %mul3A_2457 : i32
      %swap3A_2459 = arith.index_cast %mul3A_2458 : i32 to index
      %swap3A_2460 = tpu.vector_load %arg8[%swap3A_2459] {strides = array<i32>} : memref<50000xf32, #tpu.memory_space<vmem>>, vector<16xf32>,
      tpu.vector_store %arg8[%swap3A_2459], %broadcast_in_dim3A_25 {strides = array<i32>} : memref<50000xf32, #tpu.memory_space<vmem>>, vector<16xf32>,
    }
    %scan3A_30 = arith.constant 3125 : i32
    %iota3A = tpu.iota {dimensions = array<i32: 0>} : vector<16xi32>
    %broadcast_in_dim3A_31 = arith.constant 1.000000e+00 : f32
    %broadcast_in_dim3A_32 = vector.broadcast %broadcast_in_dim3A_31 : f32 to vector<16xf32>
    %add3A_33 = arith.constant 0 : i32
    %add3A_34 = vector.broadcast %add3A_33 : i32 to vector<16xi32>
    %add3A_35 = arith.addi %iota3A, %add3A_34 : vector<16xi32>
    %lt3A = arith.constant 50 : i32
    %lt3A_36 = vector.broadcast %lt3A : i32 to vector<16xi32>
    %lt3A_37 = arith.cmpi slt, %add3A_35, %lt3A_36 : vector<16xi32>
    %add3A_38 = arith.constant 16 : i32
    %add3A_39 = vector.broadcast %add3A_38 : i32 to vector<16xi32>
    %add3A_40 = arith.addi %iota3A, %add3A_39 : vector<16xi32>
    %lt3A_41 = arith.constant 50 : i32
    %lt3A_42 = vector.broadcast %lt3A_41 : i32 to vector<16xi32>
    %lt3A_43 = arith.cmpi slt, %add3A_40, %lt3A_42 : vector<16xi32>
    %add3A_44 = arith.constant 32 : i32
    %add3A_45 = vector.broadcast %add3A_44 : i32 to vector<16xi32>
    %add3A_46 = arith.addi %iota3A, %add3A_45 : vector<16xi32>
    %lt3A_47 = arith.constant 50 : i32
    %lt3A_48 = vector.broadcast %lt3A_47 : i32 to vector<16xi32>
    %lt3A_49 = arith.cmpi slt, %add3A_46, %lt3A_48 : vector<16xi32>
    %add3A_50 = arith.constant 48 : i32
    %add3A_51 = vector.broadcast %add3A_50 : i32 to vector<16xi32>
    %add3A_52 = arith.addi %iota3A, %add3A_51 : vector<16xi32>
    %lt3A_53 = arith.constant 50 : i32
    %lt3A_54 = vector.broadcast %lt3A_53 : i32 to vector<16xi32>
    %lt3A_55 = arith.cmpi slt, %add3A_52, %lt3A_54 : vector<16xi32>
    %broadcast_in_dim3A_56 = arith.constant 16 : i32
    %broadcast_in_dim3A_57 = vector.broadcast %broadcast_in_dim3A_56 : i32 to vector<16xi32>
    %gather3A = tpu.vector_load_idx %arg5[%broadcast_in_dim3A_57] : memref<48xi32, #tpu.memory_space<vmem>>[vector<16xi32>], vector<16xi32>,
    %add3A_58 = arith.constant 0 : i32
    %add3A_59 = vector.broadcast %add3A_58 : i32 to vector<16xi32>
    %add3A_60 = arith.addi %iota3A, %add3A_59 : vector<16xi32>
    %add3A_61 = arith.constant 1 : i32
    %add3A_62 = vector.broadcast %add3A_61 : i32 to vector<16xi32>
    %add3A_63 = arith.addi %gather3A, %add3A_62 : vector<16xi32>
    %gather3A_64 = tpu.vector_load_idx %arg6[%add3A_63, %add3A_60] : memref<101x64xi32, #tpu.memory_space<vmem>>[vector<16xi32>, vector<16xi32>], vector<16xi32>,
    %mul3A_65 = arith.constant 1000 : i32
    %mul3A_66 = vector.broadcast %mul3A_65 : i32 to vector<16xi32>
    %mul3A_67 = arith.muli %add3A_60, %mul3A_66 : vector<16xi32>
    %add3A_68 = arith.addi %mul3A_67, %gather3A_64 : vector<16xi32>
    %jit3A = arith.constant 0 : i32
    %broadcast_in_dim3A_69 = vector.broadcast %jit3A : i32 to vector<16xi32>
    %select_n3A = arith.select %lt3A_37, %add3A_68, %broadcast_in_dim3A_69 : vector<16xi1>, vector<16xi32>
    tpu.vector_store_idx %arg7[%select_n3A], %broadcast_in_dim3A_32 masked %lt3A_37 : memref<50000xf32, #tpu.memory_space<vmem>>[vector<16xi32>], vector<16xf32>, vector<16xi1>
    %add3A_70 = arith.constant 16 : i32
    %add3A_71 = vector.broadcast %add3A_70 : i32 to vector<16xi32>
    %add3A_72 = arith.addi %iota3A, %add3A_71 : vector<16xi32>
    %add3A_73 = arith.constant 1 : i32
    %add3A_74 = vector.broadcast %add3A_73 : i32 to vector<16xi32>
    %add3A_75 = arith.addi %gather3A, %add3A_74 : vector<16xi32>
    %gather3A_76 = tpu.vector_load_idx %arg6[%add3A_75, %add3A_72] : memref<101x64xi32, #tpu.memory_space<vmem>>[vector<16xi32>, vector<16xi32>], vector<16xi32>,
    %mul3A_77 = arith.constant 1000 : i32
    %mul3A_78 = vector.broadcast %mul3A_77 : i32 to vector<16xi32>
    %mul3A_79 = arith.muli %add3A_72, %mul3A_78 : vector<16xi32>
    %add3A_80 = arith.addi %mul3A_79, %gather3A_76 : vector<16xi32>
    %jit3A_81 = arith.constant 0 : i32
    %broadcast_in_dim3A_82 = vector.broadcast %jit3A_81 : i32 to vector<16xi32>
    %select_n3A_83 = arith.select %lt3A_43, %add3A_80, %broadcast_in_dim3A_82 : vector<16xi1>, vector<16xi32>
    tpu.vector_store_idx %arg7[%select_n3A_83], %broadcast_in_dim3A_32 masked %lt3A_43 : memref<50000xf32, #tpu.memory_space<vmem>>[vector<16xi32>], vector<16xf32>, vector<16xi1>
    %add3A_84 = arith.constant 32 : i32
    %add3A_85 = vector.broadcast %add3A_84 : i32 to vector<16xi32>
    %add3A_86 = arith.addi %iota3A, %add3A_85 : vector<16xi32>
    %add3A_87 = arith.constant 1 : i32
    %add3A_88 = vector.broadcast %add3A_87 : i32 to vector<16xi32>
    %add3A_89 = arith.addi %gather3A, %add3A_88 : vector<16xi32>
    %gather3A_90 = tpu.vector_load_idx %arg6[%add3A_89, %add3A_86] : memref<101x64xi32, #tpu.memory_space<vmem>>[vector<16xi32>, vector<16xi32>], vector<16xi32>,
    %mul3A_91 = arith.constant 1000 : i32
    %mul3A_92 = vector.broadcast %mul3A_91 : i32 to vector<16xi32>
    %mul3A_93 = arith.muli %add3A_86, %mul3A_92 : vector<16xi32>
    %add3A_94 = arith.addi %mul3A_93, %gather3A_90 : vector<16xi32>
    %jit3A_95 = arith.constant 0 : i32
    %broadcast_in_dim3A_96 = vector.broadcast %jit3A_95 : i32 to vector<16xi32>
    %select_n3A_97 = arith.select %lt3A_49, %add3A_94, %broadcast_in_dim3A_96 : vector<16xi1>, vector<16xi32>
    tpu.vector_store_idx %arg7[%select_n3A_97], %broadcast_in_dim3A_32 masked %lt3A_49 : memref<50000xf32, #tpu.memory_space<vmem>>[vector<16xi32>], vector<16xf32>, vector<16xi1>
    %add3A_98 = arith.constant 48 : i32
    %add3A_99 = vector.broadcast %add3A_98 : i32 to vector<16xi32>
    %add3A_100 = arith.addi %iota3A, %add3A_99 : vector<16xi32>
    %add3A_101 = arith.constant 1 : i32
    %add3A_102 = vector.broadcast %add3A_101 : i32 to vector<16xi32>
    %add3A_103 = arith.addi %gather3A, %add3A_102 : vector<16xi32>
    %gather3A_104 = tpu.vector_load_idx %arg6[%add3A_103, %add3A_100] : memref<101x64xi32, #tpu.memory_space<vmem>>[vector<16xi32>, vector<16xi32>], vector<16xi32>,
    %mul3A_105 = arith.constant 1000 : i32
    %mul3A_106 = vector.broadcast %mul3A_105 : i32 to vector<16xi32>
    %mul3A_107 = arith.muli %add3A_100, %mul3A_106 : vector<16xi32>
    %add3A_108 = arith.addi %mul3A_107, %gather3A_104 : vector<16xi32>
    %jit3A_109 = arith.constant 0 : i32
    %broadcast_in_dim3A_110 = vector.broadcast %jit3A_109 : i32 to vector<16xi32>
    %select_n3A_111 = arith.select %lt3A_55, %add3A_108, %broadcast_in_dim3A_110 : vector<16xi1>, vector<16xi32>
    tpu.vector_store_idx %arg7[%select_n3A_111], %broadcast_in_dim3A_32 masked %lt3A_55 : memref<50000xf32, #tpu.memory_space<vmem>>[vector<16xi32>], vector<16xf32>, vector<16xi1>
    %add3A_112 = arith.constant 0 : i32
    %add3A_113 = arith.addi %mul3A_2, %add3A_112 : i32
    %dma_start3A_114 = arith.constant 0 : i32
    %dma_start3A_115 = tpu.memref_slice %arg4[%add3A_113, %dma_start3A_114] : memref<1024x50000xf32, #tpu.memory_space<hbm>> -> memref<1x50000xf32, #tpu.memory_space<hbm>>
    %dma_start3A_116 = tpu.memref_squeeze %dma_start3A_115 : memref<1x50000xf32, #tpu.memory_space<hbm>> -> memref<50000xf32, #tpu.memory_space<hbm>>
    %dma_start3A_117 = arith.constant 0 : i32
    %dma_start3A_118 = tpu.memref_slice %arg4[%add3A_113, %dma_start3A_117] : memref<1024x50000xf32, #tpu.memory_space<hbm>> -> memref<1x50000xf32, #tpu.memory_space<hbm>>
    %dma_start3A_119 = tpu.memref_squeeze %dma_start3A_118 : memref<1x50000xf32, #tpu.memory_space<hbm>> -> memref<50000xf32, #tpu.memory_space<hbm>>
    tpu.enqueue_dma source(%arg7 : memref<50000xf32, #tpu.memory_space<vmem>>) target(%dma_start3A_119 : memref<50000xf32, #tpu.memory_space<hbm>>) target_semaphore(%arg9 : memref<!tpu.dma_semaphore, #tpu.memory_space<semaphore_mem>>)
    %broadcast_in_dim3A_120 = arith.constant 17 : i32
    %broadcast_in_dim3A_121 = vector.broadcast %broadcast_in_dim3A_120 : i32 to vector<16xi32>
    %gather3A_122 = tpu.vector_load_idx %arg5[%broadcast_in_dim3A_121] : memref<48xi32, #tpu.memory_space<vmem>>[vector<16xi32>], vector<16xi32>,
    %add3A_123 = arith.constant 0 : i32
    %add3A_124 = vector.broadcast %add3A_123 : i32 to vector<16xi32>
    %add3A_125 = arith.addi %iota3A, %add3A_124 : vector<16xi32>
    %add3A_126 = arith.constant 1 : i32
    %add3A_127 = vector.broadcast %add3A_126 : i32 to vector<16xi32>
    %add3A_128 = arith.addi %gather3A_122, %add3A_127 : vector<16xi32>
    %gather3A_129 = tpu.vector_load_idx %arg6[%add3A_128, %add3A_125] : memref<101x64xi32, #tpu.memory_space<vmem>>[vector<16xi32>, vector<16xi32>], vector<16xi32>,
    %mul3A_130 = arith.constant 1000 : i32
    %mul3A_131 = vector.broadcast %mul3A_130 : i32 to vector<16xi32>
    %mul3A_132 = arith.muli %add3A_125, %mul3A_131 : vector<16xi32>
    %add3A_133 = arith.addi %mul3A_132, %gather3A_129 : vector<16xi32>
    %jit3A_134 = arith.constant 0 : i32
    %broadcast_in_dim3A_135 = vector.broadcast %jit3A_134 : i32 to vector<16xi32>
    %select_n3A_136 = arith.select %lt3A_37, %add3A_133, %broadcast_in_dim3A_135 : vector<16xi1>, vector<16xi32>
    tpu.vector_store_idx %arg8[%select_n3A_136], %broadcast_in_dim3A_32 masked %lt3A_37 : memref<50000xf32, #tpu.memory_space<vmem>>[vector<16xi32>], vector<16xf32>, vector<16xi1>
    %add3A_137 = arith.constant 16 : i32
    %add3A_138 = vector.broadcast %add3A_137 : i32 to vector<16xi32>
    %add3A_139 = arith.addi %iota3A, %add3A_138 : vector<16xi32>
    %add3A_140 = arith.constant 1 : i32
    %add3A_141 = vector.broadcast %add3A_140 : i32 to vector<16xi32>
    %add3A_142 = arith.addi %gather3A_122, %add3A_141 : vector<16xi32>
    %gather3A_143 = tpu.vector_load_idx %arg6[%add3A_142, %add3A_139] : memref<101x64xi32, #tpu.memory_space<vmem>>[vector<16xi32>, vector<16xi32>], vector<16xi32>,
    %mul3A_144 = arith.constant 1000 : i32
    %mul3A_145 = vector.broadcast %mul3A_144 : i32 to vector<16xi32>
    %mul3A_146 = arith.muli %add3A_139, %mul3A_145 : vector<16xi32>
    %add3A_147 = arith.addi %mul3A_146, %gather3A_143 : vector<16xi32>
    %jit3A_148 = arith.constant 0 : i32
    %broadcast_in_dim3A_149 = vector.broadcast %jit3A_148 : i32 to vector<16xi32>
    %select_n3A_150 = arith.select %lt3A_43, %add3A_147, %broadcast_in_dim3A_149 : vector<16xi1>, vector<16xi32>
    tpu.vector_store_idx %arg8[%select_n3A_150], %broadcast_in_dim3A_32 masked %lt3A_43 : memref<50000xf32, #tpu.memory_space<vmem>>[vector<16xi32>], vector<16xf32>, vector<16xi1>
    %add3A_151 = arith.constant 32 : i32
    %add3A_152 = vector.broadcast %add3A_151 : i32 to vector<16xi32>
    %add3A_153 = arith.addi %iota3A, %add3A_152 : vector<16xi32>
    %add3A_154 = arith.constant 1 : i32
    %add3A_155 = vector.broadcast %add3A_154 : i32 to vector<16xi32>
    %add3A_156 = arith.addi %gather3A_122, %add3A_155 : vector<16xi32>
    %gather3A_157 = tpu.vector_load_idx %arg6[%add3A_156, %add3A_153] : memref<101x64xi32, #tpu.memory_space<vmem>>[vector<16xi32>, vector<16xi32>], vector<16xi32>,
    %mul3A_158 = arith.constant 1000 : i32
    %mul3A_159 = vector.broadcast %mul3A_158 : i32 to vector<16xi32>
    %mul3A_160 = arith.muli %add3A_153, %mul3A_159 : vector<16xi32>
    %add3A_161 = arith.addi %mul3A_160, %gather3A_157 : vector<16xi32>
    %jit3A_162 = arith.constant 0 : i32
    %broadcast_in_dim3A_163 = vector.broadcast %jit3A_162 : i32 to vector<16xi32>
    %select_n3A_164 = arith.select %lt3A_49, %add3A_161, %broadcast_in_dim3A_163 : vector<16xi1>, vector<16xi32>
    tpu.vector_store_idx %arg8[%select_n3A_164], %broadcast_in_dim3A_32 masked %lt3A_49 : memref<50000xf32, #tpu.memory_space<vmem>>[vector<16xi32>], vector<16xf32>, vector<16xi1>
    %add3A_165 = arith.constant 48 : i32
    %add3A_166 = vector.broadcast %add3A_165 : i32 to vector<16xi32>
    %add3A_167 = arith.addi %iota3A, %add3A_166 : vector<16xi32>
    %add3A_168 = arith.constant 1 : i32
    %add3A_169 = vector.broadcast %add3A_168 : i32 to vector<16xi32>
    %add3A_170 = arith.addi %gather3A_122, %add3A_169 : vector<16xi32>
    %gather3A_171 = tpu.vector_load_idx %arg6[%add3A_170, %add3A_167] : memref<101x64xi32, #tpu.memory_space<vmem>>[vector<16xi32>, vector<16xi32>], vector<16xi32>,
    %mul3A_172 = arith.constant 1000 : i32
    %mul3A_173 = vector.broadcast %mul3A_172 : i32 to vector<16xi32>
    %mul3A_174 = arith.muli %add3A_167, %mul3A_173 : vector<16xi32>
    %add3A_175 = arith.addi %mul3A_174, %gather3A_171 : vector<16xi32>
    %jit3A_176 = arith.constant 0 : i32
    %broadcast_in_dim3A_177 = vector.broadcast %jit3A_176 : i32 to vector<16xi32>
    %select_n3A_178 = arith.select %lt3A_55, %add3A_175, %broadcast_in_dim3A_177 : vector<16xi1>, vector<16xi32>
    tpu.vector_store_idx %arg8[%select_n3A_178], %broadcast_in_dim3A_32 masked %lt3A_55 : memref<50000xf32, #tpu.memory_space<vmem>>[vector<16xi32>], vector<16xf32>, vector<16xi1>
    %add3A_179 = arith.constant 1 : i32
    %add3A_180 = arith.addi %mul3A_2, %add3A_179 : i32
    %dma_start3A_181 = arith.constant 0 : i32
    %dma_start3A_182 = tpu.memref_slice %arg4[%add3A_180, %dma_start3A_181] : memref<1024x50000xf32, #tpu.memory_space<hbm>> -> memref<1x50000xf32, #tpu.memory_space<hbm>>
    %dma_start3A_183 = tpu.memref_squeeze %dma_start3A_182 : memref<1x50000xf32, #tpu.memory_space<hbm>> -> memref<50000xf32, #tpu.memory_space<hbm>>
    %dma_start3A_184 = arith.constant 0 : i32
    %dma_start3A_185 = tpu.memref_slice %arg4[%add3A_180, %dma_start3A_184] : memref<1024x50000xf32, #tpu.memory_space<hbm>> -> memref<1x50000xf32, #tpu.memory_space<hbm>>
    %dma_start3A_186 = tpu.memref_squeeze %dma_start3A_185 : memref<1x50000xf32, #tpu.memory_space<hbm>> -> memref<50000xf32, #tpu.memory_space<hbm>>
    tpu.enqueue_dma source(%arg8 : memref<50000xf32, #tpu.memory_space<vmem>>) target(%dma_start3A_186 : memref<50000xf32, #tpu.memory_space<hbm>>) target_semaphore(%arg10 : memref<!tpu.dma_semaphore, #tpu.memory_space<semaphore_mem>>)
    %add3A_187 = arith.constant 0 : i32
    %add3A_188 = arith.addi %mul3A_2, %add3A_187 : i32
    %dma_wait3A_189 = arith.constant 0 : i32
    %dma_wait3A_190 = tpu.memref_slice %arg4[%add3A_188, %dma_wait3A_189] : memref<1024x50000xf32, #tpu.memory_space<hbm>> -> memref<1x50000xf32, #tpu.memory_space<hbm>>
    %dma_wait3A_191 = tpu.memref_squeeze %dma_wait3A_190 : memref<1x50000xf32, #tpu.memory_space<hbm>> -> memref<50000xf32, #tpu.memory_space<hbm>>
    %dma_wait3A_192 = arith.constant 0 : i32
    %dma_wait3A_193 = tpu.memref_slice %arg4[%add3A_188, %dma_wait3A_192] : memref<1024x50000xf32, #tpu.memory_space<hbm>> -> memref<1x50000xf32, #tpu.memory_space<hbm>>
    %dma_wait3A_194 = tpu.memref_squeeze %dma_wait3A_193 : memref<1x50000xf32, #tpu.memory_space<hbm>> -> memref<50000xf32, #tpu.memory_space<hbm>>
    tpu.wait_dma2 semaphore(%arg9 : memref<!tpu.dma_semaphore, #tpu.memory_space<semaphore_mem>>) src(%arg7 : memref<50000xf32, #tpu.memory_space<vmem>>) dst(%dma_wait3A_194 : memref<50000xf32, #tpu.memory_space<hbm>>)
    tpu.vector_store_idx %arg7[%select_n3A], %broadcast_in_dim3A_25 masked %lt3A_37 : memref<50000xf32, #tpu.memory_space<vmem>>[vector<16xi32>], vector<16xf32>, vector<16xi1>
    tpu.vector_store_idx %arg7[%select_n3A_83], %broadcast_in_dim3A_25 masked %lt3A_43 : memref<50000xf32, #tpu.memory_space<vmem>>[vector<16xi32>], vector<16xf32>, vector<16xi1>
    tpu.vector_store_idx %arg7[%select_n3A_97], %broadcast_in_dim3A_25 masked %lt3A_49 : memref<50000xf32, #tpu.memory_space<vmem>>[vector<16xi32>], vector<16xf32>, vector<16xi1>
    tpu.vector_store_idx %arg7[%select_n3A_111], %broadcast_in_dim3A_25 masked %lt3A_55 : memref<50000xf32, #tpu.memory_space<vmem>>[vector<16xi32>], vector<16xf32>, vector<16xi1>
    %broadcast_in_dim3A_195 = arith.constant 18 : i32
    %broadcast_in_dim3A_196 = vector.broadcast %broadcast_in_dim3A_195 : i32 to vector<16xi32>
    %gather3A_197 = tpu.vector_load_idx %arg5[%broadcast_in_dim3A_196] : memref<48xi32, #tpu.memory_space<vmem>>[vector<16xi32>], vector<16xi32>,
    %add3A_198 = arith.constant 0 : i32
    %add3A_199 = vector.broadcast %add3A_198 : i32 to vector<16xi32>
    %add3A_200 = arith.addi %iota3A, %add3A_199 : vector<16xi32>
    %add3A_201 = arith.constant 1 : i32
    %add3A_202 = vector.broadcast %add3A_201 : i32 to vector<16xi32>
    %add3A_203 = arith.addi %gather3A_197, %add3A_202 : vector<16xi32>
    %gather3A_204 = tpu.vector_load_idx %arg6[%add3A_203, %add3A_200] : memref<101x64xi32, #tpu.memory_space<vmem>>[vector<16xi32>, vector<16xi32>], vector<16xi32>,
    %mul3A_205 = arith.constant 1000 : i32
    %mul3A_206 = vector.broadcast %mul3A_205 : i32 to vector<16xi32>
    %mul3A_207 = arith.muli %add3A_200, %mul3A_206 : vector<16xi32>
    %add3A_208 = arith.addi %mul3A_207, %gather3A_204 : vector<16xi32>
    %jit3A_209 = arith.constant 0 : i32
    %broadcast_in_dim3A_210 = vector.broadcast %jit3A_209 : i32 to vector<16xi32>
    %select_n3A_211 = arith.select %lt3A_37, %add3A_208, %broadcast_in_dim3A_210 : vector<16xi1>, vector<16xi32>
    tpu.vector_store_idx %arg7[%select_n3A_211], %broadcast_in_dim3A_32 masked %lt3A_37 : memref<50000xf32, #tpu.memory_space<vmem>>[vector<16xi32>], vector<16xf32>, vector<16xi1>
    %add3A_212 = arith.constant 16 : i32
    %add3A_213 = vector.broadcast %add3A_212 : i32 to vector<16xi32>
    %add3A_214 = arith.addi %iota3A, %add3A_213 : vector<16xi32>
    %add3A_215 = arith.constant 1 : i32
    %add3A_216 = vector.broadcast %add3A_215 : i32 to vector<16xi32>
    %add3A_217 = arith.addi %gather3A_197, %add3A_216 : vector<16xi32>
    %gather3A_218 = tpu.vector_load_idx %arg6[%add3A_217, %add3A_214] : memref<101x64xi32, #tpu.memory_space<vmem>>[vector<16xi32>, vector<16xi32>], vector<16xi32>,
    %mul3A_219 = arith.constant 1000 : i32
    %mul3A_220 = vector.broadcast %mul3A_219 : i32 to vector<16xi32>
    %mul3A_221 = arith.muli %add3A_214, %mul3A_220 : vector<16xi32>
    %add3A_222 = arith.addi %mul3A_221, %gather3A_218 : vector<16xi32>
    %jit3A_223 = arith.constant 0 : i32
    %broadcast_in_dim3A_224 = vector.broadcast %jit3A_223 : i32 to vector<16xi32>
    %select_n3A_225 = arith.select %lt3A_43, %add3A_222, %broadcast_in_dim3A_224 : vector<16xi1>, vector<16xi32>
    tpu.vector_store_idx %arg7[%select_n3A_225], %broadcast_in_dim3A_32 masked %lt3A_43 : memref<50000xf32, #tpu.memory_space<vmem>>[vector<16xi32>], vector<16xf32>, vector<16xi1>
    %add3A_226 = arith.constant 32 : i32
    %add3A_227 = vector.broadcast %add3A_226 : i32 to vector<16xi32>
    %add3A_228 = arith.addi %iota3A, %add3A_227 : vector<16xi32>
    %add3A_229 = arith.constant 1 : i32
    %add3A_230 = vector.broadcast %add3A_229 : i32 to vector<16xi32>
    %add3A_231 = arith.addi %gather3A_197, %add3A_230 : vector<16xi32>
    %gather3A_232 = tpu.vector_load_idx %arg6[%add3A_231, %add3A_228] : memref<101x64xi32, #tpu.memory_space<vmem>>[vector<16xi32>, vector<16xi32>], vector<16xi32>,
    %mul3A_233 = arith.constant 1000 : i32
    %mul3A_234 = vector.broadcast %mul3A_233 : i32 to vector<16xi32>
    %mul3A_235 = arith.muli %add3A_228, %mul3A_234 : vector<16xi32>
    %add3A_236 = arith.addi %mul3A_235, %gather3A_232 : vector<16xi32>
    %jit3A_237 = arith.constant 0 : i32
    %broadcast_in_dim3A_238 = vector.broadcast %jit3A_237 : i32 to vector<16xi32>
    %select_n3A_239 = arith.select %lt3A_49, %add3A_236, %broadcast_in_dim3A_238 : vector<16xi1>, vector<16xi32>
    tpu.vector_store_idx %arg7[%select_n3A_239], %broadcast_in_dim3A_32 masked %lt3A_49 : memref<50000xf32, #tpu.memory_space<vmem>>[vector<16xi32>], vector<16xf32>, vector<16xi1>
    %add3A_240 = arith.constant 48 : i32
    %add3A_241 = vector.broadcast %add3A_240 : i32 to vector<16xi32>
    %add3A_242 = arith.addi %iota3A, %add3A_241 : vector<16xi32>
    %add3A_243 = arith.constant 1 : i32
    %add3A_244 = vector.broadcast %add3A_243 : i32 to vector<16xi32>
    %add3A_245 = arith.addi %gather3A_197, %add3A_244 : vector<16xi32>
    %gather3A_246 = tpu.vector_load_idx %arg6[%add3A_245, %add3A_242] : memref<101x64xi32, #tpu.memory_space<vmem>>[vector<16xi32>, vector<16xi32>], vector<16xi32>,
    %mul3A_247 = arith.constant 1000 : i32
    %mul3A_248 = vector.broadcast %mul3A_247 : i32 to vector<16xi32>
    %mul3A_249 = arith.muli %add3A_242, %mul3A_248 : vector<16xi32>
    %add3A_250 = arith.addi %mul3A_249, %gather3A_246 : vector<16xi32>
    %jit3A_251 = arith.constant 0 : i32
    %broadcast_in_dim3A_252 = vector.broadcast %jit3A_251 : i32 to vector<16xi32>
    %select_n3A_253 = arith.select %lt3A_55, %add3A_250, %broadcast_in_dim3A_252 : vector<16xi1>, vector<16xi32>
    tpu.vector_store_idx %arg7[%select_n3A_253], %broadcast_in_dim3A_32 masked %lt3A_55 : memref<50000xf32, #tpu.memory_space<vmem>>[vector<16xi32>], vector<16xf32>, vector<16xi1>
    %add3A_254 = arith.constant 2 : i32
    %add3A_255 = arith.addi %mul3A_2, %add3A_254 : i32
    %dma_start3A_256 = arith.constant 0 : i32
    %dma_start3A_257 = tpu.memref_slice %arg4[%add3A_255, %dma_start3A_256] : memref<1024x50000xf32, #tpu.memory_space<hbm>> -> memref<1x50000xf32, #tpu.memory_space<hbm>>
    %dma_start3A_258 = tpu.memref_squeeze %dma_start3A_257 : memref<1x50000xf32, #tpu.memory_space<hbm>> -> memref<50000xf32, #tpu.memory_space<hbm>>
    %dma_start3A_259 = arith.constant 0 : i32
    %dma_start3A_260 = tpu.memref_slice %arg4[%add3A_255, %dma_start3A_259] : memref<1024x50000xf32, #tpu.memory_space<hbm>> -> memref<1x50000xf32, #tpu.memory_space<hbm>>
    %dma_start3A_261 = tpu.memref_squeeze %dma_start3A_260 : memref<1x50000xf32, #tpu.memory_space<hbm>> -> memref<50000xf32, #tpu.memory_space<hbm>>
    tpu.enqueue_dma source(%arg7 : memref<50000xf32, #tpu.memory_space<vmem>>) target(%dma_start3A_261 : memref<50000xf32, #tpu.memory_space<hbm>>) target_semaphore(%arg9 : memref<!tpu.dma_semaphore, #tpu.memory_space<semaphore_mem>>)
    %add3A_262 = arith.constant 1 : i32
    %add3A_263 = arith.addi %mul3A_2, %add3A_262 : i32
    %dma_wait3A_264 = arith.constant 0 : i32
    %dma_wait3A_265 = tpu.memref_slice %arg4[%add3A_263, %dma_wait3A_264] : memref<1024x50000xf32, #tpu.memory_space<hbm>> -> memref<1x50000xf32, #tpu.memory_space<hbm>>
    %dma_wait3A_266 = tpu.memref_squeeze %dma_wait3A_265 : memref<1x50000xf32, #tpu.memory_space<hbm>> -> memref<50000xf32, #tpu.memory_space<hbm>>
    %dma_wait3A_267 = arith.constant 0 : i32
    %dma_wait3A_268 = tpu.memref_slice %arg4[%add3A_263, %dma_wait3A_267] : memref<1024x50000xf32, #tpu.memory_space<hbm>> -> memref<1x50000xf32, #tpu.memory_space<hbm>>
    %dma_wait3A_269 = tpu.memref_squeeze %dma_wait3A_268 : memref<1x50000xf32, #tpu.memory_space<hbm>> -> memref<50000xf32, #tpu.memory_space<hbm>>
    tpu.wait_dma2 semaphore(%arg10 : memref<!tpu.dma_semaphore, #tpu.memory_space<semaphore_mem>>) src(%arg8 : memref<50000xf32, #tpu.memory_space<vmem>>) dst(%dma_wait3A_269 : memref<50000xf32, #tpu.memory_space<hbm>>)
    tpu.vector_store_idx %arg8[%select_n3A_136], %broadcast_in_dim3A_25 masked %lt3A_37 : memref<50000xf32, #tpu.memory_space<vmem>>[vector<16xi32>], vector<16xf32>, vector<16xi1>
    tpu.vector_store_idx %arg8[%select_n3A_150], %broadcast_in_dim3A_25 masked %lt3A_43 : memref<50000xf32, #tpu.memory_space<vmem>>[vector<16xi32>], vector<16xf32>, vector<16xi1>
    tpu.vector_store_idx %arg8[%select_n3A_164], %broadcast_in_dim3A_25 masked %lt3A_49 : memref<50000xf32, #tpu.memory_space<vmem>>[vector<16xi32>], vector<16xf32>, vector<16xi1>
    tpu.vector_store_idx %arg8[%select_n3A_178], %broadcast_in_dim3A_25 masked %lt3A_55 : memref<50000xf32, #tpu.memory_space<vmem>>[vector<16xi32>], vector<16xf32>, vector<16xi1>
    %broadcast_in_dim3A_270 = arith.constant 19 : i32
    %broadcast_in_dim3A_271 = vector.broadcast %broadcast_in_dim3A_270 : i32 to vector<16xi32>
    %gather3A_272 = tpu.vector_load_idx %arg5[%broadcast_in_dim3A_271] : memref<48xi32, #tpu.memory_space<vmem>>[vector<16xi32>], vector<16xi32>,
    %add3A_273 = arith.constant 0 : i32
    %add3A_274 = vector.broadcast %add3A_273 : i32 to vector<16xi32>
    %add3A_275 = arith.addi %iota3A, %add3A_274 : vector<16xi32>
    %add3A_276 = arith.constant 1 : i32
    %add3A_277 = vector.broadcast %add3A_276 : i32 to vector<16xi32>
    %add3A_278 = arith.addi %gather3A_272, %add3A_277 : vector<16xi32>
    %gather3A_279 = tpu.vector_load_idx %arg6[%add3A_278, %add3A_275] : memref<101x64xi32, #tpu.memory_space<vmem>>[vector<16xi32>, vector<16xi32>], vector<16xi32>,
    %mul3A_280 = arith.constant 1000 : i32
    %mul3A_281 = vector.broadcast %mul3A_280 : i32 to vector<16xi32>
    %mul3A_282 = arith.muli %add3A_275, %mul3A_281 : vector<16xi32>
    %add3A_283 = arith.addi %mul3A_282, %gather3A_279 : vector<16xi32>
    %jit3A_284 = arith.constant 0 : i32
    %broadcast_in_dim3A_285 = vector.broadcast %jit3A_284 : i32 to vector<16xi32>
    %select_n3A_286 = arith.select %lt3A_37, %add3A_283, %broadcast_in_dim3A_285 : vector<16xi1>, vector<16xi32>
    tpu.vector_store_idx %arg8[%select_n3A_286], %broadcast_in_dim3A_32 masked %lt3A_37 : memref<50000xf32, #tpu.memory_space<vmem>>[vector<16xi32>], vector<16xf32>, vector<16xi1>
    %add3A_287 = arith.constant 16 : i32
    %add3A_288 = vector.broadcast %add3A_287 : i32 to vector<16xi32>
    %add3A_289 = arith.addi %iota3A, %add3A_288 : vector<16xi32>
    %add3A_290 = arith.constant 1 : i32
    %add3A_291 = vector.broadcast %add3A_290 : i32 to vector<16xi32>
    %add3A_292 = arith.addi %gather3A_272, %add3A_291 : vector<16xi32>
    %gather3A_293 = tpu.vector_load_idx %arg6[%add3A_292, %add3A_289] : memref<101x64xi32, #tpu.memory_space<vmem>>[vector<16xi32>, vector<16xi32>], vector<16xi32>,
    %mul3A_294 = arith.constant 1000 : i32
    %mul3A_295 = vector.broadcast %mul3A_294 : i32 to vector<16xi32>
    %mul3A_296 = arith.muli %add3A_289, %mul3A_295 : vector<16xi32>
    %add3A_297 = arith.addi %mul3A_296, %gather3A_293 : vector<16xi32>
    %jit3A_298 = arith.constant 0 : i32
    %broadcast_in_dim3A_299 = vector.broadcast %jit3A_298 : i32 to vector<16xi32>
    %select_n3A_300 = arith.select %lt3A_43, %add3A_297, %broadcast_in_dim3A_299 : vector<16xi1>, vector<16xi32>
    tpu.vector_store_idx %arg8[%select_n3A_300], %broadcast_in_dim3A_32 masked %lt3A_43 : memref<50000xf32, #tpu.memory_space<vmem>>[vector<16xi32>], vector<16xf32>, vector<16xi1>
    %add3A_301 = arith.constant 32 : i32
    %add3A_302 = vector.broadcast %add3A_301 : i32 to vector<16xi32>
    %add3A_303 = arith.addi %iota3A, %add3A_302 : vector<16xi32>
    %add3A_304 = arith.constant 1 : i32
    %add3A_305 = vector.broadcast %add3A_304 : i32 to vector<16xi32>
    %add3A_306 = arith.addi %gather3A_272, %add3A_305 : vector<16xi32>
    %gather3A_307 = tpu.vector_load_idx %arg6[%add3A_306, %add3A_303] : memref<101x64xi32, #tpu.memory_space<vmem>>[vector<16xi32>, vector<16xi32>], vector<16xi32>,
    %mul3A_308 = arith.constant 1000 : i32
    %mul3A_309 = vector.broadcast %mul3A_308 : i32 to vector<16xi32>
    %mul3A_310 = arith.muli %add3A_303, %mul3A_309 : vector<16xi32>
    %add3A_311 = arith.addi %mul3A_310, %gather3A_307 : vector<16xi32>
    %jit3A_312 = arith.constant 0 : i32
    %broadcast_in_dim3A_313 = vector.broadcast %jit3A_312 : i32 to vector<16xi32>
    %select_n3A_314 = arith.select %lt3A_49, %add3A_311, %broadcast_in_dim3A_313 : vector<16xi1>, vector<16xi32>
    tpu.vector_store_idx %arg8[%select_n3A_314], %broadcast_in_dim3A_32 masked %lt3A_49 : memref<50000xf32, #tpu.memory_space<vmem>>[vector<16xi32>], vector<16xf32>, vector<16xi1>
    %add3A_315 = arith.constant 48 : i32
    %add3A_316 = vector.broadcast %add3A_315 : i32 to vector<16xi32>
    %add3A_317 = arith.addi %iota3A, %add3A_316 : vector<16xi32>
    %add3A_318 = arith.constant 1 : i32
    %add3A_319 = vector.broadcast %add3A_318 : i32 to vector<16xi32>
    %add3A_320 = arith.addi %gather3A_272, %add3A_319 : vector<16xi32>
    %gather3A_321 = tpu.vector_load_idx %arg6[%add3A_320, %add3A_317] : memref<101x64xi32, #tpu.memory_space<vmem>>[vector<16xi32>, vector<16xi32>], vector<16xi32>,
    %mul3A_322 = arith.constant 1000 : i32
    %mul3A_323 = vector.broadcast %mul3A_322 : i32 to vector<16xi32>
    %mul3A_324 = arith.muli %add3A_317, %mul3A_323 : vector<16xi32>
    %add3A_325 = arith.addi %mul3A_324, %gather3A_321 : vector<16xi32>
    %jit3A_326 = arith.constant 0 : i32
    %broadcast_in_dim3A_327 = vector.broadcast %jit3A_326 : i32 to vector<16xi32>
    %select_n3A_328 = arith.select %lt3A_55, %add3A_325, %broadcast_in_dim3A_327 : vector<16xi1>, vector<16xi32>
    tpu.vector_store_idx %arg8[%select_n3A_328], %broadcast_in_dim3A_32 masked %lt3A_55 : memref<50000xf32, #tpu.memory_space<vmem>>[vector<16xi32>], vector<16xf32>, vector<16xi1>
    %add3A_329 = arith.constant 3 : i32
    %add3A_330 = arith.addi %mul3A_2, %add3A_329 : i32
    %dma_start3A_331 = arith.constant 0 : i32
    %dma_start3A_332 = tpu.memref_slice %arg4[%add3A_330, %dma_start3A_331] : memref<1024x50000xf32, #tpu.memory_space<hbm>> -> memref<1x50000xf32, #tpu.memory_space<hbm>>
    %dma_start3A_333 = tpu.memref_squeeze %dma_start3A_332 : memref<1x50000xf32, #tpu.memory_space<hbm>> -> memref<50000xf32, #tpu.memory_space<hbm>>
    %dma_start3A_334 = arith.constant 0 : i32
    %dma_start3A_335 = tpu.memref_slice %arg4[%add3A_330, %dma_start3A_334] : memref<1024x50000xf32, #tpu.memory_space<hbm>> -> memref<1x50000xf32, #tpu.memory_space<hbm>>
    %dma_start3A_336 = tpu.memref_squeeze %dma_start3A_335 : memref<1x50000xf32, #tpu.memory_space<hbm>> -> memref<50000xf32, #tpu.memory_space<hbm>>
    tpu.enqueue_dma source(%arg8 : memref<50000xf32, #tpu.memory_space<vmem>>) target(%dma_start3A_336 : memref<50000xf32, #tpu.memory_space<hbm>>) target_semaphore(%arg10 : memref<!tpu.dma_semaphore, #tpu.memory_space<semaphore_mem>>)
    %add3A_337 = arith.constant 2 : i32
    %add3A_338 = arith.addi %mul3A_2, %add3A_337 : i32
    %dma_wait3A_339 = arith.constant 0 : i32
    %dma_wait3A_340 = tpu.memref_slice %arg4[%add3A_338, %dma_wait3A_339] : memref<1024x50000xf32, #tpu.memory_space<hbm>> -> memref<1x50000xf32, #tpu.memory_space<hbm>>
    %dma_wait3A_341 = tpu.memref_squeeze %dma_wait3A_340 : memref<1x50000xf32, #tpu.memory_space<hbm>> -> memref<50000xf32, #tpu.memory_space<hbm>>
    %dma_wait3A_342 = arith.constant 0 : i32
    %dma_wait3A_343 = tpu.memref_slice %arg4[%add3A_338, %dma_wait3A_342] : memref<1024x50000xf32, #tpu.memory_space<hbm>> -> memref<1x50000xf32, #tpu.memory_space<hbm>>
    %dma_wait3A_344 = tpu.memref_squeeze %dma_wait3A_343 : memref<1x50000xf32, #tpu.memory_space<hbm>> -> memref<50000xf32, #tpu.memory_space<hbm>>
    tpu.wait_dma2 semaphore(%arg9 : memref<!tpu.dma_semaphore, #tpu.memory_space<semaphore_mem>>) src(%arg7 : memref<50000xf32, #tpu.memory_space<vmem>>) dst(%dma_wait3A_344 : memref<50000xf32, #tpu.memory_space<hbm>>)
    tpu.vector_store_idx %arg7[%select_n3A_211], %broadcast_in_dim3A_25 masked %lt3A_37 : memref<50000xf32, #tpu.memory_space<vmem>>[vector<16xi32>], vector<16xf32>, vector<16xi1>
    tpu.vector_store_idx %arg7[%select_n3A_225], %broadcast_in_dim3A_25 masked %lt3A_43 : memref<50000xf32, #tpu.memory_space<vmem>>[vector<16xi32>], vector<16xf32>, vector<16xi1>
    tpu.vector_store_idx %arg7[%select_n3A_239], %broadcast_in_dim3A_25 masked %lt3A_49 : memref<50000xf32, #tpu.memory_space<vmem>>[vector<16xi32>], vector<16xf32>, vector<16xi1>
    tpu.vector_store_idx %arg7[%select_n3A_253], %broadcast_in_dim3A_25 masked %lt3A_55 : memref<50000xf32, #tpu.memory_space<vmem>>[vector<16xi32>], vector<16xf32>, vector<16xi1>
    %broadcast_in_dim3A_345 = arith.constant 20 : i32
    %broadcast_in_dim3A_346 = vector.broadcast %broadcast_in_dim3A_345 : i32 to vector<16xi32>
    %gather3A_347 = tpu.vector_load_idx %arg5[%broadcast_in_dim3A_346] : memref<48xi32, #tpu.memory_space<vmem>>[vector<16xi32>], vector<16xi32>,
    %add3A_348 = arith.constant 0 : i32
    %add3A_349 = vector.broadcast %add3A_348 : i32 to vector<16xi32>
    %add3A_350 = arith.addi %iota3A, %add3A_349 : vector<16xi32>
    %add3A_351 = arith.constant 1 : i32
    %add3A_352 = vector.broadcast %add3A_351 : i32 to vector<16xi32>
    %add3A_353 = arith.addi %gather3A_347, %add3A_352 : vector<16xi32>
    %gather3A_354 = tpu.vector_load_idx %arg6[%add3A_353, %add3A_350] : memref<101x64xi32, #tpu.memory_space<vmem>>[vector<16xi32>, vector<16xi32>], vector<16xi32>,
    %mul3A_355 = arith.constant 1000 : i32
    %mul3A_356 = vector.broadcast %mul3A_355 : i32 to vector<16xi32>
    %mul3A_357 = arith.muli %add3A_350, %mul3A_356 : vector<16xi32>
    %add3A_358 = arith.addi %mul3A_357, %gather3A_354 : vector<16xi32>
    %jit3A_359 = arith.constant 0 : i32
    %broadcast_in_dim3A_360 = vector.broadcast %jit3A_359 : i32 to vector<16xi32>
    %select_n3A_361 = arith.select %lt3A_37, %add3A_358, %broadcast_in_dim3A_360 : vector<16xi1>, vector<16xi32>
    tpu.vector_store_idx %arg7[%select_n3A_361], %broadcast_in_dim3A_32 masked %lt3A_37 : memref<50000xf32, #tpu.memory_space<vmem>>[vector<16xi32>], vector<16xf32>, vector<16xi1>
    %add3A_362 = arith.constant 16 : i32
    %add3A_363 = vector.broadcast %add3A_362 : i32 to vector<16xi32>
    %add3A_364 = arith.addi %iota3A, %add3A_363 : vector<16xi32>
    %add3A_365 = arith.constant 1 : i32
    %add3A_366 = vector.broadcast %add3A_365 : i32 to vector<16xi32>
    %add3A_367 = arith.addi %gather3A_347, %add3A_366 : vector<16xi32>
    %gather3A_368 = tpu.vector_load_idx %arg6[%add3A_367, %add3A_364] : memref<101x64xi32, #tpu.memory_space<vmem>>[vector<16xi32>, vector<16xi32>], vector<16xi32>,
    %mul3A_369 = arith.constant 1000 : i32
    %mul3A_370 = vector.broadcast %mul3A_369 : i32 to vector<16xi32>
    %mul3A_371 = arith.muli %add3A_364, %mul3A_370 : vector<16xi32>
    %add3A_372 = arith.addi %mul3A_371, %gather3A_368 : vector<16xi32>
    %jit3A_373 = arith.constant 0 : i32
    %broadcast_in_dim3A_374 = vector.broadcast %jit3A_373 : i32 to vector<16xi32>
    %select_n3A_375 = arith.select %lt3A_43, %add3A_372, %broadcast_in_dim3A_374 : vector<16xi1>, vector<16xi32>
    tpu.vector_store_idx %arg7[%select_n3A_375], %broadcast_in_dim3A_32 masked %lt3A_43 : memref<50000xf32, #tpu.memory_space<vmem>>[vector<16xi32>], vector<16xf32>, vector<16xi1>
    %add3A_376 = arith.constant 32 : i32
    %add3A_377 = vector.broadcast %add3A_376 : i32 to vector<16xi32>
    %add3A_378 = arith.addi %iota3A, %add3A_377 : vector<16xi32>
    %add3A_379 = arith.constant 1 : i32
    %add3A_380 = vector.broadcast %add3A_379 : i32 to vector<16xi32>
    %add3A_381 = arith.addi %gather3A_347, %add3A_380 : vector<16xi32>
    %gather3A_382 = tpu.vector_load_idx %arg6[%add3A_381, %add3A_378] : memref<101x64xi32, #tpu.memory_space<vmem>>[vector<16xi32>, vector<16xi32>], vector<16xi32>,
    %mul3A_383 = arith.constant 1000 : i32
    %mul3A_384 = vector.broadcast %mul3A_383 : i32 to vector<16xi32>
    %mul3A_385 = arith.muli %add3A_378, %mul3A_384 : vector<16xi32>
    %add3A_386 = arith.addi %mul3A_385, %gather3A_382 : vector<16xi32>
    %jit3A_387 = arith.constant 0 : i32
    %broadcast_in_dim3A_388 = vector.broadcast %jit3A_387 : i32 to vector<16xi32>
    %select_n3A_389 = arith.select %lt3A_49, %add3A_386, %broadcast_in_dim3A_388 : vector<16xi1>, vector<16xi32>
    tpu.vector_store_idx %arg7[%select_n3A_389], %broadcast_in_dim3A_32 masked %lt3A_49 : memref<50000xf32, #tpu.memory_space<vmem>>[vector<16xi32>], vector<16xf32>, vector<16xi1>
    %add3A_390 = arith.constant 48 : i32
    %add3A_391 = vector.broadcast %add3A_390 : i32 to vector<16xi32>
    %add3A_392 = arith.addi %iota3A, %add3A_391 : vector<16xi32>
    %add3A_393 = arith.constant 1 : i32
    %add3A_394 = vector.broadcast %add3A_393 : i32 to vector<16xi32>
    %add3A_395 = arith.addi %gather3A_347, %add3A_394 : vector<16xi32>
    %gather3A_396 = tpu.vector_load_idx %arg6[%add3A_395, %add3A_392] : memref<101x64xi32, #tpu.memory_space<vmem>>[vector<16xi32>, vector<16xi32>], vector<16xi32>,
    %mul3A_397 = arith.constant 1000 : i32
    %mul3A_398 = vector.broadcast %mul3A_397 : i32 to vector<16xi32>
    %mul3A_399 = arith.muli %add3A_392, %mul3A_398 : vector<16xi32>
    %add3A_400 = arith.addi %mul3A_399, %gather3A_396 : vector<16xi32>
    %jit3A_401 = arith.constant 0 : i32
    %broadcast_in_dim3A_402 = vector.broadcast %jit3A_401 : i32 to vector<16xi32>
    %select_n3A_403 = arith.select %lt3A_55, %add3A_400, %broadcast_in_dim3A_402 : vector<16xi1>, vector<16xi32>
    tpu.vector_store_idx %arg7[%select_n3A_403], %broadcast_in_dim3A_32 masked %lt3A_55 : memref<50000xf32, #tpu.memory_space<vmem>>[vector<16xi32>], vector<16xf32>, vector<16xi1>
    %add3A_404 = arith.constant 4 : i32
    %add3A_405 = arith.addi %mul3A_2, %add3A_404 : i32
    %dma_start3A_406 = arith.constant 0 : i32
    %dma_start3A_407 = tpu.memref_slice %arg4[%add3A_405, %dma_start3A_406] : memref<1024x50000xf32, #tpu.memory_space<hbm>> -> memref<1x50000xf32, #tpu.memory_space<hbm>>
    %dma_start3A_408 = tpu.memref_squeeze %dma_start3A_407 : memref<1x50000xf32, #tpu.memory_space<hbm>> -> memref<50000xf32, #tpu.memory_space<hbm>>
    %dma_start3A_409 = arith.constant 0 : i32
    %dma_start3A_410 = tpu.memref_slice %arg4[%add3A_405, %dma_start3A_409] : memref<1024x50000xf32, #tpu.memory_space<hbm>> -> memref<1x50000xf32, #tpu.memory_space<hbm>>
    %dma_start3A_411 = tpu.memref_squeeze %dma_start3A_410 : memref<1x50000xf32, #tpu.memory_space<hbm>> -> memref<50000xf32, #tpu.memory_space<hbm>>
    tpu.enqueue_dma source(%arg7 : memref<50000xf32, #tpu.memory_space<vmem>>) target(%dma_start3A_411 : memref<50000xf32, #tpu.memory_space<hbm>>) target_semaphore(%arg9 : memref<!tpu.dma_semaphore, #tpu.memory_space<semaphore_mem>>)
    %add3A_412 = arith.constant 3 : i32
    %add3A_413 = arith.addi %mul3A_2, %add3A_412 : i32
    %dma_wait3A_414 = arith.constant 0 : i32
    %dma_wait3A_415 = tpu.memref_slice %arg4[%add3A_413, %dma_wait3A_414] : memref<1024x50000xf32, #tpu.memory_space<hbm>> -> memref<1x50000xf32, #tpu.memory_space<hbm>>
    %dma_wait3A_416 = tpu.memref_squeeze %dma_wait3A_415 : memref<1x50000xf32, #tpu.memory_space<hbm>> -> memref<50000xf32, #tpu.memory_space<hbm>>
    %dma_wait3A_417 = arith.constant 0 : i32
    %dma_wait3A_418 = tpu.memref_slice %arg4[%add3A_413, %dma_wait3A_417] : memref<1024x50000xf32, #tpu.memory_space<hbm>> -> memref<1x50000xf32, #tpu.memory_space<hbm>>
    %dma_wait3A_419 = tpu.memref_squeeze %dma_wait3A_418 : memref<1x50000xf32, #tpu.memory_space<hbm>> -> memref<50000xf32, #tpu.memory_space<hbm>>
    tpu.wait_dma2 semaphore(%arg10 : memref<!tpu.dma_semaphore, #tpu.memory_space<semaphore_mem>>) src(%arg8 : memref<50000xf32, #tpu.memory_space<vmem>>) dst(%dma_wait3A_419 : memref<50000xf32, #tpu.memory_space<hbm>>)
    tpu.vector_store_idx %arg8[%select_n3A_286], %broadcast_in_dim3A_25 masked %lt3A_37 : memref<50000xf32, #tpu.memory_space<vmem>>[vector<16xi32>], vector<16xf32>, vector<16xi1>
    tpu.vector_store_idx %arg8[%select_n3A_300], %broadcast_in_dim3A_25 masked %lt3A_43 : memref<50000xf32, #tpu.memory_space<vmem>>[vector<16xi32>], vector<16xf32>, vector<16xi1>
    tpu.vector_store_idx %arg8[%select_n3A_314], %broadcast_in_dim3A_25 masked %lt3A_49 : memref<50000xf32, #tpu.memory_space<vmem>>[vector<16xi32>], vector<16xf32>, vector<16xi1>
    tpu.vector_store_idx %arg8[%select_n3A_328], %broadcast_in_dim3A_25 masked %lt3A_55 : memref<50000xf32, #tpu.memory_space<vmem>>[vector<16xi32>], vector<16xf32>, vector<16xi1>
    %broadcast_in_dim3A_420 = arith.constant 21 : i32
    %broadcast_in_dim3A_421 = vector.broadcast %broadcast_in_dim3A_420 : i32 to vector<16xi32>
    %gather3A_422 = tpu.vector_load_idx %arg5[%broadcast_in_dim3A_421] : memref<48xi32, #tpu.memory_space<vmem>>[vector<16xi32>], vector<16xi32>,
    %add3A_423 = arith.constant 0 : i32
    %add3A_424 = vector.broadcast %add3A_423 : i32 to vector<16xi32>
    %add3A_425 = arith.addi %iota3A, %add3A_424 : vector<16xi32>
    %add3A_426 = arith.constant 1 : i32
    %add3A_427 = vector.broadcast %add3A_426 : i32 to vector<16xi32>
    %add3A_428 = arith.addi %gather3A_422, %add3A_427 : vector<16xi32>
    %gather3A_429 = tpu.vector_load_idx %arg6[%add3A_428, %add3A_425] : memref<101x64xi32, #tpu.memory_space<vmem>>[vector<16xi32>, vector<16xi32>], vector<16xi32>,
    %mul3A_430 = arith.constant 1000 : i32
    %mul3A_431 = vector.broadcast %mul3A_430 : i32 to vector<16xi32>
    %mul3A_432 = arith.muli %add3A_425, %mul3A_431 : vector<16xi32>
    %add3A_433 = arith.addi %mul3A_432, %gather3A_429 : vector<16xi32>
    %jit3A_434 = arith.constant 0 : i32
    %broadcast_in_dim3A_435 = vector.broadcast %jit3A_434 : i32 to vector<16xi32>
    %select_n3A_436 = arith.select %lt3A_37, %add3A_433, %broadcast_in_dim3A_435 : vector<16xi1>, vector<16xi32>
    tpu.vector_store_idx %arg8[%select_n3A_436], %broadcast_in_dim3A_32 masked %lt3A_37 : memref<50000xf32, #tpu.memory_space<vmem>>[vector<16xi32>], vector<16xf32>, vector<16xi1>
    %add3A_437 = arith.constant 16 : i32
    %add3A_438 = vector.broadcast %add3A_437 : i32 to vector<16xi32>
    %add3A_439 = arith.addi %iota3A, %add3A_438 : vector<16xi32>
    %add3A_440 = arith.constant 1 : i32
    %add3A_441 = vector.broadcast %add3A_440 : i32 to vector<16xi32>
    %add3A_442 = arith.addi %gather3A_422, %add3A_441 : vector<16xi32>
    %gather3A_443 = tpu.vector_load_idx %arg6[%add3A_442, %add3A_439] : memref<101x64xi32, #tpu.memory_space<vmem>>[vector<16xi32>, vector<16xi32>], vector<16xi32>,
    %mul3A_444 = arith.constant 1000 : i32
    %mul3A_445 = vector.broadcast %mul3A_444 : i32 to vector<16xi32>
    %mul3A_446 = arith.muli %add3A_439, %mul3A_445 : vector<16xi32>
    %add3A_447 = arith.addi %mul3A_446, %gather3A_443 : vector<16xi32>
    %jit3A_448 = arith.constant 0 : i32
    %broadcast_in_dim3A_449 = vector.broadcast %jit3A_448 : i32 to vector<16xi32>
    %select_n3A_450 = arith.select %lt3A_43, %add3A_447, %broadcast_in_dim3A_449 : vector<16xi1>, vector<16xi32>
    tpu.vector_store_idx %arg8[%select_n3A_450], %broadcast_in_dim3A_32 masked %lt3A_43 : memref<50000xf32, #tpu.memory_space<vmem>>[vector<16xi32>], vector<16xf32>, vector<16xi1>
    %add3A_451 = arith.constant 32 : i32
    %add3A_452 = vector.broadcast %add3A_451 : i32 to vector<16xi32>
    %add3A_453 = arith.addi %iota3A, %add3A_452 : vector<16xi32>
    %add3A_454 = arith.constant 1 : i32
    %add3A_455 = vector.broadcast %add3A_454 : i32 to vector<16xi32>
    %add3A_456 = arith.addi %gather3A_422, %add3A_455 : vector<16xi32>
    %gather3A_457 = tpu.vector_load_idx %arg6[%add3A_456, %add3A_453] : memref<101x64xi32, #tpu.memory_space<vmem>>[vector<16xi32>, vector<16xi32>], vector<16xi32>,
    %mul3A_458 = arith.constant 1000 : i32
    %mul3A_459 = vector.broadcast %mul3A_458 : i32 to vector<16xi32>
    %mul3A_460 = arith.muli %add3A_453, %mul3A_459 : vector<16xi32>
    %add3A_461 = arith.addi %mul3A_460, %gather3A_457 : vector<16xi32>
    %jit3A_462 = arith.constant 0 : i32
    %broadcast_in_dim3A_463 = vector.broadcast %jit3A_462 : i32 to vector<16xi32>
    %select_n3A_464 = arith.select %lt3A_49, %add3A_461, %broadcast_in_dim3A_463 : vector<16xi1>, vector<16xi32>
    tpu.vector_store_idx %arg8[%select_n3A_464], %broadcast_in_dim3A_32 masked %lt3A_49 : memref<50000xf32, #tpu.memory_space<vmem>>[vector<16xi32>], vector<16xf32>, vector<16xi1>
    %add3A_465 = arith.constant 48 : i32
    %add3A_466 = vector.broadcast %add3A_465 : i32 to vector<16xi32>
    %add3A_467 = arith.addi %iota3A, %add3A_466 : vector<16xi32>
    %add3A_468 = arith.constant 1 : i32
    %add3A_469 = vector.broadcast %add3A_468 : i32 to vector<16xi32>
    %add3A_470 = arith.addi %gather3A_422, %add3A_469 : vector<16xi32>
    %gather3A_471 = tpu.vector_load_idx %arg6[%add3A_470, %add3A_467] : memref<101x64xi32, #tpu.memory_space<vmem>>[vector<16xi32>, vector<16xi32>], vector<16xi32>,
    %mul3A_472 = arith.constant 1000 : i32
    %mul3A_473 = vector.broadcast %mul3A_472 : i32 to vector<16xi32>
    %mul3A_474 = arith.muli %add3A_467, %mul3A_473 : vector<16xi32>
    %add3A_475 = arith.addi %mul3A_474, %gather3A_471 : vector<16xi32>
    %jit3A_476 = arith.constant 0 : i32
    %broadcast_in_dim3A_477 = vector.broadcast %jit3A_476 : i32 to vector<16xi32>
    %select_n3A_478 = arith.select %lt3A_55, %add3A_475, %broadcast_in_dim3A_477 : vector<16xi1>, vector<16xi32>
    tpu.vector_store_idx %arg8[%select_n3A_478], %broadcast_in_dim3A_32 masked %lt3A_55 : memref<50000xf32, #tpu.memory_space<vmem>>[vector<16xi32>], vector<16xf32>, vector<16xi1>
    %add3A_479 = arith.constant 5 : i32
    %add3A_480 = arith.addi %mul3A_2, %add3A_479 : i32
    %dma_start3A_481 = arith.constant 0 : i32
    %dma_start3A_482 = tpu.memref_slice %arg4[%add3A_480, %dma_start3A_481] : memref<1024x50000xf32, #tpu.memory_space<hbm>> -> memref<1x50000xf32, #tpu.memory_space<hbm>>
    %dma_start3A_483 = tpu.memref_squeeze %dma_start3A_482 : memref<1x50000xf32, #tpu.memory_space<hbm>> -> memref<50000xf32, #tpu.memory_space<hbm>>
    %dma_start3A_484 = arith.constant 0 : i32
    %dma_start3A_485 = tpu.memref_slice %arg4[%add3A_480, %dma_start3A_484] : memref<1024x50000xf32, #tpu.memory_space<hbm>> -> memref<1x50000xf32, #tpu.memory_space<hbm>>
    %dma_start3A_486 = tpu.memref_squeeze %dma_start3A_485 : memref<1x50000xf32, #tpu.memory_space<hbm>> -> memref<50000xf32, #tpu.memory_space<hbm>>
    tpu.enqueue_dma source(%arg8 : memref<50000xf32, #tpu.memory_space<vmem>>) target(%dma_start3A_486 : memref<50000xf32, #tpu.memory_space<hbm>>) target_semaphore(%arg10 : memref<!tpu.dma_semaphore, #tpu.memory_space<semaphore_mem>>)
    %add3A_487 = arith.constant 4 : i32
    %add3A_488 = arith.addi %mul3A_2, %add3A_487 : i32
    %dma_wait3A_489 = arith.constant 0 : i32
    %dma_wait3A_490 = tpu.memref_slice %arg4[%add3A_488, %dma_wait3A_489] : memref<1024x50000xf32, #tpu.memory_space<hbm>> -> memref<1x50000xf32, #tpu.memory_space<hbm>>
    %dma_wait3A_491 = tpu.memref_squeeze %dma_wait3A_490 : memref<1x50000xf32, #tpu.memory_space<hbm>> -> memref<50000xf32, #tpu.memory_space<hbm>>
    %dma_wait3A_492 = arith.constant 0 : i32
    %dma_wait3A_493 = tpu.memref_slice %arg4[%add3A_488, %dma_wait3A_492] : memref<1024x50000xf32, #tpu.memory_space<hbm>> -> memref<1x50000xf32, #tpu.memory_space<hbm>>
    %dma_wait3A_494 = tpu.memref_squeeze %dma_wait3A_493 : memref<1x50000xf32, #tpu.memory_space<hbm>> -> memref<50000xf32, #tpu.memory_space<hbm>>
    tpu.wait_dma2 semaphore(%arg9 : memref<!tpu.dma_semaphore, #tpu.memory_space<semaphore_mem>>) src(%arg7 : memref<50000xf32, #tpu.memory_space<vmem>>) dst(%dma_wait3A_494 : memref<50000xf32, #tpu.memory_space<hbm>>)
    tpu.vector_store_idx %arg7[%select_n3A_361], %broadcast_in_dim3A_25 masked %lt3A_37 : memref<50000xf32, #tpu.memory_space<vmem>>[vector<16xi32>], vector<16xf32>, vector<16xi1>
    tpu.vector_store_idx %arg7[%select_n3A_375], %broadcast_in_dim3A_25 masked %lt3A_43 : memref<50000xf32, #tpu.memory_space<vmem>>[vector<16xi32>], vector<16xf32>, vector<16xi1>
    tpu.vector_store_idx %arg7[%select_n3A_389], %broadcast_in_dim3A_25 masked %lt3A_49 : memref<50000xf32, #tpu.memory_space<vmem>>[vector<16xi32>], vector<16xf32>, vector<16xi1>
    tpu.vector_store_idx %arg7[%select_n3A_403], %broadcast_in_dim3A_25 masked %lt3A_55 : memref<50000xf32, #tpu.memory_space<vmem>>[vector<16xi32>], vector<16xf32>, vector<16xi1>
    %broadcast_in_dim3A_495 = arith.constant 22 : i32
    %broadcast_in_dim3A_496 = vector.broadcast %broadcast_in_dim3A_495 : i32 to vector<16xi32>
    %gather3A_497 = tpu.vector_load_idx %arg5[%broadcast_in_dim3A_496] : memref<48xi32, #tpu.memory_space<vmem>>[vector<16xi32>], vector<16xi32>,
    %add3A_498 = arith.constant 0 : i32
    %add3A_499 = vector.broadcast %add3A_498 : i32 to vector<16xi32>
    %add3A_500 = arith.addi %iota3A, %add3A_499 : vector<16xi32>
    %add3A_501 = arith.constant 1 : i32
    %add3A_502 = vector.broadcast %add3A_501 : i32 to vector<16xi32>
    %add3A_503 = arith.addi %gather3A_497, %add3A_502 : vector<16xi32>
    %gather3A_504 = tpu.vector_load_idx %arg6[%add3A_503, %add3A_500] : memref<101x64xi32, #tpu.memory_space<vmem>>[vector<16xi32>, vector<16xi32>], vector<16xi32>,
    %mul3A_505 = arith.constant 1000 : i32
    %mul3A_506 = vector.broadcast %mul3A_505 : i32 to vector<16xi32>
    %mul3A_507 = arith.muli %add3A_500, %mul3A_506 : vector<16xi32>
    %add3A_508 = arith.addi %mul3A_507, %gather3A_504 : vector<16xi32>
    %jit3A_509 = arith.constant 0 : i32
    %broadcast_in_dim3A_510 = vector.broadcast %jit3A_509 : i32 to vector<16xi32>
    %select_n3A_511 = arith.select %lt3A_37, %add3A_508, %broadcast_in_dim3A_510 : vector<16xi1>, vector<16xi32>
    tpu.vector_store_idx %arg7[%select_n3A_511], %broadcast_in_dim3A_32 masked %lt3A_37 : memref<50000xf32, #tpu.memory_space<vmem>>[vector<16xi32>], vector<16xf32>, vector<16xi1>
    %add3A_512 = arith.constant 16 : i32
    %add3A_513 = vector.broadcast %add3A_512 : i32 to vector<16xi32>
    %add3A_514 = arith.addi %iota3A, %add3A_513 : vector<16xi32>
    %add3A_515 = arith.constant 1 : i32
    %add3A_516 = vector.broadcast %add3A_515 : i32 to vector<16xi32>
    %add3A_517 = arith.addi %gather3A_497, %add3A_516 : vector<16xi32>
    %gather3A_518 = tpu.vector_load_idx %arg6[%add3A_517, %add3A_514] : memref<101x64xi32, #tpu.memory_space<vmem>>[vector<16xi32>, vector<16xi32>], vector<16xi32>,
    %mul3A_519 = arith.constant 1000 : i32
    %mul3A_520 = vector.broadcast %mul3A_519 : i32 to vector<16xi32>
    %mul3A_521 = arith.muli %add3A_514, %mul3A_520 : vector<16xi32>
    %add3A_522 = arith.addi %mul3A_521, %gather3A_518 : vector<16xi32>
    %jit3A_523 = arith.constant 0 : i32
    %broadcast_in_dim3A_524 = vector.broadcast %jit3A_523 : i32 to vector<16xi32>
    %select_n3A_525 = arith.select %lt3A_43, %add3A_522, %broadcast_in_dim3A_524 : vector<16xi1>, vector<16xi32>
    tpu.vector_store_idx %arg7[%select_n3A_525], %broadcast_in_dim3A_32 masked %lt3A_43 : memref<50000xf32, #tpu.memory_space<vmem>>[vector<16xi32>], vector<16xf32>, vector<16xi1>
    %add3A_526 = arith.constant 32 : i32
    %add3A_527 = vector.broadcast %add3A_526 : i32 to vector<16xi32>
    %add3A_528 = arith.addi %iota3A, %add3A_527 : vector<16xi32>
    %add3A_529 = arith.constant 1 : i32
    %add3A_530 = vector.broadcast %add3A_529 : i32 to vector<16xi32>
    %add3A_531 = arith.addi %gather3A_497, %add3A_530 : vector<16xi32>
    %gather3A_532 = tpu.vector_load_idx %arg6[%add3A_531, %add3A_528] : memref<101x64xi32, #tpu.memory_space<vmem>>[vector<16xi32>, vector<16xi32>], vector<16xi32>,
    %mul3A_533 = arith.constant 1000 : i32
    %mul3A_534 = vector.broadcast %mul3A_533 : i32 to vector<16xi32>
    %mul3A_535 = arith.muli %add3A_528, %mul3A_534 : vector<16xi32>
    %add3A_536 = arith.addi %mul3A_535, %gather3A_532 : vector<16xi32>
    %jit3A_537 = arith.constant 0 : i32
    %broadcast_in_dim3A_538 = vector.broadcast %jit3A_537 : i32 to vector<16xi32>
    %select_n3A_539 = arith.select %lt3A_49, %add3A_536, %broadcast_in_dim3A_538 : vector<16xi1>, vector<16xi32>
    tpu.vector_store_idx %arg7[%select_n3A_539], %broadcast_in_dim3A_32 masked %lt3A_49 : memref<50000xf32, #tpu.memory_space<vmem>>[vector<16xi32>], vector<16xf32>, vector<16xi1>
    %add3A_540 = arith.constant 48 : i32
    %add3A_541 = vector.broadcast %add3A_540 : i32 to vector<16xi32>
    %add3A_542 = arith.addi %iota3A, %add3A_541 : vector<16xi32>
    %add3A_543 = arith.constant 1 : i32
    %add3A_544 = vector.broadcast %add3A_543 : i32 to vector<16xi32>
    %add3A_545 = arith.addi %gather3A_497, %add3A_544 : vector<16xi32>
    %gather3A_546 = tpu.vector_load_idx %arg6[%add3A_545, %add3A_542] : memref<101x64xi32, #tpu.memory_space<vmem>>[vector<16xi32>, vector<16xi32>], vector<16xi32>,
    %mul3A_547 = arith.constant 1000 : i32
    %mul3A_548 = vector.broadcast %mul3A_547 : i32 to vector<16xi32>
    %mul3A_549 = arith.muli %add3A_542, %mul3A_548 : vector<16xi32>
    %add3A_550 = arith.addi %mul3A_549, %gather3A_546 : vector<16xi32>
    %jit3A_551 = arith.constant 0 : i32
    %broadcast_in_dim3A_552 = vector.broadcast %jit3A_551 : i32 to vector<16xi32>
    %select_n3A_553 = arith.select %lt3A_55, %add3A_550, %broadcast_in_dim3A_552 : vector<16xi1>, vector<16xi32>
    tpu.vector_store_idx %arg7[%select_n3A_553], %broadcast_in_dim3A_32 masked %lt3A_55 : memref<50000xf32, #tpu.memory_space<vmem>>[vector<16xi32>], vector<16xf32>, vector<16xi1>
    %add3A_554 = arith.constant 6 : i32
    %add3A_555 = arith.addi %mul3A_2, %add3A_554 : i32
    %dma_start3A_556 = arith.constant 0 : i32
    %dma_start3A_557 = tpu.memref_slice %arg4[%add3A_555, %dma_start3A_556] : memref<1024x50000xf32, #tpu.memory_space<hbm>> -> memref<1x50000xf32, #tpu.memory_space<hbm>>
    %dma_start3A_558 = tpu.memref_squeeze %dma_start3A_557 : memref<1x50000xf32, #tpu.memory_space<hbm>> -> memref<50000xf32, #tpu.memory_space<hbm>>
    %dma_start3A_559 = arith.constant 0 : i32
    %dma_start3A_560 = tpu.memref_slice %arg4[%add3A_555, %dma_start3A_559] : memref<1024x50000xf32, #tpu.memory_space<hbm>> -> memref<1x50000xf32, #tpu.memory_space<hbm>>
    %dma_start3A_561 = tpu.memref_squeeze %dma_start3A_560 : memref<1x50000xf32, #tpu.memory_space<hbm>> -> memref<50000xf32, #tpu.memory_space<hbm>>
    tpu.enqueue_dma source(%arg7 : memref<50000xf32, #tpu.memory_space<vmem>>) target(%dma_start3A_561 : memref<50000xf32, #tpu.memory_space<hbm>>) target_semaphore(%arg9 : memref<!tpu.dma_semaphore, #tpu.memory_space<semaphore_mem>>)
    %add3A_562 = arith.constant 5 : i32
    %add3A_563 = arith.addi %mul3A_2, %add3A_562 : i32
    %dma_wait3A_564 = arith.constant 0 : i32
    %dma_wait3A_565 = tpu.memref_slice %arg4[%add3A_563, %dma_wait3A_564] : memref<1024x50000xf32, #tpu.memory_space<hbm>> -> memref<1x50000xf32, #tpu.memory_space<hbm>>
    %dma_wait3A_566 = tpu.memref_squeeze %dma_wait3A_565 : memref<1x50000xf32, #tpu.memory_space<hbm>> -> memref<50000xf32, #tpu.memory_space<hbm>>
    %dma_wait3A_567 = arith.constant 0 : i32
    %dma_wait3A_568 = tpu.memref_slice %arg4[%add3A_563, %dma_wait3A_567] : memref<1024x50000xf32, #tpu.memory_space<hbm>> -> memref<1x50000xf32, #tpu.memory_space<hbm>>
    %dma_wait3A_569 = tpu.memref_squeeze %dma_wait3A_568 : memref<1x50000xf32, #tpu.memory_space<hbm>> -> memref<50000xf32, #tpu.memory_space<hbm>>
    tpu.wait_dma2 semaphore(%arg10 : memref<!tpu.dma_semaphore, #tpu.memory_space<semaphore_mem>>) src(%arg8 : memref<50000xf32, #tpu.memory_space<vmem>>) dst(%dma_wait3A_569 : memref<50000xf32, #tpu.memory_space<hbm>>)
    tpu.vector_store_idx %arg8[%select_n3A_436], %broadcast_in_dim3A_25 masked %lt3A_37 : memref<50000xf32, #tpu.memory_space<vmem>>[vector<16xi32>], vector<16xf32>, vector<16xi1>
    tpu.vector_store_idx %arg8[%select_n3A_450], %broadcast_in_dim3A_25 masked %lt3A_43 : memref<50000xf32, #tpu.memory_space<vmem>>[vector<16xi32>], vector<16xf32>, vector<16xi1>
    tpu.vector_store_idx %arg8[%select_n3A_464], %broadcast_in_dim3A_25 masked %lt3A_49 : memref<50000xf32, #tpu.memory_space<vmem>>[vector<16xi32>], vector<16xf32>, vector<16xi1>
    tpu.vector_store_idx %arg8[%select_n3A_478], %broadcast_in_dim3A_25 masked %lt3A_55 : memref<50000xf32, #tpu.memory_space<vmem>>[vector<16xi32>], vector<16xf32>, vector<16xi1>
    %broadcast_in_dim3A_570 = arith.constant 23 : i32
    %broadcast_in_dim3A_571 = vector.broadcast %broadcast_in_dim3A_570 : i32 to vector<16xi32>
    %gather3A_572 = tpu.vector_load_idx %arg5[%broadcast_in_dim3A_571] : memref<48xi32, #tpu.memory_space<vmem>>[vector<16xi32>], vector<16xi32>,
    %add3A_573 = arith.constant 0 : i32
    %add3A_574 = vector.broadcast %add3A_573 : i32 to vector<16xi32>
    %add3A_575 = arith.addi %iota3A, %add3A_574 : vector<16xi32>
    %add3A_576 = arith.constant 1 : i32
    %add3A_577 = vector.broadcast %add3A_576 : i32 to vector<16xi32>
    %add3A_578 = arith.addi %gather3A_572, %add3A_577 : vector<16xi32>
    %gather3A_579 = tpu.vector_load_idx %arg6[%add3A_578, %add3A_575] : memref<101x64xi32, #tpu.memory_space<vmem>>[vector<16xi32>, vector<16xi32>], vector<16xi32>,
    %mul3A_580 = arith.constant 1000 : i32
    %mul3A_581 = vector.broadcast %mul3A_580 : i32 to vector<16xi32>
    %mul3A_582 = arith.muli %add3A_575, %mul3A_581 : vector<16xi32>
    %add3A_583 = arith.addi %mul3A_582, %gather3A_579 : vector<16xi32>
    %jit3A_584 = arith.constant 0 : i32
    %broadcast_in_dim3A_585 = vector.broadcast %jit3A_584 : i32 to vector<16xi32>
    %select_n3A_586 = arith.select %lt3A_37, %add3A_583, %broadcast_in_dim3A_585 : vector<16xi1>, vector<16xi32>
    tpu.vector_store_idx %arg8[%select_n3A_586], %broadcast_in_dim3A_32 masked %lt3A_37 : memref<50000xf32, #tpu.memory_space<vmem>>[vector<16xi32>], vector<16xf32>, vector<16xi1>
    %add3A_587 = arith.constant 16 : i32
    %add3A_588 = vector.broadcast %add3A_587 : i32 to vector<16xi32>
    %add3A_589 = arith.addi %iota3A, %add3A_588 : vector<16xi32>
    %add3A_590 = arith.constant 1 : i32
    %add3A_591 = vector.broadcast %add3A_590 : i32 to vector<16xi32>
    %add3A_592 = arith.addi %gather3A_572, %add3A_591 : vector<16xi32>
    %gather3A_593 = tpu.vector_load_idx %arg6[%add3A_592, %add3A_589] : memref<101x64xi32, #tpu.memory_space<vmem>>[vector<16xi32>, vector<16xi32>], vector<16xi32>,
    %mul3A_594 = arith.constant 1000 : i32
    %mul3A_595 = vector.broadcast %mul3A_594 : i32 to vector<16xi32>
    %mul3A_596 = arith.muli %add3A_589, %mul3A_595 : vector<16xi32>
    %add3A_597 = arith.addi %mul3A_596, %gather3A_593 : vector<16xi32>
    %jit3A_598 = arith.constant 0 : i32
    %broadcast_in_dim3A_599 = vector.broadcast %jit3A_598 : i32 to vector<16xi32>
    %select_n3A_600 = arith.select %lt3A_43, %add3A_597, %broadcast_in_dim3A_599 : vector<16xi1>, vector<16xi32>
    tpu.vector_store_idx %arg8[%select_n3A_600], %broadcast_in_dim3A_32 masked %lt3A_43 : memref<50000xf32, #tpu.memory_space<vmem>>[vector<16xi32>], vector<16xf32>, vector<16xi1>
    %add3A_601 = arith.constant 32 : i32
    %add3A_602 = vector.broadcast %add3A_601 : i32 to vector<16xi32>
    %add3A_603 = arith.addi %iota3A, %add3A_602 : vector<16xi32>
    %add3A_604 = arith.constant 1 : i32
    %add3A_605 = vector.broadcast %add3A_604 : i32 to vector<16xi32>
    %add3A_606 = arith.addi %gather3A_572, %add3A_605 : vector<16xi32>
    %gather3A_607 = tpu.vector_load_idx %arg6[%add3A_606, %add3A_603] : memref<101x64xi32, #tpu.memory_space<vmem>>[vector<16xi32>, vector<16xi32>], vector<16xi32>,
    %mul3A_608 = arith.constant 1000 : i32
    %mul3A_609 = vector.broadcast %mul3A_608 : i32 to vector<16xi32>
    %mul3A_610 = arith.muli %add3A_603, %mul3A_609 : vector<16xi32>
    %add3A_611 = arith.addi %mul3A_610, %gather3A_607 : vector<16xi32>
    %jit3A_612 = arith.constant 0 : i32
    %broadcast_in_dim3A_613 = vector.broadcast %jit3A_612 : i32 to vector<16xi32>
    %select_n3A_614 = arith.select %lt3A_49, %add3A_611, %broadcast_in_dim3A_613 : vector<16xi1>, vector<16xi32>
    tpu.vector_store_idx %arg8[%select_n3A_614], %broadcast_in_dim3A_32 masked %lt3A_49 : memref<50000xf32, #tpu.memory_space<vmem>>[vector<16xi32>], vector<16xf32>, vector<16xi1>
    %add3A_615 = arith.constant 48 : i32
    %add3A_616 = vector.broadcast %add3A_615 : i32 to vector<16xi32>
    %add3A_617 = arith.addi %iota3A, %add3A_616 : vector<16xi32>
    %add3A_618 = arith.constant 1 : i32
    %add3A_619 = vector.broadcast %add3A_618 : i32 to vector<16xi32>
    %add3A_620 = arith.addi %gather3A_572, %add3A_619 : vector<16xi32>
    %gather3A_621 = tpu.vector_load_idx %arg6[%add3A_620, %add3A_617] : memref<101x64xi32, #tpu.memory_space<vmem>>[vector<16xi32>, vector<16xi32>], vector<16xi32>,
    %mul3A_622 = arith.constant 1000 : i32
    %mul3A_623 = vector.broadcast %mul3A_622 : i32 to vector<16xi32>
    %mul3A_624 = arith.muli %add3A_617, %mul3A_623 : vector<16xi32>
    %add3A_625 = arith.addi %mul3A_624, %gather3A_621 : vector<16xi32>
    %jit3A_626 = arith.constant 0 : i32
    %broadcast_in_dim3A_627 = vector.broadcast %jit3A_626 : i32 to vector<16xi32>
    %select_n3A_628 = arith.select %lt3A_55, %add3A_625, %broadcast_in_dim3A_627 : vector<16xi1>, vector<16xi32>
    tpu.vector_store_idx %arg8[%select_n3A_628], %broadcast_in_dim3A_32 masked %lt3A_55 : memref<50000xf32, #tpu.memory_space<vmem>>[vector<16xi32>], vector<16xf32>, vector<16xi1>
    %add3A_629 = arith.constant 7 : i32
    %add3A_630 = arith.addi %mul3A_2, %add3A_629 : i32
    %dma_start3A_631 = arith.constant 0 : i32
    %dma_start3A_632 = tpu.memref_slice %arg4[%add3A_630, %dma_start3A_631] : memref<1024x50000xf32, #tpu.memory_space<hbm>> -> memref<1x50000xf32, #tpu.memory_space<hbm>>
    %dma_start3A_633 = tpu.memref_squeeze %dma_start3A_632 : memref<1x50000xf32, #tpu.memory_space<hbm>> -> memref<50000xf32, #tpu.memory_space<hbm>>
    %dma_start3A_634 = arith.constant 0 : i32
    %dma_start3A_635 = tpu.memref_slice %arg4[%add3A_630, %dma_start3A_634] : memref<1024x50000xf32, #tpu.memory_space<hbm>> -> memref<1x50000xf32, #tpu.memory_space<hbm>>
    %dma_start3A_636 = tpu.memref_squeeze %dma_start3A_635 : memref<1x50000xf32, #tpu.memory_space<hbm>> -> memref<50000xf32, #tpu.memory_space<hbm>>
    tpu.enqueue_dma source(%arg8 : memref<50000xf32, #tpu.memory_space<vmem>>) target(%dma_start3A_636 : memref<50000xf32, #tpu.memory_space<hbm>>) target_semaphore(%arg10 : memref<!tpu.dma_semaphore, #tpu.memory_space<semaphore_mem>>)
    %add3A_637 = arith.constant 6 : i32
    %add3A_638 = arith.addi %mul3A_2, %add3A_637 : i32
    %dma_wait3A_639 = arith.constant 0 : i32
    %dma_wait3A_640 = tpu.memref_slice %arg4[%add3A_638, %dma_wait3A_639] : memref<1024x50000xf32, #tpu.memory_space<hbm>> -> memref<1x50000xf32, #tpu.memory_space<hbm>>
    %dma_wait3A_641 = tpu.memref_squeeze %dma_wait3A_640 : memref<1x50000xf32, #tpu.memory_space<hbm>> -> memref<50000xf32, #tpu.memory_space<hbm>>
    %dma_wait3A_642 = arith.constant 0 : i32
    %dma_wait3A_643 = tpu.memref_slice %arg4[%add3A_638, %dma_wait3A_642] : memref<1024x50000xf32, #tpu.memory_space<hbm>> -> memref<1x50000xf32, #tpu.memory_space<hbm>>
    %dma_wait3A_644 = tpu.memref_squeeze %dma_wait3A_643 : memref<1x50000xf32, #tpu.memory_space<hbm>> -> memref<50000xf32, #tpu.memory_space<hbm>>
    tpu.wait_dma2 semaphore(%arg9 : memref<!tpu.dma_semaphore, #tpu.memory_space<semaphore_mem>>) src(%arg7 : memref<50000xf32, #tpu.memory_space<vmem>>) dst(%dma_wait3A_644 : memref<50000xf32, #tpu.memory_space<hbm>>)
    tpu.vector_store_idx %arg7[%select_n3A_511], %broadcast_in_dim3A_25 masked %lt3A_37 : memref<50000xf32, #tpu.memory_space<vmem>>[vector<16xi32>], vector<16xf32>, vector<16xi1>
    tpu.vector_store_idx %arg7[%select_n3A_525], %broadcast_in_dim3A_25 masked %lt3A_43 : memref<50000xf32, #tpu.memory_space<vmem>>[vector<16xi32>], vector<16xf32>, vector<16xi1>
    tpu.vector_store_idx %arg7[%select_n3A_539], %broadcast_in_dim3A_25 masked %lt3A_49 : memref<50000xf32, #tpu.memory_space<vmem>>[vector<16xi32>], vector<16xf32>, vector<16xi1>
    tpu.vector_store_idx %arg7[%select_n3A_553], %broadcast_in_dim3A_25 masked %lt3A_55 : memref<50000xf32, #tpu.memory_space<vmem>>[vector<16xi32>], vector<16xf32>, vector<16xi1>
    %broadcast_in_dim3A_645 = arith.constant 24 : i32
    %broadcast_in_dim3A_646 = vector.broadcast %broadcast_in_dim3A_645 : i32 to vector<16xi32>
    %gather3A_647 = tpu.vector_load_idx %arg5[%broadcast_in_dim3A_646] : memref<48xi32, #tpu.memory_space<vmem>>[vector<16xi32>], vector<16xi32>,
    %add3A_648 = arith.constant 0 : i32
    %add3A_649 = vector.broadcast %add3A_648 : i32 to vector<16xi32>
    %add3A_650 = arith.addi %iota3A, %add3A_649 : vector<16xi32>
    %add3A_651 = arith.constant 1 : i32
    %add3A_652 = vector.broadcast %add3A_651 : i32 to vector<16xi32>
    %add3A_653 = arith.addi %gather3A_647, %add3A_652 : vector<16xi32>
    %gather3A_654 = tpu.vector_load_idx %arg6[%add3A_653, %add3A_650] : memref<101x64xi32, #tpu.memory_space<vmem>>[vector<16xi32>, vector<16xi32>], vector<16xi32>,
    %mul3A_655 = arith.constant 1000 : i32
    %mul3A_656 = vector.broadcast %mul3A_655 : i32 to vector<16xi32>
    %mul3A_657 = arith.muli %add3A_650, %mul3A_656 : vector<16xi32>
    %add3A_658 = arith.addi %mul3A_657, %gather3A_654 : vector<16xi32>
    %jit3A_659 = arith.constant 0 : i32
    %broadcast_in_dim3A_660 = vector.broadcast %jit3A_659 : i32 to vector<16xi32>
    %select_n3A_661 = arith.select %lt3A_37, %add3A_658, %broadcast_in_dim3A_660 : vector<16xi1>, vector<16xi32>
    tpu.vector_store_idx %arg7[%select_n3A_661], %broadcast_in_dim3A_32 masked %lt3A_37 : memref<50000xf32, #tpu.memory_space<vmem>>[vector<16xi32>], vector<16xf32>, vector<16xi1>
    %add3A_662 = arith.constant 16 : i32
    %add3A_663 = vector.broadcast %add3A_662 : i32 to vector<16xi32>
    %add3A_664 = arith.addi %iota3A, %add3A_663 : vector<16xi32>
    %add3A_665 = arith.constant 1 : i32
    %add3A_666 = vector.broadcast %add3A_665 : i32 to vector<16xi32>
    %add3A_667 = arith.addi %gather3A_647, %add3A_666 : vector<16xi32>
    %gather3A_668 = tpu.vector_load_idx %arg6[%add3A_667, %add3A_664] : memref<101x64xi32, #tpu.memory_space<vmem>>[vector<16xi32>, vector<16xi32>], vector<16xi32>,
    %mul3A_669 = arith.constant 1000 : i32
    %mul3A_670 = vector.broadcast %mul3A_669 : i32 to vector<16xi32>
    %mul3A_671 = arith.muli %add3A_664, %mul3A_670 : vector<16xi32>
    %add3A_672 = arith.addi %mul3A_671, %gather3A_668 : vector<16xi32>
    %jit3A_673 = arith.constant 0 : i32
    %broadcast_in_dim3A_674 = vector.broadcast %jit3A_673 : i32 to vector<16xi32>
    %select_n3A_675 = arith.select %lt3A_43, %add3A_672, %broadcast_in_dim3A_674 : vector<16xi1>, vector<16xi32>
    tpu.vector_store_idx %arg7[%select_n3A_675], %broadcast_in_dim3A_32 masked %lt3A_43 : memref<50000xf32, #tpu.memory_space<vmem>>[vector<16xi32>], vector<16xf32>, vector<16xi1>
    %add3A_676 = arith.constant 32 : i32
    %add3A_677 = vector.broadcast %add3A_676 : i32 to vector<16xi32>
    %add3A_678 = arith.addi %iota3A, %add3A_677 : vector<16xi32>
    %add3A_679 = arith.constant 1 : i32
    %add3A_680 = vector.broadcast %add3A_679 : i32 to vector<16xi32>
    %add3A_681 = arith.addi %gather3A_647, %add3A_680 : vector<16xi32>
    %gather3A_682 = tpu.vector_load_idx %arg6[%add3A_681, %add3A_678] : memref<101x64xi32, #tpu.memory_space<vmem>>[vector<16xi32>, vector<16xi32>], vector<16xi32>,
    %mul3A_683 = arith.constant 1000 : i32
    %mul3A_684 = vector.broadcast %mul3A_683 : i32 to vector<16xi32>
    %mul3A_685 = arith.muli %add3A_678, %mul3A_684 : vector<16xi32>
    %add3A_686 = arith.addi %mul3A_685, %gather3A_682 : vector<16xi32>
    %jit3A_687 = arith.constant 0 : i32
    %broadcast_in_dim3A_688 = vector.broadcast %jit3A_687 : i32 to vector<16xi32>
    %select_n3A_689 = arith.select %lt3A_49, %add3A_686, %broadcast_in_dim3A_688 : vector<16xi1>, vector<16xi32>
    tpu.vector_store_idx %arg7[%select_n3A_689], %broadcast_in_dim3A_32 masked %lt3A_49 : memref<50000xf32, #tpu.memory_space<vmem>>[vector<16xi32>], vector<16xf32>, vector<16xi1>
    %add3A_690 = arith.constant 48 : i32
    %add3A_691 = vector.broadcast %add3A_690 : i32 to vector<16xi32>
    %add3A_692 = arith.addi %iota3A, %add3A_691 : vector<16xi32>
    %add3A_693 = arith.constant 1 : i32
    %add3A_694 = vector.broadcast %add3A_693 : i32 to vector<16xi32>
    %add3A_695 = arith.addi %gather3A_647, %add3A_694 : vector<16xi32>
    %gather3A_696 = tpu.vector_load_idx %arg6[%add3A_695, %add3A_692] : memref<101x64xi32, #tpu.memory_space<vmem>>[vector<16xi32>, vector<16xi32>], vector<16xi32>,
    %mul3A_697 = arith.constant 1000 : i32
    %mul3A_698 = vector.broadcast %mul3A_697 : i32 to vector<16xi32>
    %mul3A_699 = arith.muli %add3A_692, %mul3A_698 : vector<16xi32>
    %add3A_700 = arith.addi %mul3A_699, %gather3A_696 : vector<16xi32>
    %jit3A_701 = arith.constant 0 : i32
    %broadcast_in_dim3A_702 = vector.broadcast %jit3A_701 : i32 to vector<16xi32>
    %select_n3A_703 = arith.select %lt3A_55, %add3A_700, %broadcast_in_dim3A_702 : vector<16xi1>, vector<16xi32>
    tpu.vector_store_idx %arg7[%select_n3A_703], %broadcast_in_dim3A_32 masked %lt3A_55 : memref<50000xf32, #tpu.memory_space<vmem>>[vector<16xi32>], vector<16xf32>, vector<16xi1>
    %add3A_704 = arith.constant 8 : i32
    %add3A_705 = arith.addi %mul3A_2, %add3A_704 : i32
    %dma_start3A_706 = arith.constant 0 : i32
    %dma_start3A_707 = tpu.memref_slice %arg4[%add3A_705, %dma_start3A_706] : memref<1024x50000xf32, #tpu.memory_space<hbm>> -> memref<1x50000xf32, #tpu.memory_space<hbm>>
    %dma_start3A_708 = tpu.memref_squeeze %dma_start3A_707 : memref<1x50000xf32, #tpu.memory_space<hbm>> -> memref<50000xf32, #tpu.memory_space<hbm>>
    %dma_start3A_709 = arith.constant 0 : i32
    %dma_start3A_710 = tpu.memref_slice %arg4[%add3A_705, %dma_start3A_709] : memref<1024x50000xf32, #tpu.memory_space<hbm>> -> memref<1x50000xf32, #tpu.memory_space<hbm>>
    %dma_start3A_711 = tpu.memref_squeeze %dma_start3A_710 : memref<1x50000xf32, #tpu.memory_space<hbm>> -> memref<50000xf32, #tpu.memory_space<hbm>>
    tpu.enqueue_dma source(%arg7 : memref<50000xf32, #tpu.memory_space<vmem>>) target(%dma_start3A_711 : memref<50000xf32, #tpu.memory_space<hbm>>) target_semaphore(%arg9 : memref<!tpu.dma_semaphore, #tpu.memory_space<semaphore_mem>>)
    %add3A_712 = arith.constant 7 : i32
    %add3A_713 = arith.addi %mul3A_2, %add3A_712 : i32
    %dma_wait3A_714 = arith.constant 0 : i32
    %dma_wait3A_715 = tpu.memref_slice %arg4[%add3A_713, %dma_wait3A_714] : memref<1024x50000xf32, #tpu.memory_space<hbm>> -> memref<1x50000xf32, #tpu.memory_space<hbm>>
    %dma_wait3A_716 = tpu.memref_squeeze %dma_wait3A_715 : memref<1x50000xf32, #tpu.memory_space<hbm>> -> memref<50000xf32, #tpu.memory_space<hbm>>
    %dma_wait3A_717 = arith.constant 0 : i32
    %dma_wait3A_718 = tpu.memref_slice %arg4[%add3A_713, %dma_wait3A_717] : memref<1024x50000xf32, #tpu.memory_space<hbm>> -> memref<1x50000xf32, #tpu.memory_space<hbm>>
    %dma_wait3A_719 = tpu.memref_squeeze %dma_wait3A_718 : memref<1x50000xf32, #tpu.memory_space<hbm>> -> memref<50000xf32, #tpu.memory_space<hbm>>
    tpu.wait_dma2 semaphore(%arg10 : memref<!tpu.dma_semaphore, #tpu.memory_space<semaphore_mem>>) src(%arg8 : memref<50000xf32, #tpu.memory_space<vmem>>) dst(%dma_wait3A_719 : memref<50000xf32, #tpu.memory_space<hbm>>)
    tpu.vector_store_idx %arg8[%select_n3A_586], %broadcast_in_dim3A_25 masked %lt3A_37 : memref<50000xf32, #tpu.memory_space<vmem>>[vector<16xi32>], vector<16xf32>, vector<16xi1>
    tpu.vector_store_idx %arg8[%select_n3A_600], %broadcast_in_dim3A_25 masked %lt3A_43 : memref<50000xf32, #tpu.memory_space<vmem>>[vector<16xi32>], vector<16xf32>, vector<16xi1>
    tpu.vector_store_idx %arg8[%select_n3A_614], %broadcast_in_dim3A_25 masked %lt3A_49 : memref<50000xf32, #tpu.memory_space<vmem>>[vector<16xi32>], vector<16xf32>, vector<16xi1>
    tpu.vector_store_idx %arg8[%select_n3A_628], %broadcast_in_dim3A_25 masked %lt3A_55 : memref<50000xf32, #tpu.memory_space<vmem>>[vector<16xi32>], vector<16xf32>, vector<16xi1>
    %broadcast_in_dim3A_720 = arith.constant 25 : i32
    %broadcast_in_dim3A_721 = vector.broadcast %broadcast_in_dim3A_720 : i32 to vector<16xi32>
    %gather3A_722 = tpu.vector_load_idx %arg5[%broadcast_in_dim3A_721] : memref<48xi32, #tpu.memory_space<vmem>>[vector<16xi32>], vector<16xi32>,
    %add3A_723 = arith.constant 0 : i32
    %add3A_724 = vector.broadcast %add3A_723 : i32 to vector<16xi32>
    %add3A_725 = arith.addi %iota3A, %add3A_724 : vector<16xi32>
    %add3A_726 = arith.constant 1 : i32
    %add3A_727 = vector.broadcast %add3A_726 : i32 to vector<16xi32>
    %add3A_728 = arith.addi %gather3A_722, %add3A_727 : vector<16xi32>
    %gather3A_729 = tpu.vector_load_idx %arg6[%add3A_728, %add3A_725] : memref<101x64xi32, #tpu.memory_space<vmem>>[vector<16xi32>, vector<16xi32>], vector<16xi32>,
    %mul3A_730 = arith.constant 1000 : i32
    %mul3A_731 = vector.broadcast %mul3A_730 : i32 to vector<16xi32>
    %mul3A_732 = arith.muli %add3A_725, %mul3A_731 : vector<16xi32>
    %add3A_733 = arith.addi %mul3A_732, %gather3A_729 : vector<16xi32>
    %jit3A_734 = arith.constant 0 : i32
    %broadcast_in_dim3A_735 = vector.broadcast %jit3A_734 : i32 to vector<16xi32>
    %select_n3A_736 = arith.select %lt3A_37, %add3A_733, %broadcast_in_dim3A_735 : vector<16xi1>, vector<16xi32>
    tpu.vector_store_idx %arg8[%select_n3A_736], %broadcast_in_dim3A_32 masked %lt3A_37 : memref<50000xf32, #tpu.memory_space<vmem>>[vector<16xi32>], vector<16xf32>, vector<16xi1>
    %add3A_737 = arith.constant 16 : i32
    %add3A_738 = vector.broadcast %add3A_737 : i32 to vector<16xi32>
    %add3A_739 = arith.addi %iota3A, %add3A_738 : vector<16xi32>
    %add3A_740 = arith.constant 1 : i32
    %add3A_741 = vector.broadcast %add3A_740 : i32 to vector<16xi32>
    %add3A_742 = arith.addi %gather3A_722, %add3A_741 : vector<16xi32>
    %gather3A_743 = tpu.vector_load_idx %arg6[%add3A_742, %add3A_739] : memref<101x64xi32, #tpu.memory_space<vmem>>[vector<16xi32>, vector<16xi32>], vector<16xi32>,
    %mul3A_744 = arith.constant 1000 : i32
    %mul3A_745 = vector.broadcast %mul3A_744 : i32 to vector<16xi32>
    %mul3A_746 = arith.muli %add3A_739, %mul3A_745 : vector<16xi32>
    %add3A_747 = arith.addi %mul3A_746, %gather3A_743 : vector<16xi32>
    %jit3A_748 = arith.constant 0 : i32
    %broadcast_in_dim3A_749 = vector.broadcast %jit3A_748 : i32 to vector<16xi32>
    %select_n3A_750 = arith.select %lt3A_43, %add3A_747, %broadcast_in_dim3A_749 : vector<16xi1>, vector<16xi32>
    tpu.vector_store_idx %arg8[%select_n3A_750], %broadcast_in_dim3A_32 masked %lt3A_43 : memref<50000xf32, #tpu.memory_space<vmem>>[vector<16xi32>], vector<16xf32>, vector<16xi1>
    %add3A_751 = arith.constant 32 : i32
    %add3A_752 = vector.broadcast %add3A_751 : i32 to vector<16xi32>
    %add3A_753 = arith.addi %iota3A, %add3A_752 : vector<16xi32>
    %add3A_754 = arith.constant 1 : i32
    %add3A_755 = vector.broadcast %add3A_754 : i32 to vector<16xi32>
    %add3A_756 = arith.addi %gather3A_722, %add3A_755 : vector<16xi32>
    %gather3A_757 = tpu.vector_load_idx %arg6[%add3A_756, %add3A_753] : memref<101x64xi32, #tpu.memory_space<vmem>>[vector<16xi32>, vector<16xi32>], vector<16xi32>,
    %mul3A_758 = arith.constant 1000 : i32
    %mul3A_759 = vector.broadcast %mul3A_758 : i32 to vector<16xi32>
    %mul3A_760 = arith.muli %add3A_753, %mul3A_759 : vector<16xi32>
    %add3A_761 = arith.addi %mul3A_760, %gather3A_757 : vector<16xi32>
    %jit3A_762 = arith.constant 0 : i32
    %broadcast_in_dim3A_763 = vector.broadcast %jit3A_762 : i32 to vector<16xi32>
    %select_n3A_764 = arith.select %lt3A_49, %add3A_761, %broadcast_in_dim3A_763 : vector<16xi1>, vector<16xi32>
    tpu.vector_store_idx %arg8[%select_n3A_764], %broadcast_in_dim3A_32 masked %lt3A_49 : memref<50000xf32, #tpu.memory_space<vmem>>[vector<16xi32>], vector<16xf32>, vector<16xi1>
    %add3A_765 = arith.constant 48 : i32
    %add3A_766 = vector.broadcast %add3A_765 : i32 to vector<16xi32>
    %add3A_767 = arith.addi %iota3A, %add3A_766 : vector<16xi32>
    %add3A_768 = arith.constant 1 : i32
    %add3A_769 = vector.broadcast %add3A_768 : i32 to vector<16xi32>
    %add3A_770 = arith.addi %gather3A_722, %add3A_769 : vector<16xi32>
    %gather3A_771 = tpu.vector_load_idx %arg6[%add3A_770, %add3A_767] : memref<101x64xi32, #tpu.memory_space<vmem>>[vector<16xi32>, vector<16xi32>], vector<16xi32>,
    %mul3A_772 = arith.constant 1000 : i32
    %mul3A_773 = vector.broadcast %mul3A_772 : i32 to vector<16xi32>
    %mul3A_774 = arith.muli %add3A_767, %mul3A_773 : vector<16xi32>
    %add3A_775 = arith.addi %mul3A_774, %gather3A_771 : vector<16xi32>
    %jit3A_776 = arith.constant 0 : i32
    %broadcast_in_dim3A_777 = vector.broadcast %jit3A_776 : i32 to vector<16xi32>
    %select_n3A_778 = arith.select %lt3A_55, %add3A_775, %broadcast_in_dim3A_777 : vector<16xi1>, vector<16xi32>
    tpu.vector_store_idx %arg8[%select_n3A_778], %broadcast_in_dim3A_32 masked %lt3A_55 : memref<50000xf32, #tpu.memory_space<vmem>>[vector<16xi32>], vector<16xf32>, vector<16xi1>
    %add3A_779 = arith.constant 9 : i32
    %add3A_780 = arith.addi %mul3A_2, %add3A_779 : i32
    %dma_start3A_781 = arith.constant 0 : i32
    %dma_start3A_782 = tpu.memref_slice %arg4[%add3A_780, %dma_start3A_781] : memref<1024x50000xf32, #tpu.memory_space<hbm>> -> memref<1x50000xf32, #tpu.memory_space<hbm>>
    %dma_start3A_783 = tpu.memref_squeeze %dma_start3A_782 : memref<1x50000xf32, #tpu.memory_space<hbm>> -> memref<50000xf32, #tpu.memory_space<hbm>>
    %dma_start3A_784 = arith.constant 0 : i32
    %dma_start3A_785 = tpu.memref_slice %arg4[%add3A_780, %dma_start3A_784] : memref<1024x50000xf32, #tpu.memory_space<hbm>> -> memref<1x50000xf32, #tpu.memory_space<hbm>>
    %dma_start3A_786 = tpu.memref_squeeze %dma_start3A_785 : memref<1x50000xf32, #tpu.memory_space<hbm>> -> memref<50000xf32, #tpu.memory_space<hbm>>
    tpu.enqueue_dma source(%arg8 : memref<50000xf32, #tpu.memory_space<vmem>>) target(%dma_start3A_786 : memref<50000xf32, #tpu.memory_space<hbm>>) target_semaphore(%arg10 : memref<!tpu.dma_semaphore, #tpu.memory_space<semaphore_mem>>)
    %add3A_787 = arith.constant 8 : i32
    %add3A_788 = arith.addi %mul3A_2, %add3A_787 : i32
    %dma_wait3A_789 = arith.constant 0 : i32
    %dma_wait3A_790 = tpu.memref_slice %arg4[%add3A_788, %dma_wait3A_789] : memref<1024x50000xf32, #tpu.memory_space<hbm>> -> memref<1x50000xf32, #tpu.memory_space<hbm>>
    %dma_wait3A_791 = tpu.memref_squeeze %dma_wait3A_790 : memref<1x50000xf32, #tpu.memory_space<hbm>> -> memref<50000xf32, #tpu.memory_space<hbm>>
    %dma_wait3A_792 = arith.constant 0 : i32
    %dma_wait3A_793 = tpu.memref_slice %arg4[%add3A_788, %dma_wait3A_792] : memref<1024x50000xf32, #tpu.memory_space<hbm>> -> memref<1x50000xf32, #tpu.memory_space<hbm>>
    %dma_wait3A_794 = tpu.memref_squeeze %dma_wait3A_793 : memref<1x50000xf32, #tpu.memory_space<hbm>> -> memref<50000xf32, #tpu.memory_space<hbm>>
    tpu.wait_dma2 semaphore(%arg9 : memref<!tpu.dma_semaphore, #tpu.memory_space<semaphore_mem>>) src(%arg7 : memref<50000xf32, #tpu.memory_space<vmem>>) dst(%dma_wait3A_794 : memref<50000xf32, #tpu.memory_space<hbm>>)
    tpu.vector_store_idx %arg7[%select_n3A_661], %broadcast_in_dim3A_25 masked %lt3A_37 : memref<50000xf32, #tpu.memory_space<vmem>>[vector<16xi32>], vector<16xf32>, vector<16xi1>
    tpu.vector_store_idx %arg7[%select_n3A_675], %broadcast_in_dim3A_25 masked %lt3A_43 : memref<50000xf32, #tpu.memory_space<vmem>>[vector<16xi32>], vector<16xf32>, vector<16xi1>
    tpu.vector_store_idx %arg7[%select_n3A_689], %broadcast_in_dim3A_25 masked %lt3A_49 : memref<50000xf32, #tpu.memory_space<vmem>>[vector<16xi32>], vector<16xf32>, vector<16xi1>
    tpu.vector_store_idx %arg7[%select_n3A_703], %broadcast_in_dim3A_25 masked %lt3A_55 : memref<50000xf32, #tpu.memory_space<vmem>>[vector<16xi32>], vector<16xf32>, vector<16xi1>
    %broadcast_in_dim3A_795 = arith.constant 26 : i32
    %broadcast_in_dim3A_796 = vector.broadcast %broadcast_in_dim3A_795 : i32 to vector<16xi32>
    %gather3A_797 = tpu.vector_load_idx %arg5[%broadcast_in_dim3A_796] : memref<48xi32, #tpu.memory_space<vmem>>[vector<16xi32>], vector<16xi32>,
    %add3A_798 = arith.constant 0 : i32
    %add3A_799 = vector.broadcast %add3A_798 : i32 to vector<16xi32>
    %add3A_800 = arith.addi %iota3A, %add3A_799 : vector<16xi32>
    %add3A_801 = arith.constant 1 : i32
    %add3A_802 = vector.broadcast %add3A_801 : i32 to vector<16xi32>
    %add3A_803 = arith.addi %gather3A_797, %add3A_802 : vector<16xi32>
    %gather3A_804 = tpu.vector_load_idx %arg6[%add3A_803, %add3A_800] : memref<101x64xi32, #tpu.memory_space<vmem>>[vector<16xi32>, vector<16xi32>], vector<16xi32>,
    %mul3A_805 = arith.constant 1000 : i32
    %mul3A_806 = vector.broadcast %mul3A_805 : i32 to vector<16xi32>
    %mul3A_807 = arith.muli %add3A_800, %mul3A_806 : vector<16xi32>
    %add3A_808 = arith.addi %mul3A_807, %gather3A_804 : vector<16xi32>
    %jit3A_809 = arith.constant 0 : i32
    %broadcast_in_dim3A_810 = vector.broadcast %jit3A_809 : i32 to vector<16xi32>
    %select_n3A_811 = arith.select %lt3A_37, %add3A_808, %broadcast_in_dim3A_810 : vector<16xi1>, vector<16xi32>
    tpu.vector_store_idx %arg7[%select_n3A_811], %broadcast_in_dim3A_32 masked %lt3A_37 : memref<50000xf32, #tpu.memory_space<vmem>>[vector<16xi32>], vector<16xf32>, vector<16xi1>
    %add3A_812 = arith.constant 16 : i32
    %add3A_813 = vector.broadcast %add3A_812 : i32 to vector<16xi32>
    %add3A_814 = arith.addi %iota3A, %add3A_813 : vector<16xi32>
    %add3A_815 = arith.constant 1 : i32
    %add3A_816 = vector.broadcast %add3A_815 : i32 to vector<16xi32>
    %add3A_817 = arith.addi %gather3A_797, %add3A_816 : vector<16xi32>
    %gather3A_818 = tpu.vector_load_idx %arg6[%add3A_817, %add3A_814] : memref<101x64xi32, #tpu.memory_space<vmem>>[vector<16xi32>, vector<16xi32>], vector<16xi32>,
    %mul3A_819 = arith.constant 1000 : i32
    %mul3A_820 = vector.broadcast %mul3A_819 : i32 to vector<16xi32>
    %mul3A_821 = arith.muli %add3A_814, %mul3A_820 : vector<16xi32>
    %add3A_822 = arith.addi %mul3A_821, %gather3A_818 : vector<16xi32>
    %jit3A_823 = arith.constant 0 : i32
    %broadcast_in_dim3A_824 = vector.broadcast %jit3A_823 : i32 to vector<16xi32>
    %select_n3A_825 = arith.select %lt3A_43, %add3A_822, %broadcast_in_dim3A_824 : vector<16xi1>, vector<16xi32>
    tpu.vector_store_idx %arg7[%select_n3A_825], %broadcast_in_dim3A_32 masked %lt3A_43 : memref<50000xf32, #tpu.memory_space<vmem>>[vector<16xi32>], vector<16xf32>, vector<16xi1>
    %add3A_826 = arith.constant 32 : i32
    %add3A_827 = vector.broadcast %add3A_826 : i32 to vector<16xi32>
    %add3A_828 = arith.addi %iota3A, %add3A_827 : vector<16xi32>
    %add3A_829 = arith.constant 1 : i32
    %add3A_830 = vector.broadcast %add3A_829 : i32 to vector<16xi32>
    %add3A_831 = arith.addi %gather3A_797, %add3A_830 : vector<16xi32>
    %gather3A_832 = tpu.vector_load_idx %arg6[%add3A_831, %add3A_828] : memref<101x64xi32, #tpu.memory_space<vmem>>[vector<16xi32>, vector<16xi32>], vector<16xi32>,
    %mul3A_833 = arith.constant 1000 : i32
    %mul3A_834 = vector.broadcast %mul3A_833 : i32 to vector<16xi32>
    %mul3A_835 = arith.muli %add3A_828, %mul3A_834 : vector<16xi32>
    %add3A_836 = arith.addi %mul3A_835, %gather3A_832 : vector<16xi32>
    %jit3A_837 = arith.constant 0 : i32
    %broadcast_in_dim3A_838 = vector.broadcast %jit3A_837 : i32 to vector<16xi32>
    %select_n3A_839 = arith.select %lt3A_49, %add3A_836, %broadcast_in_dim3A_838 : vector<16xi1>, vector<16xi32>
    tpu.vector_store_idx %arg7[%select_n3A_839], %broadcast_in_dim3A_32 masked %lt3A_49 : memref<50000xf32, #tpu.memory_space<vmem>>[vector<16xi32>], vector<16xf32>, vector<16xi1>
    %add3A_840 = arith.constant 48 : i32
    %add3A_841 = vector.broadcast %add3A_840 : i32 to vector<16xi32>
    %add3A_842 = arith.addi %iota3A, %add3A_841 : vector<16xi32>
    %add3A_843 = arith.constant 1 : i32
    %add3A_844 = vector.broadcast %add3A_843 : i32 to vector<16xi32>
    %add3A_845 = arith.addi %gather3A_797, %add3A_844 : vector<16xi32>
    %gather3A_846 = tpu.vector_load_idx %arg6[%add3A_845, %add3A_842] : memref<101x64xi32, #tpu.memory_space<vmem>>[vector<16xi32>, vector<16xi32>], vector<16xi32>,
    %mul3A_847 = arith.constant 1000 : i32
    %mul3A_848 = vector.broadcast %mul3A_847 : i32 to vector<16xi32>
    %mul3A_849 = arith.muli %add3A_842, %mul3A_848 : vector<16xi32>
    %add3A_850 = arith.addi %mul3A_849, %gather3A_846 : vector<16xi32>
    %jit3A_851 = arith.constant 0 : i32
    %broadcast_in_dim3A_852 = vector.broadcast %jit3A_851 : i32 to vector<16xi32>
    %select_n3A_853 = arith.select %lt3A_55, %add3A_850, %broadcast_in_dim3A_852 : vector<16xi1>, vector<16xi32>
    tpu.vector_store_idx %arg7[%select_n3A_853], %broadcast_in_dim3A_32 masked %lt3A_55 : memref<50000xf32, #tpu.memory_space<vmem>>[vector<16xi32>], vector<16xf32>, vector<16xi1>
    %add3A_854 = arith.constant 10 : i32
    %add3A_855 = arith.addi %mul3A_2, %add3A_854 : i32
    %dma_start3A_856 = arith.constant 0 : i32
    %dma_start3A_857 = tpu.memref_slice %arg4[%add3A_855, %dma_start3A_856] : memref<1024x50000xf32, #tpu.memory_space<hbm>> -> memref<1x50000xf32, #tpu.memory_space<hbm>>
    %dma_start3A_858 = tpu.memref_squeeze %dma_start3A_857 : memref<1x50000xf32, #tpu.memory_space<hbm>> -> memref<50000xf32, #tpu.memory_space<hbm>>
    %dma_start3A_859 = arith.constant 0 : i32
    %dma_start3A_860 = tpu.memref_slice %arg4[%add3A_855, %dma_start3A_859] : memref<1024x50000xf32, #tpu.memory_space<hbm>> -> memref<1x50000xf32, #tpu.memory_space<hbm>>
    %dma_start3A_861 = tpu.memref_squeeze %dma_start3A_860 : memref<1x50000xf32, #tpu.memory_space<hbm>> -> memref<50000xf32, #tpu.memory_space<hbm>>
    tpu.enqueue_dma source(%arg7 : memref<50000xf32, #tpu.memory_space<vmem>>) target(%dma_start3A_861 : memref<50000xf32, #tpu.memory_space<hbm>>) target_semaphore(%arg9 : memref<!tpu.dma_semaphore, #tpu.memory_space<semaphore_mem>>)
    %add3A_862 = arith.constant 9 : i32
    %add3A_863 = arith.addi %mul3A_2, %add3A_862 : i32
    %dma_wait3A_864 = arith.constant 0 : i32
    %dma_wait3A_865 = tpu.memref_slice %arg4[%add3A_863, %dma_wait3A_864] : memref<1024x50000xf32, #tpu.memory_space<hbm>> -> memref<1x50000xf32, #tpu.memory_space<hbm>>
    %dma_wait3A_866 = tpu.memref_squeeze %dma_wait3A_865 : memref<1x50000xf32, #tpu.memory_space<hbm>> -> memref<50000xf32, #tpu.memory_space<hbm>>
    %dma_wait3A_867 = arith.constant 0 : i32
    %dma_wait3A_868 = tpu.memref_slice %arg4[%add3A_863, %dma_wait3A_867] : memref<1024x50000xf32, #tpu.memory_space<hbm>> -> memref<1x50000xf32, #tpu.memory_space<hbm>>
    %dma_wait3A_869 = tpu.memref_squeeze %dma_wait3A_868 : memref<1x50000xf32, #tpu.memory_space<hbm>> -> memref<50000xf32, #tpu.memory_space<hbm>>
    tpu.wait_dma2 semaphore(%arg10 : memref<!tpu.dma_semaphore, #tpu.memory_space<semaphore_mem>>) src(%arg8 : memref<50000xf32, #tpu.memory_space<vmem>>) dst(%dma_wait3A_869 : memref<50000xf32, #tpu.memory_space<hbm>>)
    tpu.vector_store_idx %arg8[%select_n3A_736], %broadcast_in_dim3A_25 masked %lt3A_37 : memref<50000xf32, #tpu.memory_space<vmem>>[vector<16xi32>], vector<16xf32>, vector<16xi1>
    tpu.vector_store_idx %arg8[%select_n3A_750], %broadcast_in_dim3A_25 masked %lt3A_43 : memref<50000xf32, #tpu.memory_space<vmem>>[vector<16xi32>], vector<16xf32>, vector<16xi1>
    tpu.vector_store_idx %arg8[%select_n3A_764], %broadcast_in_dim3A_25 masked %lt3A_49 : memref<50000xf32, #tpu.memory_space<vmem>>[vector<16xi32>], vector<16xf32>, vector<16xi1>
    tpu.vector_store_idx %arg8[%select_n3A_778], %broadcast_in_dim3A_25 masked %lt3A_55 : memref<50000xf32, #tpu.memory_space<vmem>>[vector<16xi32>], vector<16xf32>, vector<16xi1>
    %broadcast_in_dim3A_870 = arith.constant 27 : i32
    %broadcast_in_dim3A_871 = vector.broadcast %broadcast_in_dim3A_870 : i32 to vector<16xi32>
    %gather3A_872 = tpu.vector_load_idx %arg5[%broadcast_in_dim3A_871] : memref<48xi32, #tpu.memory_space<vmem>>[vector<16xi32>], vector<16xi32>,
    %add3A_873 = arith.constant 0 : i32
    %add3A_874 = vector.broadcast %add3A_873 : i32 to vector<16xi32>
    %add3A_875 = arith.addi %iota3A, %add3A_874 : vector<16xi32>
    %add3A_876 = arith.constant 1 : i32
    %add3A_877 = vector.broadcast %add3A_876 : i32 to vector<16xi32>
    %add3A_878 = arith.addi %gather3A_872, %add3A_877 : vector<16xi32>
    %gather3A_879 = tpu.vector_load_idx %arg6[%add3A_878, %add3A_875] : memref<101x64xi32, #tpu.memory_space<vmem>>[vector<16xi32>, vector<16xi32>], vector<16xi32>,
    %mul3A_880 = arith.constant 1000 : i32
    %mul3A_881 = vector.broadcast %mul3A_880 : i32 to vector<16xi32>
    %mul3A_882 = arith.muli %add3A_875, %mul3A_881 : vector<16xi32>
    %add3A_883 = arith.addi %mul3A_882, %gather3A_879 : vector<16xi32>
    %jit3A_884 = arith.constant 0 : i32
    %broadcast_in_dim3A_885 = vector.broadcast %jit3A_884 : i32 to vector<16xi32>
    %select_n3A_886 = arith.select %lt3A_37, %add3A_883, %broadcast_in_dim3A_885 : vector<16xi1>, vector<16xi32>
    tpu.vector_store_idx %arg8[%select_n3A_886], %broadcast_in_dim3A_32 masked %lt3A_37 : memref<50000xf32, #tpu.memory_space<vmem>>[vector<16xi32>], vector<16xf32>, vector<16xi1>
    %add3A_887 = arith.constant 16 : i32
    %add3A_888 = vector.broadcast %add3A_887 : i32 to vector<16xi32>
    %add3A_889 = arith.addi %iota3A, %add3A_888 : vector<16xi32>
    %add3A_890 = arith.constant 1 : i32
    %add3A_891 = vector.broadcast %add3A_890 : i32 to vector<16xi32>
    %add3A_892 = arith.addi %gather3A_872, %add3A_891 : vector<16xi32>
    %gather3A_893 = tpu.vector_load_idx %arg6[%add3A_892, %add3A_889] : memref<101x64xi32, #tpu.memory_space<vmem>>[vector<16xi32>, vector<16xi32>], vector<16xi32>,
    %mul3A_894 = arith.constant 1000 : i32
    %mul3A_895 = vector.broadcast %mul3A_894 : i32 to vector<16xi32>
    %mul3A_896 = arith.muli %add3A_889, %mul3A_895 : vector<16xi32>
    %add3A_897 = arith.addi %mul3A_896, %gather3A_893 : vector<16xi32>
    %jit3A_898 = arith.constant 0 : i32
    %broadcast_in_dim3A_899 = vector.broadcast %jit3A_898 : i32 to vector<16xi32>
    %select_n3A_900 = arith.select %lt3A_43, %add3A_897, %broadcast_in_dim3A_899 : vector<16xi1>, vector<16xi32>
    tpu.vector_store_idx %arg8[%select_n3A_900], %broadcast_in_dim3A_32 masked %lt3A_43 : memref<50000xf32, #tpu.memory_space<vmem>>[vector<16xi32>], vector<16xf32>, vector<16xi1>
    %add3A_901 = arith.constant 32 : i32
    %add3A_902 = vector.broadcast %add3A_901 : i32 to vector<16xi32>
    %add3A_903 = arith.addi %iota3A, %add3A_902 : vector<16xi32>
    %add3A_904 = arith.constant 1 : i32
    %add3A_905 = vector.broadcast %add3A_904 : i32 to vector<16xi32>
    %add3A_906 = arith.addi %gather3A_872, %add3A_905 : vector<16xi32>
    %gather3A_907 = tpu.vector_load_idx %arg6[%add3A_906, %add3A_903] : memref<101x64xi32, #tpu.memory_space<vmem>>[vector<16xi32>, vector<16xi32>], vector<16xi32>,
    %mul3A_908 = arith.constant 1000 : i32
    %mul3A_909 = vector.broadcast %mul3A_908 : i32 to vector<16xi32>
    %mul3A_910 = arith.muli %add3A_903, %mul3A_909 : vector<16xi32>
    %add3A_911 = arith.addi %mul3A_910, %gather3A_907 : vector<16xi32>
    %jit3A_912 = arith.constant 0 : i32
    %broadcast_in_dim3A_913 = vector.broadcast %jit3A_912 : i32 to vector<16xi32>
    %select_n3A_914 = arith.select %lt3A_49, %add3A_911, %broadcast_in_dim3A_913 : vector<16xi1>, vector<16xi32>
    tpu.vector_store_idx %arg8[%select_n3A_914], %broadcast_in_dim3A_32 masked %lt3A_49 : memref<50000xf32, #tpu.memory_space<vmem>>[vector<16xi32>], vector<16xf32>, vector<16xi1>
    %add3A_915 = arith.constant 48 : i32
    %add3A_916 = vector.broadcast %add3A_915 : i32 to vector<16xi32>
    %add3A_917 = arith.addi %iota3A, %add3A_916 : vector<16xi32>
    %add3A_918 = arith.constant 1 : i32
    %add3A_919 = vector.broadcast %add3A_918 : i32 to vector<16xi32>
    %add3A_920 = arith.addi %gather3A_872, %add3A_919 : vector<16xi32>
    %gather3A_921 = tpu.vector_load_idx %arg6[%add3A_920, %add3A_917] : memref<101x64xi32, #tpu.memory_space<vmem>>[vector<16xi32>, vector<16xi32>], vector<16xi32>,
    %mul3A_922 = arith.constant 1000 : i32
    %mul3A_923 = vector.broadcast %mul3A_922 : i32 to vector<16xi32>
    %mul3A_924 = arith.muli %add3A_917, %mul3A_923 : vector<16xi32>
    %add3A_925 = arith.addi %mul3A_924, %gather3A_921 : vector<16xi32>
    %jit3A_926 = arith.constant 0 : i32
    %broadcast_in_dim3A_927 = vector.broadcast %jit3A_926 : i32 to vector<16xi32>
    %select_n3A_928 = arith.select %lt3A_55, %add3A_925, %broadcast_in_dim3A_927 : vector<16xi1>, vector<16xi32>
    tpu.vector_store_idx %arg8[%select_n3A_928], %broadcast_in_dim3A_32 masked %lt3A_55 : memref<50000xf32, #tpu.memory_space<vmem>>[vector<16xi32>], vector<16xf32>, vector<16xi1>
    %add3A_929 = arith.constant 11 : i32
    %add3A_930 = arith.addi %mul3A_2, %add3A_929 : i32
    %dma_start3A_931 = arith.constant 0 : i32
    %dma_start3A_932 = tpu.memref_slice %arg4[%add3A_930, %dma_start3A_931] : memref<1024x50000xf32, #tpu.memory_space<hbm>> -> memref<1x50000xf32, #tpu.memory_space<hbm>>
    %dma_start3A_933 = tpu.memref_squeeze %dma_start3A_932 : memref<1x50000xf32, #tpu.memory_space<hbm>> -> memref<50000xf32, #tpu.memory_space<hbm>>
    %dma_start3A_934 = arith.constant 0 : i32
    %dma_start3A_935 = tpu.memref_slice %arg4[%add3A_930, %dma_start3A_934] : memref<1024x50000xf32, #tpu.memory_space<hbm>> -> memref<1x50000xf32, #tpu.memory_space<hbm>>
    %dma_start3A_936 = tpu.memref_squeeze %dma_start3A_935 : memref<1x50000xf32, #tpu.memory_space<hbm>> -> memref<50000xf32, #tpu.memory_space<hbm>>
    tpu.enqueue_dma source(%arg8 : memref<50000xf32, #tpu.memory_space<vmem>>) target(%dma_start3A_936 : memref<50000xf32, #tpu.memory_space<hbm>>) target_semaphore(%arg10 : memref<!tpu.dma_semaphore, #tpu.memory_space<semaphore_mem>>)
    %add3A_937 = arith.constant 10 : i32
    %add3A_938 = arith.addi %mul3A_2, %add3A_937 : i32
    %dma_wait3A_939 = arith.constant 0 : i32
    %dma_wait3A_940 = tpu.memref_slice %arg4[%add3A_938, %dma_wait3A_939] : memref<1024x50000xf32, #tpu.memory_space<hbm>> -> memref<1x50000xf32, #tpu.memory_space<hbm>>
    %dma_wait3A_941 = tpu.memref_squeeze %dma_wait3A_940 : memref<1x50000xf32, #tpu.memory_space<hbm>> -> memref<50000xf32, #tpu.memory_space<hbm>>
    %dma_wait3A_942 = arith.constant 0 : i32
    %dma_wait3A_943 = tpu.memref_slice %arg4[%add3A_938, %dma_wait3A_942] : memref<1024x50000xf32, #tpu.memory_space<hbm>> -> memref<1x50000xf32, #tpu.memory_space<hbm>>
    %dma_wait3A_944 = tpu.memref_squeeze %dma_wait3A_943 : memref<1x50000xf32, #tpu.memory_space<hbm>> -> memref<50000xf32, #tpu.memory_space<hbm>>
    tpu.wait_dma2 semaphore(%arg9 : memref<!tpu.dma_semaphore, #tpu.memory_space<semaphore_mem>>) src(%arg7 : memref<50000xf32, #tpu.memory_space<vmem>>) dst(%dma_wait3A_944 : memref<50000xf32, #tpu.memory_space<hbm>>)
    tpu.vector_store_idx %arg7[%select_n3A_811], %broadcast_in_dim3A_25 masked %lt3A_37 : memref<50000xf32, #tpu.memory_space<vmem>>[vector<16xi32>], vector<16xf32>, vector<16xi1>
    tpu.vector_store_idx %arg7[%select_n3A_825], %broadcast_in_dim3A_25 masked %lt3A_43 : memref<50000xf32, #tpu.memory_space<vmem>>[vector<16xi32>], vector<16xf32>, vector<16xi1>
    tpu.vector_store_idx %arg7[%select_n3A_839], %broadcast_in_dim3A_25 masked %lt3A_49 : memref<50000xf32, #tpu.memory_space<vmem>>[vector<16xi32>], vector<16xf32>, vector<16xi1>
    tpu.vector_store_idx %arg7[%select_n3A_853], %broadcast_in_dim3A_25 masked %lt3A_55 : memref<50000xf32, #tpu.memory_space<vmem>>[vector<16xi32>], vector<16xf32>, vector<16xi1>
    %broadcast_in_dim3A_945 = arith.constant 28 : i32
    %broadcast_in_dim3A_946 = vector.broadcast %broadcast_in_dim3A_945 : i32 to vector<16xi32>
    %gather3A_947 = tpu.vector_load_idx %arg5[%broadcast_in_dim3A_946] : memref<48xi32, #tpu.memory_space<vmem>>[vector<16xi32>], vector<16xi32>,
    %add3A_948 = arith.constant 0 : i32
    %add3A_949 = vector.broadcast %add3A_948 : i32 to vector<16xi32>
    %add3A_950 = arith.addi %iota3A, %add3A_949 : vector<16xi32>
    %add3A_951 = arith.constant 1 : i32
    %add3A_952 = vector.broadcast %add3A_951 : i32 to vector<16xi32>
    %add3A_953 = arith.addi %gather3A_947, %add3A_952 : vector<16xi32>
    %gather3A_954 = tpu.vector_load_idx %arg6[%add3A_953, %add3A_950] : memref<101x64xi32, #tpu.memory_space<vmem>>[vector<16xi32>, vector<16xi32>], vector<16xi32>,
    %mul3A_955 = arith.constant 1000 : i32
    %mul3A_956 = vector.broadcast %mul3A_955 : i32 to vector<16xi32>
    %mul3A_957 = arith.muli %add3A_950, %mul3A_956 : vector<16xi32>
    %add3A_958 = arith.addi %mul3A_957, %gather3A_954 : vector<16xi32>
    %jit3A_959 = arith.constant 0 : i32
    %broadcast_in_dim3A_960 = vector.broadcast %jit3A_959 : i32 to vector<16xi32>
    %select_n3A_961 = arith.select %lt3A_37, %add3A_958, %broadcast_in_dim3A_960 : vector<16xi1>, vector<16xi32>
    tpu.vector_store_idx %arg7[%select_n3A_961], %broadcast_in_dim3A_32 masked %lt3A_37 : memref<50000xf32, #tpu.memory_space<vmem>>[vector<16xi32>], vector<16xf32>, vector<16xi1>
    %add3A_962 = arith.constant 16 : i32
    %add3A_963 = vector.broadcast %add3A_962 : i32 to vector<16xi32>
    %add3A_964 = arith.addi %iota3A, %add3A_963 : vector<16xi32>
    %add3A_965 = arith.constant 1 : i32
    %add3A_966 = vector.broadcast %add3A_965 : i32 to vector<16xi32>
    %add3A_967 = arith.addi %gather3A_947, %add3A_966 : vector<16xi32>
    %gather3A_968 = tpu.vector_load_idx %arg6[%add3A_967, %add3A_964] : memref<101x64xi32, #tpu.memory_space<vmem>>[vector<16xi32>, vector<16xi32>], vector<16xi32>,
    %mul3A_969 = arith.constant 1000 : i32
    %mul3A_970 = vector.broadcast %mul3A_969 : i32 to vector<16xi32>
    %mul3A_971 = arith.muli %add3A_964, %mul3A_970 : vector<16xi32>
    %add3A_972 = arith.addi %mul3A_971, %gather3A_968 : vector<16xi32>
    %jit3A_973 = arith.constant 0 : i32
    %broadcast_in_dim3A_974 = vector.broadcast %jit3A_973 : i32 to vector<16xi32>
    %select_n3A_975 = arith.select %lt3A_43, %add3A_972, %broadcast_in_dim3A_974 : vector<16xi1>, vector<16xi32>
    tpu.vector_store_idx %arg7[%select_n3A_975], %broadcast_in_dim3A_32 masked %lt3A_43 : memref<50000xf32, #tpu.memory_space<vmem>>[vector<16xi32>], vector<16xf32>, vector<16xi1>
    %add3A_976 = arith.constant 32 : i32
    %add3A_977 = vector.broadcast %add3A_976 : i32 to vector<16xi32>
    %add3A_978 = arith.addi %iota3A, %add3A_977 : vector<16xi32>
    %add3A_979 = arith.constant 1 : i32
    %add3A_980 = vector.broadcast %add3A_979 : i32 to vector<16xi32>
    %add3A_981 = arith.addi %gather3A_947, %add3A_980 : vector<16xi32>
    %gather3A_982 = tpu.vector_load_idx %arg6[%add3A_981, %add3A_978] : memref<101x64xi32, #tpu.memory_space<vmem>>[vector<16xi32>, vector<16xi32>], vector<16xi32>,
    %mul3A_983 = arith.constant 1000 : i32
    %mul3A_984 = vector.broadcast %mul3A_983 : i32 to vector<16xi32>
    %mul3A_985 = arith.muli %add3A_978, %mul3A_984 : vector<16xi32>
    %add3A_986 = arith.addi %mul3A_985, %gather3A_982 : vector<16xi32>
    %jit3A_987 = arith.constant 0 : i32
    %broadcast_in_dim3A_988 = vector.broadcast %jit3A_987 : i32 to vector<16xi32>
    %select_n3A_989 = arith.select %lt3A_49, %add3A_986, %broadcast_in_dim3A_988 : vector<16xi1>, vector<16xi32>
    tpu.vector_store_idx %arg7[%select_n3A_989], %broadcast_in_dim3A_32 masked %lt3A_49 : memref<50000xf32, #tpu.memory_space<vmem>>[vector<16xi32>], vector<16xf32>, vector<16xi1>
    %add3A_990 = arith.constant 48 : i32
    %add3A_991 = vector.broadcast %add3A_990 : i32 to vector<16xi32>
    %add3A_992 = arith.addi %iota3A, %add3A_991 : vector<16xi32>
    %add3A_993 = arith.constant 1 : i32
    %add3A_994 = vector.broadcast %add3A_993 : i32 to vector<16xi32>
    %add3A_995 = arith.addi %gather3A_947, %add3A_994 : vector<16xi32>
    %gather3A_996 = tpu.vector_load_idx %arg6[%add3A_995, %add3A_992] : memref<101x64xi32, #tpu.memory_space<vmem>>[vector<16xi32>, vector<16xi32>], vector<16xi32>,
    %mul3A_997 = arith.constant 1000 : i32
    %mul3A_998 = vector.broadcast %mul3A_997 : i32 to vector<16xi32>
    %mul3A_999 = arith.muli %add3A_992, %mul3A_998 : vector<16xi32>
    %add3A_1000 = arith.addi %mul3A_999, %gather3A_996 : vector<16xi32>
    %jit3A_1001 = arith.constant 0 : i32
    %broadcast_in_dim3A_1002 = vector.broadcast %jit3A_1001 : i32 to vector<16xi32>
    %select_n3A_1003 = arith.select %lt3A_55, %add3A_1000, %broadcast_in_dim3A_1002 : vector<16xi1>, vector<16xi32>
    tpu.vector_store_idx %arg7[%select_n3A_1003], %broadcast_in_dim3A_32 masked %lt3A_55 : memref<50000xf32, #tpu.memory_space<vmem>>[vector<16xi32>], vector<16xf32>, vector<16xi1>
    %add3A_1004 = arith.constant 12 : i32
    %add3A_1005 = arith.addi %mul3A_2, %add3A_1004 : i32
    %dma_start3A_1006 = arith.constant 0 : i32
    %dma_start3A_1007 = tpu.memref_slice %arg4[%add3A_1005, %dma_start3A_1006] : memref<1024x50000xf32, #tpu.memory_space<hbm>> -> memref<1x50000xf32, #tpu.memory_space<hbm>>
    %dma_start3A_1008 = tpu.memref_squeeze %dma_start3A_1007 : memref<1x50000xf32, #tpu.memory_space<hbm>> -> memref<50000xf32, #tpu.memory_space<hbm>>
    %dma_start3A_1009 = arith.constant 0 : i32
    %dma_start3A_1010 = tpu.memref_slice %arg4[%add3A_1005, %dma_start3A_1009] : memref<1024x50000xf32, #tpu.memory_space<hbm>> -> memref<1x50000xf32, #tpu.memory_space<hbm>>
    %dma_start3A_1011 = tpu.memref_squeeze %dma_start3A_1010 : memref<1x50000xf32, #tpu.memory_space<hbm>> -> memref<50000xf32, #tpu.memory_space<hbm>>
    tpu.enqueue_dma source(%arg7 : memref<50000xf32, #tpu.memory_space<vmem>>) target(%dma_start3A_1011 : memref<50000xf32, #tpu.memory_space<hbm>>) target_semaphore(%arg9 : memref<!tpu.dma_semaphore, #tpu.memory_space<semaphore_mem>>)
    %add3A_1012 = arith.constant 11 : i32
    %add3A_1013 = arith.addi %mul3A_2, %add3A_1012 : i32
    %dma_wait3A_1014 = arith.constant 0 : i32
    %dma_wait3A_1015 = tpu.memref_slice %arg4[%add3A_1013, %dma_wait3A_1014] : memref<1024x50000xf32, #tpu.memory_space<hbm>> -> memref<1x50000xf32, #tpu.memory_space<hbm>>
    %dma_wait3A_1016 = tpu.memref_squeeze %dma_wait3A_1015 : memref<1x50000xf32, #tpu.memory_space<hbm>> -> memref<50000xf32, #tpu.memory_space<hbm>>
    %dma_wait3A_1017 = arith.constant 0 : i32
    %dma_wait3A_1018 = tpu.memref_slice %arg4[%add3A_1013, %dma_wait3A_1017] : memref<1024x50000xf32, #tpu.memory_space<hbm>> -> memref<1x50000xf32, #tpu.memory_space<hbm>>
    %dma_wait3A_1019 = tpu.memref_squeeze %dma_wait3A_1018 : memref<1x50000xf32, #tpu.memory_space<hbm>> -> memref<50000xf32, #tpu.memory_space<hbm>>
    tpu.wait_dma2 semaphore(%arg10 : memref<!tpu.dma_semaphore, #tpu.memory_space<semaphore_mem>>) src(%arg8 : memref<50000xf32, #tpu.memory_space<vmem>>) dst(%dma_wait3A_1019 : memref<50000xf32, #tpu.memory_space<hbm>>)
    tpu.vector_store_idx %arg8[%select_n3A_886], %broadcast_in_dim3A_25 masked %lt3A_37 : memref<50000xf32, #tpu.memory_space<vmem>>[vector<16xi32>], vector<16xf32>, vector<16xi1>
    tpu.vector_store_idx %arg8[%select_n3A_900], %broadcast_in_dim3A_25 masked %lt3A_43 : memref<50000xf32, #tpu.memory_space<vmem>>[vector<16xi32>], vector<16xf32>, vector<16xi1>
    tpu.vector_store_idx %arg8[%select_n3A_914], %broadcast_in_dim3A_25 masked %lt3A_49 : memref<50000xf32, #tpu.memory_space<vmem>>[vector<16xi32>], vector<16xf32>, vector<16xi1>
    tpu.vector_store_idx %arg8[%select_n3A_928], %broadcast_in_dim3A_25 masked %lt3A_55 : memref<50000xf32, #tpu.memory_space<vmem>>[vector<16xi32>], vector<16xf32>, vector<16xi1>
    %broadcast_in_dim3A_1020 = arith.constant 29 : i32
    %broadcast_in_dim3A_1021 = vector.broadcast %broadcast_in_dim3A_1020 : i32 to vector<16xi32>
    %gather3A_1022 = tpu.vector_load_idx %arg5[%broadcast_in_dim3A_1021] : memref<48xi32, #tpu.memory_space<vmem>>[vector<16xi32>], vector<16xi32>,
    %add3A_1023 = arith.constant 0 : i32
    %add3A_1024 = vector.broadcast %add3A_1023 : i32 to vector<16xi32>
    %add3A_1025 = arith.addi %iota3A, %add3A_1024 : vector<16xi32>
    %add3A_1026 = arith.constant 1 : i32
    %add3A_1027 = vector.broadcast %add3A_1026 : i32 to vector<16xi32>
    %add3A_1028 = arith.addi %gather3A_1022, %add3A_1027 : vector<16xi32>
    %gather3A_1029 = tpu.vector_load_idx %arg6[%add3A_1028, %add3A_1025] : memref<101x64xi32, #tpu.memory_space<vmem>>[vector<16xi32>, vector<16xi32>], vector<16xi32>,
    %mul3A_1030 = arith.constant 1000 : i32
    %mul3A_1031 = vector.broadcast %mul3A_1030 : i32 to vector<16xi32>
    %mul3A_1032 = arith.muli %add3A_1025, %mul3A_1031 : vector<16xi32>
    %add3A_1033 = arith.addi %mul3A_1032, %gather3A_1029 : vector<16xi32>
    %jit3A_1034 = arith.constant 0 : i32
    %broadcast_in_dim3A_1035 = vector.broadcast %jit3A_1034 : i32 to vector<16xi32>
    %select_n3A_1036 = arith.select %lt3A_37, %add3A_1033, %broadcast_in_dim3A_1035 : vector<16xi1>, vector<16xi32>
    tpu.vector_store_idx %arg8[%select_n3A_1036], %broadcast_in_dim3A_32 masked %lt3A_37 : memref<50000xf32, #tpu.memory_space<vmem>>[vector<16xi32>], vector<16xf32>, vector<16xi1>
    %add3A_1037 = arith.constant 16 : i32
    %add3A_1038 = vector.broadcast %add3A_1037 : i32 to vector<16xi32>
    %add3A_1039 = arith.addi %iota3A, %add3A_1038 : vector<16xi32>
    %add3A_1040 = arith.constant 1 : i32
    %add3A_1041 = vector.broadcast %add3A_1040 : i32 to vector<16xi32>
    %add3A_1042 = arith.addi %gather3A_1022, %add3A_1041 : vector<16xi32>
    %gather3A_1043 = tpu.vector_load_idx %arg6[%add3A_1042, %add3A_1039] : memref<101x64xi32, #tpu.memory_space<vmem>>[vector<16xi32>, vector<16xi32>], vector<16xi32>,
    %mul3A_1044 = arith.constant 1000 : i32
    %mul3A_1045 = vector.broadcast %mul3A_1044 : i32 to vector<16xi32>
    %mul3A_1046 = arith.muli %add3A_1039, %mul3A_1045 : vector<16xi32>
    %add3A_1047 = arith.addi %mul3A_1046, %gather3A_1043 : vector<16xi32>
    %jit3A_1048 = arith.constant 0 : i32
    %broadcast_in_dim3A_1049 = vector.broadcast %jit3A_1048 : i32 to vector<16xi32>
    %select_n3A_1050 = arith.select %lt3A_43, %add3A_1047, %broadcast_in_dim3A_1049 : vector<16xi1>, vector<16xi32>
    tpu.vector_store_idx %arg8[%select_n3A_1050], %broadcast_in_dim3A_32 masked %lt3A_43 : memref<50000xf32, #tpu.memory_space<vmem>>[vector<16xi32>], vector<16xf32>, vector<16xi1>
    %add3A_1051 = arith.constant 32 : i32
    %add3A_1052 = vector.broadcast %add3A_1051 : i32 to vector<16xi32>
    %add3A_1053 = arith.addi %iota3A, %add3A_1052 : vector<16xi32>
    %add3A_1054 = arith.constant 1 : i32
    %add3A_1055 = vector.broadcast %add3A_1054 : i32 to vector<16xi32>
    %add3A_1056 = arith.addi %gather3A_1022, %add3A_1055 : vector<16xi32>
    %gather3A_1057 = tpu.vector_load_idx %arg6[%add3A_1056, %add3A_1053] : memref<101x64xi32, #tpu.memory_space<vmem>>[vector<16xi32>, vector<16xi32>], vector<16xi32>,
    %mul3A_1058 = arith.constant 1000 : i32
    %mul3A_1059 = vector.broadcast %mul3A_1058 : i32 to vector<16xi32>
    %mul3A_1060 = arith.muli %add3A_1053, %mul3A_1059 : vector<16xi32>
    %add3A_1061 = arith.addi %mul3A_1060, %gather3A_1057 : vector<16xi32>
    %jit3A_1062 = arith.constant 0 : i32
    %broadcast_in_dim3A_1063 = vector.broadcast %jit3A_1062 : i32 to vector<16xi32>
    %select_n3A_1064 = arith.select %lt3A_49, %add3A_1061, %broadcast_in_dim3A_1063 : vector<16xi1>, vector<16xi32>
    tpu.vector_store_idx %arg8[%select_n3A_1064], %broadcast_in_dim3A_32 masked %lt3A_49 : memref<50000xf32, #tpu.memory_space<vmem>>[vector<16xi32>], vector<16xf32>, vector<16xi1>
    %add3A_1065 = arith.constant 48 : i32
    %add3A_1066 = vector.broadcast %add3A_1065 : i32 to vector<16xi32>
    %add3A_1067 = arith.addi %iota3A, %add3A_1066 : vector<16xi32>
    %add3A_1068 = arith.constant 1 : i32
    %add3A_1069 = vector.broadcast %add3A_1068 : i32 to vector<16xi32>
    %add3A_1070 = arith.addi %gather3A_1022, %add3A_1069 : vector<16xi32>
    %gather3A_1071 = tpu.vector_load_idx %arg6[%add3A_1070, %add3A_1067] : memref<101x64xi32, #tpu.memory_space<vmem>>[vector<16xi32>, vector<16xi32>], vector<16xi32>,
    %mul3A_1072 = arith.constant 1000 : i32
    %mul3A_1073 = vector.broadcast %mul3A_1072 : i32 to vector<16xi32>
    %mul3A_1074 = arith.muli %add3A_1067, %mul3A_1073 : vector<16xi32>
    %add3A_1075 = arith.addi %mul3A_1074, %gather3A_1071 : vector<16xi32>
    %jit3A_1076 = arith.constant 0 : i32
    %broadcast_in_dim3A_1077 = vector.broadcast %jit3A_1076 : i32 to vector<16xi32>
    %select_n3A_1078 = arith.select %lt3A_55, %add3A_1075, %broadcast_in_dim3A_1077 : vector<16xi1>, vector<16xi32>
    tpu.vector_store_idx %arg8[%select_n3A_1078], %broadcast_in_dim3A_32 masked %lt3A_55 : memref<50000xf32, #tpu.memory_space<vmem>>[vector<16xi32>], vector<16xf32>, vector<16xi1>
    %add3A_1079 = arith.constant 13 : i32
    %add3A_1080 = arith.addi %mul3A_2, %add3A_1079 : i32
    %dma_start3A_1081 = arith.constant 0 : i32
    %dma_start3A_1082 = tpu.memref_slice %arg4[%add3A_1080, %dma_start3A_1081] : memref<1024x50000xf32, #tpu.memory_space<hbm>> -> memref<1x50000xf32, #tpu.memory_space<hbm>>
    %dma_start3A_1083 = tpu.memref_squeeze %dma_start3A_1082 : memref<1x50000xf32, #tpu.memory_space<hbm>> -> memref<50000xf32, #tpu.memory_space<hbm>>
    %dma_start3A_1084 = arith.constant 0 : i32
    %dma_start3A_1085 = tpu.memref_slice %arg4[%add3A_1080, %dma_start3A_1084] : memref<1024x50000xf32, #tpu.memory_space<hbm>> -> memref<1x50000xf32, #tpu.memory_space<hbm>>
    %dma_start3A_1086 = tpu.memref_squeeze %dma_start3A_1085 : memref<1x50000xf32, #tpu.memory_space<hbm>> -> memref<50000xf32, #tpu.memory_space<hbm>>
    tpu.enqueue_dma source(%arg8 : memref<50000xf32, #tpu.memory_space<vmem>>) target(%dma_start3A_1086 : memref<50000xf32, #tpu.memory_space<hbm>>) target_semaphore(%arg10 : memref<!tpu.dma_semaphore, #tpu.memory_space<semaphore_mem>>)
    %add3A_1087 = arith.constant 12 : i32
    %add3A_1088 = arith.addi %mul3A_2, %add3A_1087 : i32
    %dma_wait3A_1089 = arith.constant 0 : i32
    %dma_wait3A_1090 = tpu.memref_slice %arg4[%add3A_1088, %dma_wait3A_1089] : memref<1024x50000xf32, #tpu.memory_space<hbm>> -> memref<1x50000xf32, #tpu.memory_space<hbm>>
    %dma_wait3A_1091 = tpu.memref_squeeze %dma_wait3A_1090 : memref<1x50000xf32, #tpu.memory_space<hbm>> -> memref<50000xf32, #tpu.memory_space<hbm>>
    %dma_wait3A_1092 = arith.constant 0 : i32
    %dma_wait3A_1093 = tpu.memref_slice %arg4[%add3A_1088, %dma_wait3A_1092] : memref<1024x50000xf32, #tpu.memory_space<hbm>> -> memref<1x50000xf32, #tpu.memory_space<hbm>>
    %dma_wait3A_1094 = tpu.memref_squeeze %dma_wait3A_1093 : memref<1x50000xf32, #tpu.memory_space<hbm>> -> memref<50000xf32, #tpu.memory_space<hbm>>
    tpu.wait_dma2 semaphore(%arg9 : memref<!tpu.dma_semaphore, #tpu.memory_space<semaphore_mem>>) src(%arg7 : memref<50000xf32, #tpu.memory_space<vmem>>) dst(%dma_wait3A_1094 : memref<50000xf32, #tpu.memory_space<hbm>>)
    tpu.vector_store_idx %arg7[%select_n3A_961], %broadcast_in_dim3A_25 masked %lt3A_37 : memref<50000xf32, #tpu.memory_space<vmem>>[vector<16xi32>], vector<16xf32>, vector<16xi1>
    tpu.vector_store_idx %arg7[%select_n3A_975], %broadcast_in_dim3A_25 masked %lt3A_43 : memref<50000xf32, #tpu.memory_space<vmem>>[vector<16xi32>], vector<16xf32>, vector<16xi1>
    tpu.vector_store_idx %arg7[%select_n3A_989], %broadcast_in_dim3A_25 masked %lt3A_49 : memref<50000xf32, #tpu.memory_space<vmem>>[vector<16xi32>], vector<16xf32>, vector<16xi1>
    tpu.vector_store_idx %arg7[%select_n3A_1003], %broadcast_in_dim3A_25 masked %lt3A_55 : memref<50000xf32, #tpu.memory_space<vmem>>[vector<16xi32>], vector<16xf32>, vector<16xi1>
    %broadcast_in_dim3A_1095 = arith.constant 30 : i32
    %broadcast_in_dim3A_1096 = vector.broadcast %broadcast_in_dim3A_1095 : i32 to vector<16xi32>
    %gather3A_1097 = tpu.vector_load_idx %arg5[%broadcast_in_dim3A_1096] : memref<48xi32, #tpu.memory_space<vmem>>[vector<16xi32>], vector<16xi32>,
    %add3A_1098 = arith.constant 0 : i32
    %add3A_1099 = vector.broadcast %add3A_1098 : i32 to vector<16xi32>
    %add3A_1100 = arith.addi %iota3A, %add3A_1099 : vector<16xi32>
    %add3A_1101 = arith.constant 1 : i32
    %add3A_1102 = vector.broadcast %add3A_1101 : i32 to vector<16xi32>
    %add3A_1103 = arith.addi %gather3A_1097, %add3A_1102 : vector<16xi32>
    %gather3A_1104 = tpu.vector_load_idx %arg6[%add3A_1103, %add3A_1100] : memref<101x64xi32, #tpu.memory_space<vmem>>[vector<16xi32>, vector<16xi32>], vector<16xi32>,
    %mul3A_1105 = arith.constant 1000 : i32
    %mul3A_1106 = vector.broadcast %mul3A_1105 : i32 to vector<16xi32>
    %mul3A_1107 = arith.muli %add3A_1100, %mul3A_1106 : vector<16xi32>
    %add3A_1108 = arith.addi %mul3A_1107, %gather3A_1104 : vector<16xi32>
    %jit3A_1109 = arith.constant 0 : i32
    %broadcast_in_dim3A_1110 = vector.broadcast %jit3A_1109 : i32 to vector<16xi32>
    %select_n3A_1111 = arith.select %lt3A_37, %add3A_1108, %broadcast_in_dim3A_1110 : vector<16xi1>, vector<16xi32>
    tpu.vector_store_idx %arg7[%select_n3A_1111], %broadcast_in_dim3A_32 masked %lt3A_37 : memref<50000xf32, #tpu.memory_space<vmem>>[vector<16xi32>], vector<16xf32>, vector<16xi1>
    %add3A_1112 = arith.constant 16 : i32
    %add3A_1113 = vector.broadcast %add3A_1112 : i32 to vector<16xi32>
    %add3A_1114 = arith.addi %iota3A, %add3A_1113 : vector<16xi32>
    %add3A_1115 = arith.constant 1 : i32
    %add3A_1116 = vector.broadcast %add3A_1115 : i32 to vector<16xi32>
    %add3A_1117 = arith.addi %gather3A_1097, %add3A_1116 : vector<16xi32>
    %gather3A_1118 = tpu.vector_load_idx %arg6[%add3A_1117, %add3A_1114] : memref<101x64xi32, #tpu.memory_space<vmem>>[vector<16xi32>, vector<16xi32>], vector<16xi32>,
    %mul3A_1119 = arith.constant 1000 : i32
    %mul3A_1120 = vector.broadcast %mul3A_1119 : i32 to vector<16xi32>
    %mul3A_1121 = arith.muli %add3A_1114, %mul3A_1120 : vector<16xi32>
    %add3A_1122 = arith.addi %mul3A_1121, %gather3A_1118 : vector<16xi32>
    %jit3A_1123 = arith.constant 0 : i32
    %broadcast_in_dim3A_1124 = vector.broadcast %jit3A_1123 : i32 to vector<16xi32>
    %select_n3A_1125 = arith.select %lt3A_43, %add3A_1122, %broadcast_in_dim3A_1124 : vector<16xi1>, vector<16xi32>
    tpu.vector_store_idx %arg7[%select_n3A_1125], %broadcast_in_dim3A_32 masked %lt3A_43 : memref<50000xf32, #tpu.memory_space<vmem>>[vector<16xi32>], vector<16xf32>, vector<16xi1>
    %add3A_1126 = arith.constant 32 : i32
    %add3A_1127 = vector.broadcast %add3A_1126 : i32 to vector<16xi32>
    %add3A_1128 = arith.addi %iota3A, %add3A_1127 : vector<16xi32>
    %add3A_1129 = arith.constant 1 : i32
    %add3A_1130 = vector.broadcast %add3A_1129 : i32 to vector<16xi32>
    %add3A_1131 = arith.addi %gather3A_1097, %add3A_1130 : vector<16xi32>
    %gather3A_1132 = tpu.vector_load_idx %arg6[%add3A_1131, %add3A_1128] : memref<101x64xi32, #tpu.memory_space<vmem>>[vector<16xi32>, vector<16xi32>], vector<16xi32>,
    %mul3A_1133 = arith.constant 1000 : i32
    %mul3A_1134 = vector.broadcast %mul3A_1133 : i32 to vector<16xi32>
    %mul3A_1135 = arith.muli %add3A_1128, %mul3A_1134 : vector<16xi32>
    %add3A_1136 = arith.addi %mul3A_1135, %gather3A_1132 : vector<16xi32>
    %jit3A_1137 = arith.constant 0 : i32
    %broadcast_in_dim3A_1138 = vector.broadcast %jit3A_1137 : i32 to vector<16xi32>
    %select_n3A_1139 = arith.select %lt3A_49, %add3A_1136, %broadcast_in_dim3A_1138 : vector<16xi1>, vector<16xi32>
    tpu.vector_store_idx %arg7[%select_n3A_1139], %broadcast_in_dim3A_32 masked %lt3A_49 : memref<50000xf32, #tpu.memory_space<vmem>>[vector<16xi32>], vector<16xf32>, vector<16xi1>
    %add3A_1140 = arith.constant 48 : i32
    %add3A_1141 = vector.broadcast %add3A_1140 : i32 to vector<16xi32>
    %add3A_1142 = arith.addi %iota3A, %add3A_1141 : vector<16xi32>
    %add3A_1143 = arith.constant 1 : i32
    %add3A_1144 = vector.broadcast %add3A_1143 : i32 to vector<16xi32>
    %add3A_1145 = arith.addi %gather3A_1097, %add3A_1144 : vector<16xi32>
    %gather3A_1146 = tpu.vector_load_idx %arg6[%add3A_1145, %add3A_1142] : memref<101x64xi32, #tpu.memory_space<vmem>>[vector<16xi32>, vector<16xi32>], vector<16xi32>,
    %mul3A_1147 = arith.constant 1000 : i32
    %mul3A_1148 = vector.broadcast %mul3A_1147 : i32 to vector<16xi32>
    %mul3A_1149 = arith.muli %add3A_1142, %mul3A_1148 : vector<16xi32>
    %add3A_1150 = arith.addi %mul3A_1149, %gather3A_1146 : vector<16xi32>
    %jit3A_1151 = arith.constant 0 : i32
    %broadcast_in_dim3A_1152 = vector.broadcast %jit3A_1151 : i32 to vector<16xi32>
    %select_n3A_1153 = arith.select %lt3A_55, %add3A_1150, %broadcast_in_dim3A_1152 : vector<16xi1>, vector<16xi32>
    tpu.vector_store_idx %arg7[%select_n3A_1153], %broadcast_in_dim3A_32 masked %lt3A_55 : memref<50000xf32, #tpu.memory_space<vmem>>[vector<16xi32>], vector<16xf32>, vector<16xi1>
    %add3A_1154 = arith.constant 14 : i32
    %add3A_1155 = arith.addi %mul3A_2, %add3A_1154 : i32
    %dma_start3A_1156 = arith.constant 0 : i32
    %dma_start3A_1157 = tpu.memref_slice %arg4[%add3A_1155, %dma_start3A_1156] : memref<1024x50000xf32, #tpu.memory_space<hbm>> -> memref<1x50000xf32, #tpu.memory_space<hbm>>
    %dma_start3A_1158 = tpu.memref_squeeze %dma_start3A_1157 : memref<1x50000xf32, #tpu.memory_space<hbm>> -> memref<50000xf32, #tpu.memory_space<hbm>>
    %dma_start3A_1159 = arith.constant 0 : i32
    %dma_start3A_1160 = tpu.memref_slice %arg4[%add3A_1155, %dma_start3A_1159] : memref<1024x50000xf32, #tpu.memory_space<hbm>> -> memref<1x50000xf32, #tpu.memory_space<hbm>>
    %dma_start3A_1161 = tpu.memref_squeeze %dma_start3A_1160 : memref<1x50000xf32, #tpu.memory_space<hbm>> -> memref<50000xf32, #tpu.memory_space<hbm>>
    tpu.enqueue_dma source(%arg7 : memref<50000xf32, #tpu.memory_space<vmem>>) target(%dma_start3A_1161 : memref<50000xf32, #tpu.memory_space<hbm>>) target_semaphore(%arg9 : memref<!tpu.dma_semaphore, #tpu.memory_space<semaphore_mem>>)
    %add3A_1162 = arith.constant 13 : i32
    %add3A_1163 = arith.addi %mul3A_2, %add3A_1162 : i32
    %dma_wait3A_1164 = arith.constant 0 : i32
    %dma_wait3A_1165 = tpu.memref_slice %arg4[%add3A_1163, %dma_wait3A_1164] : memref<1024x50000xf32, #tpu.memory_space<hbm>> -> memref<1x50000xf32, #tpu.memory_space<hbm>>
    %dma_wait3A_1166 = tpu.memref_squeeze %dma_wait3A_1165 : memref<1x50000xf32, #tpu.memory_space<hbm>> -> memref<50000xf32, #tpu.memory_space<hbm>>
    %dma_wait3A_1167 = arith.constant 0 : i32
    %dma_wait3A_1168 = tpu.memref_slice %arg4[%add3A_1163, %dma_wait3A_1167] : memref<1024x50000xf32, #tpu.memory_space<hbm>> -> memref<1x50000xf32, #tpu.memory_space<hbm>>
    %dma_wait3A_1169 = tpu.memref_squeeze %dma_wait3A_1168 : memref<1x50000xf32, #tpu.memory_space<hbm>> -> memref<50000xf32, #tpu.memory_space<hbm>>
    tpu.wait_dma2 semaphore(%arg10 : memref<!tpu.dma_semaphore, #tpu.memory_space<semaphore_mem>>) src(%arg8 : memref<50000xf32, #tpu.memory_space<vmem>>) dst(%dma_wait3A_1169 : memref<50000xf32, #tpu.memory_space<hbm>>)
    tpu.vector_store_idx %arg8[%select_n3A_1036], %broadcast_in_dim3A_25 masked %lt3A_37 : memref<50000xf32, #tpu.memory_space<vmem>>[vector<16xi32>], vector<16xf32>, vector<16xi1>
    tpu.vector_store_idx %arg8[%select_n3A_1050], %broadcast_in_dim3A_25 masked %lt3A_43 : memref<50000xf32, #tpu.memory_space<vmem>>[vector<16xi32>], vector<16xf32>, vector<16xi1>
    tpu.vector_store_idx %arg8[%select_n3A_1064], %broadcast_in_dim3A_25 masked %lt3A_49 : memref<50000xf32, #tpu.memory_space<vmem>>[vector<16xi32>], vector<16xf32>, vector<16xi1>
    tpu.vector_store_idx %arg8[%select_n3A_1078], %broadcast_in_dim3A_25 masked %lt3A_55 : memref<50000xf32, #tpu.memory_space<vmem>>[vector<16xi32>], vector<16xf32>, vector<16xi1>
    %broadcast_in_dim3A_1170 = arith.constant 31 : i32
    %broadcast_in_dim3A_1171 = vector.broadcast %broadcast_in_dim3A_1170 : i32 to vector<16xi32>
    %gather3A_1172 = tpu.vector_load_idx %arg5[%broadcast_in_dim3A_1171] : memref<48xi32, #tpu.memory_space<vmem>>[vector<16xi32>], vector<16xi32>,
    %add3A_1173 = arith.constant 0 : i32
    %add3A_1174 = vector.broadcast %add3A_1173 : i32 to vector<16xi32>
    %add3A_1175 = arith.addi %iota3A, %add3A_1174 : vector<16xi32>
    %add3A_1176 = arith.constant 1 : i32
    %add3A_1177 = vector.broadcast %add3A_1176 : i32 to vector<16xi32>
    %add3A_1178 = arith.addi %gather3A_1172, %add3A_1177 : vector<16xi32>
    %gather3A_1179 = tpu.vector_load_idx %arg6[%add3A_1178, %add3A_1175] : memref<101x64xi32, #tpu.memory_space<vmem>>[vector<16xi32>, vector<16xi32>], vector<16xi32>,
    %mul3A_1180 = arith.constant 1000 : i32
    %mul3A_1181 = vector.broadcast %mul3A_1180 : i32 to vector<16xi32>
    %mul3A_1182 = arith.muli %add3A_1175, %mul3A_1181 : vector<16xi32>
    %add3A_1183 = arith.addi %mul3A_1182, %gather3A_1179 : vector<16xi32>
    %jit3A_1184 = arith.constant 0 : i32
    %broadcast_in_dim3A_1185 = vector.broadcast %jit3A_1184 : i32 to vector<16xi32>
    %select_n3A_1186 = arith.select %lt3A_37, %add3A_1183, %broadcast_in_dim3A_1185 : vector<16xi1>, vector<16xi32>
    tpu.vector_store_idx %arg8[%select_n3A_1186], %broadcast_in_dim3A_32 masked %lt3A_37 : memref<50000xf32, #tpu.memory_space<vmem>>[vector<16xi32>], vector<16xf32>, vector<16xi1>
    %add3A_1187 = arith.constant 16 : i32
    %add3A_1188 = vector.broadcast %add3A_1187 : i32 to vector<16xi32>
    %add3A_1189 = arith.addi %iota3A, %add3A_1188 : vector<16xi32>
    %add3A_1190 = arith.constant 1 : i32
    %add3A_1191 = vector.broadcast %add3A_1190 : i32 to vector<16xi32>
    %add3A_1192 = arith.addi %gather3A_1172, %add3A_1191 : vector<16xi32>
    %gather3A_1193 = tpu.vector_load_idx %arg6[%add3A_1192, %add3A_1189] : memref<101x64xi32, #tpu.memory_space<vmem>>[vector<16xi32>, vector<16xi32>], vector<16xi32>,
    %mul3A_1194 = arith.constant 1000 : i32
    %mul3A_1195 = vector.broadcast %mul3A_1194 : i32 to vector<16xi32>
    %mul3A_1196 = arith.muli %add3A_1189, %mul3A_1195 : vector<16xi32>
    %add3A_1197 = arith.addi %mul3A_1196, %gather3A_1193 : vector<16xi32>
    %jit3A_1198 = arith.constant 0 : i32
    %broadcast_in_dim3A_1199 = vector.broadcast %jit3A_1198 : i32 to vector<16xi32>
    %select_n3A_1200 = arith.select %lt3A_43, %add3A_1197, %broadcast_in_dim3A_1199 : vector<16xi1>, vector<16xi32>
    tpu.vector_store_idx %arg8[%select_n3A_1200], %broadcast_in_dim3A_32 masked %lt3A_43 : memref<50000xf32, #tpu.memory_space<vmem>>[vector<16xi32>], vector<16xf32>, vector<16xi1>
    %add3A_1201 = arith.constant 32 : i32
    %add3A_1202 = vector.broadcast %add3A_1201 : i32 to vector<16xi32>
    %add3A_1203 = arith.addi %iota3A, %add3A_1202 : vector<16xi32>
    %add3A_1204 = arith.constant 1 : i32
    %add3A_1205 = vector.broadcast %add3A_1204 : i32 to vector<16xi32>
    %add3A_1206 = arith.addi %gather3A_1172, %add3A_1205 : vector<16xi32>
    %gather3A_1207 = tpu.vector_load_idx %arg6[%add3A_1206, %add3A_1203] : memref<101x64xi32, #tpu.memory_space<vmem>>[vector<16xi32>, vector<16xi32>], vector<16xi32>,
    %mul3A_1208 = arith.constant 1000 : i32
    %mul3A_1209 = vector.broadcast %mul3A_1208 : i32 to vector<16xi32>
    %mul3A_1210 = arith.muli %add3A_1203, %mul3A_1209 : vector<16xi32>
    %add3A_1211 = arith.addi %mul3A_1210, %gather3A_1207 : vector<16xi32>
    %jit3A_1212 = arith.constant 0 : i32
    %broadcast_in_dim3A_1213 = vector.broadcast %jit3A_1212 : i32 to vector<16xi32>
    %select_n3A_1214 = arith.select %lt3A_49, %add3A_1211, %broadcast_in_dim3A_1213 : vector<16xi1>, vector<16xi32>
    tpu.vector_store_idx %arg8[%select_n3A_1214], %broadcast_in_dim3A_32 masked %lt3A_49 : memref<50000xf32, #tpu.memory_space<vmem>>[vector<16xi32>], vector<16xf32>, vector<16xi1>
    %add3A_1215 = arith.constant 48 : i32
    %add3A_1216 = vector.broadcast %add3A_1215 : i32 to vector<16xi32>
    %add3A_1217 = arith.addi %iota3A, %add3A_1216 : vector<16xi32>
    %add3A_1218 = arith.constant 1 : i32
    %add3A_1219 = vector.broadcast %add3A_1218 : i32 to vector<16xi32>
    %add3A_1220 = arith.addi %gather3A_1172, %add3A_1219 : vector<16xi32>
    %gather3A_1221 = tpu.vector_load_idx %arg6[%add3A_1220, %add3A_1217] : memref<101x64xi32, #tpu.memory_space<vmem>>[vector<16xi32>, vector<16xi32>], vector<16xi32>,
    %mul3A_1222 = arith.constant 1000 : i32
    %mul3A_1223 = vector.broadcast %mul3A_1222 : i32 to vector<16xi32>
    %mul3A_1224 = arith.muli %add3A_1217, %mul3A_1223 : vector<16xi32>
    %add3A_1225 = arith.addi %mul3A_1224, %gather3A_1221 : vector<16xi32>
    %jit3A_1226 = arith.constant 0 : i32
    %broadcast_in_dim3A_1227 = vector.broadcast %jit3A_1226 : i32 to vector<16xi32>
    %select_n3A_1228 = arith.select %lt3A_55, %add3A_1225, %broadcast_in_dim3A_1227 : vector<16xi1>, vector<16xi32>
    tpu.vector_store_idx %arg8[%select_n3A_1228], %broadcast_in_dim3A_32 masked %lt3A_55 : memref<50000xf32, #tpu.memory_space<vmem>>[vector<16xi32>], vector<16xf32>, vector<16xi1>
    %add3A_1229 = arith.constant 15 : i32
    %add3A_1230 = arith.addi %mul3A_2, %add3A_1229 : i32
    %dma_start3A_1231 = arith.constant 0 : i32
    %dma_start3A_1232 = tpu.memref_slice %arg4[%add3A_1230, %dma_start3A_1231] : memref<1024x50000xf32, #tpu.memory_space<hbm>> -> memref<1x50000xf32, #tpu.memory_space<hbm>>
    %dma_start3A_1233 = tpu.memref_squeeze %dma_start3A_1232 : memref<1x50000xf32, #tpu.memory_space<hbm>> -> memref<50000xf32, #tpu.memory_space<hbm>>
    %dma_start3A_1234 = arith.constant 0 : i32
    %dma_start3A_1235 = tpu.memref_slice %arg4[%add3A_1230, %dma_start3A_1234] : memref<1024x50000xf32, #tpu.memory_space<hbm>> -> memref<1x50000xf32, #tpu.memory_space<hbm>>
    %dma_start3A_1236 = tpu.memref_squeeze %dma_start3A_1235 : memref<1x50000xf32, #tpu.memory_space<hbm>> -> memref<50000xf32, #tpu.memory_space<hbm>>
    tpu.enqueue_dma source(%arg8 : memref<50000xf32, #tpu.memory_space<vmem>>) target(%dma_start3A_1236 : memref<50000xf32, #tpu.memory_space<hbm>>) target_semaphore(%arg10 : memref<!tpu.dma_semaphore, #tpu.memory_space<semaphore_mem>>)
    %add3A_1237 = arith.constant 14 : i32
    %add3A_1238 = arith.addi %mul3A_2, %add3A_1237 : i32
    %dma_wait3A_1239 = arith.constant 0 : i32
    %dma_wait3A_1240 = tpu.memref_slice %arg4[%add3A_1238, %dma_wait3A_1239] : memref<1024x50000xf32, #tpu.memory_space<hbm>> -> memref<1x50000xf32, #tpu.memory_space<hbm>>
    %dma_wait3A_1241 = tpu.memref_squeeze %dma_wait3A_1240 : memref<1x50000xf32, #tpu.memory_space<hbm>> -> memref<50000xf32, #tpu.memory_space<hbm>>
    %dma_wait3A_1242 = arith.constant 0 : i32
    %dma_wait3A_1243 = tpu.memref_slice %arg4[%add3A_1238, %dma_wait3A_1242] : memref<1024x50000xf32, #tpu.memory_space<hbm>> -> memref<1x50000xf32, #tpu.memory_space<hbm>>
    %dma_wait3A_1244 = tpu.memref_squeeze %dma_wait3A_1243 : memref<1x50000xf32, #tpu.memory_space<hbm>> -> memref<50000xf32, #tpu.memory_space<hbm>>
    tpu.wait_dma2 semaphore(%arg9 : memref<!tpu.dma_semaphore, #tpu.memory_space<semaphore_mem>>) src(%arg7 : memref<50000xf32, #tpu.memory_space<vmem>>) dst(%dma_wait3A_1244 : memref<50000xf32, #tpu.memory_space<hbm>>)
    tpu.vector_store_idx %arg7[%select_n3A_1111], %broadcast_in_dim3A_25 masked %lt3A_37 : memref<50000xf32, #tpu.memory_space<vmem>>[vector<16xi32>], vector<16xf32>, vector<16xi1>
    tpu.vector_store_idx %arg7[%select_n3A_1125], %broadcast_in_dim3A_25 masked %lt3A_43 : memref<50000xf32, #tpu.memory_space<vmem>>[vector<16xi32>], vector<16xf32>, vector<16xi1>
    tpu.vector_store_idx %arg7[%select_n3A_1139], %broadcast_in_dim3A_25 masked %lt3A_49 : memref<50000xf32, #tpu.memory_space<vmem>>[vector<16xi32>], vector<16xf32>, vector<16xi1>
    tpu.vector_store_idx %arg7[%select_n3A_1153], %broadcast_in_dim3A_25 masked %lt3A_55 : memref<50000xf32, #tpu.memory_space<vmem>>[vector<16xi32>], vector<16xf32>, vector<16xi1>
    %broadcast_in_dim3A_1245 = arith.constant 32 : i32
    %broadcast_in_dim3A_1246 = vector.broadcast %broadcast_in_dim3A_1245 : i32 to vector<16xi32>
    %gather3A_1247 = tpu.vector_load_idx %arg5[%broadcast_in_dim3A_1246] : memref<48xi32, #tpu.memory_space<vmem>>[vector<16xi32>], vector<16xi32>,
    %add3A_1248 = arith.constant 0 : i32
    %add3A_1249 = vector.broadcast %add3A_1248 : i32 to vector<16xi32>
    %add3A_1250 = arith.addi %iota3A, %add3A_1249 : vector<16xi32>
    %add3A_1251 = arith.constant 1 : i32
    %add3A_1252 = vector.broadcast %add3A_1251 : i32 to vector<16xi32>
    %add3A_1253 = arith.addi %gather3A_1247, %add3A_1252 : vector<16xi32>
    %gather3A_1254 = tpu.vector_load_idx %arg6[%add3A_1253, %add3A_1250] : memref<101x64xi32, #tpu.memory_space<vmem>>[vector<16xi32>, vector<16xi32>], vector<16xi32>,
    %mul3A_1255 = arith.constant 1000 : i32
    %mul3A_1256 = vector.broadcast %mul3A_1255 : i32 to vector<16xi32>
    %mul3A_1257 = arith.muli %add3A_1250, %mul3A_1256 : vector<16xi32>
    %add3A_1258 = arith.addi %mul3A_1257, %gather3A_1254 : vector<16xi32>
    %jit3A_1259 = arith.constant 0 : i32
    %broadcast_in_dim3A_1260 = vector.broadcast %jit3A_1259 : i32 to vector<16xi32>
    %select_n3A_1261 = arith.select %lt3A_37, %add3A_1258, %broadcast_in_dim3A_1260 : vector<16xi1>, vector<16xi32>
    tpu.vector_store_idx %arg7[%select_n3A_1261], %broadcast_in_dim3A_32 masked %lt3A_37 : memref<50000xf32, #tpu.memory_space<vmem>>[vector<16xi32>], vector<16xf32>, vector<16xi1>
    %add3A_1262 = arith.constant 16 : i32
    %add3A_1263 = vector.broadcast %add3A_1262 : i32 to vector<16xi32>
    %add3A_1264 = arith.addi %iota3A, %add3A_1263 : vector<16xi32>
    %add3A_1265 = arith.constant 1 : i32
    %add3A_1266 = vector.broadcast %add3A_1265 : i32 to vector<16xi32>
    %add3A_1267 = arith.addi %gather3A_1247, %add3A_1266 : vector<16xi32>
    %gather3A_1268 = tpu.vector_load_idx %arg6[%add3A_1267, %add3A_1264] : memref<101x64xi32, #tpu.memory_space<vmem>>[vector<16xi32>, vector<16xi32>], vector<16xi32>,
    %mul3A_1269 = arith.constant 1000 : i32
    %mul3A_1270 = vector.broadcast %mul3A_1269 : i32 to vector<16xi32>
    %mul3A_1271 = arith.muli %add3A_1264, %mul3A_1270 : vector<16xi32>
    %add3A_1272 = arith.addi %mul3A_1271, %gather3A_1268 : vector<16xi32>
    %jit3A_1273 = arith.constant 0 : i32
    %broadcast_in_dim3A_1274 = vector.broadcast %jit3A_1273 : i32 to vector<16xi32>
    %select_n3A_1275 = arith.select %lt3A_43, %add3A_1272, %broadcast_in_dim3A_1274 : vector<16xi1>, vector<16xi32>
    tpu.vector_store_idx %arg7[%select_n3A_1275], %broadcast_in_dim3A_32 masked %lt3A_43 : memref<50000xf32, #tpu.memory_space<vmem>>[vector<16xi32>], vector<16xf32>, vector<16xi1>
    %add3A_1276 = arith.constant 32 : i32
    %add3A_1277 = vector.broadcast %add3A_1276 : i32 to vector<16xi32>
    %add3A_1278 = arith.addi %iota3A, %add3A_1277 : vector<16xi32>
    %add3A_1279 = arith.constant 1 : i32
    %add3A_1280 = vector.broadcast %add3A_1279 : i32 to vector<16xi32>
    %add3A_1281 = arith.addi %gather3A_1247, %add3A_1280 : vector<16xi32>
    %gather3A_1282 = tpu.vector_load_idx %arg6[%add3A_1281, %add3A_1278] : memref<101x64xi32, #tpu.memory_space<vmem>>[vector<16xi32>, vector<16xi32>], vector<16xi32>,
    %mul3A_1283 = arith.constant 1000 : i32
    %mul3A_1284 = vector.broadcast %mul3A_1283 : i32 to vector<16xi32>
    %mul3A_1285 = arith.muli %add3A_1278, %mul3A_1284 : vector<16xi32>
    %add3A_1286 = arith.addi %mul3A_1285, %gather3A_1282 : vector<16xi32>
    %jit3A_1287 = arith.constant 0 : i32
    %broadcast_in_dim3A_1288 = vector.broadcast %jit3A_1287 : i32 to vector<16xi32>
    %select_n3A_1289 = arith.select %lt3A_49, %add3A_1286, %broadcast_in_dim3A_1288 : vector<16xi1>, vector<16xi32>
    tpu.vector_store_idx %arg7[%select_n3A_1289], %broadcast_in_dim3A_32 masked %lt3A_49 : memref<50000xf32, #tpu.memory_space<vmem>>[vector<16xi32>], vector<16xf32>, vector<16xi1>
    %add3A_1290 = arith.constant 48 : i32
    %add3A_1291 = vector.broadcast %add3A_1290 : i32 to vector<16xi32>
    %add3A_1292 = arith.addi %iota3A, %add3A_1291 : vector<16xi32>
    %add3A_1293 = arith.constant 1 : i32
    %add3A_1294 = vector.broadcast %add3A_1293 : i32 to vector<16xi32>
    %add3A_1295 = arith.addi %gather3A_1247, %add3A_1294 : vector<16xi32>
    %gather3A_1296 = tpu.vector_load_idx %arg6[%add3A_1295, %add3A_1292] : memref<101x64xi32, #tpu.memory_space<vmem>>[vector<16xi32>, vector<16xi32>], vector<16xi32>,
    %mul3A_1297 = arith.constant 1000 : i32
    %mul3A_1298 = vector.broadcast %mul3A_1297 : i32 to vector<16xi32>
    %mul3A_1299 = arith.muli %add3A_1292, %mul3A_1298 : vector<16xi32>
    %add3A_1300 = arith.addi %mul3A_1299, %gather3A_1296 : vector<16xi32>
    %jit3A_1301 = arith.constant 0 : i32
    %broadcast_in_dim3A_1302 = vector.broadcast %jit3A_1301 : i32 to vector<16xi32>
    %select_n3A_1303 = arith.select %lt3A_55, %add3A_1300, %broadcast_in_dim3A_1302 : vector<16xi1>, vector<16xi32>
    tpu.vector_store_idx %arg7[%select_n3A_1303], %broadcast_in_dim3A_32 masked %lt3A_55 : memref<50000xf32, #tpu.memory_space<vmem>>[vector<16xi32>], vector<16xf32>, vector<16xi1>
    %add3A_1304 = arith.constant 16 : i32
    %add3A_1305 = arith.addi %mul3A_2, %add3A_1304 : i32
    %dma_start3A_1306 = arith.constant 0 : i32
    %dma_start3A_1307 = tpu.memref_slice %arg4[%add3A_1305, %dma_start3A_1306] : memref<1024x50000xf32, #tpu.memory_space<hbm>> -> memref<1x50000xf32, #tpu.memory_space<hbm>>
    %dma_start3A_1308 = tpu.memref_squeeze %dma_start3A_1307 : memref<1x50000xf32, #tpu.memory_space<hbm>> -> memref<50000xf32, #tpu.memory_space<hbm>>
    %dma_start3A_1309 = arith.constant 0 : i32
    %dma_start3A_1310 = tpu.memref_slice %arg4[%add3A_1305, %dma_start3A_1309] : memref<1024x50000xf32, #tpu.memory_space<hbm>> -> memref<1x50000xf32, #tpu.memory_space<hbm>>
    %dma_start3A_1311 = tpu.memref_squeeze %dma_start3A_1310 : memref<1x50000xf32, #tpu.memory_space<hbm>> -> memref<50000xf32, #tpu.memory_space<hbm>>
    tpu.enqueue_dma source(%arg7 : memref<50000xf32, #tpu.memory_space<vmem>>) target(%dma_start3A_1311 : memref<50000xf32, #tpu.memory_space<hbm>>) target_semaphore(%arg9 : memref<!tpu.dma_semaphore, #tpu.memory_space<semaphore_mem>>)
    %add3A_1312 = arith.constant 15 : i32
    %add3A_1313 = arith.addi %mul3A_2, %add3A_1312 : i32
    %dma_wait3A_1314 = arith.constant 0 : i32
    %dma_wait3A_1315 = tpu.memref_slice %arg4[%add3A_1313, %dma_wait3A_1314] : memref<1024x50000xf32, #tpu.memory_space<hbm>> -> memref<1x50000xf32, #tpu.memory_space<hbm>>
    %dma_wait3A_1316 = tpu.memref_squeeze %dma_wait3A_1315 : memref<1x50000xf32, #tpu.memory_space<hbm>> -> memref<50000xf32, #tpu.memory_space<hbm>>
    %dma_wait3A_1317 = arith.constant 0 : i32
    %dma_wait3A_1318 = tpu.memref_slice %arg4[%add3A_1313, %dma_wait3A_1317] : memref<1024x50000xf32, #tpu.memory_space<hbm>> -> memref<1x50000xf32, #tpu.memory_space<hbm>>
    %dma_wait3A_1319 = tpu.memref_squeeze %dma_wait3A_1318 : memref<1x50000xf32, #tpu.memory_space<hbm>> -> memref<50000xf32, #tpu.memory_space<hbm>>
    tpu.wait_dma2 semaphore(%arg10 : memref<!tpu.dma_semaphore, #tpu.memory_space<semaphore_mem>>) src(%arg8 : memref<50000xf32, #tpu.memory_space<vmem>>) dst(%dma_wait3A_1319 : memref<50000xf32, #tpu.memory_space<hbm>>)
    tpu.vector_store_idx %arg8[%select_n3A_1186], %broadcast_in_dim3A_25 masked %lt3A_37 : memref<50000xf32, #tpu.memory_space<vmem>>[vector<16xi32>], vector<16xf32>, vector<16xi1>
    tpu.vector_store_idx %arg8[%select_n3A_1200], %broadcast_in_dim3A_25 masked %lt3A_43 : memref<50000xf32, #tpu.memory_space<vmem>>[vector<16xi32>], vector<16xf32>, vector<16xi1>
    tpu.vector_store_idx %arg8[%select_n3A_1214], %broadcast_in_dim3A_25 masked %lt3A_49 : memref<50000xf32, #tpu.memory_space<vmem>>[vector<16xi32>], vector<16xf32>, vector<16xi1>
    tpu.vector_store_idx %arg8[%select_n3A_1228], %broadcast_in_dim3A_25 masked %lt3A_55 : memref<50000xf32, #tpu.memory_space<vmem>>[vector<16xi32>], vector<16xf32>, vector<16xi1>
    %broadcast_in_dim3A_1320 = arith.constant 33 : i32
    %broadcast_in_dim3A_1321 = vector.broadcast %broadcast_in_dim3A_1320 : i32 to vector<16xi32>
    %gather3A_1322 = tpu.vector_load_idx %arg5[%broadcast_in_dim3A_1321] : memref<48xi32, #tpu.memory_space<vmem>>[vector<16xi32>], vector<16xi32>,
    %add3A_1323 = arith.constant 0 : i32
    %add3A_1324 = vector.broadcast %add3A_1323 : i32 to vector<16xi32>
    %add3A_1325 = arith.addi %iota3A, %add3A_1324 : vector<16xi32>
    %add3A_1326 = arith.constant 1 : i32
    %add3A_1327 = vector.broadcast %add3A_1326 : i32 to vector<16xi32>
    %add3A_1328 = arith.addi %gather3A_1322, %add3A_1327 : vector<16xi32>
    %gather3A_1329 = tpu.vector_load_idx %arg6[%add3A_1328, %add3A_1325] : memref<101x64xi32, #tpu.memory_space<vmem>>[vector<16xi32>, vector<16xi32>], vector<16xi32>,
    %mul3A_1330 = arith.constant 1000 : i32
    %mul3A_1331 = vector.broadcast %mul3A_1330 : i32 to vector<16xi32>
    %mul3A_1332 = arith.muli %add3A_1325, %mul3A_1331 : vector<16xi32>
    %add3A_1333 = arith.addi %mul3A_1332, %gather3A_1329 : vector<16xi32>
    %jit3A_1334 = arith.constant 0 : i32
    %broadcast_in_dim3A_1335 = vector.broadcast %jit3A_1334 : i32 to vector<16xi32>
    %select_n3A_1336 = arith.select %lt3A_37, %add3A_1333, %broadcast_in_dim3A_1335 : vector<16xi1>, vector<16xi32>
    tpu.vector_store_idx %arg8[%select_n3A_1336], %broadcast_in_dim3A_32 masked %lt3A_37 : memref<50000xf32, #tpu.memory_space<vmem>>[vector<16xi32>], vector<16xf32>, vector<16xi1>
    %add3A_1337 = arith.constant 16 : i32
    %add3A_1338 = vector.broadcast %add3A_1337 : i32 to vector<16xi32>
    %add3A_1339 = arith.addi %iota3A, %add3A_1338 : vector<16xi32>
    %add3A_1340 = arith.constant 1 : i32
    %add3A_1341 = vector.broadcast %add3A_1340 : i32 to vector<16xi32>
    %add3A_1342 = arith.addi %gather3A_1322, %add3A_1341 : vector<16xi32>
    %gather3A_1343 = tpu.vector_load_idx %arg6[%add3A_1342, %add3A_1339] : memref<101x64xi32, #tpu.memory_space<vmem>>[vector<16xi32>, vector<16xi32>], vector<16xi32>,
    %mul3A_1344 = arith.constant 1000 : i32
    %mul3A_1345 = vector.broadcast %mul3A_1344 : i32 to vector<16xi32>
    %mul3A_1346 = arith.muli %add3A_1339, %mul3A_1345 : vector<16xi32>
    %add3A_1347 = arith.addi %mul3A_1346, %gather3A_1343 : vector<16xi32>
    %jit3A_1348 = arith.constant 0 : i32
    %broadcast_in_dim3A_1349 = vector.broadcast %jit3A_1348 : i32 to vector<16xi32>
    %select_n3A_1350 = arith.select %lt3A_43, %add3A_1347, %broadcast_in_dim3A_1349 : vector<16xi1>, vector<16xi32>
    tpu.vector_store_idx %arg8[%select_n3A_1350], %broadcast_in_dim3A_32 masked %lt3A_43 : memref<50000xf32, #tpu.memory_space<vmem>>[vector<16xi32>], vector<16xf32>, vector<16xi1>
    %add3A_1351 = arith.constant 32 : i32
    %add3A_1352 = vector.broadcast %add3A_1351 : i32 to vector<16xi32>
    %add3A_1353 = arith.addi %iota3A, %add3A_1352 : vector<16xi32>
    %add3A_1354 = arith.constant 1 : i32
    %add3A_1355 = vector.broadcast %add3A_1354 : i32 to vector<16xi32>
    %add3A_1356 = arith.addi %gather3A_1322, %add3A_1355 : vector<16xi32>
    %gather3A_1357 = tpu.vector_load_idx %arg6[%add3A_1356, %add3A_1353] : memref<101x64xi32, #tpu.memory_space<vmem>>[vector<16xi32>, vector<16xi32>], vector<16xi32>,
    %mul3A_1358 = arith.constant 1000 : i32
    %mul3A_1359 = vector.broadcast %mul3A_1358 : i32 to vector<16xi32>
    %mul3A_1360 = arith.muli %add3A_1353, %mul3A_1359 : vector<16xi32>
    %add3A_1361 = arith.addi %mul3A_1360, %gather3A_1357 : vector<16xi32>
    %jit3A_1362 = arith.constant 0 : i32
    %broadcast_in_dim3A_1363 = vector.broadcast %jit3A_1362 : i32 to vector<16xi32>
    %select_n3A_1364 = arith.select %lt3A_49, %add3A_1361, %broadcast_in_dim3A_1363 : vector<16xi1>, vector<16xi32>
    tpu.vector_store_idx %arg8[%select_n3A_1364], %broadcast_in_dim3A_32 masked %lt3A_49 : memref<50000xf32, #tpu.memory_space<vmem>>[vector<16xi32>], vector<16xf32>, vector<16xi1>
    %add3A_1365 = arith.constant 48 : i32
    %add3A_1366 = vector.broadcast %add3A_1365 : i32 to vector<16xi32>
    %add3A_1367 = arith.addi %iota3A, %add3A_1366 : vector<16xi32>
    %add3A_1368 = arith.constant 1 : i32
    %add3A_1369 = vector.broadcast %add3A_1368 : i32 to vector<16xi32>
    %add3A_1370 = arith.addi %gather3A_1322, %add3A_1369 : vector<16xi32>
    %gather3A_1371 = tpu.vector_load_idx %arg6[%add3A_1370, %add3A_1367] : memref<101x64xi32, #tpu.memory_space<vmem>>[vector<16xi32>, vector<16xi32>], vector<16xi32>,
    %mul3A_1372 = arith.constant 1000 : i32
    %mul3A_1373 = vector.broadcast %mul3A_1372 : i32 to vector<16xi32>
    %mul3A_1374 = arith.muli %add3A_1367, %mul3A_1373 : vector<16xi32>
    %add3A_1375 = arith.addi %mul3A_1374, %gather3A_1371 : vector<16xi32>
    %jit3A_1376 = arith.constant 0 : i32
    %broadcast_in_dim3A_1377 = vector.broadcast %jit3A_1376 : i32 to vector<16xi32>
    %select_n3A_1378 = arith.select %lt3A_55, %add3A_1375, %broadcast_in_dim3A_1377 : vector<16xi1>, vector<16xi32>
    tpu.vector_store_idx %arg8[%select_n3A_1378], %broadcast_in_dim3A_32 masked %lt3A_55 : memref<50000xf32, #tpu.memory_space<vmem>>[vector<16xi32>], vector<16xf32>, vector<16xi1>
    %add3A_1379 = arith.constant 17 : i32
    %add3A_1380 = arith.addi %mul3A_2, %add3A_1379 : i32
    %dma_start3A_1381 = arith.constant 0 : i32
    %dma_start3A_1382 = tpu.memref_slice %arg4[%add3A_1380, %dma_start3A_1381] : memref<1024x50000xf32, #tpu.memory_space<hbm>> -> memref<1x50000xf32, #tpu.memory_space<hbm>>
    %dma_start3A_1383 = tpu.memref_squeeze %dma_start3A_1382 : memref<1x50000xf32, #tpu.memory_space<hbm>> -> memref<50000xf32, #tpu.memory_space<hbm>>
    %dma_start3A_1384 = arith.constant 0 : i32
    %dma_start3A_1385 = tpu.memref_slice %arg4[%add3A_1380, %dma_start3A_1384] : memref<1024x50000xf32, #tpu.memory_space<hbm>> -> memref<1x50000xf32, #tpu.memory_space<hbm>>
    %dma_start3A_1386 = tpu.memref_squeeze %dma_start3A_1385 : memref<1x50000xf32, #tpu.memory_space<hbm>> -> memref<50000xf32, #tpu.memory_space<hbm>>
    tpu.enqueue_dma source(%arg8 : memref<50000xf32, #tpu.memory_space<vmem>>) target(%dma_start3A_1386 : memref<50000xf32, #tpu.memory_space<hbm>>) target_semaphore(%arg10 : memref<!tpu.dma_semaphore, #tpu.memory_space<semaphore_mem>>)
    %add3A_1387 = arith.constant 16 : i32
    %add3A_1388 = arith.addi %mul3A_2, %add3A_1387 : i32
    %dma_wait3A_1389 = arith.constant 0 : i32
    %dma_wait3A_1390 = tpu.memref_slice %arg4[%add3A_1388, %dma_wait3A_1389] : memref<1024x50000xf32, #tpu.memory_space<hbm>> -> memref<1x50000xf32, #tpu.memory_space<hbm>>
    %dma_wait3A_1391 = tpu.memref_squeeze %dma_wait3A_1390 : memref<1x50000xf32, #tpu.memory_space<hbm>> -> memref<50000xf32, #tpu.memory_space<hbm>>
    %dma_wait3A_1392 = arith.constant 0 : i32
    %dma_wait3A_1393 = tpu.memref_slice %arg4[%add3A_1388, %dma_wait3A_1392] : memref<1024x50000xf32, #tpu.memory_space<hbm>> -> memref<1x50000xf32, #tpu.memory_space<hbm>>
    %dma_wait3A_1394 = tpu.memref_squeeze %dma_wait3A_1393 : memref<1x50000xf32, #tpu.memory_space<hbm>> -> memref<50000xf32, #tpu.memory_space<hbm>>
    tpu.wait_dma2 semaphore(%arg9 : memref<!tpu.dma_semaphore, #tpu.memory_space<semaphore_mem>>) src(%arg7 : memref<50000xf32, #tpu.memory_space<vmem>>) dst(%dma_wait3A_1394 : memref<50000xf32, #tpu.memory_space<hbm>>)
    tpu.vector_store_idx %arg7[%select_n3A_1261], %broadcast_in_dim3A_25 masked %lt3A_37 : memref<50000xf32, #tpu.memory_space<vmem>>[vector<16xi32>], vector<16xf32>, vector<16xi1>
    tpu.vector_store_idx %arg7[%select_n3A_1275], %broadcast_in_dim3A_25 masked %lt3A_43 : memref<50000xf32, #tpu.memory_space<vmem>>[vector<16xi32>], vector<16xf32>, vector<16xi1>
    tpu.vector_store_idx %arg7[%select_n3A_1289], %broadcast_in_dim3A_25 masked %lt3A_49 : memref<50000xf32, #tpu.memory_space<vmem>>[vector<16xi32>], vector<16xf32>, vector<16xi1>
    tpu.vector_store_idx %arg7[%select_n3A_1303], %broadcast_in_dim3A_25 masked %lt3A_55 : memref<50000xf32, #tpu.memory_space<vmem>>[vector<16xi32>], vector<16xf32>, vector<16xi1>
    %broadcast_in_dim3A_1395 = arith.constant 34 : i32
    %broadcast_in_dim3A_1396 = vector.broadcast %broadcast_in_dim3A_1395 : i32 to vector<16xi32>
    %gather3A_1397 = tpu.vector_load_idx %arg5[%broadcast_in_dim3A_1396] : memref<48xi32, #tpu.memory_space<vmem>>[vector<16xi32>], vector<16xi32>,
    %add3A_1398 = arith.constant 0 : i32
    %add3A_1399 = vector.broadcast %add3A_1398 : i32 to vector<16xi32>
    %add3A_1400 = arith.addi %iota3A, %add3A_1399 : vector<16xi32>
    %add3A_1401 = arith.constant 1 : i32
    %add3A_1402 = vector.broadcast %add3A_1401 : i32 to vector<16xi32>
    %add3A_1403 = arith.addi %gather3A_1397, %add3A_1402 : vector<16xi32>
    %gather3A_1404 = tpu.vector_load_idx %arg6[%add3A_1403, %add3A_1400] : memref<101x64xi32, #tpu.memory_space<vmem>>[vector<16xi32>, vector<16xi32>], vector<16xi32>,
    %mul3A_1405 = arith.constant 1000 : i32
    %mul3A_1406 = vector.broadcast %mul3A_1405 : i32 to vector<16xi32>
    %mul3A_1407 = arith.muli %add3A_1400, %mul3A_1406 : vector<16xi32>
    %add3A_1408 = arith.addi %mul3A_1407, %gather3A_1404 : vector<16xi32>
    %jit3A_1409 = arith.constant 0 : i32
    %broadcast_in_dim3A_1410 = vector.broadcast %jit3A_1409 : i32 to vector<16xi32>
    %select_n3A_1411 = arith.select %lt3A_37, %add3A_1408, %broadcast_in_dim3A_1410 : vector<16xi1>, vector<16xi32>
    tpu.vector_store_idx %arg7[%select_n3A_1411], %broadcast_in_dim3A_32 masked %lt3A_37 : memref<50000xf32, #tpu.memory_space<vmem>>[vector<16xi32>], vector<16xf32>, vector<16xi1>
    %add3A_1412 = arith.constant 16 : i32
    %add3A_1413 = vector.broadcast %add3A_1412 : i32 to vector<16xi32>
    %add3A_1414 = arith.addi %iota3A, %add3A_1413 : vector<16xi32>
    %add3A_1415 = arith.constant 1 : i32
    %add3A_1416 = vector.broadcast %add3A_1415 : i32 to vector<16xi32>
    %add3A_1417 = arith.addi %gather3A_1397, %add3A_1416 : vector<16xi32>
    %gather3A_1418 = tpu.vector_load_idx %arg6[%add3A_1417, %add3A_1414] : memref<101x64xi32, #tpu.memory_space<vmem>>[vector<16xi32>, vector<16xi32>], vector<16xi32>,
    %mul3A_1419 = arith.constant 1000 : i32
    %mul3A_1420 = vector.broadcast %mul3A_1419 : i32 to vector<16xi32>
    %mul3A_1421 = arith.muli %add3A_1414, %mul3A_1420 : vector<16xi32>
    %add3A_1422 = arith.addi %mul3A_1421, %gather3A_1418 : vector<16xi32>
    %jit3A_1423 = arith.constant 0 : i32
    %broadcast_in_dim3A_1424 = vector.broadcast %jit3A_1423 : i32 to vector<16xi32>
    %select_n3A_1425 = arith.select %lt3A_43, %add3A_1422, %broadcast_in_dim3A_1424 : vector<16xi1>, vector<16xi32>
    tpu.vector_store_idx %arg7[%select_n3A_1425], %broadcast_in_dim3A_32 masked %lt3A_43 : memref<50000xf32, #tpu.memory_space<vmem>>[vector<16xi32>], vector<16xf32>, vector<16xi1>
    %add3A_1426 = arith.constant 32 : i32
    %add3A_1427 = vector.broadcast %add3A_1426 : i32 to vector<16xi32>
    %add3A_1428 = arith.addi %iota3A, %add3A_1427 : vector<16xi32>
    %add3A_1429 = arith.constant 1 : i32
    %add3A_1430 = vector.broadcast %add3A_1429 : i32 to vector<16xi32>
    %add3A_1431 = arith.addi %gather3A_1397, %add3A_1430 : vector<16xi32>
    %gather3A_1432 = tpu.vector_load_idx %arg6[%add3A_1431, %add3A_1428] : memref<101x64xi32, #tpu.memory_space<vmem>>[vector<16xi32>, vector<16xi32>], vector<16xi32>,
    %mul3A_1433 = arith.constant 1000 : i32
    %mul3A_1434 = vector.broadcast %mul3A_1433 : i32 to vector<16xi32>
    %mul3A_1435 = arith.muli %add3A_1428, %mul3A_1434 : vector<16xi32>
    %add3A_1436 = arith.addi %mul3A_1435, %gather3A_1432 : vector<16xi32>
    %jit3A_1437 = arith.constant 0 : i32
    %broadcast_in_dim3A_1438 = vector.broadcast %jit3A_1437 : i32 to vector<16xi32>
    %select_n3A_1439 = arith.select %lt3A_49, %add3A_1436, %broadcast_in_dim3A_1438 : vector<16xi1>, vector<16xi32>
    tpu.vector_store_idx %arg7[%select_n3A_1439], %broadcast_in_dim3A_32 masked %lt3A_49 : memref<50000xf32, #tpu.memory_space<vmem>>[vector<16xi32>], vector<16xf32>, vector<16xi1>
    %add3A_1440 = arith.constant 48 : i32
    %add3A_1441 = vector.broadcast %add3A_1440 : i32 to vector<16xi32>
    %add3A_1442 = arith.addi %iota3A, %add3A_1441 : vector<16xi32>
    %add3A_1443 = arith.constant 1 : i32
    %add3A_1444 = vector.broadcast %add3A_1443 : i32 to vector<16xi32>
    %add3A_1445 = arith.addi %gather3A_1397, %add3A_1444 : vector<16xi32>
    %gather3A_1446 = tpu.vector_load_idx %arg6[%add3A_1445, %add3A_1442] : memref<101x64xi32, #tpu.memory_space<vmem>>[vector<16xi32>, vector<16xi32>], vector<16xi32>,
    %mul3A_1447 = arith.constant 1000 : i32
    %mul3A_1448 = vector.broadcast %mul3A_1447 : i32 to vector<16xi32>
    %mul3A_1449 = arith.muli %add3A_1442, %mul3A_1448 : vector<16xi32>
    %add3A_1450 = arith.addi %mul3A_1449, %gather3A_1446 : vector<16xi32>
    %jit3A_1451 = arith.constant 0 : i32
    %broadcast_in_dim3A_1452 = vector.broadcast %jit3A_1451 : i32 to vector<16xi32>
    %select_n3A_1453 = arith.select %lt3A_55, %add3A_1450, %broadcast_in_dim3A_1452 : vector<16xi1>, vector<16xi32>
    tpu.vector_store_idx %arg7[%select_n3A_1453], %broadcast_in_dim3A_32 masked %lt3A_55 : memref<50000xf32, #tpu.memory_space<vmem>>[vector<16xi32>], vector<16xf32>, vector<16xi1>
    %add3A_1454 = arith.constant 18 : i32
    %add3A_1455 = arith.addi %mul3A_2, %add3A_1454 : i32
    %dma_start3A_1456 = arith.constant 0 : i32
    %dma_start3A_1457 = tpu.memref_slice %arg4[%add3A_1455, %dma_start3A_1456] : memref<1024x50000xf32, #tpu.memory_space<hbm>> -> memref<1x50000xf32, #tpu.memory_space<hbm>>
    %dma_start3A_1458 = tpu.memref_squeeze %dma_start3A_1457 : memref<1x50000xf32, #tpu.memory_space<hbm>> -> memref<50000xf32, #tpu.memory_space<hbm>>
    %dma_start3A_1459 = arith.constant 0 : i32
    %dma_start3A_1460 = tpu.memref_slice %arg4[%add3A_1455, %dma_start3A_1459] : memref<1024x50000xf32, #tpu.memory_space<hbm>> -> memref<1x50000xf32, #tpu.memory_space<hbm>>
    %dma_start3A_1461 = tpu.memref_squeeze %dma_start3A_1460 : memref<1x50000xf32, #tpu.memory_space<hbm>> -> memref<50000xf32, #tpu.memory_space<hbm>>
    tpu.enqueue_dma source(%arg7 : memref<50000xf32, #tpu.memory_space<vmem>>) target(%dma_start3A_1461 : memref<50000xf32, #tpu.memory_space<hbm>>) target_semaphore(%arg9 : memref<!tpu.dma_semaphore, #tpu.memory_space<semaphore_mem>>)
    %add3A_1462 = arith.constant 17 : i32
    %add3A_1463 = arith.addi %mul3A_2, %add3A_1462 : i32
    %dma_wait3A_1464 = arith.constant 0 : i32
    %dma_wait3A_1465 = tpu.memref_slice %arg4[%add3A_1463, %dma_wait3A_1464] : memref<1024x50000xf32, #tpu.memory_space<hbm>> -> memref<1x50000xf32, #tpu.memory_space<hbm>>
    %dma_wait3A_1466 = tpu.memref_squeeze %dma_wait3A_1465 : memref<1x50000xf32, #tpu.memory_space<hbm>> -> memref<50000xf32, #tpu.memory_space<hbm>>
    %dma_wait3A_1467 = arith.constant 0 : i32
    %dma_wait3A_1468 = tpu.memref_slice %arg4[%add3A_1463, %dma_wait3A_1467] : memref<1024x50000xf32, #tpu.memory_space<hbm>> -> memref<1x50000xf32, #tpu.memory_space<hbm>>
    %dma_wait3A_1469 = tpu.memref_squeeze %dma_wait3A_1468 : memref<1x50000xf32, #tpu.memory_space<hbm>> -> memref<50000xf32, #tpu.memory_space<hbm>>
    tpu.wait_dma2 semaphore(%arg10 : memref<!tpu.dma_semaphore, #tpu.memory_space<semaphore_mem>>) src(%arg8 : memref<50000xf32, #tpu.memory_space<vmem>>) dst(%dma_wait3A_1469 : memref<50000xf32, #tpu.memory_space<hbm>>)
    tpu.vector_store_idx %arg8[%select_n3A_1336], %broadcast_in_dim3A_25 masked %lt3A_37 : memref<50000xf32, #tpu.memory_space<vmem>>[vector<16xi32>], vector<16xf32>, vector<16xi1>
    tpu.vector_store_idx %arg8[%select_n3A_1350], %broadcast_in_dim3A_25 masked %lt3A_43 : memref<50000xf32, #tpu.memory_space<vmem>>[vector<16xi32>], vector<16xf32>, vector<16xi1>
    tpu.vector_store_idx %arg8[%select_n3A_1364], %broadcast_in_dim3A_25 masked %lt3A_49 : memref<50000xf32, #tpu.memory_space<vmem>>[vector<16xi32>], vector<16xf32>, vector<16xi1>
    tpu.vector_store_idx %arg8[%select_n3A_1378], %broadcast_in_dim3A_25 masked %lt3A_55 : memref<50000xf32, #tpu.memory_space<vmem>>[vector<16xi32>], vector<16xf32>, vector<16xi1>
    %broadcast_in_dim3A_1470 = arith.constant 35 : i32
    %broadcast_in_dim3A_1471 = vector.broadcast %broadcast_in_dim3A_1470 : i32 to vector<16xi32>
    %gather3A_1472 = tpu.vector_load_idx %arg5[%broadcast_in_dim3A_1471] : memref<48xi32, #tpu.memory_space<vmem>>[vector<16xi32>], vector<16xi32>,
    %add3A_1473 = arith.constant 0 : i32
    %add3A_1474 = vector.broadcast %add3A_1473 : i32 to vector<16xi32>
    %add3A_1475 = arith.addi %iota3A, %add3A_1474 : vector<16xi32>
    %add3A_1476 = arith.constant 1 : i32
    %add3A_1477 = vector.broadcast %add3A_1476 : i32 to vector<16xi32>
    %add3A_1478 = arith.addi %gather3A_1472, %add3A_1477 : vector<16xi32>
    %gather3A_1479 = tpu.vector_load_idx %arg6[%add3A_1478, %add3A_1475] : memref<101x64xi32, #tpu.memory_space<vmem>>[vector<16xi32>, vector<16xi32>], vector<16xi32>,
    %mul3A_1480 = arith.constant 1000 : i32
    %mul3A_1481 = vector.broadcast %mul3A_1480 : i32 to vector<16xi32>
    %mul3A_1482 = arith.muli %add3A_1475, %mul3A_1481 : vector<16xi32>
    %add3A_1483 = arith.addi %mul3A_1482, %gather3A_1479 : vector<16xi32>
    %jit3A_1484 = arith.constant 0 : i32
    %broadcast_in_dim3A_1485 = vector.broadcast %jit3A_1484 : i32 to vector<16xi32>
    %select_n3A_1486 = arith.select %lt3A_37, %add3A_1483, %broadcast_in_dim3A_1485 : vector<16xi1>, vector<16xi32>
    tpu.vector_store_idx %arg8[%select_n3A_1486], %broadcast_in_dim3A_32 masked %lt3A_37 : memref<50000xf32, #tpu.memory_space<vmem>>[vector<16xi32>], vector<16xf32>, vector<16xi1>
    %add3A_1487 = arith.constant 16 : i32
    %add3A_1488 = vector.broadcast %add3A_1487 : i32 to vector<16xi32>
    %add3A_1489 = arith.addi %iota3A, %add3A_1488 : vector<16xi32>
    %add3A_1490 = arith.constant 1 : i32
    %add3A_1491 = vector.broadcast %add3A_1490 : i32 to vector<16xi32>
    %add3A_1492 = arith.addi %gather3A_1472, %add3A_1491 : vector<16xi32>
    %gather3A_1493 = tpu.vector_load_idx %arg6[%add3A_1492, %add3A_1489] : memref<101x64xi32, #tpu.memory_space<vmem>>[vector<16xi32>, vector<16xi32>], vector<16xi32>,
    %mul3A_1494 = arith.constant 1000 : i32
    %mul3A_1495 = vector.broadcast %mul3A_1494 : i32 to vector<16xi32>
    %mul3A_1496 = arith.muli %add3A_1489, %mul3A_1495 : vector<16xi32>
    %add3A_1497 = arith.addi %mul3A_1496, %gather3A_1493 : vector<16xi32>
    %jit3A_1498 = arith.constant 0 : i32
    %broadcast_in_dim3A_1499 = vector.broadcast %jit3A_1498 : i32 to vector<16xi32>
    %select_n3A_1500 = arith.select %lt3A_43, %add3A_1497, %broadcast_in_dim3A_1499 : vector<16xi1>, vector<16xi32>
    tpu.vector_store_idx %arg8[%select_n3A_1500], %broadcast_in_dim3A_32 masked %lt3A_43 : memref<50000xf32, #tpu.memory_space<vmem>>[vector<16xi32>], vector<16xf32>, vector<16xi1>
    %add3A_1501 = arith.constant 32 : i32
    %add3A_1502 = vector.broadcast %add3A_1501 : i32 to vector<16xi32>
    %add3A_1503 = arith.addi %iota3A, %add3A_1502 : vector<16xi32>
    %add3A_1504 = arith.constant 1 : i32
    %add3A_1505 = vector.broadcast %add3A_1504 : i32 to vector<16xi32>
    %add3A_1506 = arith.addi %gather3A_1472, %add3A_1505 : vector<16xi32>
    %gather3A_1507 = tpu.vector_load_idx %arg6[%add3A_1506, %add3A_1503] : memref<101x64xi32, #tpu.memory_space<vmem>>[vector<16xi32>, vector<16xi32>], vector<16xi32>,
    %mul3A_1508 = arith.constant 1000 : i32
    %mul3A_1509 = vector.broadcast %mul3A_1508 : i32 to vector<16xi32>
    %mul3A_1510 = arith.muli %add3A_1503, %mul3A_1509 : vector<16xi32>
    %add3A_1511 = arith.addi %mul3A_1510, %gather3A_1507 : vector<16xi32>
    %jit3A_1512 = arith.constant 0 : i32
    %broadcast_in_dim3A_1513 = vector.broadcast %jit3A_1512 : i32 to vector<16xi32>
    %select_n3A_1514 = arith.select %lt3A_49, %add3A_1511, %broadcast_in_dim3A_1513 : vector<16xi1>, vector<16xi32>
    tpu.vector_store_idx %arg8[%select_n3A_1514], %broadcast_in_dim3A_32 masked %lt3A_49 : memref<50000xf32, #tpu.memory_space<vmem>>[vector<16xi32>], vector<16xf32>, vector<16xi1>
    %add3A_1515 = arith.constant 48 : i32
    %add3A_1516 = vector.broadcast %add3A_1515 : i32 to vector<16xi32>
    %add3A_1517 = arith.addi %iota3A, %add3A_1516 : vector<16xi32>
    %add3A_1518 = arith.constant 1 : i32
    %add3A_1519 = vector.broadcast %add3A_1518 : i32 to vector<16xi32>
    %add3A_1520 = arith.addi %gather3A_1472, %add3A_1519 : vector<16xi32>
    %gather3A_1521 = tpu.vector_load_idx %arg6[%add3A_1520, %add3A_1517] : memref<101x64xi32, #tpu.memory_space<vmem>>[vector<16xi32>, vector<16xi32>], vector<16xi32>,
    %mul3A_1522 = arith.constant 1000 : i32
    %mul3A_1523 = vector.broadcast %mul3A_1522 : i32 to vector<16xi32>
    %mul3A_1524 = arith.muli %add3A_1517, %mul3A_1523 : vector<16xi32>
    %add3A_1525 = arith.addi %mul3A_1524, %gather3A_1521 : vector<16xi32>
    %jit3A_1526 = arith.constant 0 : i32
    %broadcast_in_dim3A_1527 = vector.broadcast %jit3A_1526 : i32 to vector<16xi32>
    %select_n3A_1528 = arith.select %lt3A_55, %add3A_1525, %broadcast_in_dim3A_1527 : vector<16xi1>, vector<16xi32>
    tpu.vector_store_idx %arg8[%select_n3A_1528], %broadcast_in_dim3A_32 masked %lt3A_55 : memref<50000xf32, #tpu.memory_space<vmem>>[vector<16xi32>], vector<16xf32>, vector<16xi1>
    %add3A_1529 = arith.constant 19 : i32
    %add3A_1530 = arith.addi %mul3A_2, %add3A_1529 : i32
    %dma_start3A_1531 = arith.constant 0 : i32
    %dma_start3A_1532 = tpu.memref_slice %arg4[%add3A_1530, %dma_start3A_1531] : memref<1024x50000xf32, #tpu.memory_space<hbm>> -> memref<1x50000xf32, #tpu.memory_space<hbm>>
    %dma_start3A_1533 = tpu.memref_squeeze %dma_start3A_1532 : memref<1x50000xf32, #tpu.memory_space<hbm>> -> memref<50000xf32, #tpu.memory_space<hbm>>
    %dma_start3A_1534 = arith.constant 0 : i32
    %dma_start3A_1535 = tpu.memref_slice %arg4[%add3A_1530, %dma_start3A_1534] : memref<1024x50000xf32, #tpu.memory_space<hbm>> -> memref<1x50000xf32, #tpu.memory_space<hbm>>
    %dma_start3A_1536 = tpu.memref_squeeze %dma_start3A_1535 : memref<1x50000xf32, #tpu.memory_space<hbm>> -> memref<50000xf32, #tpu.memory_space<hbm>>
    tpu.enqueue_dma source(%arg8 : memref<50000xf32, #tpu.memory_space<vmem>>) target(%dma_start3A_1536 : memref<50000xf32, #tpu.memory_space<hbm>>) target_semaphore(%arg10 : memref<!tpu.dma_semaphore, #tpu.memory_space<semaphore_mem>>)
    %add3A_1537 = arith.constant 18 : i32
    %add3A_1538 = arith.addi %mul3A_2, %add3A_1537 : i32
    %dma_wait3A_1539 = arith.constant 0 : i32
    %dma_wait3A_1540 = tpu.memref_slice %arg4[%add3A_1538, %dma_wait3A_1539] : memref<1024x50000xf32, #tpu.memory_space<hbm>> -> memref<1x50000xf32, #tpu.memory_space<hbm>>
    %dma_wait3A_1541 = tpu.memref_squeeze %dma_wait3A_1540 : memref<1x50000xf32, #tpu.memory_space<hbm>> -> memref<50000xf32, #tpu.memory_space<hbm>>
    %dma_wait3A_1542 = arith.constant 0 : i32
    %dma_wait3A_1543 = tpu.memref_slice %arg4[%add3A_1538, %dma_wait3A_1542] : memref<1024x50000xf32, #tpu.memory_space<hbm>> -> memref<1x50000xf32, #tpu.memory_space<hbm>>
    %dma_wait3A_1544 = tpu.memref_squeeze %dma_wait3A_1543 : memref<1x50000xf32, #tpu.memory_space<hbm>> -> memref<50000xf32, #tpu.memory_space<hbm>>
    tpu.wait_dma2 semaphore(%arg9 : memref<!tpu.dma_semaphore, #tpu.memory_space<semaphore_mem>>) src(%arg7 : memref<50000xf32, #tpu.memory_space<vmem>>) dst(%dma_wait3A_1544 : memref<50000xf32, #tpu.memory_space<hbm>>)
    tpu.vector_store_idx %arg7[%select_n3A_1411], %broadcast_in_dim3A_25 masked %lt3A_37 : memref<50000xf32, #tpu.memory_space<vmem>>[vector<16xi32>], vector<16xf32>, vector<16xi1>
    tpu.vector_store_idx %arg7[%select_n3A_1425], %broadcast_in_dim3A_25 masked %lt3A_43 : memref<50000xf32, #tpu.memory_space<vmem>>[vector<16xi32>], vector<16xf32>, vector<16xi1>
    tpu.vector_store_idx %arg7[%select_n3A_1439], %broadcast_in_dim3A_25 masked %lt3A_49 : memref<50000xf32, #tpu.memory_space<vmem>>[vector<16xi32>], vector<16xf32>, vector<16xi1>
    tpu.vector_store_idx %arg7[%select_n3A_1453], %broadcast_in_dim3A_25 masked %lt3A_55 : memref<50000xf32, #tpu.memory_space<vmem>>[vector<16xi32>], vector<16xf32>, vector<16xi1>
    %broadcast_in_dim3A_1545 = arith.constant 36 : i32
    %broadcast_in_dim3A_1546 = vector.broadcast %broadcast_in_dim3A_1545 : i32 to vector<16xi32>
    %gather3A_1547 = tpu.vector_load_idx %arg5[%broadcast_in_dim3A_1546] : memref<48xi32, #tpu.memory_space<vmem>>[vector<16xi32>], vector<16xi32>,
    %add3A_1548 = arith.constant 0 : i32
    %add3A_1549 = vector.broadcast %add3A_1548 : i32 to vector<16xi32>
    %add3A_1550 = arith.addi %iota3A, %add3A_1549 : vector<16xi32>
    %add3A_1551 = arith.constant 1 : i32
    %add3A_1552 = vector.broadcast %add3A_1551 : i32 to vector<16xi32>
    %add3A_1553 = arith.addi %gather3A_1547, %add3A_1552 : vector<16xi32>
    %gather3A_1554 = tpu.vector_load_idx %arg6[%add3A_1553, %add3A_1550] : memref<101x64xi32, #tpu.memory_space<vmem>>[vector<16xi32>, vector<16xi32>], vector<16xi32>,
    %mul3A_1555 = arith.constant 1000 : i32
    %mul3A_1556 = vector.broadcast %mul3A_1555 : i32 to vector<16xi32>
    %mul3A_1557 = arith.muli %add3A_1550, %mul3A_1556 : vector<16xi32>
    %add3A_1558 = arith.addi %mul3A_1557, %gather3A_1554 : vector<16xi32>
    %jit3A_1559 = arith.constant 0 : i32
    %broadcast_in_dim3A_1560 = vector.broadcast %jit3A_1559 : i32 to vector<16xi32>
    %select_n3A_1561 = arith.select %lt3A_37, %add3A_1558, %broadcast_in_dim3A_1560 : vector<16xi1>, vector<16xi32>
    tpu.vector_store_idx %arg7[%select_n3A_1561], %broadcast_in_dim3A_32 masked %lt3A_37 : memref<50000xf32, #tpu.memory_space<vmem>>[vector<16xi32>], vector<16xf32>, vector<16xi1>
    %add3A_1562 = arith.constant 16 : i32
    %add3A_1563 = vector.broadcast %add3A_1562 : i32 to vector<16xi32>
    %add3A_1564 = arith.addi %iota3A, %add3A_1563 : vector<16xi32>
    %add3A_1565 = arith.constant 1 : i32
    %add3A_1566 = vector.broadcast %add3A_1565 : i32 to vector<16xi32>
    %add3A_1567 = arith.addi %gather3A_1547, %add3A_1566 : vector<16xi32>
    %gather3A_1568 = tpu.vector_load_idx %arg6[%add3A_1567, %add3A_1564] : memref<101x64xi32, #tpu.memory_space<vmem>>[vector<16xi32>, vector<16xi32>], vector<16xi32>,
    %mul3A_1569 = arith.constant 1000 : i32
    %mul3A_1570 = vector.broadcast %mul3A_1569 : i32 to vector<16xi32>
    %mul3A_1571 = arith.muli %add3A_1564, %mul3A_1570 : vector<16xi32>
    %add3A_1572 = arith.addi %mul3A_1571, %gather3A_1568 : vector<16xi32>
    %jit3A_1573 = arith.constant 0 : i32
    %broadcast_in_dim3A_1574 = vector.broadcast %jit3A_1573 : i32 to vector<16xi32>
    %select_n3A_1575 = arith.select %lt3A_43, %add3A_1572, %broadcast_in_dim3A_1574 : vector<16xi1>, vector<16xi32>
    tpu.vector_store_idx %arg7[%select_n3A_1575], %broadcast_in_dim3A_32 masked %lt3A_43 : memref<50000xf32, #tpu.memory_space<vmem>>[vector<16xi32>], vector<16xf32>, vector<16xi1>
    %add3A_1576 = arith.constant 32 : i32
    %add3A_1577 = vector.broadcast %add3A_1576 : i32 to vector<16xi32>
    %add3A_1578 = arith.addi %iota3A, %add3A_1577 : vector<16xi32>
    %add3A_1579 = arith.constant 1 : i32
    %add3A_1580 = vector.broadcast %add3A_1579 : i32 to vector<16xi32>
    %add3A_1581 = arith.addi %gather3A_1547, %add3A_1580 : vector<16xi32>
    %gather3A_1582 = tpu.vector_load_idx %arg6[%add3A_1581, %add3A_1578] : memref<101x64xi32, #tpu.memory_space<vmem>>[vector<16xi32>, vector<16xi32>], vector<16xi32>,
    %mul3A_1583 = arith.constant 1000 : i32
    %mul3A_1584 = vector.broadcast %mul3A_1583 : i32 to vector<16xi32>
    %mul3A_1585 = arith.muli %add3A_1578, %mul3A_1584 : vector<16xi32>
    %add3A_1586 = arith.addi %mul3A_1585, %gather3A_1582 : vector<16xi32>
    %jit3A_1587 = arith.constant 0 : i32
    %broadcast_in_dim3A_1588 = vector.broadcast %jit3A_1587 : i32 to vector<16xi32>
    %select_n3A_1589 = arith.select %lt3A_49, %add3A_1586, %broadcast_in_dim3A_1588 : vector<16xi1>, vector<16xi32>
    tpu.vector_store_idx %arg7[%select_n3A_1589], %broadcast_in_dim3A_32 masked %lt3A_49 : memref<50000xf32, #tpu.memory_space<vmem>>[vector<16xi32>], vector<16xf32>, vector<16xi1>
    %add3A_1590 = arith.constant 48 : i32
    %add3A_1591 = vector.broadcast %add3A_1590 : i32 to vector<16xi32>
    %add3A_1592 = arith.addi %iota3A, %add3A_1591 : vector<16xi32>
    %add3A_1593 = arith.constant 1 : i32
    %add3A_1594 = vector.broadcast %add3A_1593 : i32 to vector<16xi32>
    %add3A_1595 = arith.addi %gather3A_1547, %add3A_1594 : vector<16xi32>
    %gather3A_1596 = tpu.vector_load_idx %arg6[%add3A_1595, %add3A_1592] : memref<101x64xi32, #tpu.memory_space<vmem>>[vector<16xi32>, vector<16xi32>], vector<16xi32>,
    %mul3A_1597 = arith.constant 1000 : i32
    %mul3A_1598 = vector.broadcast %mul3A_1597 : i32 to vector<16xi32>
    %mul3A_1599 = arith.muli %add3A_1592, %mul3A_1598 : vector<16xi32>
    %add3A_1600 = arith.addi %mul3A_1599, %gather3A_1596 : vector<16xi32>
    %jit3A_1601 = arith.constant 0 : i32
    %broadcast_in_dim3A_1602 = vector.broadcast %jit3A_1601 : i32 to vector<16xi32>
    %select_n3A_1603 = arith.select %lt3A_55, %add3A_1600, %broadcast_in_dim3A_1602 : vector<16xi1>, vector<16xi32>
    tpu.vector_store_idx %arg7[%select_n3A_1603], %broadcast_in_dim3A_32 masked %lt3A_55 : memref<50000xf32, #tpu.memory_space<vmem>>[vector<16xi32>], vector<16xf32>, vector<16xi1>
    %add3A_1604 = arith.constant 20 : i32
    %add3A_1605 = arith.addi %mul3A_2, %add3A_1604 : i32
    %dma_start3A_1606 = arith.constant 0 : i32
    %dma_start3A_1607 = tpu.memref_slice %arg4[%add3A_1605, %dma_start3A_1606] : memref<1024x50000xf32, #tpu.memory_space<hbm>> -> memref<1x50000xf32, #tpu.memory_space<hbm>>
    %dma_start3A_1608 = tpu.memref_squeeze %dma_start3A_1607 : memref<1x50000xf32, #tpu.memory_space<hbm>> -> memref<50000xf32, #tpu.memory_space<hbm>>
    %dma_start3A_1609 = arith.constant 0 : i32
    %dma_start3A_1610 = tpu.memref_slice %arg4[%add3A_1605, %dma_start3A_1609] : memref<1024x50000xf32, #tpu.memory_space<hbm>> -> memref<1x50000xf32, #tpu.memory_space<hbm>>
    %dma_start3A_1611 = tpu.memref_squeeze %dma_start3A_1610 : memref<1x50000xf32, #tpu.memory_space<hbm>> -> memref<50000xf32, #tpu.memory_space<hbm>>
    tpu.enqueue_dma source(%arg7 : memref<50000xf32, #tpu.memory_space<vmem>>) target(%dma_start3A_1611 : memref<50000xf32, #tpu.memory_space<hbm>>) target_semaphore(%arg9 : memref<!tpu.dma_semaphore, #tpu.memory_space<semaphore_mem>>)
    %add3A_1612 = arith.constant 19 : i32
    %add3A_1613 = arith.addi %mul3A_2, %add3A_1612 : i32
    %dma_wait3A_1614 = arith.constant 0 : i32
    %dma_wait3A_1615 = tpu.memref_slice %arg4[%add3A_1613, %dma_wait3A_1614] : memref<1024x50000xf32, #tpu.memory_space<hbm>> -> memref<1x50000xf32, #tpu.memory_space<hbm>>
    %dma_wait3A_1616 = tpu.memref_squeeze %dma_wait3A_1615 : memref<1x50000xf32, #tpu.memory_space<hbm>> -> memref<50000xf32, #tpu.memory_space<hbm>>
    %dma_wait3A_1617 = arith.constant 0 : i32
    %dma_wait3A_1618 = tpu.memref_slice %arg4[%add3A_1613, %dma_wait3A_1617] : memref<1024x50000xf32, #tpu.memory_space<hbm>> -> memref<1x50000xf32, #tpu.memory_space<hbm>>
    %dma_wait3A_1619 = tpu.memref_squeeze %dma_wait3A_1618 : memref<1x50000xf32, #tpu.memory_space<hbm>> -> memref<50000xf32, #tpu.memory_space<hbm>>
    tpu.wait_dma2 semaphore(%arg10 : memref<!tpu.dma_semaphore, #tpu.memory_space<semaphore_mem>>) src(%arg8 : memref<50000xf32, #tpu.memory_space<vmem>>) dst(%dma_wait3A_1619 : memref<50000xf32, #tpu.memory_space<hbm>>)
    tpu.vector_store_idx %arg8[%select_n3A_1486], %broadcast_in_dim3A_25 masked %lt3A_37 : memref<50000xf32, #tpu.memory_space<vmem>>[vector<16xi32>], vector<16xf32>, vector<16xi1>
    tpu.vector_store_idx %arg8[%select_n3A_1500], %broadcast_in_dim3A_25 masked %lt3A_43 : memref<50000xf32, #tpu.memory_space<vmem>>[vector<16xi32>], vector<16xf32>, vector<16xi1>
    tpu.vector_store_idx %arg8[%select_n3A_1514], %broadcast_in_dim3A_25 masked %lt3A_49 : memref<50000xf32, #tpu.memory_space<vmem>>[vector<16xi32>], vector<16xf32>, vector<16xi1>
    tpu.vector_store_idx %arg8[%select_n3A_1528], %broadcast_in_dim3A_25 masked %lt3A_55 : memref<50000xf32, #tpu.memory_space<vmem>>[vector<16xi32>], vector<16xf32>, vector<16xi1>
    %broadcast_in_dim3A_1620 = arith.constant 37 : i32
    %broadcast_in_dim3A_1621 = vector.broadcast %broadcast_in_dim3A_1620 : i32 to vector<16xi32>
    %gather3A_1622 = tpu.vector_load_idx %arg5[%broadcast_in_dim3A_1621] : memref<48xi32, #tpu.memory_space<vmem>>[vector<16xi32>], vector<16xi32>,
    %add3A_1623 = arith.constant 0 : i32
    %add3A_1624 = vector.broadcast %add3A_1623 : i32 to vector<16xi32>
    %add3A_1625 = arith.addi %iota3A, %add3A_1624 : vector<16xi32>
    %add3A_1626 = arith.constant 1 : i32
    %add3A_1627 = vector.broadcast %add3A_1626 : i32 to vector<16xi32>
    %add3A_1628 = arith.addi %gather3A_1622, %add3A_1627 : vector<16xi32>
    %gather3A_1629 = tpu.vector_load_idx %arg6[%add3A_1628, %add3A_1625] : memref<101x64xi32, #tpu.memory_space<vmem>>[vector<16xi32>, vector<16xi32>], vector<16xi32>,
    %mul3A_1630 = arith.constant 1000 : i32
    %mul3A_1631 = vector.broadcast %mul3A_1630 : i32 to vector<16xi32>
    %mul3A_1632 = arith.muli %add3A_1625, %mul3A_1631 : vector<16xi32>
    %add3A_1633 = arith.addi %mul3A_1632, %gather3A_1629 : vector<16xi32>
    %jit3A_1634 = arith.constant 0 : i32
    %broadcast_in_dim3A_1635 = vector.broadcast %jit3A_1634 : i32 to vector<16xi32>
    %select_n3A_1636 = arith.select %lt3A_37, %add3A_1633, %broadcast_in_dim3A_1635 : vector<16xi1>, vector<16xi32>
    tpu.vector_store_idx %arg8[%select_n3A_1636], %broadcast_in_dim3A_32 masked %lt3A_37 : memref<50000xf32, #tpu.memory_space<vmem>>[vector<16xi32>], vector<16xf32>, vector<16xi1>
    %add3A_1637 = arith.constant 16 : i32
    %add3A_1638 = vector.broadcast %add3A_1637 : i32 to vector<16xi32>
    %add3A_1639 = arith.addi %iota3A, %add3A_1638 : vector<16xi32>
    %add3A_1640 = arith.constant 1 : i32
    %add3A_1641 = vector.broadcast %add3A_1640 : i32 to vector<16xi32>
    %add3A_1642 = arith.addi %gather3A_1622, %add3A_1641 : vector<16xi32>
    %gather3A_1643 = tpu.vector_load_idx %arg6[%add3A_1642, %add3A_1639] : memref<101x64xi32, #tpu.memory_space<vmem>>[vector<16xi32>, vector<16xi32>], vector<16xi32>,
    %mul3A_1644 = arith.constant 1000 : i32
    %mul3A_1645 = vector.broadcast %mul3A_1644 : i32 to vector<16xi32>
    %mul3A_1646 = arith.muli %add3A_1639, %mul3A_1645 : vector<16xi32>
    %add3A_1647 = arith.addi %mul3A_1646, %gather3A_1643 : vector<16xi32>
    %jit3A_1648 = arith.constant 0 : i32
    %broadcast_in_dim3A_1649 = vector.broadcast %jit3A_1648 : i32 to vector<16xi32>
    %select_n3A_1650 = arith.select %lt3A_43, %add3A_1647, %broadcast_in_dim3A_1649 : vector<16xi1>, vector<16xi32>
    tpu.vector_store_idx %arg8[%select_n3A_1650], %broadcast_in_dim3A_32 masked %lt3A_43 : memref<50000xf32, #tpu.memory_space<vmem>>[vector<16xi32>], vector<16xf32>, vector<16xi1>
    %add3A_1651 = arith.constant 32 : i32
    %add3A_1652 = vector.broadcast %add3A_1651 : i32 to vector<16xi32>
    %add3A_1653 = arith.addi %iota3A, %add3A_1652 : vector<16xi32>
    %add3A_1654 = arith.constant 1 : i32
    %add3A_1655 = vector.broadcast %add3A_1654 : i32 to vector<16xi32>
    %add3A_1656 = arith.addi %gather3A_1622, %add3A_1655 : vector<16xi32>
    %gather3A_1657 = tpu.vector_load_idx %arg6[%add3A_1656, %add3A_1653] : memref<101x64xi32, #tpu.memory_space<vmem>>[vector<16xi32>, vector<16xi32>], vector<16xi32>,
    %mul3A_1658 = arith.constant 1000 : i32
    %mul3A_1659 = vector.broadcast %mul3A_1658 : i32 to vector<16xi32>
    %mul3A_1660 = arith.muli %add3A_1653, %mul3A_1659 : vector<16xi32>
    %add3A_1661 = arith.addi %mul3A_1660, %gather3A_1657 : vector<16xi32>
    %jit3A_1662 = arith.constant 0 : i32
    %broadcast_in_dim3A_1663 = vector.broadcast %jit3A_1662 : i32 to vector<16xi32>
    %select_n3A_1664 = arith.select %lt3A_49, %add3A_1661, %broadcast_in_dim3A_1663 : vector<16xi1>, vector<16xi32>
    tpu.vector_store_idx %arg8[%select_n3A_1664], %broadcast_in_dim3A_32 masked %lt3A_49 : memref<50000xf32, #tpu.memory_space<vmem>>[vector<16xi32>], vector<16xf32>, vector<16xi1>
    %add3A_1665 = arith.constant 48 : i32
    %add3A_1666 = vector.broadcast %add3A_1665 : i32 to vector<16xi32>
    %add3A_1667 = arith.addi %iota3A, %add3A_1666 : vector<16xi32>
    %add3A_1668 = arith.constant 1 : i32
    %add3A_1669 = vector.broadcast %add3A_1668 : i32 to vector<16xi32>
    %add3A_1670 = arith.addi %gather3A_1622, %add3A_1669 : vector<16xi32>
    %gather3A_1671 = tpu.vector_load_idx %arg6[%add3A_1670, %add3A_1667] : memref<101x64xi32, #tpu.memory_space<vmem>>[vector<16xi32>, vector<16xi32>], vector<16xi32>,
    %mul3A_1672 = arith.constant 1000 : i32
    %mul3A_1673 = vector.broadcast %mul3A_1672 : i32 to vector<16xi32>
    %mul3A_1674 = arith.muli %add3A_1667, %mul3A_1673 : vector<16xi32>
    %add3A_1675 = arith.addi %mul3A_1674, %gather3A_1671 : vector<16xi32>
    %jit3A_1676 = arith.constant 0 : i32
    %broadcast_in_dim3A_1677 = vector.broadcast %jit3A_1676 : i32 to vector<16xi32>
    %select_n3A_1678 = arith.select %lt3A_55, %add3A_1675, %broadcast_in_dim3A_1677 : vector<16xi1>, vector<16xi32>
    tpu.vector_store_idx %arg8[%select_n3A_1678], %broadcast_in_dim3A_32 masked %lt3A_55 : memref<50000xf32, #tpu.memory_space<vmem>>[vector<16xi32>], vector<16xf32>, vector<16xi1>
    %add3A_1679 = arith.constant 21 : i32
    %add3A_1680 = arith.addi %mul3A_2, %add3A_1679 : i32
    %dma_start3A_1681 = arith.constant 0 : i32
    %dma_start3A_1682 = tpu.memref_slice %arg4[%add3A_1680, %dma_start3A_1681] : memref<1024x50000xf32, #tpu.memory_space<hbm>> -> memref<1x50000xf32, #tpu.memory_space<hbm>>
    %dma_start3A_1683 = tpu.memref_squeeze %dma_start3A_1682 : memref<1x50000xf32, #tpu.memory_space<hbm>> -> memref<50000xf32, #tpu.memory_space<hbm>>
    %dma_start3A_1684 = arith.constant 0 : i32
    %dma_start3A_1685 = tpu.memref_slice %arg4[%add3A_1680, %dma_start3A_1684] : memref<1024x50000xf32, #tpu.memory_space<hbm>> -> memref<1x50000xf32, #tpu.memory_space<hbm>>
    %dma_start3A_1686 = tpu.memref_squeeze %dma_start3A_1685 : memref<1x50000xf32, #tpu.memory_space<hbm>> -> memref<50000xf32, #tpu.memory_space<hbm>>
    tpu.enqueue_dma source(%arg8 : memref<50000xf32, #tpu.memory_space<vmem>>) target(%dma_start3A_1686 : memref<50000xf32, #tpu.memory_space<hbm>>) target_semaphore(%arg10 : memref<!tpu.dma_semaphore, #tpu.memory_space<semaphore_mem>>)
    %add3A_1687 = arith.constant 20 : i32
    %add3A_1688 = arith.addi %mul3A_2, %add3A_1687 : i32
    %dma_wait3A_1689 = arith.constant 0 : i32
    %dma_wait3A_1690 = tpu.memref_slice %arg4[%add3A_1688, %dma_wait3A_1689] : memref<1024x50000xf32, #tpu.memory_space<hbm>> -> memref<1x50000xf32, #tpu.memory_space<hbm>>
    %dma_wait3A_1691 = tpu.memref_squeeze %dma_wait3A_1690 : memref<1x50000xf32, #tpu.memory_space<hbm>> -> memref<50000xf32, #tpu.memory_space<hbm>>
    %dma_wait3A_1692 = arith.constant 0 : i32
    %dma_wait3A_1693 = tpu.memref_slice %arg4[%add3A_1688, %dma_wait3A_1692] : memref<1024x50000xf32, #tpu.memory_space<hbm>> -> memref<1x50000xf32, #tpu.memory_space<hbm>>
    %dma_wait3A_1694 = tpu.memref_squeeze %dma_wait3A_1693 : memref<1x50000xf32, #tpu.memory_space<hbm>> -> memref<50000xf32, #tpu.memory_space<hbm>>
    tpu.wait_dma2 semaphore(%arg9 : memref<!tpu.dma_semaphore, #tpu.memory_space<semaphore_mem>>) src(%arg7 : memref<50000xf32, #tpu.memory_space<vmem>>) dst(%dma_wait3A_1694 : memref<50000xf32, #tpu.memory_space<hbm>>)
    tpu.vector_store_idx %arg7[%select_n3A_1561], %broadcast_in_dim3A_25 masked %lt3A_37 : memref<50000xf32, #tpu.memory_space<vmem>>[vector<16xi32>], vector<16xf32>, vector<16xi1>
    tpu.vector_store_idx %arg7[%select_n3A_1575], %broadcast_in_dim3A_25 masked %lt3A_43 : memref<50000xf32, #tpu.memory_space<vmem>>[vector<16xi32>], vector<16xf32>, vector<16xi1>
    tpu.vector_store_idx %arg7[%select_n3A_1589], %broadcast_in_dim3A_25 masked %lt3A_49 : memref<50000xf32, #tpu.memory_space<vmem>>[vector<16xi32>], vector<16xf32>, vector<16xi1>
    tpu.vector_store_idx %arg7[%select_n3A_1603], %broadcast_in_dim3A_25 masked %lt3A_55 : memref<50000xf32, #tpu.memory_space<vmem>>[vector<16xi32>], vector<16xf32>, vector<16xi1>
    %broadcast_in_dim3A_1695 = arith.constant 38 : i32
    %broadcast_in_dim3A_1696 = vector.broadcast %broadcast_in_dim3A_1695 : i32 to vector<16xi32>
    %gather3A_1697 = tpu.vector_load_idx %arg5[%broadcast_in_dim3A_1696] : memref<48xi32, #tpu.memory_space<vmem>>[vector<16xi32>], vector<16xi32>,
    %add3A_1698 = arith.constant 0 : i32
    %add3A_1699 = vector.broadcast %add3A_1698 : i32 to vector<16xi32>
    %add3A_1700 = arith.addi %iota3A, %add3A_1699 : vector<16xi32>
    %add3A_1701 = arith.constant 1 : i32
    %add3A_1702 = vector.broadcast %add3A_1701 : i32 to vector<16xi32>
    %add3A_1703 = arith.addi %gather3A_1697, %add3A_1702 : vector<16xi32>
    %gather3A_1704 = tpu.vector_load_idx %arg6[%add3A_1703, %add3A_1700] : memref<101x64xi32, #tpu.memory_space<vmem>>[vector<16xi32>, vector<16xi32>], vector<16xi32>,
    %mul3A_1705 = arith.constant 1000 : i32
    %mul3A_1706 = vector.broadcast %mul3A_1705 : i32 to vector<16xi32>
    %mul3A_1707 = arith.muli %add3A_1700, %mul3A_1706 : vector<16xi32>
    %add3A_1708 = arith.addi %mul3A_1707, %gather3A_1704 : vector<16xi32>
    %jit3A_1709 = arith.constant 0 : i32
    %broadcast_in_dim3A_1710 = vector.broadcast %jit3A_1709 : i32 to vector<16xi32>
    %select_n3A_1711 = arith.select %lt3A_37, %add3A_1708, %broadcast_in_dim3A_1710 : vector<16xi1>, vector<16xi32>
    tpu.vector_store_idx %arg7[%select_n3A_1711], %broadcast_in_dim3A_32 masked %lt3A_37 : memref<50000xf32, #tpu.memory_space<vmem>>[vector<16xi32>], vector<16xf32>, vector<16xi1>
    %add3A_1712 = arith.constant 16 : i32
    %add3A_1713 = vector.broadcast %add3A_1712 : i32 to vector<16xi32>
    %add3A_1714 = arith.addi %iota3A, %add3A_1713 : vector<16xi32>
    %add3A_1715 = arith.constant 1 : i32
    %add3A_1716 = vector.broadcast %add3A_1715 : i32 to vector<16xi32>
    %add3A_1717 = arith.addi %gather3A_1697, %add3A_1716 : vector<16xi32>
    %gather3A_1718 = tpu.vector_load_idx %arg6[%add3A_1717, %add3A_1714] : memref<101x64xi32, #tpu.memory_space<vmem>>[vector<16xi32>, vector<16xi32>], vector<16xi32>,
    %mul3A_1719 = arith.constant 1000 : i32
    %mul3A_1720 = vector.broadcast %mul3A_1719 : i32 to vector<16xi32>
    %mul3A_1721 = arith.muli %add3A_1714, %mul3A_1720 : vector<16xi32>
    %add3A_1722 = arith.addi %mul3A_1721, %gather3A_1718 : vector<16xi32>
    %jit3A_1723 = arith.constant 0 : i32
    %broadcast_in_dim3A_1724 = vector.broadcast %jit3A_1723 : i32 to vector<16xi32>
    %select_n3A_1725 = arith.select %lt3A_43, %add3A_1722, %broadcast_in_dim3A_1724 : vector<16xi1>, vector<16xi32>
    tpu.vector_store_idx %arg7[%select_n3A_1725], %broadcast_in_dim3A_32 masked %lt3A_43 : memref<50000xf32, #tpu.memory_space<vmem>>[vector<16xi32>], vector<16xf32>, vector<16xi1>
    %add3A_1726 = arith.constant 32 : i32
    %add3A_1727 = vector.broadcast %add3A_1726 : i32 to vector<16xi32>
    %add3A_1728 = arith.addi %iota3A, %add3A_1727 : vector<16xi32>
    %add3A_1729 = arith.constant 1 : i32
    %add3A_1730 = vector.broadcast %add3A_1729 : i32 to vector<16xi32>
    %add3A_1731 = arith.addi %gather3A_1697, %add3A_1730 : vector<16xi32>
    %gather3A_1732 = tpu.vector_load_idx %arg6[%add3A_1731, %add3A_1728] : memref<101x64xi32, #tpu.memory_space<vmem>>[vector<16xi32>, vector<16xi32>], vector<16xi32>,
    %mul3A_1733 = arith.constant 1000 : i32
    %mul3A_1734 = vector.broadcast %mul3A_1733 : i32 to vector<16xi32>
    %mul3A_1735 = arith.muli %add3A_1728, %mul3A_1734 : vector<16xi32>
    %add3A_1736 = arith.addi %mul3A_1735, %gather3A_1732 : vector<16xi32>
    %jit3A_1737 = arith.constant 0 : i32
    %broadcast_in_dim3A_1738 = vector.broadcast %jit3A_1737 : i32 to vector<16xi32>
    %select_n3A_1739 = arith.select %lt3A_49, %add3A_1736, %broadcast_in_dim3A_1738 : vector<16xi1>, vector<16xi32>
    tpu.vector_store_idx %arg7[%select_n3A_1739], %broadcast_in_dim3A_32 masked %lt3A_49 : memref<50000xf32, #tpu.memory_space<vmem>>[vector<16xi32>], vector<16xf32>, vector<16xi1>
    %add3A_1740 = arith.constant 48 : i32
    %add3A_1741 = vector.broadcast %add3A_1740 : i32 to vector<16xi32>
    %add3A_1742 = arith.addi %iota3A, %add3A_1741 : vector<16xi32>
    %add3A_1743 = arith.constant 1 : i32
    %add3A_1744 = vector.broadcast %add3A_1743 : i32 to vector<16xi32>
    %add3A_1745 = arith.addi %gather3A_1697, %add3A_1744 : vector<16xi32>
    %gather3A_1746 = tpu.vector_load_idx %arg6[%add3A_1745, %add3A_1742] : memref<101x64xi32, #tpu.memory_space<vmem>>[vector<16xi32>, vector<16xi32>], vector<16xi32>,
    %mul3A_1747 = arith.constant 1000 : i32
    %mul3A_1748 = vector.broadcast %mul3A_1747 : i32 to vector<16xi32>
    %mul3A_1749 = arith.muli %add3A_1742, %mul3A_1748 : vector<16xi32>
    %add3A_1750 = arith.addi %mul3A_1749, %gather3A_1746 : vector<16xi32>
    %jit3A_1751 = arith.constant 0 : i32
    %broadcast_in_dim3A_1752 = vector.broadcast %jit3A_1751 : i32 to vector<16xi32>
    %select_n3A_1753 = arith.select %lt3A_55, %add3A_1750, %broadcast_in_dim3A_1752 : vector<16xi1>, vector<16xi32>
    tpu.vector_store_idx %arg7[%select_n3A_1753], %broadcast_in_dim3A_32 masked %lt3A_55 : memref<50000xf32, #tpu.memory_space<vmem>>[vector<16xi32>], vector<16xf32>, vector<16xi1>
    %add3A_1754 = arith.constant 22 : i32
    %add3A_1755 = arith.addi %mul3A_2, %add3A_1754 : i32
    %dma_start3A_1756 = arith.constant 0 : i32
    %dma_start3A_1757 = tpu.memref_slice %arg4[%add3A_1755, %dma_start3A_1756] : memref<1024x50000xf32, #tpu.memory_space<hbm>> -> memref<1x50000xf32, #tpu.memory_space<hbm>>
    %dma_start3A_1758 = tpu.memref_squeeze %dma_start3A_1757 : memref<1x50000xf32, #tpu.memory_space<hbm>> -> memref<50000xf32, #tpu.memory_space<hbm>>
    %dma_start3A_1759 = arith.constant 0 : i32
    %dma_start3A_1760 = tpu.memref_slice %arg4[%add3A_1755, %dma_start3A_1759] : memref<1024x50000xf32, #tpu.memory_space<hbm>> -> memref<1x50000xf32, #tpu.memory_space<hbm>>
    %dma_start3A_1761 = tpu.memref_squeeze %dma_start3A_1760 : memref<1x50000xf32, #tpu.memory_space<hbm>> -> memref<50000xf32, #tpu.memory_space<hbm>>
    tpu.enqueue_dma source(%arg7 : memref<50000xf32, #tpu.memory_space<vmem>>) target(%dma_start3A_1761 : memref<50000xf32, #tpu.memory_space<hbm>>) target_semaphore(%arg9 : memref<!tpu.dma_semaphore, #tpu.memory_space<semaphore_mem>>)
    %add3A_1762 = arith.constant 21 : i32
    %add3A_1763 = arith.addi %mul3A_2, %add3A_1762 : i32
    %dma_wait3A_1764 = arith.constant 0 : i32
    %dma_wait3A_1765 = tpu.memref_slice %arg4[%add3A_1763, %dma_wait3A_1764] : memref<1024x50000xf32, #tpu.memory_space<hbm>> -> memref<1x50000xf32, #tpu.memory_space<hbm>>
    %dma_wait3A_1766 = tpu.memref_squeeze %dma_wait3A_1765 : memref<1x50000xf32, #tpu.memory_space<hbm>> -> memref<50000xf32, #tpu.memory_space<hbm>>
    %dma_wait3A_1767 = arith.constant 0 : i32
    %dma_wait3A_1768 = tpu.memref_slice %arg4[%add3A_1763, %dma_wait3A_1767] : memref<1024x50000xf32, #tpu.memory_space<hbm>> -> memref<1x50000xf32, #tpu.memory_space<hbm>>
    %dma_wait3A_1769 = tpu.memref_squeeze %dma_wait3A_1768 : memref<1x50000xf32, #tpu.memory_space<hbm>> -> memref<50000xf32, #tpu.memory_space<hbm>>
    tpu.wait_dma2 semaphore(%arg10 : memref<!tpu.dma_semaphore, #tpu.memory_space<semaphore_mem>>) src(%arg8 : memref<50000xf32, #tpu.memory_space<vmem>>) dst(%dma_wait3A_1769 : memref<50000xf32, #tpu.memory_space<hbm>>)
    tpu.vector_store_idx %arg8[%select_n3A_1636], %broadcast_in_dim3A_25 masked %lt3A_37 : memref<50000xf32, #tpu.memory_space<vmem>>[vector<16xi32>], vector<16xf32>, vector<16xi1>
    tpu.vector_store_idx %arg8[%select_n3A_1650], %broadcast_in_dim3A_25 masked %lt3A_43 : memref<50000xf32, #tpu.memory_space<vmem>>[vector<16xi32>], vector<16xf32>, vector<16xi1>
    tpu.vector_store_idx %arg8[%select_n3A_1664], %broadcast_in_dim3A_25 masked %lt3A_49 : memref<50000xf32, #tpu.memory_space<vmem>>[vector<16xi32>], vector<16xf32>, vector<16xi1>
    tpu.vector_store_idx %arg8[%select_n3A_1678], %broadcast_in_dim3A_25 masked %lt3A_55 : memref<50000xf32, #tpu.memory_space<vmem>>[vector<16xi32>], vector<16xf32>, vector<16xi1>
    %broadcast_in_dim3A_1770 = arith.constant 39 : i32
    %broadcast_in_dim3A_1771 = vector.broadcast %broadcast_in_dim3A_1770 : i32 to vector<16xi32>
    %gather3A_1772 = tpu.vector_load_idx %arg5[%broadcast_in_dim3A_1771] : memref<48xi32, #tpu.memory_space<vmem>>[vector<16xi32>], vector<16xi32>,
    %add3A_1773 = arith.constant 0 : i32
    %add3A_1774 = vector.broadcast %add3A_1773 : i32 to vector<16xi32>
    %add3A_1775 = arith.addi %iota3A, %add3A_1774 : vector<16xi32>
    %add3A_1776 = arith.constant 1 : i32
    %add3A_1777 = vector.broadcast %add3A_1776 : i32 to vector<16xi32>
    %add3A_1778 = arith.addi %gather3A_1772, %add3A_1777 : vector<16xi32>
    %gather3A_1779 = tpu.vector_load_idx %arg6[%add3A_1778, %add3A_1775] : memref<101x64xi32, #tpu.memory_space<vmem>>[vector<16xi32>, vector<16xi32>], vector<16xi32>,
    %mul3A_1780 = arith.constant 1000 : i32
    %mul3A_1781 = vector.broadcast %mul3A_1780 : i32 to vector<16xi32>
    %mul3A_1782 = arith.muli %add3A_1775, %mul3A_1781 : vector<16xi32>
    %add3A_1783 = arith.addi %mul3A_1782, %gather3A_1779 : vector<16xi32>
    %jit3A_1784 = arith.constant 0 : i32
    %broadcast_in_dim3A_1785 = vector.broadcast %jit3A_1784 : i32 to vector<16xi32>
    %select_n3A_1786 = arith.select %lt3A_37, %add3A_1783, %broadcast_in_dim3A_1785 : vector<16xi1>, vector<16xi32>
    tpu.vector_store_idx %arg8[%select_n3A_1786], %broadcast_in_dim3A_32 masked %lt3A_37 : memref<50000xf32, #tpu.memory_space<vmem>>[vector<16xi32>], vector<16xf32>, vector<16xi1>
    %add3A_1787 = arith.constant 16 : i32
    %add3A_1788 = vector.broadcast %add3A_1787 : i32 to vector<16xi32>
    %add3A_1789 = arith.addi %iota3A, %add3A_1788 : vector<16xi32>
    %add3A_1790 = arith.constant 1 : i32
    %add3A_1791 = vector.broadcast %add3A_1790 : i32 to vector<16xi32>
    %add3A_1792 = arith.addi %gather3A_1772, %add3A_1791 : vector<16xi32>
    %gather3A_1793 = tpu.vector_load_idx %arg6[%add3A_1792, %add3A_1789] : memref<101x64xi32, #tpu.memory_space<vmem>>[vector<16xi32>, vector<16xi32>], vector<16xi32>,
    %mul3A_1794 = arith.constant 1000 : i32
    %mul3A_1795 = vector.broadcast %mul3A_1794 : i32 to vector<16xi32>
    %mul3A_1796 = arith.muli %add3A_1789, %mul3A_1795 : vector<16xi32>
    %add3A_1797 = arith.addi %mul3A_1796, %gather3A_1793 : vector<16xi32>
    %jit3A_1798 = arith.constant 0 : i32
    %broadcast_in_dim3A_1799 = vector.broadcast %jit3A_1798 : i32 to vector<16xi32>
    %select_n3A_1800 = arith.select %lt3A_43, %add3A_1797, %broadcast_in_dim3A_1799 : vector<16xi1>, vector<16xi32>
    tpu.vector_store_idx %arg8[%select_n3A_1800], %broadcast_in_dim3A_32 masked %lt3A_43 : memref<50000xf32, #tpu.memory_space<vmem>>[vector<16xi32>], vector<16xf32>, vector<16xi1>
    %add3A_1801 = arith.constant 32 : i32
    %add3A_1802 = vector.broadcast %add3A_1801 : i32 to vector<16xi32>
    %add3A_1803 = arith.addi %iota3A, %add3A_1802 : vector<16xi32>
    %add3A_1804 = arith.constant 1 : i32
    %add3A_1805 = vector.broadcast %add3A_1804 : i32 to vector<16xi32>
    %add3A_1806 = arith.addi %gather3A_1772, %add3A_1805 : vector<16xi32>
    %gather3A_1807 = tpu.vector_load_idx %arg6[%add3A_1806, %add3A_1803] : memref<101x64xi32, #tpu.memory_space<vmem>>[vector<16xi32>, vector<16xi32>], vector<16xi32>,
    %mul3A_1808 = arith.constant 1000 : i32
    %mul3A_1809 = vector.broadcast %mul3A_1808 : i32 to vector<16xi32>
    %mul3A_1810 = arith.muli %add3A_1803, %mul3A_1809 : vector<16xi32>
    %add3A_1811 = arith.addi %mul3A_1810, %gather3A_1807 : vector<16xi32>
    %jit3A_1812 = arith.constant 0 : i32
    %broadcast_in_dim3A_1813 = vector.broadcast %jit3A_1812 : i32 to vector<16xi32>
    %select_n3A_1814 = arith.select %lt3A_49, %add3A_1811, %broadcast_in_dim3A_1813 : vector<16xi1>, vector<16xi32>
    tpu.vector_store_idx %arg8[%select_n3A_1814], %broadcast_in_dim3A_32 masked %lt3A_49 : memref<50000xf32, #tpu.memory_space<vmem>>[vector<16xi32>], vector<16xf32>, vector<16xi1>
    %add3A_1815 = arith.constant 48 : i32
    %add3A_1816 = vector.broadcast %add3A_1815 : i32 to vector<16xi32>
    %add3A_1817 = arith.addi %iota3A, %add3A_1816 : vector<16xi32>
    %add3A_1818 = arith.constant 1 : i32
    %add3A_1819 = vector.broadcast %add3A_1818 : i32 to vector<16xi32>
    %add3A_1820 = arith.addi %gather3A_1772, %add3A_1819 : vector<16xi32>
    %gather3A_1821 = tpu.vector_load_idx %arg6[%add3A_1820, %add3A_1817] : memref<101x64xi32, #tpu.memory_space<vmem>>[vector<16xi32>, vector<16xi32>], vector<16xi32>,
    %mul3A_1822 = arith.constant 1000 : i32
    %mul3A_1823 = vector.broadcast %mul3A_1822 : i32 to vector<16xi32>
    %mul3A_1824 = arith.muli %add3A_1817, %mul3A_1823 : vector<16xi32>
    %add3A_1825 = arith.addi %mul3A_1824, %gather3A_1821 : vector<16xi32>
    %jit3A_1826 = arith.constant 0 : i32
    %broadcast_in_dim3A_1827 = vector.broadcast %jit3A_1826 : i32 to vector<16xi32>
    %select_n3A_1828 = arith.select %lt3A_55, %add3A_1825, %broadcast_in_dim3A_1827 : vector<16xi1>, vector<16xi32>
    tpu.vector_store_idx %arg8[%select_n3A_1828], %broadcast_in_dim3A_32 masked %lt3A_55 : memref<50000xf32, #tpu.memory_space<vmem>>[vector<16xi32>], vector<16xf32>, vector<16xi1>
    %add3A_1829 = arith.constant 23 : i32
    %add3A_1830 = arith.addi %mul3A_2, %add3A_1829 : i32
    %dma_start3A_1831 = arith.constant 0 : i32
    %dma_start3A_1832 = tpu.memref_slice %arg4[%add3A_1830, %dma_start3A_1831] : memref<1024x50000xf32, #tpu.memory_space<hbm>> -> memref<1x50000xf32, #tpu.memory_space<hbm>>
    %dma_start3A_1833 = tpu.memref_squeeze %dma_start3A_1832 : memref<1x50000xf32, #tpu.memory_space<hbm>> -> memref<50000xf32, #tpu.memory_space<hbm>>
    %dma_start3A_1834 = arith.constant 0 : i32
    %dma_start3A_1835 = tpu.memref_slice %arg4[%add3A_1830, %dma_start3A_1834] : memref<1024x50000xf32, #tpu.memory_space<hbm>> -> memref<1x50000xf32, #tpu.memory_space<hbm>>
    %dma_start3A_1836 = tpu.memref_squeeze %dma_start3A_1835 : memref<1x50000xf32, #tpu.memory_space<hbm>> -> memref<50000xf32, #tpu.memory_space<hbm>>
    tpu.enqueue_dma source(%arg8 : memref<50000xf32, #tpu.memory_space<vmem>>) target(%dma_start3A_1836 : memref<50000xf32, #tpu.memory_space<hbm>>) target_semaphore(%arg10 : memref<!tpu.dma_semaphore, #tpu.memory_space<semaphore_mem>>)
    %add3A_1837 = arith.constant 22 : i32
    %add3A_1838 = arith.addi %mul3A_2, %add3A_1837 : i32
    %dma_wait3A_1839 = arith.constant 0 : i32
    %dma_wait3A_1840 = tpu.memref_slice %arg4[%add3A_1838, %dma_wait3A_1839] : memref<1024x50000xf32, #tpu.memory_space<hbm>> -> memref<1x50000xf32, #tpu.memory_space<hbm>>
    %dma_wait3A_1841 = tpu.memref_squeeze %dma_wait3A_1840 : memref<1x50000xf32, #tpu.memory_space<hbm>> -> memref<50000xf32, #tpu.memory_space<hbm>>
    %dma_wait3A_1842 = arith.constant 0 : i32
    %dma_wait3A_1843 = tpu.memref_slice %arg4[%add3A_1838, %dma_wait3A_1842] : memref<1024x50000xf32, #tpu.memory_space<hbm>> -> memref<1x50000xf32, #tpu.memory_space<hbm>>
    %dma_wait3A_1844 = tpu.memref_squeeze %dma_wait3A_1843 : memref<1x50000xf32, #tpu.memory_space<hbm>> -> memref<50000xf32, #tpu.memory_space<hbm>>
    tpu.wait_dma2 semaphore(%arg9 : memref<!tpu.dma_semaphore, #tpu.memory_space<semaphore_mem>>) src(%arg7 : memref<50000xf32, #tpu.memory_space<vmem>>) dst(%dma_wait3A_1844 : memref<50000xf32, #tpu.memory_space<hbm>>)
    tpu.vector_store_idx %arg7[%select_n3A_1711], %broadcast_in_dim3A_25 masked %lt3A_37 : memref<50000xf32, #tpu.memory_space<vmem>>[vector<16xi32>], vector<16xf32>, vector<16xi1>
    tpu.vector_store_idx %arg7[%select_n3A_1725], %broadcast_in_dim3A_25 masked %lt3A_43 : memref<50000xf32, #tpu.memory_space<vmem>>[vector<16xi32>], vector<16xf32>, vector<16xi1>
    tpu.vector_store_idx %arg7[%select_n3A_1739], %broadcast_in_dim3A_25 masked %lt3A_49 : memref<50000xf32, #tpu.memory_space<vmem>>[vector<16xi32>], vector<16xf32>, vector<16xi1>
    tpu.vector_store_idx %arg7[%select_n3A_1753], %broadcast_in_dim3A_25 masked %lt3A_55 : memref<50000xf32, #tpu.memory_space<vmem>>[vector<16xi32>], vector<16xf32>, vector<16xi1>
    %broadcast_in_dim3A_1845 = arith.constant 40 : i32
    %broadcast_in_dim3A_1846 = vector.broadcast %broadcast_in_dim3A_1845 : i32 to vector<16xi32>
    %gather3A_1847 = tpu.vector_load_idx %arg5[%broadcast_in_dim3A_1846] : memref<48xi32, #tpu.memory_space<vmem>>[vector<16xi32>], vector<16xi32>,
    %add3A_1848 = arith.constant 0 : i32
    %add3A_1849 = vector.broadcast %add3A_1848 : i32 to vector<16xi32>
    %add3A_1850 = arith.addi %iota3A, %add3A_1849 : vector<16xi32>
    %add3A_1851 = arith.constant 1 : i32
    %add3A_1852 = vector.broadcast %add3A_1851 : i32 to vector<16xi32>
    %add3A_1853 = arith.addi %gather3A_1847, %add3A_1852 : vector<16xi32>
    %gather3A_1854 = tpu.vector_load_idx %arg6[%add3A_1853, %add3A_1850] : memref<101x64xi32, #tpu.memory_space<vmem>>[vector<16xi32>, vector<16xi32>], vector<16xi32>,
    %mul3A_1855 = arith.constant 1000 : i32
    %mul3A_1856 = vector.broadcast %mul3A_1855 : i32 to vector<16xi32>
    %mul3A_1857 = arith.muli %add3A_1850, %mul3A_1856 : vector<16xi32>
    %add3A_1858 = arith.addi %mul3A_1857, %gather3A_1854 : vector<16xi32>
    %jit3A_1859 = arith.constant 0 : i32
    %broadcast_in_dim3A_1860 = vector.broadcast %jit3A_1859 : i32 to vector<16xi32>
    %select_n3A_1861 = arith.select %lt3A_37, %add3A_1858, %broadcast_in_dim3A_1860 : vector<16xi1>, vector<16xi32>
    tpu.vector_store_idx %arg7[%select_n3A_1861], %broadcast_in_dim3A_32 masked %lt3A_37 : memref<50000xf32, #tpu.memory_space<vmem>>[vector<16xi32>], vector<16xf32>, vector<16xi1>
    %add3A_1862 = arith.constant 16 : i32
    %add3A_1863 = vector.broadcast %add3A_1862 : i32 to vector<16xi32>
    %add3A_1864 = arith.addi %iota3A, %add3A_1863 : vector<16xi32>
    %add3A_1865 = arith.constant 1 : i32
    %add3A_1866 = vector.broadcast %add3A_1865 : i32 to vector<16xi32>
    %add3A_1867 = arith.addi %gather3A_1847, %add3A_1866 : vector<16xi32>
    %gather3A_1868 = tpu.vector_load_idx %arg6[%add3A_1867, %add3A_1864] : memref<101x64xi32, #tpu.memory_space<vmem>>[vector<16xi32>, vector<16xi32>], vector<16xi32>,
    %mul3A_1869 = arith.constant 1000 : i32
    %mul3A_1870 = vector.broadcast %mul3A_1869 : i32 to vector<16xi32>
    %mul3A_1871 = arith.muli %add3A_1864, %mul3A_1870 : vector<16xi32>
    %add3A_1872 = arith.addi %mul3A_1871, %gather3A_1868 : vector<16xi32>
    %jit3A_1873 = arith.constant 0 : i32
    %broadcast_in_dim3A_1874 = vector.broadcast %jit3A_1873 : i32 to vector<16xi32>
    %select_n3A_1875 = arith.select %lt3A_43, %add3A_1872, %broadcast_in_dim3A_1874 : vector<16xi1>, vector<16xi32>
    tpu.vector_store_idx %arg7[%select_n3A_1875], %broadcast_in_dim3A_32 masked %lt3A_43 : memref<50000xf32, #tpu.memory_space<vmem>>[vector<16xi32>], vector<16xf32>, vector<16xi1>
    %add3A_1876 = arith.constant 32 : i32
    %add3A_1877 = vector.broadcast %add3A_1876 : i32 to vector<16xi32>
    %add3A_1878 = arith.addi %iota3A, %add3A_1877 : vector<16xi32>
    %add3A_1879 = arith.constant 1 : i32
    %add3A_1880 = vector.broadcast %add3A_1879 : i32 to vector<16xi32>
    %add3A_1881 = arith.addi %gather3A_1847, %add3A_1880 : vector<16xi32>
    %gather3A_1882 = tpu.vector_load_idx %arg6[%add3A_1881, %add3A_1878] : memref<101x64xi32, #tpu.memory_space<vmem>>[vector<16xi32>, vector<16xi32>], vector<16xi32>,
    %mul3A_1883 = arith.constant 1000 : i32
    %mul3A_1884 = vector.broadcast %mul3A_1883 : i32 to vector<16xi32>
    %mul3A_1885 = arith.muli %add3A_1878, %mul3A_1884 : vector<16xi32>
    %add3A_1886 = arith.addi %mul3A_1885, %gather3A_1882 : vector<16xi32>
    %jit3A_1887 = arith.constant 0 : i32
    %broadcast_in_dim3A_1888 = vector.broadcast %jit3A_1887 : i32 to vector<16xi32>
    %select_n3A_1889 = arith.select %lt3A_49, %add3A_1886, %broadcast_in_dim3A_1888 : vector<16xi1>, vector<16xi32>
    tpu.vector_store_idx %arg7[%select_n3A_1889], %broadcast_in_dim3A_32 masked %lt3A_49 : memref<50000xf32, #tpu.memory_space<vmem>>[vector<16xi32>], vector<16xf32>, vector<16xi1>
    %add3A_1890 = arith.constant 48 : i32
    %add3A_1891 = vector.broadcast %add3A_1890 : i32 to vector<16xi32>
    %add3A_1892 = arith.addi %iota3A, %add3A_1891 : vector<16xi32>
    %add3A_1893 = arith.constant 1 : i32
    %add3A_1894 = vector.broadcast %add3A_1893 : i32 to vector<16xi32>
    %add3A_1895 = arith.addi %gather3A_1847, %add3A_1894 : vector<16xi32>
    %gather3A_1896 = tpu.vector_load_idx %arg6[%add3A_1895, %add3A_1892] : memref<101x64xi32, #tpu.memory_space<vmem>>[vector<16xi32>, vector<16xi32>], vector<16xi32>,
    %mul3A_1897 = arith.constant 1000 : i32
    %mul3A_1898 = vector.broadcast %mul3A_1897 : i32 to vector<16xi32>
    %mul3A_1899 = arith.muli %add3A_1892, %mul3A_1898 : vector<16xi32>
    %add3A_1900 = arith.addi %mul3A_1899, %gather3A_1896 : vector<16xi32>
    %jit3A_1901 = arith.constant 0 : i32
    %broadcast_in_dim3A_1902 = vector.broadcast %jit3A_1901 : i32 to vector<16xi32>
    %select_n3A_1903 = arith.select %lt3A_55, %add3A_1900, %broadcast_in_dim3A_1902 : vector<16xi1>, vector<16xi32>
    tpu.vector_store_idx %arg7[%select_n3A_1903], %broadcast_in_dim3A_32 masked %lt3A_55 : memref<50000xf32, #tpu.memory_space<vmem>>[vector<16xi32>], vector<16xf32>, vector<16xi1>
    %add3A_1904 = arith.constant 24 : i32
    %add3A_1905 = arith.addi %mul3A_2, %add3A_1904 : i32
    %dma_start3A_1906 = arith.constant 0 : i32
    %dma_start3A_1907 = tpu.memref_slice %arg4[%add3A_1905, %dma_start3A_1906] : memref<1024x50000xf32, #tpu.memory_space<hbm>> -> memref<1x50000xf32, #tpu.memory_space<hbm>>
    %dma_start3A_1908 = tpu.memref_squeeze %dma_start3A_1907 : memref<1x50000xf32, #tpu.memory_space<hbm>> -> memref<50000xf32, #tpu.memory_space<hbm>>
    %dma_start3A_1909 = arith.constant 0 : i32
    %dma_start3A_1910 = tpu.memref_slice %arg4[%add3A_1905, %dma_start3A_1909] : memref<1024x50000xf32, #tpu.memory_space<hbm>> -> memref<1x50000xf32, #tpu.memory_space<hbm>>
    %dma_start3A_1911 = tpu.memref_squeeze %dma_start3A_1910 : memref<1x50000xf32, #tpu.memory_space<hbm>> -> memref<50000xf32, #tpu.memory_space<hbm>>
    tpu.enqueue_dma source(%arg7 : memref<50000xf32, #tpu.memory_space<vmem>>) target(%dma_start3A_1911 : memref<50000xf32, #tpu.memory_space<hbm>>) target_semaphore(%arg9 : memref<!tpu.dma_semaphore, #tpu.memory_space<semaphore_mem>>)
    %add3A_1912 = arith.constant 23 : i32
    %add3A_1913 = arith.addi %mul3A_2, %add3A_1912 : i32
    %dma_wait3A_1914 = arith.constant 0 : i32
    %dma_wait3A_1915 = tpu.memref_slice %arg4[%add3A_1913, %dma_wait3A_1914] : memref<1024x50000xf32, #tpu.memory_space<hbm>> -> memref<1x50000xf32, #tpu.memory_space<hbm>>
    %dma_wait3A_1916 = tpu.memref_squeeze %dma_wait3A_1915 : memref<1x50000xf32, #tpu.memory_space<hbm>> -> memref<50000xf32, #tpu.memory_space<hbm>>
    %dma_wait3A_1917 = arith.constant 0 : i32
    %dma_wait3A_1918 = tpu.memref_slice %arg4[%add3A_1913, %dma_wait3A_1917] : memref<1024x50000xf32, #tpu.memory_space<hbm>> -> memref<1x50000xf32, #tpu.memory_space<hbm>>
    %dma_wait3A_1919 = tpu.memref_squeeze %dma_wait3A_1918 : memref<1x50000xf32, #tpu.memory_space<hbm>> -> memref<50000xf32, #tpu.memory_space<hbm>>
    tpu.wait_dma2 semaphore(%arg10 : memref<!tpu.dma_semaphore, #tpu.memory_space<semaphore_mem>>) src(%arg8 : memref<50000xf32, #tpu.memory_space<vmem>>) dst(%dma_wait3A_1919 : memref<50000xf32, #tpu.memory_space<hbm>>)
    tpu.vector_store_idx %arg8[%select_n3A_1786], %broadcast_in_dim3A_25 masked %lt3A_37 : memref<50000xf32, #tpu.memory_space<vmem>>[vector<16xi32>], vector<16xf32>, vector<16xi1>
    tpu.vector_store_idx %arg8[%select_n3A_1800], %broadcast_in_dim3A_25 masked %lt3A_43 : memref<50000xf32, #tpu.memory_space<vmem>>[vector<16xi32>], vector<16xf32>, vector<16xi1>
    tpu.vector_store_idx %arg8[%select_n3A_1814], %broadcast_in_dim3A_25 masked %lt3A_49 : memref<50000xf32, #tpu.memory_space<vmem>>[vector<16xi32>], vector<16xf32>, vector<16xi1>
    tpu.vector_store_idx %arg8[%select_n3A_1828], %broadcast_in_dim3A_25 masked %lt3A_55 : memref<50000xf32, #tpu.memory_space<vmem>>[vector<16xi32>], vector<16xf32>, vector<16xi1>
    %broadcast_in_dim3A_1920 = arith.constant 41 : i32
    %broadcast_in_dim3A_1921 = vector.broadcast %broadcast_in_dim3A_1920 : i32 to vector<16xi32>
    %gather3A_1922 = tpu.vector_load_idx %arg5[%broadcast_in_dim3A_1921] : memref<48xi32, #tpu.memory_space<vmem>>[vector<16xi32>], vector<16xi32>,
    %add3A_1923 = arith.constant 0 : i32
    %add3A_1924 = vector.broadcast %add3A_1923 : i32 to vector<16xi32>
    %add3A_1925 = arith.addi %iota3A, %add3A_1924 : vector<16xi32>
    %add3A_1926 = arith.constant 1 : i32
    %add3A_1927 = vector.broadcast %add3A_1926 : i32 to vector<16xi32>
    %add3A_1928 = arith.addi %gather3A_1922, %add3A_1927 : vector<16xi32>
    %gather3A_1929 = tpu.vector_load_idx %arg6[%add3A_1928, %add3A_1925] : memref<101x64xi32, #tpu.memory_space<vmem>>[vector<16xi32>, vector<16xi32>], vector<16xi32>,
    %mul3A_1930 = arith.constant 1000 : i32
    %mul3A_1931 = vector.broadcast %mul3A_1930 : i32 to vector<16xi32>
    %mul3A_1932 = arith.muli %add3A_1925, %mul3A_1931 : vector<16xi32>
    %add3A_1933 = arith.addi %mul3A_1932, %gather3A_1929 : vector<16xi32>
    %jit3A_1934 = arith.constant 0 : i32
    %broadcast_in_dim3A_1935 = vector.broadcast %jit3A_1934 : i32 to vector<16xi32>
    %select_n3A_1936 = arith.select %lt3A_37, %add3A_1933, %broadcast_in_dim3A_1935 : vector<16xi1>, vector<16xi32>
    tpu.vector_store_idx %arg8[%select_n3A_1936], %broadcast_in_dim3A_32 masked %lt3A_37 : memref<50000xf32, #tpu.memory_space<vmem>>[vector<16xi32>], vector<16xf32>, vector<16xi1>
    %add3A_1937 = arith.constant 16 : i32
    %add3A_1938 = vector.broadcast %add3A_1937 : i32 to vector<16xi32>
    %add3A_1939 = arith.addi %iota3A, %add3A_1938 : vector<16xi32>
    %add3A_1940 = arith.constant 1 : i32
    %add3A_1941 = vector.broadcast %add3A_1940 : i32 to vector<16xi32>
    %add3A_1942 = arith.addi %gather3A_1922, %add3A_1941 : vector<16xi32>
    %gather3A_1943 = tpu.vector_load_idx %arg6[%add3A_1942, %add3A_1939] : memref<101x64xi32, #tpu.memory_space<vmem>>[vector<16xi32>, vector<16xi32>], vector<16xi32>,
    %mul3A_1944 = arith.constant 1000 : i32
    %mul3A_1945 = vector.broadcast %mul3A_1944 : i32 to vector<16xi32>
    %mul3A_1946 = arith.muli %add3A_1939, %mul3A_1945 : vector<16xi32>
    %add3A_1947 = arith.addi %mul3A_1946, %gather3A_1943 : vector<16xi32>
    %jit3A_1948 = arith.constant 0 : i32
    %broadcast_in_dim3A_1949 = vector.broadcast %jit3A_1948 : i32 to vector<16xi32>
    %select_n3A_1950 = arith.select %lt3A_43, %add3A_1947, %broadcast_in_dim3A_1949 : vector<16xi1>, vector<16xi32>
    tpu.vector_store_idx %arg8[%select_n3A_1950], %broadcast_in_dim3A_32 masked %lt3A_43 : memref<50000xf32, #tpu.memory_space<vmem>>[vector<16xi32>], vector<16xf32>, vector<16xi1>
    %add3A_1951 = arith.constant 32 : i32
    %add3A_1952 = vector.broadcast %add3A_1951 : i32 to vector<16xi32>
    %add3A_1953 = arith.addi %iota3A, %add3A_1952 : vector<16xi32>
    %add3A_1954 = arith.constant 1 : i32
    %add3A_1955 = vector.broadcast %add3A_1954 : i32 to vector<16xi32>
    %add3A_1956 = arith.addi %gather3A_1922, %add3A_1955 : vector<16xi32>
    %gather3A_1957 = tpu.vector_load_idx %arg6[%add3A_1956, %add3A_1953] : memref<101x64xi32, #tpu.memory_space<vmem>>[vector<16xi32>, vector<16xi32>], vector<16xi32>,
    %mul3A_1958 = arith.constant 1000 : i32
    %mul3A_1959 = vector.broadcast %mul3A_1958 : i32 to vector<16xi32>
    %mul3A_1960 = arith.muli %add3A_1953, %mul3A_1959 : vector<16xi32>
    %add3A_1961 = arith.addi %mul3A_1960, %gather3A_1957 : vector<16xi32>
    %jit3A_1962 = arith.constant 0 : i32
    %broadcast_in_dim3A_1963 = vector.broadcast %jit3A_1962 : i32 to vector<16xi32>
    %select_n3A_1964 = arith.select %lt3A_49, %add3A_1961, %broadcast_in_dim3A_1963 : vector<16xi1>, vector<16xi32>
    tpu.vector_store_idx %arg8[%select_n3A_1964], %broadcast_in_dim3A_32 masked %lt3A_49 : memref<50000xf32, #tpu.memory_space<vmem>>[vector<16xi32>], vector<16xf32>, vector<16xi1>
    %add3A_1965 = arith.constant 48 : i32
    %add3A_1966 = vector.broadcast %add3A_1965 : i32 to vector<16xi32>
    %add3A_1967 = arith.addi %iota3A, %add3A_1966 : vector<16xi32>
    %add3A_1968 = arith.constant 1 : i32
    %add3A_1969 = vector.broadcast %add3A_1968 : i32 to vector<16xi32>
    %add3A_1970 = arith.addi %gather3A_1922, %add3A_1969 : vector<16xi32>
    %gather3A_1971 = tpu.vector_load_idx %arg6[%add3A_1970, %add3A_1967] : memref<101x64xi32, #tpu.memory_space<vmem>>[vector<16xi32>, vector<16xi32>], vector<16xi32>,
    %mul3A_1972 = arith.constant 1000 : i32
    %mul3A_1973 = vector.broadcast %mul3A_1972 : i32 to vector<16xi32>
    %mul3A_1974 = arith.muli %add3A_1967, %mul3A_1973 : vector<16xi32>
    %add3A_1975 = arith.addi %mul3A_1974, %gather3A_1971 : vector<16xi32>
    %jit3A_1976 = arith.constant 0 : i32
    %broadcast_in_dim3A_1977 = vector.broadcast %jit3A_1976 : i32 to vector<16xi32>
    %select_n3A_1978 = arith.select %lt3A_55, %add3A_1975, %broadcast_in_dim3A_1977 : vector<16xi1>, vector<16xi32>
    tpu.vector_store_idx %arg8[%select_n3A_1978], %broadcast_in_dim3A_32 masked %lt3A_55 : memref<50000xf32, #tpu.memory_space<vmem>>[vector<16xi32>], vector<16xf32>, vector<16xi1>
    %add3A_1979 = arith.constant 25 : i32
    %add3A_1980 = arith.addi %mul3A_2, %add3A_1979 : i32
    %dma_start3A_1981 = arith.constant 0 : i32
    %dma_start3A_1982 = tpu.memref_slice %arg4[%add3A_1980, %dma_start3A_1981] : memref<1024x50000xf32, #tpu.memory_space<hbm>> -> memref<1x50000xf32, #tpu.memory_space<hbm>>
    %dma_start3A_1983 = tpu.memref_squeeze %dma_start3A_1982 : memref<1x50000xf32, #tpu.memory_space<hbm>> -> memref<50000xf32, #tpu.memory_space<hbm>>
    %dma_start3A_1984 = arith.constant 0 : i32
    %dma_start3A_1985 = tpu.memref_slice %arg4[%add3A_1980, %dma_start3A_1984] : memref<1024x50000xf32, #tpu.memory_space<hbm>> -> memref<1x50000xf32, #tpu.memory_space<hbm>>
    %dma_start3A_1986 = tpu.memref_squeeze %dma_start3A_1985 : memref<1x50000xf32, #tpu.memory_space<hbm>> -> memref<50000xf32, #tpu.memory_space<hbm>>
    tpu.enqueue_dma source(%arg8 : memref<50000xf32, #tpu.memory_space<vmem>>) target(%dma_start3A_1986 : memref<50000xf32, #tpu.memory_space<hbm>>) target_semaphore(%arg10 : memref<!tpu.dma_semaphore, #tpu.memory_space<semaphore_mem>>)
    %add3A_1987 = arith.constant 24 : i32
    %add3A_1988 = arith.addi %mul3A_2, %add3A_1987 : i32
    %dma_wait3A_1989 = arith.constant 0 : i32
    %dma_wait3A_1990 = tpu.memref_slice %arg4[%add3A_1988, %dma_wait3A_1989] : memref<1024x50000xf32, #tpu.memory_space<hbm>> -> memref<1x50000xf32, #tpu.memory_space<hbm>>
    %dma_wait3A_1991 = tpu.memref_squeeze %dma_wait3A_1990 : memref<1x50000xf32, #tpu.memory_space<hbm>> -> memref<50000xf32, #tpu.memory_space<hbm>>
    %dma_wait3A_1992 = arith.constant 0 : i32
    %dma_wait3A_1993 = tpu.memref_slice %arg4[%add3A_1988, %dma_wait3A_1992] : memref<1024x50000xf32, #tpu.memory_space<hbm>> -> memref<1x50000xf32, #tpu.memory_space<hbm>>
    %dma_wait3A_1994 = tpu.memref_squeeze %dma_wait3A_1993 : memref<1x50000xf32, #tpu.memory_space<hbm>> -> memref<50000xf32, #tpu.memory_space<hbm>>
    tpu.wait_dma2 semaphore(%arg9 : memref<!tpu.dma_semaphore, #tpu.memory_space<semaphore_mem>>) src(%arg7 : memref<50000xf32, #tpu.memory_space<vmem>>) dst(%dma_wait3A_1994 : memref<50000xf32, #tpu.memory_space<hbm>>)
    tpu.vector_store_idx %arg7[%select_n3A_1861], %broadcast_in_dim3A_25 masked %lt3A_37 : memref<50000xf32, #tpu.memory_space<vmem>>[vector<16xi32>], vector<16xf32>, vector<16xi1>
    tpu.vector_store_idx %arg7[%select_n3A_1875], %broadcast_in_dim3A_25 masked %lt3A_43 : memref<50000xf32, #tpu.memory_space<vmem>>[vector<16xi32>], vector<16xf32>, vector<16xi1>
    tpu.vector_store_idx %arg7[%select_n3A_1889], %broadcast_in_dim3A_25 masked %lt3A_49 : memref<50000xf32, #tpu.memory_space<vmem>>[vector<16xi32>], vector<16xf32>, vector<16xi1>
    tpu.vector_store_idx %arg7[%select_n3A_1903], %broadcast_in_dim3A_25 masked %lt3A_55 : memref<50000xf32, #tpu.memory_space<vmem>>[vector<16xi32>], vector<16xf32>, vector<16xi1>
    %broadcast_in_dim3A_1995 = arith.constant 42 : i32
    %broadcast_in_dim3A_1996 = vector.broadcast %broadcast_in_dim3A_1995 : i32 to vector<16xi32>
    %gather3A_1997 = tpu.vector_load_idx %arg5[%broadcast_in_dim3A_1996] : memref<48xi32, #tpu.memory_space<vmem>>[vector<16xi32>], vector<16xi32>,
    %add3A_1998 = arith.constant 0 : i32
    %add3A_1999 = vector.broadcast %add3A_1998 : i32 to vector<16xi32>
    %add3A_2000 = arith.addi %iota3A, %add3A_1999 : vector<16xi32>
    %add3A_2001 = arith.constant 1 : i32
    %add3A_2002 = vector.broadcast %add3A_2001 : i32 to vector<16xi32>
    %add3A_2003 = arith.addi %gather3A_1997, %add3A_2002 : vector<16xi32>
    %gather3A_2004 = tpu.vector_load_idx %arg6[%add3A_2003, %add3A_2000] : memref<101x64xi32, #tpu.memory_space<vmem>>[vector<16xi32>, vector<16xi32>], vector<16xi32>,
    %mul3A_2005 = arith.constant 1000 : i32
    %mul3A_2006 = vector.broadcast %mul3A_2005 : i32 to vector<16xi32>
    %mul3A_2007 = arith.muli %add3A_2000, %mul3A_2006 : vector<16xi32>
    %add3A_2008 = arith.addi %mul3A_2007, %gather3A_2004 : vector<16xi32>
    %jit3A_2009 = arith.constant 0 : i32
    %broadcast_in_dim3A_2010 = vector.broadcast %jit3A_2009 : i32 to vector<16xi32>
    %select_n3A_2011 = arith.select %lt3A_37, %add3A_2008, %broadcast_in_dim3A_2010 : vector<16xi1>, vector<16xi32>
    tpu.vector_store_idx %arg7[%select_n3A_2011], %broadcast_in_dim3A_32 masked %lt3A_37 : memref<50000xf32, #tpu.memory_space<vmem>>[vector<16xi32>], vector<16xf32>, vector<16xi1>
    %add3A_2012 = arith.constant 16 : i32
    %add3A_2013 = vector.broadcast %add3A_2012 : i32 to vector<16xi32>
    %add3A_2014 = arith.addi %iota3A, %add3A_2013 : vector<16xi32>
    %add3A_2015 = arith.constant 1 : i32
    %add3A_2016 = vector.broadcast %add3A_2015 : i32 to vector<16xi32>
    %add3A_2017 = arith.addi %gather3A_1997, %add3A_2016 : vector<16xi32>
    %gather3A_2018 = tpu.vector_load_idx %arg6[%add3A_2017, %add3A_2014] : memref<101x64xi32, #tpu.memory_space<vmem>>[vector<16xi32>, vector<16xi32>], vector<16xi32>,
    %mul3A_2019 = arith.constant 1000 : i32
    %mul3A_2020 = vector.broadcast %mul3A_2019 : i32 to vector<16xi32>
    %mul3A_2021 = arith.muli %add3A_2014, %mul3A_2020 : vector<16xi32>
    %add3A_2022 = arith.addi %mul3A_2021, %gather3A_2018 : vector<16xi32>
    %jit3A_2023 = arith.constant 0 : i32
    %broadcast_in_dim3A_2024 = vector.broadcast %jit3A_2023 : i32 to vector<16xi32>
    %select_n3A_2025 = arith.select %lt3A_43, %add3A_2022, %broadcast_in_dim3A_2024 : vector<16xi1>, vector<16xi32>
    tpu.vector_store_idx %arg7[%select_n3A_2025], %broadcast_in_dim3A_32 masked %lt3A_43 : memref<50000xf32, #tpu.memory_space<vmem>>[vector<16xi32>], vector<16xf32>, vector<16xi1>
    %add3A_2026 = arith.constant 32 : i32
    %add3A_2027 = vector.broadcast %add3A_2026 : i32 to vector<16xi32>
    %add3A_2028 = arith.addi %iota3A, %add3A_2027 : vector<16xi32>
    %add3A_2029 = arith.constant 1 : i32
    %add3A_2030 = vector.broadcast %add3A_2029 : i32 to vector<16xi32>
    %add3A_2031 = arith.addi %gather3A_1997, %add3A_2030 : vector<16xi32>
    %gather3A_2032 = tpu.vector_load_idx %arg6[%add3A_2031, %add3A_2028] : memref<101x64xi32, #tpu.memory_space<vmem>>[vector<16xi32>, vector<16xi32>], vector<16xi32>,
    %mul3A_2033 = arith.constant 1000 : i32
    %mul3A_2034 = vector.broadcast %mul3A_2033 : i32 to vector<16xi32>
    %mul3A_2035 = arith.muli %add3A_2028, %mul3A_2034 : vector<16xi32>
    %add3A_2036 = arith.addi %mul3A_2035, %gather3A_2032 : vector<16xi32>
    %jit3A_2037 = arith.constant 0 : i32
    %broadcast_in_dim3A_2038 = vector.broadcast %jit3A_2037 : i32 to vector<16xi32>
    %select_n3A_2039 = arith.select %lt3A_49, %add3A_2036, %broadcast_in_dim3A_2038 : vector<16xi1>, vector<16xi32>
    tpu.vector_store_idx %arg7[%select_n3A_2039], %broadcast_in_dim3A_32 masked %lt3A_49 : memref<50000xf32, #tpu.memory_space<vmem>>[vector<16xi32>], vector<16xf32>, vector<16xi1>
    %add3A_2040 = arith.constant 48 : i32
    %add3A_2041 = vector.broadcast %add3A_2040 : i32 to vector<16xi32>
    %add3A_2042 = arith.addi %iota3A, %add3A_2041 : vector<16xi32>
    %add3A_2043 = arith.constant 1 : i32
    %add3A_2044 = vector.broadcast %add3A_2043 : i32 to vector<16xi32>
    %add3A_2045 = arith.addi %gather3A_1997, %add3A_2044 : vector<16xi32>
    %gather3A_2046 = tpu.vector_load_idx %arg6[%add3A_2045, %add3A_2042] : memref<101x64xi32, #tpu.memory_space<vmem>>[vector<16xi32>, vector<16xi32>], vector<16xi32>,
    %mul3A_2047 = arith.constant 1000 : i32
    %mul3A_2048 = vector.broadcast %mul3A_2047 : i32 to vector<16xi32>
    %mul3A_2049 = arith.muli %add3A_2042, %mul3A_2048 : vector<16xi32>
    %add3A_2050 = arith.addi %mul3A_2049, %gather3A_2046 : vector<16xi32>
    %jit3A_2051 = arith.constant 0 : i32
    %broadcast_in_dim3A_2052 = vector.broadcast %jit3A_2051 : i32 to vector<16xi32>
    %select_n3A_2053 = arith.select %lt3A_55, %add3A_2050, %broadcast_in_dim3A_2052 : vector<16xi1>, vector<16xi32>
    tpu.vector_store_idx %arg7[%select_n3A_2053], %broadcast_in_dim3A_32 masked %lt3A_55 : memref<50000xf32, #tpu.memory_space<vmem>>[vector<16xi32>], vector<16xf32>, vector<16xi1>
    %add3A_2054 = arith.constant 26 : i32
    %add3A_2055 = arith.addi %mul3A_2, %add3A_2054 : i32
    %dma_start3A_2056 = arith.constant 0 : i32
    %dma_start3A_2057 = tpu.memref_slice %arg4[%add3A_2055, %dma_start3A_2056] : memref<1024x50000xf32, #tpu.memory_space<hbm>> -> memref<1x50000xf32, #tpu.memory_space<hbm>>
    %dma_start3A_2058 = tpu.memref_squeeze %dma_start3A_2057 : memref<1x50000xf32, #tpu.memory_space<hbm>> -> memref<50000xf32, #tpu.memory_space<hbm>>
    %dma_start3A_2059 = arith.constant 0 : i32
    %dma_start3A_2060 = tpu.memref_slice %arg4[%add3A_2055, %dma_start3A_2059] : memref<1024x50000xf32, #tpu.memory_space<hbm>> -> memref<1x50000xf32, #tpu.memory_space<hbm>>
    %dma_start3A_2061 = tpu.memref_squeeze %dma_start3A_2060 : memref<1x50000xf32, #tpu.memory_space<hbm>> -> memref<50000xf32, #tpu.memory_space<hbm>>
    tpu.enqueue_dma source(%arg7 : memref<50000xf32, #tpu.memory_space<vmem>>) target(%dma_start3A_2061 : memref<50000xf32, #tpu.memory_space<hbm>>) target_semaphore(%arg9 : memref<!tpu.dma_semaphore, #tpu.memory_space<semaphore_mem>>)
    %add3A_2062 = arith.constant 25 : i32
    %add3A_2063 = arith.addi %mul3A_2, %add3A_2062 : i32
    %dma_wait3A_2064 = arith.constant 0 : i32
    %dma_wait3A_2065 = tpu.memref_slice %arg4[%add3A_2063, %dma_wait3A_2064] : memref<1024x50000xf32, #tpu.memory_space<hbm>> -> memref<1x50000xf32, #tpu.memory_space<hbm>>
    %dma_wait3A_2066 = tpu.memref_squeeze %dma_wait3A_2065 : memref<1x50000xf32, #tpu.memory_space<hbm>> -> memref<50000xf32, #tpu.memory_space<hbm>>
    %dma_wait3A_2067 = arith.constant 0 : i32
    %dma_wait3A_2068 = tpu.memref_slice %arg4[%add3A_2063, %dma_wait3A_2067] : memref<1024x50000xf32, #tpu.memory_space<hbm>> -> memref<1x50000xf32, #tpu.memory_space<hbm>>
    %dma_wait3A_2069 = tpu.memref_squeeze %dma_wait3A_2068 : memref<1x50000xf32, #tpu.memory_space<hbm>> -> memref<50000xf32, #tpu.memory_space<hbm>>
    tpu.wait_dma2 semaphore(%arg10 : memref<!tpu.dma_semaphore, #tpu.memory_space<semaphore_mem>>) src(%arg8 : memref<50000xf32, #tpu.memory_space<vmem>>) dst(%dma_wait3A_2069 : memref<50000xf32, #tpu.memory_space<hbm>>)
    tpu.vector_store_idx %arg8[%select_n3A_1936], %broadcast_in_dim3A_25 masked %lt3A_37 : memref<50000xf32, #tpu.memory_space<vmem>>[vector<16xi32>], vector<16xf32>, vector<16xi1>
    tpu.vector_store_idx %arg8[%select_n3A_1950], %broadcast_in_dim3A_25 masked %lt3A_43 : memref<50000xf32, #tpu.memory_space<vmem>>[vector<16xi32>], vector<16xf32>, vector<16xi1>
    tpu.vector_store_idx %arg8[%select_n3A_1964], %broadcast_in_dim3A_25 masked %lt3A_49 : memref<50000xf32, #tpu.memory_space<vmem>>[vector<16xi32>], vector<16xf32>, vector<16xi1>
    tpu.vector_store_idx %arg8[%select_n3A_1978], %broadcast_in_dim3A_25 masked %lt3A_55 : memref<50000xf32, #tpu.memory_space<vmem>>[vector<16xi32>], vector<16xf32>, vector<16xi1>
    %broadcast_in_dim3A_2070 = arith.constant 43 : i32
    %broadcast_in_dim3A_2071 = vector.broadcast %broadcast_in_dim3A_2070 : i32 to vector<16xi32>
    %gather3A_2072 = tpu.vector_load_idx %arg5[%broadcast_in_dim3A_2071] : memref<48xi32, #tpu.memory_space<vmem>>[vector<16xi32>], vector<16xi32>,
    %add3A_2073 = arith.constant 0 : i32
    %add3A_2074 = vector.broadcast %add3A_2073 : i32 to vector<16xi32>
    %add3A_2075 = arith.addi %iota3A, %add3A_2074 : vector<16xi32>
    %add3A_2076 = arith.constant 1 : i32
    %add3A_2077 = vector.broadcast %add3A_2076 : i32 to vector<16xi32>
    %add3A_2078 = arith.addi %gather3A_2072, %add3A_2077 : vector<16xi32>
    %gather3A_2079 = tpu.vector_load_idx %arg6[%add3A_2078, %add3A_2075] : memref<101x64xi32, #tpu.memory_space<vmem>>[vector<16xi32>, vector<16xi32>], vector<16xi32>,
    %mul3A_2080 = arith.constant 1000 : i32
    %mul3A_2081 = vector.broadcast %mul3A_2080 : i32 to vector<16xi32>
    %mul3A_2082 = arith.muli %add3A_2075, %mul3A_2081 : vector<16xi32>
    %add3A_2083 = arith.addi %mul3A_2082, %gather3A_2079 : vector<16xi32>
    %jit3A_2084 = arith.constant 0 : i32
    %broadcast_in_dim3A_2085 = vector.broadcast %jit3A_2084 : i32 to vector<16xi32>
    %select_n3A_2086 = arith.select %lt3A_37, %add3A_2083, %broadcast_in_dim3A_2085 : vector<16xi1>, vector<16xi32>
    tpu.vector_store_idx %arg8[%select_n3A_2086], %broadcast_in_dim3A_32 masked %lt3A_37 : memref<50000xf32, #tpu.memory_space<vmem>>[vector<16xi32>], vector<16xf32>, vector<16xi1>
    %add3A_2087 = arith.constant 16 : i32
    %add3A_2088 = vector.broadcast %add3A_2087 : i32 to vector<16xi32>
    %add3A_2089 = arith.addi %iota3A, %add3A_2088 : vector<16xi32>
    %add3A_2090 = arith.constant 1 : i32
    %add3A_2091 = vector.broadcast %add3A_2090 : i32 to vector<16xi32>
    %add3A_2092 = arith.addi %gather3A_2072, %add3A_2091 : vector<16xi32>
    %gather3A_2093 = tpu.vector_load_idx %arg6[%add3A_2092, %add3A_2089] : memref<101x64xi32, #tpu.memory_space<vmem>>[vector<16xi32>, vector<16xi32>], vector<16xi32>,
    %mul3A_2094 = arith.constant 1000 : i32
    %mul3A_2095 = vector.broadcast %mul3A_2094 : i32 to vector<16xi32>
    %mul3A_2096 = arith.muli %add3A_2089, %mul3A_2095 : vector<16xi32>
    %add3A_2097 = arith.addi %mul3A_2096, %gather3A_2093 : vector<16xi32>
    %jit3A_2098 = arith.constant 0 : i32
    %broadcast_in_dim3A_2099 = vector.broadcast %jit3A_2098 : i32 to vector<16xi32>
    %select_n3A_2100 = arith.select %lt3A_43, %add3A_2097, %broadcast_in_dim3A_2099 : vector<16xi1>, vector<16xi32>
    tpu.vector_store_idx %arg8[%select_n3A_2100], %broadcast_in_dim3A_32 masked %lt3A_43 : memref<50000xf32, #tpu.memory_space<vmem>>[vector<16xi32>], vector<16xf32>, vector<16xi1>
    %add3A_2101 = arith.constant 32 : i32
    %add3A_2102 = vector.broadcast %add3A_2101 : i32 to vector<16xi32>
    %add3A_2103 = arith.addi %iota3A, %add3A_2102 : vector<16xi32>
    %add3A_2104 = arith.constant 1 : i32
    %add3A_2105 = vector.broadcast %add3A_2104 : i32 to vector<16xi32>
    %add3A_2106 = arith.addi %gather3A_2072, %add3A_2105 : vector<16xi32>
    %gather3A_2107 = tpu.vector_load_idx %arg6[%add3A_2106, %add3A_2103] : memref<101x64xi32, #tpu.memory_space<vmem>>[vector<16xi32>, vector<16xi32>], vector<16xi32>,
    %mul3A_2108 = arith.constant 1000 : i32
    %mul3A_2109 = vector.broadcast %mul3A_2108 : i32 to vector<16xi32>
    %mul3A_2110 = arith.muli %add3A_2103, %mul3A_2109 : vector<16xi32>
    %add3A_2111 = arith.addi %mul3A_2110, %gather3A_2107 : vector<16xi32>
    %jit3A_2112 = arith.constant 0 : i32
    %broadcast_in_dim3A_2113 = vector.broadcast %jit3A_2112 : i32 to vector<16xi32>
    %select_n3A_2114 = arith.select %lt3A_49, %add3A_2111, %broadcast_in_dim3A_2113 : vector<16xi1>, vector<16xi32>
    tpu.vector_store_idx %arg8[%select_n3A_2114], %broadcast_in_dim3A_32 masked %lt3A_49 : memref<50000xf32, #tpu.memory_space<vmem>>[vector<16xi32>], vector<16xf32>, vector<16xi1>
    %add3A_2115 = arith.constant 48 : i32
    %add3A_2116 = vector.broadcast %add3A_2115 : i32 to vector<16xi32>
    %add3A_2117 = arith.addi %iota3A, %add3A_2116 : vector<16xi32>
    %add3A_2118 = arith.constant 1 : i32
    %add3A_2119 = vector.broadcast %add3A_2118 : i32 to vector<16xi32>
    %add3A_2120 = arith.addi %gather3A_2072, %add3A_2119 : vector<16xi32>
    %gather3A_2121 = tpu.vector_load_idx %arg6[%add3A_2120, %add3A_2117] : memref<101x64xi32, #tpu.memory_space<vmem>>[vector<16xi32>, vector<16xi32>], vector<16xi32>,
    %mul3A_2122 = arith.constant 1000 : i32
    %mul3A_2123 = vector.broadcast %mul3A_2122 : i32 to vector<16xi32>
    %mul3A_2124 = arith.muli %add3A_2117, %mul3A_2123 : vector<16xi32>
    %add3A_2125 = arith.addi %mul3A_2124, %gather3A_2121 : vector<16xi32>
    %jit3A_2126 = arith.constant 0 : i32
    %broadcast_in_dim3A_2127 = vector.broadcast %jit3A_2126 : i32 to vector<16xi32>
    %select_n3A_2128 = arith.select %lt3A_55, %add3A_2125, %broadcast_in_dim3A_2127 : vector<16xi1>, vector<16xi32>
    tpu.vector_store_idx %arg8[%select_n3A_2128], %broadcast_in_dim3A_32 masked %lt3A_55 : memref<50000xf32, #tpu.memory_space<vmem>>[vector<16xi32>], vector<16xf32>, vector<16xi1>
    %add3A_2129 = arith.constant 27 : i32
    %add3A_2130 = arith.addi %mul3A_2, %add3A_2129 : i32
    %dma_start3A_2131 = arith.constant 0 : i32
    %dma_start3A_2132 = tpu.memref_slice %arg4[%add3A_2130, %dma_start3A_2131] : memref<1024x50000xf32, #tpu.memory_space<hbm>> -> memref<1x50000xf32, #tpu.memory_space<hbm>>
    %dma_start3A_2133 = tpu.memref_squeeze %dma_start3A_2132 : memref<1x50000xf32, #tpu.memory_space<hbm>> -> memref<50000xf32, #tpu.memory_space<hbm>>
    %dma_start3A_2134 = arith.constant 0 : i32
    %dma_start3A_2135 = tpu.memref_slice %arg4[%add3A_2130, %dma_start3A_2134] : memref<1024x50000xf32, #tpu.memory_space<hbm>> -> memref<1x50000xf32, #tpu.memory_space<hbm>>
    %dma_start3A_2136 = tpu.memref_squeeze %dma_start3A_2135 : memref<1x50000xf32, #tpu.memory_space<hbm>> -> memref<50000xf32, #tpu.memory_space<hbm>>
    tpu.enqueue_dma source(%arg8 : memref<50000xf32, #tpu.memory_space<vmem>>) target(%dma_start3A_2136 : memref<50000xf32, #tpu.memory_space<hbm>>) target_semaphore(%arg10 : memref<!tpu.dma_semaphore, #tpu.memory_space<semaphore_mem>>)
    %add3A_2137 = arith.constant 26 : i32
    %add3A_2138 = arith.addi %mul3A_2, %add3A_2137 : i32
    %dma_wait3A_2139 = arith.constant 0 : i32
    %dma_wait3A_2140 = tpu.memref_slice %arg4[%add3A_2138, %dma_wait3A_2139] : memref<1024x50000xf32, #tpu.memory_space<hbm>> -> memref<1x50000xf32, #tpu.memory_space<hbm>>
    %dma_wait3A_2141 = tpu.memref_squeeze %dma_wait3A_2140 : memref<1x50000xf32, #tpu.memory_space<hbm>> -> memref<50000xf32, #tpu.memory_space<hbm>>
    %dma_wait3A_2142 = arith.constant 0 : i32
    %dma_wait3A_2143 = tpu.memref_slice %arg4[%add3A_2138, %dma_wait3A_2142] : memref<1024x50000xf32, #tpu.memory_space<hbm>> -> memref<1x50000xf32, #tpu.memory_space<hbm>>
    %dma_wait3A_2144 = tpu.memref_squeeze %dma_wait3A_2143 : memref<1x50000xf32, #tpu.memory_space<hbm>> -> memref<50000xf32, #tpu.memory_space<hbm>>
    tpu.wait_dma2 semaphore(%arg9 : memref<!tpu.dma_semaphore, #tpu.memory_space<semaphore_mem>>) src(%arg7 : memref<50000xf32, #tpu.memory_space<vmem>>) dst(%dma_wait3A_2144 : memref<50000xf32, #tpu.memory_space<hbm>>)
    tpu.vector_store_idx %arg7[%select_n3A_2011], %broadcast_in_dim3A_25 masked %lt3A_37 : memref<50000xf32, #tpu.memory_space<vmem>>[vector<16xi32>], vector<16xf32>, vector<16xi1>
    tpu.vector_store_idx %arg7[%select_n3A_2025], %broadcast_in_dim3A_25 masked %lt3A_43 : memref<50000xf32, #tpu.memory_space<vmem>>[vector<16xi32>], vector<16xf32>, vector<16xi1>
    tpu.vector_store_idx %arg7[%select_n3A_2039], %broadcast_in_dim3A_25 masked %lt3A_49 : memref<50000xf32, #tpu.memory_space<vmem>>[vector<16xi32>], vector<16xf32>, vector<16xi1>
    tpu.vector_store_idx %arg7[%select_n3A_2053], %broadcast_in_dim3A_25 masked %lt3A_55 : memref<50000xf32, #tpu.memory_space<vmem>>[vector<16xi32>], vector<16xf32>, vector<16xi1>
    %broadcast_in_dim3A_2145 = arith.constant 44 : i32
    %broadcast_in_dim3A_2146 = vector.broadcast %broadcast_in_dim3A_2145 : i32 to vector<16xi32>
    %gather3A_2147 = tpu.vector_load_idx %arg5[%broadcast_in_dim3A_2146] : memref<48xi32, #tpu.memory_space<vmem>>[vector<16xi32>], vector<16xi32>,
    %add3A_2148 = arith.constant 0 : i32
    %add3A_2149 = vector.broadcast %add3A_2148 : i32 to vector<16xi32>
    %add3A_2150 = arith.addi %iota3A, %add3A_2149 : vector<16xi32>
    %add3A_2151 = arith.constant 1 : i32
    %add3A_2152 = vector.broadcast %add3A_2151 : i32 to vector<16xi32>
    %add3A_2153 = arith.addi %gather3A_2147, %add3A_2152 : vector<16xi32>
    %gather3A_2154 = tpu.vector_load_idx %arg6[%add3A_2153, %add3A_2150] : memref<101x64xi32, #tpu.memory_space<vmem>>[vector<16xi32>, vector<16xi32>], vector<16xi32>,
    %mul3A_2155 = arith.constant 1000 : i32
    %mul3A_2156 = vector.broadcast %mul3A_2155 : i32 to vector<16xi32>
    %mul3A_2157 = arith.muli %add3A_2150, %mul3A_2156 : vector<16xi32>
    %add3A_2158 = arith.addi %mul3A_2157, %gather3A_2154 : vector<16xi32>
    %jit3A_2159 = arith.constant 0 : i32
    %broadcast_in_dim3A_2160 = vector.broadcast %jit3A_2159 : i32 to vector<16xi32>
    %select_n3A_2161 = arith.select %lt3A_37, %add3A_2158, %broadcast_in_dim3A_2160 : vector<16xi1>, vector<16xi32>
    tpu.vector_store_idx %arg7[%select_n3A_2161], %broadcast_in_dim3A_32 masked %lt3A_37 : memref<50000xf32, #tpu.memory_space<vmem>>[vector<16xi32>], vector<16xf32>, vector<16xi1>
    %add3A_2162 = arith.constant 16 : i32
    %add3A_2163 = vector.broadcast %add3A_2162 : i32 to vector<16xi32>
    %add3A_2164 = arith.addi %iota3A, %add3A_2163 : vector<16xi32>
    %add3A_2165 = arith.constant 1 : i32
    %add3A_2166 = vector.broadcast %add3A_2165 : i32 to vector<16xi32>
    %add3A_2167 = arith.addi %gather3A_2147, %add3A_2166 : vector<16xi32>
    %gather3A_2168 = tpu.vector_load_idx %arg6[%add3A_2167, %add3A_2164] : memref<101x64xi32, #tpu.memory_space<vmem>>[vector<16xi32>, vector<16xi32>], vector<16xi32>,
    %mul3A_2169 = arith.constant 1000 : i32
    %mul3A_2170 = vector.broadcast %mul3A_2169 : i32 to vector<16xi32>
    %mul3A_2171 = arith.muli %add3A_2164, %mul3A_2170 : vector<16xi32>
    %add3A_2172 = arith.addi %mul3A_2171, %gather3A_2168 : vector<16xi32>
    %jit3A_2173 = arith.constant 0 : i32
    %broadcast_in_dim3A_2174 = vector.broadcast %jit3A_2173 : i32 to vector<16xi32>
    %select_n3A_2175 = arith.select %lt3A_43, %add3A_2172, %broadcast_in_dim3A_2174 : vector<16xi1>, vector<16xi32>
    tpu.vector_store_idx %arg7[%select_n3A_2175], %broadcast_in_dim3A_32 masked %lt3A_43 : memref<50000xf32, #tpu.memory_space<vmem>>[vector<16xi32>], vector<16xf32>, vector<16xi1>
    %add3A_2176 = arith.constant 32 : i32
    %add3A_2177 = vector.broadcast %add3A_2176 : i32 to vector<16xi32>
    %add3A_2178 = arith.addi %iota3A, %add3A_2177 : vector<16xi32>
    %add3A_2179 = arith.constant 1 : i32
    %add3A_2180 = vector.broadcast %add3A_2179 : i32 to vector<16xi32>
    %add3A_2181 = arith.addi %gather3A_2147, %add3A_2180 : vector<16xi32>
    %gather3A_2182 = tpu.vector_load_idx %arg6[%add3A_2181, %add3A_2178] : memref<101x64xi32, #tpu.memory_space<vmem>>[vector<16xi32>, vector<16xi32>], vector<16xi32>,
    %mul3A_2183 = arith.constant 1000 : i32
    %mul3A_2184 = vector.broadcast %mul3A_2183 : i32 to vector<16xi32>
    %mul3A_2185 = arith.muli %add3A_2178, %mul3A_2184 : vector<16xi32>
    %add3A_2186 = arith.addi %mul3A_2185, %gather3A_2182 : vector<16xi32>
    %jit3A_2187 = arith.constant 0 : i32
    %broadcast_in_dim3A_2188 = vector.broadcast %jit3A_2187 : i32 to vector<16xi32>
    %select_n3A_2189 = arith.select %lt3A_49, %add3A_2186, %broadcast_in_dim3A_2188 : vector<16xi1>, vector<16xi32>
    tpu.vector_store_idx %arg7[%select_n3A_2189], %broadcast_in_dim3A_32 masked %lt3A_49 : memref<50000xf32, #tpu.memory_space<vmem>>[vector<16xi32>], vector<16xf32>, vector<16xi1>
    %add3A_2190 = arith.constant 48 : i32
    %add3A_2191 = vector.broadcast %add3A_2190 : i32 to vector<16xi32>
    %add3A_2192 = arith.addi %iota3A, %add3A_2191 : vector<16xi32>
    %add3A_2193 = arith.constant 1 : i32
    %add3A_2194 = vector.broadcast %add3A_2193 : i32 to vector<16xi32>
    %add3A_2195 = arith.addi %gather3A_2147, %add3A_2194 : vector<16xi32>
    %gather3A_2196 = tpu.vector_load_idx %arg6[%add3A_2195, %add3A_2192] : memref<101x64xi32, #tpu.memory_space<vmem>>[vector<16xi32>, vector<16xi32>], vector<16xi32>,
    %mul3A_2197 = arith.constant 1000 : i32
    %mul3A_2198 = vector.broadcast %mul3A_2197 : i32 to vector<16xi32>
    %mul3A_2199 = arith.muli %add3A_2192, %mul3A_2198 : vector<16xi32>
    %add3A_2200 = arith.addi %mul3A_2199, %gather3A_2196 : vector<16xi32>
    %jit3A_2201 = arith.constant 0 : i32
    %broadcast_in_dim3A_2202 = vector.broadcast %jit3A_2201 : i32 to vector<16xi32>
    %select_n3A_2203 = arith.select %lt3A_55, %add3A_2200, %broadcast_in_dim3A_2202 : vector<16xi1>, vector<16xi32>
    tpu.vector_store_idx %arg7[%select_n3A_2203], %broadcast_in_dim3A_32 masked %lt3A_55 : memref<50000xf32, #tpu.memory_space<vmem>>[vector<16xi32>], vector<16xf32>, vector<16xi1>
    %add3A_2204 = arith.constant 28 : i32
    %add3A_2205 = arith.addi %mul3A_2, %add3A_2204 : i32
    %dma_start3A_2206 = arith.constant 0 : i32
    %dma_start3A_2207 = tpu.memref_slice %arg4[%add3A_2205, %dma_start3A_2206] : memref<1024x50000xf32, #tpu.memory_space<hbm>> -> memref<1x50000xf32, #tpu.memory_space<hbm>>
    %dma_start3A_2208 = tpu.memref_squeeze %dma_start3A_2207 : memref<1x50000xf32, #tpu.memory_space<hbm>> -> memref<50000xf32, #tpu.memory_space<hbm>>
    %dma_start3A_2209 = arith.constant 0 : i32
    %dma_start3A_2210 = tpu.memref_slice %arg4[%add3A_2205, %dma_start3A_2209] : memref<1024x50000xf32, #tpu.memory_space<hbm>> -> memref<1x50000xf32, #tpu.memory_space<hbm>>
    %dma_start3A_2211 = tpu.memref_squeeze %dma_start3A_2210 : memref<1x50000xf32, #tpu.memory_space<hbm>> -> memref<50000xf32, #tpu.memory_space<hbm>>
    tpu.enqueue_dma source(%arg7 : memref<50000xf32, #tpu.memory_space<vmem>>) target(%dma_start3A_2211 : memref<50000xf32, #tpu.memory_space<hbm>>) target_semaphore(%arg9 : memref<!tpu.dma_semaphore, #tpu.memory_space<semaphore_mem>>)
    %add3A_2212 = arith.constant 27 : i32
    %add3A_2213 = arith.addi %mul3A_2, %add3A_2212 : i32
    %dma_wait3A_2214 = arith.constant 0 : i32
    %dma_wait3A_2215 = tpu.memref_slice %arg4[%add3A_2213, %dma_wait3A_2214] : memref<1024x50000xf32, #tpu.memory_space<hbm>> -> memref<1x50000xf32, #tpu.memory_space<hbm>>
    %dma_wait3A_2216 = tpu.memref_squeeze %dma_wait3A_2215 : memref<1x50000xf32, #tpu.memory_space<hbm>> -> memref<50000xf32, #tpu.memory_space<hbm>>
    %dma_wait3A_2217 = arith.constant 0 : i32
    %dma_wait3A_2218 = tpu.memref_slice %arg4[%add3A_2213, %dma_wait3A_2217] : memref<1024x50000xf32, #tpu.memory_space<hbm>> -> memref<1x50000xf32, #tpu.memory_space<hbm>>
    %dma_wait3A_2219 = tpu.memref_squeeze %dma_wait3A_2218 : memref<1x50000xf32, #tpu.memory_space<hbm>> -> memref<50000xf32, #tpu.memory_space<hbm>>
    tpu.wait_dma2 semaphore(%arg10 : memref<!tpu.dma_semaphore, #tpu.memory_space<semaphore_mem>>) src(%arg8 : memref<50000xf32, #tpu.memory_space<vmem>>) dst(%dma_wait3A_2219 : memref<50000xf32, #tpu.memory_space<hbm>>)
    tpu.vector_store_idx %arg8[%select_n3A_2086], %broadcast_in_dim3A_25 masked %lt3A_37 : memref<50000xf32, #tpu.memory_space<vmem>>[vector<16xi32>], vector<16xf32>, vector<16xi1>
    tpu.vector_store_idx %arg8[%select_n3A_2100], %broadcast_in_dim3A_25 masked %lt3A_43 : memref<50000xf32, #tpu.memory_space<vmem>>[vector<16xi32>], vector<16xf32>, vector<16xi1>
    tpu.vector_store_idx %arg8[%select_n3A_2114], %broadcast_in_dim3A_25 masked %lt3A_49 : memref<50000xf32, #tpu.memory_space<vmem>>[vector<16xi32>], vector<16xf32>, vector<16xi1>
    tpu.vector_store_idx %arg8[%select_n3A_2128], %broadcast_in_dim3A_25 masked %lt3A_55 : memref<50000xf32, #tpu.memory_space<vmem>>[vector<16xi32>], vector<16xf32>, vector<16xi1>
    %broadcast_in_dim3A_2220 = arith.constant 45 : i32
    %broadcast_in_dim3A_2221 = vector.broadcast %broadcast_in_dim3A_2220 : i32 to vector<16xi32>
    %gather3A_2222 = tpu.vector_load_idx %arg5[%broadcast_in_dim3A_2221] : memref<48xi32, #tpu.memory_space<vmem>>[vector<16xi32>], vector<16xi32>,
    %add3A_2223 = arith.constant 0 : i32
    %add3A_2224 = vector.broadcast %add3A_2223 : i32 to vector<16xi32>
    %add3A_2225 = arith.addi %iota3A, %add3A_2224 : vector<16xi32>
    %add3A_2226 = arith.constant 1 : i32
    %add3A_2227 = vector.broadcast %add3A_2226 : i32 to vector<16xi32>
    %add3A_2228 = arith.addi %gather3A_2222, %add3A_2227 : vector<16xi32>
    %gather3A_2229 = tpu.vector_load_idx %arg6[%add3A_2228, %add3A_2225] : memref<101x64xi32, #tpu.memory_space<vmem>>[vector<16xi32>, vector<16xi32>], vector<16xi32>,
    %mul3A_2230 = arith.constant 1000 : i32
    %mul3A_2231 = vector.broadcast %mul3A_2230 : i32 to vector<16xi32>
    %mul3A_2232 = arith.muli %add3A_2225, %mul3A_2231 : vector<16xi32>
    %add3A_2233 = arith.addi %mul3A_2232, %gather3A_2229 : vector<16xi32>
    %jit3A_2234 = arith.constant 0 : i32
    %broadcast_in_dim3A_2235 = vector.broadcast %jit3A_2234 : i32 to vector<16xi32>
    %select_n3A_2236 = arith.select %lt3A_37, %add3A_2233, %broadcast_in_dim3A_2235 : vector<16xi1>, vector<16xi32>
    tpu.vector_store_idx %arg8[%select_n3A_2236], %broadcast_in_dim3A_32 masked %lt3A_37 : memref<50000xf32, #tpu.memory_space<vmem>>[vector<16xi32>], vector<16xf32>, vector<16xi1>
    %add3A_2237 = arith.constant 16 : i32
    %add3A_2238 = vector.broadcast %add3A_2237 : i32 to vector<16xi32>
    %add3A_2239 = arith.addi %iota3A, %add3A_2238 : vector<16xi32>
    %add3A_2240 = arith.constant 1 : i32
    %add3A_2241 = vector.broadcast %add3A_2240 : i32 to vector<16xi32>
    %add3A_2242 = arith.addi %gather3A_2222, %add3A_2241 : vector<16xi32>
    %gather3A_2243 = tpu.vector_load_idx %arg6[%add3A_2242, %add3A_2239] : memref<101x64xi32, #tpu.memory_space<vmem>>[vector<16xi32>, vector<16xi32>], vector<16xi32>,
    %mul3A_2244 = arith.constant 1000 : i32
    %mul3A_2245 = vector.broadcast %mul3A_2244 : i32 to vector<16xi32>
    %mul3A_2246 = arith.muli %add3A_2239, %mul3A_2245 : vector<16xi32>
    %add3A_2247 = arith.addi %mul3A_2246, %gather3A_2243 : vector<16xi32>
    %jit3A_2248 = arith.constant 0 : i32
    %broadcast_in_dim3A_2249 = vector.broadcast %jit3A_2248 : i32 to vector<16xi32>
    %select_n3A_2250 = arith.select %lt3A_43, %add3A_2247, %broadcast_in_dim3A_2249 : vector<16xi1>, vector<16xi32>
    tpu.vector_store_idx %arg8[%select_n3A_2250], %broadcast_in_dim3A_32 masked %lt3A_43 : memref<50000xf32, #tpu.memory_space<vmem>>[vector<16xi32>], vector<16xf32>, vector<16xi1>
    %add3A_2251 = arith.constant 32 : i32
    %add3A_2252 = vector.broadcast %add3A_2251 : i32 to vector<16xi32>
    %add3A_2253 = arith.addi %iota3A, %add3A_2252 : vector<16xi32>
    %add3A_2254 = arith.constant 1 : i32
    %add3A_2255 = vector.broadcast %add3A_2254 : i32 to vector<16xi32>
    %add3A_2256 = arith.addi %gather3A_2222, %add3A_2255 : vector<16xi32>
    %gather3A_2257 = tpu.vector_load_idx %arg6[%add3A_2256, %add3A_2253] : memref<101x64xi32, #tpu.memory_space<vmem>>[vector<16xi32>, vector<16xi32>], vector<16xi32>,
    %mul3A_2258 = arith.constant 1000 : i32
    %mul3A_2259 = vector.broadcast %mul3A_2258 : i32 to vector<16xi32>
    %mul3A_2260 = arith.muli %add3A_2253, %mul3A_2259 : vector<16xi32>
    %add3A_2261 = arith.addi %mul3A_2260, %gather3A_2257 : vector<16xi32>
    %jit3A_2262 = arith.constant 0 : i32
    %broadcast_in_dim3A_2263 = vector.broadcast %jit3A_2262 : i32 to vector<16xi32>
    %select_n3A_2264 = arith.select %lt3A_49, %add3A_2261, %broadcast_in_dim3A_2263 : vector<16xi1>, vector<16xi32>
    tpu.vector_store_idx %arg8[%select_n3A_2264], %broadcast_in_dim3A_32 masked %lt3A_49 : memref<50000xf32, #tpu.memory_space<vmem>>[vector<16xi32>], vector<16xf32>, vector<16xi1>
    %add3A_2265 = arith.constant 48 : i32
    %add3A_2266 = vector.broadcast %add3A_2265 : i32 to vector<16xi32>
    %add3A_2267 = arith.addi %iota3A, %add3A_2266 : vector<16xi32>
    %add3A_2268 = arith.constant 1 : i32
    %add3A_2269 = vector.broadcast %add3A_2268 : i32 to vector<16xi32>
    %add3A_2270 = arith.addi %gather3A_2222, %add3A_2269 : vector<16xi32>
    %gather3A_2271 = tpu.vector_load_idx %arg6[%add3A_2270, %add3A_2267] : memref<101x64xi32, #tpu.memory_space<vmem>>[vector<16xi32>, vector<16xi32>], vector<16xi32>,
    %mul3A_2272 = arith.constant 1000 : i32
    %mul3A_2273 = vector.broadcast %mul3A_2272 : i32 to vector<16xi32>
    %mul3A_2274 = arith.muli %add3A_2267, %mul3A_2273 : vector<16xi32>
    %add3A_2275 = arith.addi %mul3A_2274, %gather3A_2271 : vector<16xi32>
    %jit3A_2276 = arith.constant 0 : i32
    %broadcast_in_dim3A_2277 = vector.broadcast %jit3A_2276 : i32 to vector<16xi32>
    %select_n3A_2278 = arith.select %lt3A_55, %add3A_2275, %broadcast_in_dim3A_2277 : vector<16xi1>, vector<16xi32>
    tpu.vector_store_idx %arg8[%select_n3A_2278], %broadcast_in_dim3A_32 masked %lt3A_55 : memref<50000xf32, #tpu.memory_space<vmem>>[vector<16xi32>], vector<16xf32>, vector<16xi1>
    %add3A_2279 = arith.constant 29 : i32
    %add3A_2280 = arith.addi %mul3A_2, %add3A_2279 : i32
    %dma_start3A_2281 = arith.constant 0 : i32
    %dma_start3A_2282 = tpu.memref_slice %arg4[%add3A_2280, %dma_start3A_2281] : memref<1024x50000xf32, #tpu.memory_space<hbm>> -> memref<1x50000xf32, #tpu.memory_space<hbm>>
    %dma_start3A_2283 = tpu.memref_squeeze %dma_start3A_2282 : memref<1x50000xf32, #tpu.memory_space<hbm>> -> memref<50000xf32, #tpu.memory_space<hbm>>
    %dma_start3A_2284 = arith.constant 0 : i32
    %dma_start3A_2285 = tpu.memref_slice %arg4[%add3A_2280, %dma_start3A_2284] : memref<1024x50000xf32, #tpu.memory_space<hbm>> -> memref<1x50000xf32, #tpu.memory_space<hbm>>
    %dma_start3A_2286 = tpu.memref_squeeze %dma_start3A_2285 : memref<1x50000xf32, #tpu.memory_space<hbm>> -> memref<50000xf32, #tpu.memory_space<hbm>>
    tpu.enqueue_dma source(%arg8 : memref<50000xf32, #tpu.memory_space<vmem>>) target(%dma_start3A_2286 : memref<50000xf32, #tpu.memory_space<hbm>>) target_semaphore(%arg10 : memref<!tpu.dma_semaphore, #tpu.memory_space<semaphore_mem>>)
    %add3A_2287 = arith.constant 28 : i32
    %add3A_2288 = arith.addi %mul3A_2, %add3A_2287 : i32
    %dma_wait3A_2289 = arith.constant 0 : i32
    %dma_wait3A_2290 = tpu.memref_slice %arg4[%add3A_2288, %dma_wait3A_2289] : memref<1024x50000xf32, #tpu.memory_space<hbm>> -> memref<1x50000xf32, #tpu.memory_space<hbm>>
    %dma_wait3A_2291 = tpu.memref_squeeze %dma_wait3A_2290 : memref<1x50000xf32, #tpu.memory_space<hbm>> -> memref<50000xf32, #tpu.memory_space<hbm>>
    %dma_wait3A_2292 = arith.constant 0 : i32
    %dma_wait3A_2293 = tpu.memref_slice %arg4[%add3A_2288, %dma_wait3A_2292] : memref<1024x50000xf32, #tpu.memory_space<hbm>> -> memref<1x50000xf32, #tpu.memory_space<hbm>>
    %dma_wait3A_2294 = tpu.memref_squeeze %dma_wait3A_2293 : memref<1x50000xf32, #tpu.memory_space<hbm>> -> memref<50000xf32, #tpu.memory_space<hbm>>
    tpu.wait_dma2 semaphore(%arg9 : memref<!tpu.dma_semaphore, #tpu.memory_space<semaphore_mem>>) src(%arg7 : memref<50000xf32, #tpu.memory_space<vmem>>) dst(%dma_wait3A_2294 : memref<50000xf32, #tpu.memory_space<hbm>>)
    tpu.vector_store_idx %arg7[%select_n3A_2161], %broadcast_in_dim3A_25 masked %lt3A_37 : memref<50000xf32, #tpu.memory_space<vmem>>[vector<16xi32>], vector<16xf32>, vector<16xi1>
    tpu.vector_store_idx %arg7[%select_n3A_2175], %broadcast_in_dim3A_25 masked %lt3A_43 : memref<50000xf32, #tpu.memory_space<vmem>>[vector<16xi32>], vector<16xf32>, vector<16xi1>
    tpu.vector_store_idx %arg7[%select_n3A_2189], %broadcast_in_dim3A_25 masked %lt3A_49 : memref<50000xf32, #tpu.memory_space<vmem>>[vector<16xi32>], vector<16xf32>, vector<16xi1>
    tpu.vector_store_idx %arg7[%select_n3A_2203], %broadcast_in_dim3A_25 masked %lt3A_55 : memref<50000xf32, #tpu.memory_space<vmem>>[vector<16xi32>], vector<16xf32>, vector<16xi1>
    %broadcast_in_dim3A_2295 = arith.constant 46 : i32
    %broadcast_in_dim3A_2296 = vector.broadcast %broadcast_in_dim3A_2295 : i32 to vector<16xi32>
    %gather3A_2297 = tpu.vector_load_idx %arg5[%broadcast_in_dim3A_2296] : memref<48xi32, #tpu.memory_space<vmem>>[vector<16xi32>], vector<16xi32>,
    %add3A_2298 = arith.constant 0 : i32
    %add3A_2299 = vector.broadcast %add3A_2298 : i32 to vector<16xi32>
    %add3A_2300 = arith.addi %iota3A, %add3A_2299 : vector<16xi32>
    %add3A_2301 = arith.constant 1 : i32
    %add3A_2302 = vector.broadcast %add3A_2301 : i32 to vector<16xi32>
    %add3A_2303 = arith.addi %gather3A_2297, %add3A_2302 : vector<16xi32>
    %gather3A_2304 = tpu.vector_load_idx %arg6[%add3A_2303, %add3A_2300] : memref<101x64xi32, #tpu.memory_space<vmem>>[vector<16xi32>, vector<16xi32>], vector<16xi32>,
    %mul3A_2305 = arith.constant 1000 : i32
    %mul3A_2306 = vector.broadcast %mul3A_2305 : i32 to vector<16xi32>
    %mul3A_2307 = arith.muli %add3A_2300, %mul3A_2306 : vector<16xi32>
    %add3A_2308 = arith.addi %mul3A_2307, %gather3A_2304 : vector<16xi32>
    %jit3A_2309 = arith.constant 0 : i32
    %broadcast_in_dim3A_2310 = vector.broadcast %jit3A_2309 : i32 to vector<16xi32>
    %select_n3A_2311 = arith.select %lt3A_37, %add3A_2308, %broadcast_in_dim3A_2310 : vector<16xi1>, vector<16xi32>
    tpu.vector_store_idx %arg7[%select_n3A_2311], %broadcast_in_dim3A_32 masked %lt3A_37 : memref<50000xf32, #tpu.memory_space<vmem>>[vector<16xi32>], vector<16xf32>, vector<16xi1>
    %add3A_2312 = arith.constant 16 : i32
    %add3A_2313 = vector.broadcast %add3A_2312 : i32 to vector<16xi32>
    %add3A_2314 = arith.addi %iota3A, %add3A_2313 : vector<16xi32>
    %add3A_2315 = arith.constant 1 : i32
    %add3A_2316 = vector.broadcast %add3A_2315 : i32 to vector<16xi32>
    %add3A_2317 = arith.addi %gather3A_2297, %add3A_2316 : vector<16xi32>
    %gather3A_2318 = tpu.vector_load_idx %arg6[%add3A_2317, %add3A_2314] : memref<101x64xi32, #tpu.memory_space<vmem>>[vector<16xi32>, vector<16xi32>], vector<16xi32>,
    %mul3A_2319 = arith.constant 1000 : i32
    %mul3A_2320 = vector.broadcast %mul3A_2319 : i32 to vector<16xi32>
    %mul3A_2321 = arith.muli %add3A_2314, %mul3A_2320 : vector<16xi32>
    %add3A_2322 = arith.addi %mul3A_2321, %gather3A_2318 : vector<16xi32>
    %jit3A_2323 = arith.constant 0 : i32
    %broadcast_in_dim3A_2324 = vector.broadcast %jit3A_2323 : i32 to vector<16xi32>
    %select_n3A_2325 = arith.select %lt3A_43, %add3A_2322, %broadcast_in_dim3A_2324 : vector<16xi1>, vector<16xi32>
    tpu.vector_store_idx %arg7[%select_n3A_2325], %broadcast_in_dim3A_32 masked %lt3A_43 : memref<50000xf32, #tpu.memory_space<vmem>>[vector<16xi32>], vector<16xf32>, vector<16xi1>
    %add3A_2326 = arith.constant 32 : i32
    %add3A_2327 = vector.broadcast %add3A_2326 : i32 to vector<16xi32>
    %add3A_2328 = arith.addi %iota3A, %add3A_2327 : vector<16xi32>
    %add3A_2329 = arith.constant 1 : i32
    %add3A_2330 = vector.broadcast %add3A_2329 : i32 to vector<16xi32>
    %add3A_2331 = arith.addi %gather3A_2297, %add3A_2330 : vector<16xi32>
    %gather3A_2332 = tpu.vector_load_idx %arg6[%add3A_2331, %add3A_2328] : memref<101x64xi32, #tpu.memory_space<vmem>>[vector<16xi32>, vector<16xi32>], vector<16xi32>,
    %mul3A_2333 = arith.constant 1000 : i32
    %mul3A_2334 = vector.broadcast %mul3A_2333 : i32 to vector<16xi32>
    %mul3A_2335 = arith.muli %add3A_2328, %mul3A_2334 : vector<16xi32>
    %add3A_2336 = arith.addi %mul3A_2335, %gather3A_2332 : vector<16xi32>
    %jit3A_2337 = arith.constant 0 : i32
    %broadcast_in_dim3A_2338 = vector.broadcast %jit3A_2337 : i32 to vector<16xi32>
    %select_n3A_2339 = arith.select %lt3A_49, %add3A_2336, %broadcast_in_dim3A_2338 : vector<16xi1>, vector<16xi32>
    tpu.vector_store_idx %arg7[%select_n3A_2339], %broadcast_in_dim3A_32 masked %lt3A_49 : memref<50000xf32, #tpu.memory_space<vmem>>[vector<16xi32>], vector<16xf32>, vector<16xi1>
    %add3A_2340 = arith.constant 48 : i32
    %add3A_2341 = vector.broadcast %add3A_2340 : i32 to vector<16xi32>
    %add3A_2342 = arith.addi %iota3A, %add3A_2341 : vector<16xi32>
    %add3A_2343 = arith.constant 1 : i32
    %add3A_2344 = vector.broadcast %add3A_2343 : i32 to vector<16xi32>
    %add3A_2345 = arith.addi %gather3A_2297, %add3A_2344 : vector<16xi32>
    %gather3A_2346 = tpu.vector_load_idx %arg6[%add3A_2345, %add3A_2342] : memref<101x64xi32, #tpu.memory_space<vmem>>[vector<16xi32>, vector<16xi32>], vector<16xi32>,
    %mul3A_2347 = arith.constant 1000 : i32
    %mul3A_2348 = vector.broadcast %mul3A_2347 : i32 to vector<16xi32>
    %mul3A_2349 = arith.muli %add3A_2342, %mul3A_2348 : vector<16xi32>
    %add3A_2350 = arith.addi %mul3A_2349, %gather3A_2346 : vector<16xi32>
    %jit3A_2351 = arith.constant 0 : i32
    %broadcast_in_dim3A_2352 = vector.broadcast %jit3A_2351 : i32 to vector<16xi32>
    %select_n3A_2353 = arith.select %lt3A_55, %add3A_2350, %broadcast_in_dim3A_2352 : vector<16xi1>, vector<16xi32>
    tpu.vector_store_idx %arg7[%select_n3A_2353], %broadcast_in_dim3A_32 masked %lt3A_55 : memref<50000xf32, #tpu.memory_space<vmem>>[vector<16xi32>], vector<16xf32>, vector<16xi1>
    %add3A_2354 = arith.constant 30 : i32
    %add3A_2355 = arith.addi %mul3A_2, %add3A_2354 : i32
    %dma_start3A_2356 = arith.constant 0 : i32
    %dma_start3A_2357 = tpu.memref_slice %arg4[%add3A_2355, %dma_start3A_2356] : memref<1024x50000xf32, #tpu.memory_space<hbm>> -> memref<1x50000xf32, #tpu.memory_space<hbm>>
    %dma_start3A_2358 = tpu.memref_squeeze %dma_start3A_2357 : memref<1x50000xf32, #tpu.memory_space<hbm>> -> memref<50000xf32, #tpu.memory_space<hbm>>
    %dma_start3A_2359 = arith.constant 0 : i32
    %dma_start3A_2360 = tpu.memref_slice %arg4[%add3A_2355, %dma_start3A_2359] : memref<1024x50000xf32, #tpu.memory_space<hbm>> -> memref<1x50000xf32, #tpu.memory_space<hbm>>
    %dma_start3A_2361 = tpu.memref_squeeze %dma_start3A_2360 : memref<1x50000xf32, #tpu.memory_space<hbm>> -> memref<50000xf32, #tpu.memory_space<hbm>>
    tpu.enqueue_dma source(%arg7 : memref<50000xf32, #tpu.memory_space<vmem>>) target(%dma_start3A_2361 : memref<50000xf32, #tpu.memory_space<hbm>>) target_semaphore(%arg9 : memref<!tpu.dma_semaphore, #tpu.memory_space<semaphore_mem>>)
    %add3A_2362 = arith.constant 29 : i32
    %add3A_2363 = arith.addi %mul3A_2, %add3A_2362 : i32
    %dma_wait3A_2364 = arith.constant 0 : i32
    %dma_wait3A_2365 = tpu.memref_slice %arg4[%add3A_2363, %dma_wait3A_2364] : memref<1024x50000xf32, #tpu.memory_space<hbm>> -> memref<1x50000xf32, #tpu.memory_space<hbm>>
    %dma_wait3A_2366 = tpu.memref_squeeze %dma_wait3A_2365 : memref<1x50000xf32, #tpu.memory_space<hbm>> -> memref<50000xf32, #tpu.memory_space<hbm>>
    %dma_wait3A_2367 = arith.constant 0 : i32
    %dma_wait3A_2368 = tpu.memref_slice %arg4[%add3A_2363, %dma_wait3A_2367] : memref<1024x50000xf32, #tpu.memory_space<hbm>> -> memref<1x50000xf32, #tpu.memory_space<hbm>>
    %dma_wait3A_2369 = tpu.memref_squeeze %dma_wait3A_2368 : memref<1x50000xf32, #tpu.memory_space<hbm>> -> memref<50000xf32, #tpu.memory_space<hbm>>
    tpu.wait_dma2 semaphore(%arg10 : memref<!tpu.dma_semaphore, #tpu.memory_space<semaphore_mem>>) src(%arg8 : memref<50000xf32, #tpu.memory_space<vmem>>) dst(%dma_wait3A_2369 : memref<50000xf32, #tpu.memory_space<hbm>>)
    tpu.vector_store_idx %arg8[%select_n3A_2236], %broadcast_in_dim3A_25 masked %lt3A_37 : memref<50000xf32, #tpu.memory_space<vmem>>[vector<16xi32>], vector<16xf32>, vector<16xi1>
    tpu.vector_store_idx %arg8[%select_n3A_2250], %broadcast_in_dim3A_25 masked %lt3A_43 : memref<50000xf32, #tpu.memory_space<vmem>>[vector<16xi32>], vector<16xf32>, vector<16xi1>
    tpu.vector_store_idx %arg8[%select_n3A_2264], %broadcast_in_dim3A_25 masked %lt3A_49 : memref<50000xf32, #tpu.memory_space<vmem>>[vector<16xi32>], vector<16xf32>, vector<16xi1>
    tpu.vector_store_idx %arg8[%select_n3A_2278], %broadcast_in_dim3A_25 masked %lt3A_55 : memref<50000xf32, #tpu.memory_space<vmem>>[vector<16xi32>], vector<16xf32>, vector<16xi1>
    %broadcast_in_dim3A_2370 = arith.constant 47 : i32
    %broadcast_in_dim3A_2371 = vector.broadcast %broadcast_in_dim3A_2370 : i32 to vector<16xi32>
    %gather3A_2372 = tpu.vector_load_idx %arg5[%broadcast_in_dim3A_2371] : memref<48xi32, #tpu.memory_space<vmem>>[vector<16xi32>], vector<16xi32>,
    %add3A_2373 = arith.constant 0 : i32
    %add3A_2374 = vector.broadcast %add3A_2373 : i32 to vector<16xi32>
    %add3A_2375 = arith.addi %iota3A, %add3A_2374 : vector<16xi32>
    %add3A_2376 = arith.constant 1 : i32
    %add3A_2377 = vector.broadcast %add3A_2376 : i32 to vector<16xi32>
    %add3A_2378 = arith.addi %gather3A_2372, %add3A_2377 : vector<16xi32>
    %gather3A_2379 = tpu.vector_load_idx %arg6[%add3A_2378, %add3A_2375] : memref<101x64xi32, #tpu.memory_space<vmem>>[vector<16xi32>, vector<16xi32>], vector<16xi32>,
    %mul3A_2380 = arith.constant 1000 : i32
    %mul3A_2381 = vector.broadcast %mul3A_2380 : i32 to vector<16xi32>
    %mul3A_2382 = arith.muli %add3A_2375, %mul3A_2381 : vector<16xi32>
    %add3A_2383 = arith.addi %mul3A_2382, %gather3A_2379 : vector<16xi32>
    %jit3A_2384 = arith.constant 0 : i32
    %broadcast_in_dim3A_2385 = vector.broadcast %jit3A_2384 : i32 to vector<16xi32>
    %select_n3A_2386 = arith.select %lt3A_37, %add3A_2383, %broadcast_in_dim3A_2385 : vector<16xi1>, vector<16xi32>
    tpu.vector_store_idx %arg8[%select_n3A_2386], %broadcast_in_dim3A_32 masked %lt3A_37 : memref<50000xf32, #tpu.memory_space<vmem>>[vector<16xi32>], vector<16xf32>, vector<16xi1>
    %add3A_2387 = arith.constant 16 : i32
    %add3A_2388 = vector.broadcast %add3A_2387 : i32 to vector<16xi32>
    %add3A_2389 = arith.addi %iota3A, %add3A_2388 : vector<16xi32>
    %add3A_2390 = arith.constant 1 : i32
    %add3A_2391 = vector.broadcast %add3A_2390 : i32 to vector<16xi32>
    %add3A_2392 = arith.addi %gather3A_2372, %add3A_2391 : vector<16xi32>
    %gather3A_2393 = tpu.vector_load_idx %arg6[%add3A_2392, %add3A_2389] : memref<101x64xi32, #tpu.memory_space<vmem>>[vector<16xi32>, vector<16xi32>], vector<16xi32>,
    %mul3A_2394 = arith.constant 1000 : i32
    %mul3A_2395 = vector.broadcast %mul3A_2394 : i32 to vector<16xi32>
    %mul3A_2396 = arith.muli %add3A_2389, %mul3A_2395 : vector<16xi32>
    %add3A_2397 = arith.addi %mul3A_2396, %gather3A_2393 : vector<16xi32>
    %jit3A_2398 = arith.constant 0 : i32
    %broadcast_in_dim3A_2399 = vector.broadcast %jit3A_2398 : i32 to vector<16xi32>
    %select_n3A_2400 = arith.select %lt3A_43, %add3A_2397, %broadcast_in_dim3A_2399 : vector<16xi1>, vector<16xi32>
    tpu.vector_store_idx %arg8[%select_n3A_2400], %broadcast_in_dim3A_32 masked %lt3A_43 : memref<50000xf32, #tpu.memory_space<vmem>>[vector<16xi32>], vector<16xf32>, vector<16xi1>
    %add3A_2401 = arith.constant 32 : i32
    %add3A_2402 = vector.broadcast %add3A_2401 : i32 to vector<16xi32>
    %add3A_2403 = arith.addi %iota3A, %add3A_2402 : vector<16xi32>
    %add3A_2404 = arith.constant 1 : i32
    %add3A_2405 = vector.broadcast %add3A_2404 : i32 to vector<16xi32>
    %add3A_2406 = arith.addi %gather3A_2372, %add3A_2405 : vector<16xi32>
    %gather3A_2407 = tpu.vector_load_idx %arg6[%add3A_2406, %add3A_2403] : memref<101x64xi32, #tpu.memory_space<vmem>>[vector<16xi32>, vector<16xi32>], vector<16xi32>,
    %mul3A_2408 = arith.constant 1000 : i32
    %mul3A_2409 = vector.broadcast %mul3A_2408 : i32 to vector<16xi32>
    %mul3A_2410 = arith.muli %add3A_2403, %mul3A_2409 : vector<16xi32>
    %add3A_2411 = arith.addi %mul3A_2410, %gather3A_2407 : vector<16xi32>
    %jit3A_2412 = arith.constant 0 : i32
    %broadcast_in_dim3A_2413 = vector.broadcast %jit3A_2412 : i32 to vector<16xi32>
    %select_n3A_2414 = arith.select %lt3A_49, %add3A_2411, %broadcast_in_dim3A_2413 : vector<16xi1>, vector<16xi32>
    tpu.vector_store_idx %arg8[%select_n3A_2414], %broadcast_in_dim3A_32 masked %lt3A_49 : memref<50000xf32, #tpu.memory_space<vmem>>[vector<16xi32>], vector<16xf32>, vector<16xi1>
    %add3A_2415 = arith.constant 48 : i32
    %add3A_2416 = vector.broadcast %add3A_2415 : i32 to vector<16xi32>
    %add3A_2417 = arith.addi %iota3A, %add3A_2416 : vector<16xi32>
    %add3A_2418 = arith.constant 1 : i32
    %add3A_2419 = vector.broadcast %add3A_2418 : i32 to vector<16xi32>
    %add3A_2420 = arith.addi %gather3A_2372, %add3A_2419 : vector<16xi32>
    %gather3A_2421 = tpu.vector_load_idx %arg6[%add3A_2420, %add3A_2417] : memref<101x64xi32, #tpu.memory_space<vmem>>[vector<16xi32>, vector<16xi32>], vector<16xi32>,
    %mul3A_2422 = arith.constant 1000 : i32
    %mul3A_2423 = vector.broadcast %mul3A_2422 : i32 to vector<16xi32>
    %mul3A_2424 = arith.muli %add3A_2417, %mul3A_2423 : vector<16xi32>
    %add3A_2425 = arith.addi %mul3A_2424, %gather3A_2421 : vector<16xi32>
    %jit3A_2426 = arith.constant 0 : i32
    %broadcast_in_dim3A_2427 = vector.broadcast %jit3A_2426 : i32 to vector<16xi32>
    %select_n3A_2428 = arith.select %lt3A_55, %add3A_2425, %broadcast_in_dim3A_2427 : vector<16xi1>, vector<16xi32>
    tpu.vector_store_idx %arg8[%select_n3A_2428], %broadcast_in_dim3A_32 masked %lt3A_55 : memref<50000xf32, #tpu.memory_space<vmem>>[vector<16xi32>], vector<16xf32>, vector<16xi1>
    %add3A_2429 = arith.constant 31 : i32
    %add3A_2430 = arith.addi %mul3A_2, %add3A_2429 : i32
    %dma_start3A_2431 = arith.constant 0 : i32
    %dma_start3A_2432 = tpu.memref_slice %arg4[%add3A_2430, %dma_start3A_2431] : memref<1024x50000xf32, #tpu.memory_space<hbm>> -> memref<1x50000xf32, #tpu.memory_space<hbm>>
    %dma_start3A_2433 = tpu.memref_squeeze %dma_start3A_2432 : memref<1x50000xf32, #tpu.memory_space<hbm>> -> memref<50000xf32, #tpu.memory_space<hbm>>
    %dma_start3A_2434 = arith.constant 0 : i32
    %dma_start3A_2435 = tpu.memref_slice %arg4[%add3A_2430, %dma_start3A_2434] : memref<1024x50000xf32, #tpu.memory_space<hbm>> -> memref<1x50000xf32, #tpu.memory_space<hbm>>
    %dma_start3A_2436 = tpu.memref_squeeze %dma_start3A_2435 : memref<1x50000xf32, #tpu.memory_space<hbm>> -> memref<50000xf32, #tpu.memory_space<hbm>>
    tpu.enqueue_dma source(%arg8 : memref<50000xf32, #tpu.memory_space<vmem>>) target(%dma_start3A_2436 : memref<50000xf32, #tpu.memory_space<hbm>>) target_semaphore(%arg10 : memref<!tpu.dma_semaphore, #tpu.memory_space<semaphore_mem>>)
    %add3A_2437 = arith.constant 30 : i32
    %add3A_2438 = arith.addi %mul3A_2, %add3A_2437 : i32
    %dma_wait3A_2439 = arith.constant 0 : i32
    %dma_wait3A_2440 = tpu.memref_slice %arg4[%add3A_2438, %dma_wait3A_2439] : memref<1024x50000xf32, #tpu.memory_space<hbm>> -> memref<1x50000xf32, #tpu.memory_space<hbm>>
    %dma_wait3A_2441 = tpu.memref_squeeze %dma_wait3A_2440 : memref<1x50000xf32, #tpu.memory_space<hbm>> -> memref<50000xf32, #tpu.memory_space<hbm>>
    %dma_wait3A_2442 = arith.constant 0 : i32
    %dma_wait3A_2443 = tpu.memref_slice %arg4[%add3A_2438, %dma_wait3A_2442] : memref<1024x50000xf32, #tpu.memory_space<hbm>> -> memref<1x50000xf32, #tpu.memory_space<hbm>>
    %dma_wait3A_2444 = tpu.memref_squeeze %dma_wait3A_2443 : memref<1x50000xf32, #tpu.memory_space<hbm>> -> memref<50000xf32, #tpu.memory_space<hbm>>
    tpu.wait_dma2 semaphore(%arg9 : memref<!tpu.dma_semaphore, #tpu.memory_space<semaphore_mem>>) src(%arg7 : memref<50000xf32, #tpu.memory_space<vmem>>) dst(%dma_wait3A_2444 : memref<50000xf32, #tpu.memory_space<hbm>>)
    %add3A_2445 = arith.constant 31 : i32
    %add3A_2446 = arith.addi %mul3A_2, %add3A_2445 : i32
    %dma_wait3A_2447 = arith.constant 0 : i32
    %dma_wait3A_2448 = tpu.memref_slice %arg4[%add3A_2446, %dma_wait3A_2447] : memref<1024x50000xf32, #tpu.memory_space<hbm>> -> memref<1x50000xf32, #tpu.memory_space<hbm>>
    %dma_wait3A_2449 = tpu.memref_squeeze %dma_wait3A_2448 : memref<1x50000xf32, #tpu.memory_space<hbm>> -> memref<50000xf32, #tpu.memory_space<hbm>>
    %dma_wait3A_2450 = arith.constant 0 : i32
    %dma_wait3A_2451 = tpu.memref_slice %arg4[%add3A_2446, %dma_wait3A_2450] : memref<1024x50000xf32, #tpu.memory_space<hbm>> -> memref<1x50000xf32, #tpu.memory_space<hbm>>
    %dma_wait3A_2452 = tpu.memref_squeeze %dma_wait3A_2451 : memref<1x50000xf32, #tpu.memory_space<hbm>> -> memref<50000xf32, #tpu.memory_space<hbm>>
    tpu.wait_dma2 semaphore(%arg10 : memref<!tpu.dma_semaphore, #tpu.memory_space<semaphore_mem>>) src(%arg8 : memref<50000xf32, #tpu.memory_space<vmem>>) dst(%dma_wait3A_2452 : memref<50000xf32, #tpu.memory_space<hbm>>)
    return
  }
}

</mosaic_0001>

<sc_bundles>
// kernel: kernel.3.cloned.1.call-start
scs
__scs_entry_jumppad:
0x0: {  	(pc) =	sbr.rel $0x88, $3  }
0x1: {  	(tag) =	ssettag $0x0;
	lr =	simm.s32 $0x1  }
0x2: {  	[smem:$0x3F9F] =	sst lr;
	_ =	strace $0xD0000000  }
0x3: {  	_ = 	snop  }
0x4: {  	_ = 	snop  }
0x5: {  	_ = 	snop  }
0x6: {  	_ = 	snop  }
0x7: {  	_ = 	snop  }
__scs_overlays_trampoline_lowered:
0x8: {  	[smem:$0x3FAE] =	sst s0  }
0x9: {  	[smem:$0x3FAF] =	sst s1  }
0xa: {  	[smem:$0x3FB0] =	sst s2  }
0xb: {  	[smem:$0x3FB1] =	sst s3  }
0xc: {  	[smem:$0x3FB2] =	sst s4  }
0xd: {  	[smem:$0x3FB3] =	sst s5  }
0xe: {  	[smem:$0x3FB4] =	sst s6  }
0xf: {  	[smem:$0x3FB5] =	sst s7  }
0x10: {  	[smem:$0x3FB6] =	sst s8  }
0x11: {  	[smem:$0x3FB7] =	sst s9;
	s0 =	simm.s32 @!p0 $0x0  }
0x12: {  	s1 =	sld [smem:$0x3F9D];
	s0 =	simm.s32 @p0 $0x1  }
0x13: {  	[smem:$0x3FB8] =	sst s0;
	s0 =	simm.s32 @!p1 $0x0  }
0x14: {  	s2 =	sld [smem:$0x3F9C];
	s0 =	simm.s32 @p1 $0x1  }
0x15: {  	[smem:$0x3FB9] =	sst s0;
	s0 =	simm.s32 @!p2 $0x0  }
0x16: {  	s3 =	sld [smem:$0x3FDB];
	s0 =	simm.s32 @p2 $0x1  }
0x17: {  	s4 =	simm.s32 $0x1BF5;
	[smem:$0x3FBB] =	sst s0  }
0x18: {  	s0 =	sld [smem:$0x3F9E];
	_ =	swait.ge [sflag:s4], $0x0  }
0x19: {  	s7 =	sld [smem:$0x3F9F]  }
0x1a: {  	s8 =	sadd.s32 $0xFFFFE003, lr  }
0x1b: {  	s9 =	sadd.s32 $0xFFFFFEF7, lr;
	s5 =	simm.s32 $0xFFFFFFFF;
	p2 =	slt.u32 s8, $0xFFFFF086  }
0x1c: {  	p1 =	slt.u32 s9, $0xF7A;
	s5 =	simm.s32 @!p2 $0x0  }
0x1d: {  	s5 =	simm.s32 @p1 $0x1;
	p0 =	seq.s32 s7, s2  }
0x1e: {  	s7 =	smul.u32 @!p0 $0xF7A, s2;
	p2 =	seq.s32 @!p0 s5, $0x0  }
0x1f: {  	s9 =	smul.u32 $0xF7A, s1;
	s8 =	simm.s32 @!p0 $0x1BF5;
	p2 =	por !p2, p0  }
0x20: {  	[sflag:s8] =	ssyncset.s32 @!p0 $0xFFFFF086;
	s6 =	sadd.s32 @!p0 s3, s7;
	s7 =	simm.s32 @!p0 $0x108  }
0x21: {  	s3 =	sadd.s32 s3, s9;
	s6 =	sadd.s32 @!p0 $0x88, s6;
	s7 =	simm.s32 @p2 $0x1082  }
0x22: {  	[simem:s7], [sflag:s8] =	dma.local @!p0 [hbm:s6], $0xF7A  }
0x23: {  	s9 =	sor.u32 $0xD0000000, s2;
	s6 =	simm.s32 $0x108;
	_ =	swait.ge @!p0 [sflag:s8], $0x0  }
0x24: {  	s3 =	sadd.s32 $0x88, s3;
	s6 =	simm.s32 @!p1 $0x1082;
	[sflag:s4] =	ssyncset.s32 $0xFFFFF086  }
0x25: {  	[simem:s6], [sflag:s4] =	dma.local [hbm:s3], $0xF7A  }
0x26: {  	[smem:$0x3F9F] =	sst s1;
	(tag) =	ssettag s2;
	_ =	strace s9  }
0x27: {  	s1 =	sld [smem:$0x3FAF]  }
0x28: {  	s2 =	sld [smem:$0x3FB0]  }
0x29: {  	s4 =	sld [smem:$0x3FB2]  }
0x2a: {  	p0 =	seq.s32 s5, $0x0;
	s5 =	sld [smem:$0x3FB3]  }
0x2b: {  	s6 =	sld [smem:$0x3FB4]  }
0x2c: {  	s7 =	sld [smem:$0x3FB5]  }
0x2d: {  	s3 =	simm.s32 $0x108;
	s8 =	sld [smem:$0x3FB6]  }
0x2e: {  	s3 =	simm.s32 @!p0 $0x1082;
	s9 =	sld [smem:$0x3FB7]  }
0x2f: {  	lr =	sadd.s32 s0, s3;
	s0 =	sld [smem:$0x3FAE]  }
0x30: {  	s3 =	sld [smem:$0x3FB1]  }
0x31: {  	[smem:$0x3FBA] =	sst s10  }
0x32: {  	s10 =	sld [smem:$0x3FB8];
	_ =	sdelay $0x3  }
0x33: {  	p0 =	seq.s32 s10, $0x1;
	s10 =	sld [smem:$0x3FBA];
	_ =	sdelay $0x3  }
0x34: {  	[smem:$0x3FBA] =	sst s10  }
0x35: {  	s10 =	sld [smem:$0x3FB9];
	_ =	sdelay $0x3  }
0x36: {  	p1 =	seq.s32 s10, $0x1;
	s10 =	sld [smem:$0x3FBA];
	_ =	sdelay $0x3  }
0x37: {  	[smem:$0x3FBA] =	sst s10  }
0x38: {  	s10 =	sld [smem:$0x3FBB]  }
0x39: {  	_ = 	snop;
	(pc) =	sbr.ind lr, $3  }
0x3a: {  	_ = 	snop  }
0x3b: {  	_ = 	snop  }
0x3c: {  	p2 =	seq.s32 s10, $0x1;
	s10 =	sld [smem:$0x3FBA]  }
0x3d: {  	_ =	shalt  }
0x3e: {  	_ =	shalt  }
0x3f: {  	_ =	shalt  }
0x40: {  	_ =	shalt  }
0x41: {  	_ =	shalt  }
0x42: {  	_ =	shalt  }
0x43: {  	_ =	shalt  }
0x44: {  	_ =	shalt  }
0x45: {  	_ =	shalt  }
0x46: {  	_ =	shalt  }
0x47: {  	_ =	shalt  }
0x48: {  	_ =	shalt  }
0x49: {  	_ =	shalt  }
0x4a: {  	_ =	shalt  }
0x4b: {  	_ =	shalt  }
0x4c: {  	_ =	shalt  }
0x4d: {  	_ =	shalt  }
0x4e: {  	_ =	shalt  }
0x4f: {  	_ =	shalt  }
0x50: {  	_ =	shalt  }
0x51: {  	_ =	shalt  }
0x52: {  	_ =	shalt  }
0x53: {  	_ =	shalt  }
0x54: {  	_ =	shalt  }
0x55: {  	_ =	shalt  }
0x56: {  	_ =	shalt  }
0x57: {  	_ =	shalt  }
0x58: {  	_ =	shalt  }
0x59: {  	_ =	shalt  }
0x5a: {  	_ =	shalt  }
0x5b: {  	_ =	shalt  }
0x5c: {  	_ =	shalt  }
0x5d: {  	_ =	shalt  }
0x5e: {  	_ =	shalt  }
0x5f: {  	_ =	shalt  }
0x60: {  	_ =	shalt  }
0x61: {  	_ =	shalt  }
0x62: {  	_ =	shalt  }
0x63: {  	_ =	shalt  }
0x64: {  	_ =	shalt  }
0x65: {  	_ =	shalt  }
0x66: {  	_ =	shalt  }
0x67: {  	_ =	shalt  }
0x68: {  	_ =	shalt  }
0x69: {  	_ =	shalt  }
0x6a: {  	_ =	shalt  }
0x6b: {  	_ =	shalt  }
0x6c: {  	_ =	shalt  }
0x6d: {  	_ =	shalt  }
0x6e: {  	_ =	shalt  }
0x6f: {  	_ =	shalt  }
0x70: {  	_ =	shalt  }
0x71: {  	_ =	shalt  }
0x72: {  	_ =	shalt  }
0x73: {  	_ =	shalt  }
0x74: {  	_ =	shalt  }
0x75: {  	_ =	shalt  }
0x76: {  	_ =	shalt  }
0x77: {  	_ =	shalt  }
0x78: {  	_ =	shalt  }
0x79: {  	_ =	shalt  }
0x7a: {  	_ =	shalt  }
0x7b: {  	_ =	shalt  }
0x7c: {  	_ =	shalt  }
0x7d: {  	_ =	shalt  }
0x7e: {  	_ =	shalt  }
0x7f: {  	_ =	shalt  }
0x80: {  	_ =	shalt  }
0x81: {  	_ =	shalt  }
0x82: {  	_ =	shalt  }
0x83: {  	_ =	shalt  }
0x84: {  	_ =	shalt  }
0x85: {  	_ =	shalt  }
0x86: {  	_ =	shalt  }
0x87: {  	_ =	shalt  }
.Lfunc_end0:
.L_simem_size_0:
called_computation.1_lowered:
.L_overlay_start_0:
0x88: {  	s2 =	sld [smem:$0x3FD9]  }
0x89: {  	s3 =	sld [smem:$0x3FFE];
	_ =	sdelay $0x1  }
0x8a: {  	s1 =	srdreg.scid  }
0x8b: {  	s0 =	sand.u32 $0x1, s1  }
0x8c: {  	s14 =	sshll.u32 s0, $0xA;
	s2 =	sadd.s32 s3, s2  }
0x8d: {  	s2 =	sadd.s32 s2, s14  }
0x8e: {  	[smem:$0x3FC6] =	sst s2  }
0x8f: {  	_ = 	snop  }
0x90: {  	s2 =	sld [smem:$0x3FD0];
	_ =	sdelay $0x2  }
0x91: {  	s15 =	simm.s32 $0xA;
	s4 =	simm.s32 $0x10  }
0x92: {  	[smem:s4], [sflag:s15] =	dma.local [hbm:s2], $0x1  }
0x93: {  	_ =	swait.eq [sflag:s15], $0x1  }
0x94: {  	[sflag:s15] =	ssyncset.done $0x0  }
0x95: {  	s16 =	sld [smem:$0x10];
	[sflag:s15] =	ssyncadd.s32 $0xFFFFFFFF  }
0x96: {  	s17 =	sld [smem:$0x11];
	(tm) =	ssettm $0x1  }
0x97: {  	s18 =	sld [smem:$0x3FFB];
	_ =	sdelay $0x3  }
0x98: {  	_ =	strace s18  }
0x99: {  	s4 =	sld [smem:$0x3FFC];
	_ =	sdelay $0x3  }
0x9a: {  	_ =	strace s4  }
0x9b: {  	s4 =	sld [smem:$0x3FFD];
	_ =	sdelay $0x3  }
0x9c: {  	_ =	strace s4  }
0x9d: {  	_ =	strace $0x8FFFFFFF  }
0x9e: {  	s19 =	sld [smem:$0x3FDB];
	_ =	sdelay $0x1  }
0x9f: {  	s5 =	simm.s32 $_scs_section_size  }
0xa0: {  	s6 =	simm.s32 $_size__tile_overlayer_lowered;
	s7 =	simm.s32 $_tile_overlayer_lowered  }
0xa1: {  	s22 =	simm.s32 $0x1BFF;
	s21 =	sshll.u32 s7, $0x1;
	s4 =	sadd.s32 s5, s19  }
0xa2: {  	s8 =	simm.s32 $0x0;
	s20 =	sshll.u32 s6, $0x1;
	s6 =	sadd.s32 s21, s4  }
0xa3: {  	[timem:s8], [sflag:s22] =	dma.local [hbm:s6], s20  }
0xa4: {  	_ =	swait.ge [sflag:s22], s20  }
0xa5: {  	s5 =	ssub.s32 $0x0, s20;
	[sflag:s22] =	ssyncset.done $0x0  }
0xa6: {  	[sflag:s22] =	ssyncadd.s32 s5;
	_ =	sdelay $0x1  }
0xa7: {  	s23 =	simm.s32 $0x1B8B  }
0xa8: {  	_ =	swait.ge [sflag:s23], $0x1  }
0xa9: {  	[sflag:s23] =	ssyncset.done $0x0  }
0xaa: {  	s25 =	simm.s32 $0x1B8E;
	s24 =	sld [smem:$0x3FFE];
	[sflag:s23] =	ssyncadd.s32 $0xFFFFFFFF  }
0xab: {  	s26 =	simm.s32 $execute0_lowered;
	[smem:$0x3FD2] =	sst s25  }
0xac: {  	s6 =	sshll.u32 s26, $0x1;
	_ =	strace $0x80000046;
	[dreg:$0x1] =	wrdreg $0xFFFFFFFF  }
0xad: {  	s28 =	simm.s32 $_size_execute0_lowered;
	s4 =	sadd.s32 s4, s6;
	[dreg:$0x0] =	wrdreg $0x0  }
0xae: {  	s6 =	sshll.u32 s28, $0x1;
	[dreg:$0x2] =	wrdreg s4  }
0xaf: {  	[dreg:$0x3] =	wrdreg s6  }
0xb0: {  	[dreg:$0x4] =	wrdreg $0xC0  }
0xb1: {  	_ =	task [dreg:s8], $0x5FFFF  }
0xb2: {  	[dreg:$0x1] =	wrdreg $0xFFFFFFFF  }
0xb3: {  	[dreg:$0x0] =	wrdreg $0x60  }
0xb4: {  	[dreg:$0x2] =	wrdreg s24  }
0xb5: {  	[dreg:$0x3] =	wrdreg s17  }
0xb6: {  	[dreg:$0x4] =	wrdreg s16  }
0xb7: {  	[dreg:$0x5] =	wrdreg $0x9  }
0xb8: {  	_ =	task.clear_ibuf [dreg:s8], $0x6FFFF;
	_ =	strace $0x90000046  }
0xb9: {  	s29 =	simm.s32 $0x9;
	_ =	strace $0x80000048  }
0xba: {  	_ =	swait.ge [sflag:s29], $0x1  }
0xbb: {  	[sflag:s29] =	ssyncadd.s32 $0xFFFFFFFF  }
0xbc: {  	_ =	strace $0x90000048  }
0xbd: {  	_ =	sfence  }
0xbe: {  	s30 =	sld [smem:$0x0];
	_ =	sdelay $0x2  }
0xbf: {  	s31 =	sshll.u32 s1, $0xD;
	s1 =	sshrl.u32 s1, $0x2  }
0xc0: {  	s3 =	sand.u32 $0x4000, s31;
	s1 =	sadd.s32 s1, s30  }
0xc1: {  	s0 =	sor.u32 s3, s0;
	s1 =	sshll.u32 s1, $0x11  }
0xc2: {  	s0 =	sor.u32 s1, s0  }
0xc3: {  	s0 =	sadd.s32 $0x8F2B, s0  }
0xc4: {  	[sflag:s0] =	ssyncadd.remote.s32 $0x1  }
0xc5: {  	_ =	sfence.sel $0xFFFF  }
0xc6: {  	[dreg:$0x0] =	wrdreg $0xFFFFFFFF;
	(pc) =	sbr.abs _section_cstart, $3  }
0xc7: {  	[dreg:$0x1] =	wrdreg $0xFFFFFFFF  }
0xc8: {  	_ =	task.clear_ibuf [dreg:s8], $0x2FFFF;
	_ =	strace $0x9FFFFFFF  }
0xc9: {  	(tm) =	ssettm $0x7FFFFFFF  }
tec
execute0_lowered:
.L_overlay_start_1:
0x0: {  	(tag) =	ssettag $0x1  }
0x1: {  	s0 =	srdreg.scid  }
0x2: {  	s1 =	rddreg [dreg:$0x1];
	s3 =	stileid.u32;
	s0 =	sand.u32 $0x1, s0  }
0x3: {  	s2 =	rddreg [dreg:$0x2];
	s4 =	sshll.u32 s3, $0x3;
	s5 =	sshll.u32 s0, $0x2  }
0x4: {  	s9 =	simm.s32 $0x1;
	s10 =	simm.s32 $0x2;
	s4 =	sor.u32 s5, s4  }
0x5: {  	s11 =	simm.s32 $0x80;
	s3 =	simm.s32 $0x0;
	s5 =	smul.u32 $0x61C00, s4  }
0x6: {  	s12 =	simm.s32 $0x3480;
	[smem:$0x7FF] =	sst s3;
	s0 =	ssub.s32 $0x2, s0  }
0x7: {  	_ =	strace $0x80000047;
	s6 =	sshrl.u32 s0, $0x1;
	s5 =	sshrl.u32 s5, $0x3  }
0x8: {  	s7 =	smul.u32 $0xC380, s4;
	s1 =	sadd.s32 s1, s4;
	s13 =	sadd.s32 s2, s5  }
0x9: {  	s0 =	ssub.s32 s0, s6;
	[dreg:$0x4] =	wrdreg s1;
	s14 =	sadd.s32 $0xC380, s13  }
0xa: {  	s31 =	smax.u32 s0, $0x1;
	s15 =	sadd.s32 $0xC390, s13;
	[dreg:$0x5] =	wrdreg s14  }
0xb: {  	v9 =	vlaneseq.u32;
	v1 =	vimm.f32 $0.0e+00;
	s5 =	sadd.s32 s2, s7;
	s16 =	sadd.s32 $0xC3A0, s13;
	[dreg:$0x6] =	wrdreg s15  }
0xc: {  	v2 =	vimm.s32 $0x10;
	v4 =	vimm.f32 $1.000000000e+00;
	vm0 =	vmmov $0x3;
	s17 =	sadd.s32 $0xC3B0, s13;
	s18 =	sadd.s32 $0xC3C0, s13;
	[dreg:$0x7] =	wrdreg s16  }
0xd: {  	v11 =	vimm.s32 $0x11;
	v12 =	vimm.s32 $0x12;
	v13 =	vimm.s32 $0x13;
	s19 =	sadd.s32 $0xC3D0, s13;
	s20 =	sadd.s32 $0xC3E0, s13;
	[dreg:$0x8] =	wrdreg s17  }
0xe: {  	v14 =	vimm.s32 $0x14;
	v15 =	vimm.s32 $0x15;
	v16 =	vimm.s32 $0x16;
	s21 =	sadd.s32 $0xC3F0, s13;
	s22 =	sadd.s32 $0x18700, s13;
	[dreg:$0x9] =	wrdreg s18  }
0xf: {  	v17 =	vimm.s32 $0x17;
	v18 =	vimm.s32 $0x18;
	v19 =	vimm.s32 $0x19;
	s23 =	sadd.s32 $0x18710, s13;
	s24 =	sadd.s32 $0x18720, s13;
	[dreg:$0xa] =	wrdreg s19  }
0x10: {  	v20 =	vimm.s32 $0x1A;
	v21 =	vimm.s32 $0x1B;
	v22 =	vimm.s32 $0x1C;
	s25 =	sadd.s32 $0x18730, s13;
	s26 =	sadd.s32 $0x18740, s13;
	[dreg:$0xb] =	wrdreg s20  }
0x11: {  	v23 =	vimm.s32 $0x1D;
	v24 =	vimm.s32 $0x1E;
	v25 =	vimm.s32 $0x1F;
	s28 =	sadd.s32 $0x24AD0, s13;
	s29 =	sadd.s32 $0x24AE0, s13;
	[dreg:$0xc] =	wrdreg s21  }
0x12: {  	v26 =	vimm.s32 $0x20;
	v27 =	vimm.s32 $0x21;
	v28 =	vimm.s32 $0x22;
	s30 =	sadd.s32 $0x24AF0, s13;
	s2 =	sadd.s32 $0x10, s5;
	[dreg:$0xd] =	wrdreg s22  }
0x13: {  	v29 =	vimm.s32 $0x23;
	v30 =	vimm.s32 $0x24;
	v31 =	vimm.s32 $0x25;
	s0 =	sadd.s32 $0x20, s5;
	s1 =	sadd.s32 $0x30, s5;
	[dreg:$0xe] =	wrdreg s23  }
0x14: {  	v32 =	vimm.s32 $0x26;
	v33 =	vimm.s32 $0x27;
	v34 =	vimm.s32 $0x28;
	s4 =	sadd.s32 $0x40, s5;
	s6 =	sadd.s32 $0x50, s5;
	[dreg:$0xf] =	wrdreg s24  }
0x15: {  	v35 =	vimm.s32 $0x29;
	v36 =	vimm.s32 $0x2A;
	v37 =	vimm.s32 $0x2B;
	s7 =	sadd.s32 $0x60, s5;
	s8 =	sadd.s32 $0x70, s5;
	[dreg:$0x10] =	wrdreg s25  }
0x16: {  	v38 =	vimm.s32 $0x2C;
	v39 =	vimm.s32 $0x2D;
	v40 =	vimm.s32 $0x2E;
	[dreg:$0x11] =	wrdreg s26;
	s19 =	sadd.s32 $0x18750, s13;
	s20 =	sadd.s32 $0x18760, s13  }
0x17: {  	v41 =	vimm.s32 $0x2F;
	v0 =	vmul.u32 $0x3E8, v9;
	v3 =	vor.u32 $0x80, v9;
	s21 =	sadd.s32 $0x18770, s13;
	s22 =	sadd.s32 $0x24A80, s13;
	s23 =	sadd.s32 $0x24A90, s13  }
0x18: {  	v5 =	vor.u32 $0x90, v9;
	v7 =	vor.u32 $0xA0, v9;
	v9 =	vor.u32 $0xB0, v9;
	s24 =	sadd.s32 $0x24AA0, s13;
	s25 =	sadd.s32 $0x24AB0, s13;
	s26 =	sadd.s32 $0x24AC0, s13  }
0x19: {  	v6 =	vadd.s32 $0x3E80, v0;
	v8 =	vadd.s32 $0x7D00, v0;
	v10 =	vadd.s32 $0xBB80, v0;
	s13 =	simm.s32 $0x400;
	s14 =	simm.s32 $0xF800;
	s15 =	simm.s32 $0x0  }
.LBB2_1:
0x1a: {  	s16 =	rddreg [dreg:$0x4];
	s17 =	simm.s32 $0x10  }
0x1b: {  	[tilespmem:s17], [sflag:$0x1] =	stream.linear.gather [hbm4b:s16+s3], $0x20, $0x38;
	[tilespmem:$0x1BB80] =	vst v63  }
0x1c: {  	_ =	swait.ge [sflag:s9], $0x20  }
0x1d: {  	[sflag:s9] =	ssyncset.done $0x0  }
0x1e: {  	[sflag:s9] =	ssyncadd.s32 $0xFFFFFFE0  }
0x1f: {  	s18 =	simm.s32 $0x100;
	s17 =	rddreg [dreg:$0x0]  }
0x20: {  	[tilespmem:s18], [sflag:$0x2] =	stream.linear.gather [hbm4b:s17+s3], $0x3200, $0x38;
	[tilespmem:$0x1BB80] =	vst v63  }
0x21: {  	_ =	swait.ge [sflag:s10], $0x3200  }
0x22: {  	[sflag:s10] =	ssyncset.done $0x0  }
0x23: {  	s16 =	simm.s32 $0x40;
	s17 =	simm.s32 $0x0;
	[sflag:s10] =	ssyncadd.s32 $0xFFFFCE00  }
.LBB2_2:
0x24: {  	p0 =	sne.s32 s16, $0x30D00;
	[tilespmem:s17+$0x3480] =	vst v1;
	s18 =	smov.u32 s16;
	s16 =	sadd.s32 $0x40, s16  }
.Ltmp0:
0x25: {  	[tilespmem:s17+$0xF800] =	vst v1;
	(pc) =	sbr.rel @p0 .LBB2_2-.Ltmp0, $2  }
0x26: {  	_ =	sdelay $0x2  }
0x27: {  	s17 =	sshra.s32 s18, $0x2  }
0x28: {  	_ =	sdelay $0x1  }
0x29: {  	[tilespmem:s17+$0x3480] =	vst v1  }
0x2a: {  	[tilespmem:s17+$0xF800] =	vst v1  }
0x2b: {  	v42 =	vld.idx.msk [tilespmem:v2+s3+$0x0], $0xffff;
	_ =	sdelay $0x4  }
0x2c: {  	v42 =	vshll.u32 v42, $0x7  }
0x2d: {  	v43 =	vadd.s32 v3, v42;
	_ =	sdelay $0x4  }
0x2e: {  	v43 =	vld.idx.msk [tilespmem:v43+s11+$0x0], $0xffff;
	_ =	sdelay $0x4  }
0x2f: {  	v43 =	vadd.s32 v0, v43  }
0x30: {  	v44 =	vadd.s32 v5, v42;
	_ =	sdelay $0x3  }
0x31: {  	[tilespmem:v43+s12+$0x0] =	vst.idx.msk $0xffff, v4  }
0x32: {  	v44 =	vld.idx.msk [tilespmem:v44+s11+$0x0], $0xffff;
	_ =	sdelay $0x4  }
0x33: {  	v44 =	vadd.s32 v6, v44  }
0x34: {  	v45 =	vadd.s32 v7, v42;
	_ =	sdelay $0x3  }
0x35: {  	[tilespmem:v44+s12+$0x0] =	vst.idx.msk $0xffff, v4  }
0x36: {  	v45 =	vld.idx.msk [tilespmem:v45+s11+$0x0], $0xffff;
	_ =	sdelay $0x4  }
0x37: {  	v45 =	vadd.s32 v8, v45  }
0x38: {  	v42 =	vadd.s32 v9, v42;
	_ =	sdelay $0x3  }
0x39: {  	[tilespmem:v45+s12+$0x0] =	vst.idx.msk $0xffff, v4  }
0x3a: {  	v42 =	vld.idx.msk [tilespmem:v42+s11+$0x0], $0xffff;
	_ =	sdelay $0x4  }
0x3b: {  	v42 =	vadd.s32 v10, v42  }
0x3c: {  	v42 =	vnsel vm0, $0x0, v42;
	_ =	sdelay $0x4  }
0x3d: {  	[tilespmem:v42+s12+$0x0] =	vst.idx.msk $0x3, v4  }
0x3e: {  	[hbm4b:s5+s11] =	stream.strided.scatter [tilespmem:s12], [sflag:$0x1], $0xC380, s13, s11, $0x38;
	[tilespmem:$0x1BB80] =	vst v63  }
0x3f: {  	v46 =	vld.idx.msk [tilespmem:v11+s3+$0x0], $0xffff;
	_ =	sdelay $0x4  }
0x40: {  	v46 =	vshll.u32 v46, $0x7  }
0x41: {  	v47 =	vadd.s32 v3, v46;
	_ =	sdelay $0x4  }
0x42: {  	v47 =	vld.idx.msk [tilespmem:v47+s11+$0x0], $0xffff;
	_ =	sdelay $0x4  }
0x43: {  	v47 =	vadd.s32 v0, v47  }
0x44: {  	v48 =	vadd.s32 v5, v46;
	_ =	sdelay $0x3  }
0x45: {  	[tilespmem:v47+s14+$0x0] =	vst.idx.msk $0xffff, v4  }
0x46: {  	v48 =	vld.idx.msk [tilespmem:v48+s11+$0x0], $0xffff;
	_ =	sdelay $0x4  }
0x47: {  	v48 =	vadd.s32 v6, v48  }
0x48: {  	v49 =	vadd.s32 v7, v46;
	_ =	sdelay $0x3  }
0x49: {  	[tilespmem:v48+s14+$0x0] =	vst.idx.msk $0xffff, v4  }
0x4a: {  	v49 =	vld.idx.msk [tilespmem:v49+s11+$0x0], $0xffff;
	_ =	sdelay $0x4  }
0x4b: {  	v49 =	vadd.s32 v8, v49  }
0x4c: {  	v46 =	vadd.s32 v9, v46;
	_ =	sdelay $0x3  }
0x4d: {  	[tilespmem:v49+s14+$0x0] =	vst.idx.msk $0xffff, v4  }
0x4e: {  	v46 =	vld.idx.msk [tilespmem:v46+s11+$0x0], $0xffff;
	_ =	sdelay $0x4  }
0x4f: {  	v46 =	vadd.s32 v10, v46  }
0x50: {  	v46 =	vnsel vm0, $0x0, v46;
	_ =	sdelay $0x4  }
0x51: {  	[tilespmem:v46+s14+$0x0] =	vst.idx.msk $0x3, v4  }
0x52: {  	[hbm4b:s2+s11] =	stream.strided.scatter [tilespmem:s14], [sflag:$0x2], $0xC380, s13, s11, $0x38;
	[tilespmem:$0x1BB80] =	vst v63  }
0x53: {  	_ =	swait.ge [sflag:s9], $0xC380  }
0x54: {  	[sflag:s9] =	ssyncset.done $0x0  }
0x55: {  	[sflag:s9] =	ssyncadd.s32 $0xFFFF3C80  }
0x56: {  	[tilespmem:v43+s12+$0x0] =	vst.idx.msk $0xffff, v1  }
0x57: {  	[tilespmem:v44+s12+$0x0] =	vst.idx.msk $0xffff, v1  }
0x58: {  	[tilespmem:v45+s12+$0x0] =	vst.idx.msk $0xffff, v1  }
0x59: {  	[tilespmem:v42+s12+$0x0] =	vst.idx.msk $0x3, v1  }
0x5a: {  	v42 =	vld.idx.msk [tilespmem:v12+s3+$0x0], $0xffff;
	_ =	sdelay $0x4  }
0x5b: {  	v42 =	vshll.u32 v42, $0x7  }
0x5c: {  	v58 =	vadd.s32 v3, v42;
	_ =	sdelay $0x4  }
0x5d: {  	v43 =	vld.idx.msk [tilespmem:v58+s11+$0x0], $0xffff;
	_ =	sdelay $0x4  }
0x5e: {  	v43 =	vadd.s32 v0, v43  }
0x5f: {  	v59 =	vadd.s32 v5, v42;
	_ =	sdelay $0x3  }
0x60: {  	[tilespmem:v43+s12+$0x0] =	vst.idx.msk $0xffff, v4  }
0x61: {  	v44 =	vld.idx.msk [tilespmem:v59+s11+$0x0], $0xffff;
	_ =	sdelay $0x4  }
0x62: {  	v44 =	vadd.s32 v6, v44  }
0x63: {  	v60 =	vadd.s32 v7, v42;
	_ =	sdelay $0x3  }
0x64: {  	[tilespmem:v44+s12+$0x0] =	vst.idx.msk $0xffff, v4  }
0x65: {  	v45 =	vld.idx.msk [tilespmem:v60+s11+$0x0], $0xffff;
	_ =	sdelay $0x4  }
0x66: {  	v45 =	vadd.s32 v8, v45  }
0x67: {  	v42 =	vadd.s32 v9, v42;
	_ =	sdelay $0x3  }
0x68: {  	[tilespmem:v45+s12+$0x0] =	vst.idx.msk $0xffff, v4  }
0x69: {  	v42 =	vld.idx.msk [tilespmem:v42+s11+$0x0], $0xffff;
	_ =	sdelay $0x4  }
0x6a: {  	v42 =	vadd.s32 v10, v42  }
0x6b: {  	v42 =	vnsel vm0, $0x0, v42;
	_ =	sdelay $0x4  }
0x6c: {  	[tilespmem:v42+s12+$0x0] =	vst.idx.msk $0x3, v4  }
0x6d: {  	[hbm4b:s0+s11] =	stream.strided.scatter [tilespmem:s12], [sflag:$0x1], $0xC380, s13, s11, $0x38;
	[tilespmem:$0x1BB80] =	vst v63  }
0x6e: {  	_ =	swait.ge [sflag:s10], $0xC380  }
0x6f: {  	[sflag:s10] =	ssyncset.done $0x0  }
0x70: {  	[sflag:s10] =	ssyncadd.s32 $0xFFFF3C80  }
0x71: {  	[tilespmem:v47+s14+$0x0] =	vst.idx.msk $0xffff, v1  }
0x72: {  	[tilespmem:v48+s14+$0x0] =	vst.idx.msk $0xffff, v1  }
0x73: {  	[tilespmem:v49+s14+$0x0] =	vst.idx.msk $0xffff, v1  }
0x74: {  	[tilespmem:v46+s14+$0x0] =	vst.idx.msk $0x3, v1  }
0x75: {  	v46 =	vld.idx.msk [tilespmem:v13+s3+$0x0], $0xffff;
	_ =	sdelay $0x4  }
0x76: {  	v46 =	vshll.u32 v46, $0x7  }
0x77: {  	v61 =	vadd.s32 v3, v46;
	_ =	sdelay $0x4  }
0x78: {  	v47 =	vld.idx.msk [tilespmem:v61+s11+$0x0], $0xffff;
	_ =	sdelay $0x4  }
0x79: {  	v47 =	vadd.s32 v0, v47  }
0x7a: {  	v62 =	vadd.s32 v5, v46;
	_ =	sdelay $0x3  }
0x7b: {  	[tilespmem:v47+s14+$0x0] =	vst.idx.msk $0xffff, v4  }
0x7c: {  	v48 =	vld.idx.msk [tilespmem:v62+s11+$0x0], $0xffff;
	_ =	sdelay $0x4  }
0x7d: {  	v48 =	vadd.s32 v6, v48  }
0x7e: {  	v63 =	vadd.s32 v7, v46;
	_ =	sdelay $0x3  }
0x7f: {  	[tilespmem:v48+s14+$0x0] =	vst.idx.msk $0xffff, v4  }
0x80: {  	v49 =	vld.idx.msk [tilespmem:v63+s11+$0x0], $0xffff;
	_ =	sdelay $0x4  }
0x81: {  	v49 =	vadd.s32 v8, v49  }
0x82: {  	v46 =	vadd.s32 v9, v46;
	_ =	sdelay $0x3  }
0x83: {  	[tilespmem:v49+s14+$0x0] =	vst.idx.msk $0xffff, v4  }
0x84: {  	v46 =	vld.idx.msk [tilespmem:v46+s11+$0x0], $0xffff;
	_ =	sdelay $0x4  }
0x85: {  	v46 =	vadd.s32 v10, v46  }
0x86: {  	v46 =	vnsel vm0, $0x0, v46;
	_ =	sdelay $0x4  }
0x87: {  	[tilespmem:v46+s14+$0x0] =	vst.idx.msk $0x3, v4  }
0x88: {  	[hbm4b:s1+s11] =	stream.strided.scatter [tilespmem:s14], [sflag:$0x2], $0xC380, s13, s11, $0x38;
	[tilespmem:$0x1BB80] =	vst v63  }
0x89: {  	_ =	swait.ge [sflag:s9], $0xC380  }
0x8a: {  	[sflag:s9] =	ssyncset.done $0x0  }
0x8b: {  	[sflag:s9] =	ssyncadd.s32 $0xFFFF3C80  }
0x8c: {  	[tilespmem:v43+s12+$0x0] =	vst.idx.msk $0xffff, v1  }
0x8d: {  	[tilespmem:v44+s12+$0x0] =	vst.idx.msk $0xffff, v1  }
0x8e: {  	[tilespmem:v45+s12+$0x0] =	vst.idx.msk $0xffff, v1  }
0x8f: {  	[tilespmem:v42+s12+$0x0] =	vst.idx.msk $0x3, v1  }
0x90: {  	v42 =	vld.idx.msk [tilespmem:v14+s3+$0x0], $0xffff;
	_ =	sdelay $0x4  }
0x91: {  	v42 =	vshll.u32 v42, $0x7  }
0x92: {  	v52 =	vadd.s32 v3, v42;
	_ =	sdelay $0x4  }
0x93: {  	v43 =	vld.idx.msk [tilespmem:v52+s11+$0x0], $0xffff;
	_ =	sdelay $0x4  }
0x94: {  	v43 =	vadd.s32 v0, v43  }
0x95: {  	v53 =	vadd.s32 v5, v42;
	_ =	sdelay $0x3  }
0x96: {  	[tilespmem:v43+s12+$0x0] =	vst.idx.msk $0xffff, v4  }
0x97: {  	v44 =	vld.idx.msk [tilespmem:v53+s11+$0x0], $0xffff;
	_ =	sdelay $0x4  }
0x98: {  	v44 =	vadd.s32 v6, v44  }
0x99: {  	v54 =	vadd.s32 v7, v42;
	_ =	sdelay $0x3  }
0x9a: {  	[tilespmem:v44+s12+$0x0] =	vst.idx.msk $0xffff, v4  }
0x9b: {  	v45 =	vld.idx.msk [tilespmem:v54+s11+$0x0], $0xffff;
	_ =	sdelay $0x4  }
0x9c: {  	v45 =	vadd.s32 v8, v45  }
0x9d: {  	v42 =	vadd.s32 v9, v42;
	_ =	sdelay $0x3  }
0x9e: {  	[tilespmem:v45+s12+$0x0] =	vst.idx.msk $0xffff, v4  }
0x9f: {  	v42 =	vld.idx.msk [tilespmem:v42+s11+$0x0], $0xffff;
	_ =	sdelay $0x4  }
0xa0: {  	v42 =	vadd.s32 v10, v42  }
0xa1: {  	v42 =	vnsel vm0, $0x0, v42;
	_ =	sdelay $0x4  }
0xa2: {  	[tilespmem:v42+s12+$0x0] =	vst.idx.msk $0x3, v4  }
0xa3: {  	[hbm4b:s4+s11] =	stream.strided.scatter [tilespmem:s12], [sflag:$0x1], $0xC380, s13, s11, $0x38;
	[tilespmem:$0x1BB80] =	vst v63  }
0xa4: {  	_ =	swait.ge [sflag:s10], $0xC380  }
0xa5: {  	[sflag:s10] =	ssyncset.done $0x0  }
0xa6: {  	[sflag:s10] =	ssyncadd.s32 $0xFFFF3C80  }
0xa7: {  	[tilespmem:v47+s14+$0x0] =	vst.idx.msk $0xffff, v1  }
0xa8: {  	[tilespmem:v48+s14+$0x0] =	vst.idx.msk $0xffff, v1  }
0xa9: {  	[tilespmem:v49+s14+$0x0] =	vst.idx.msk $0xffff, v1  }
0xaa: {  	[tilespmem:v46+s14+$0x0] =	vst.idx.msk $0x3, v1  }
0xab: {  	v46 =	vld.idx.msk [tilespmem:v15+s3+$0x0], $0xffff;
	_ =	sdelay $0x4  }
0xac: {  	v46 =	vshll.u32 v46, $0x7  }
0xad: {  	v55 =	vadd.s32 v3, v46;
	_ =	sdelay $0x4  }
0xae: {  	v47 =	vld.idx.msk [tilespmem:v55+s11+$0x0], $0xffff;
	_ =	sdelay $0x4  }
0xaf: {  	v47 =	vadd.s32 v0, v47  }
0xb0: {  	v56 =	vadd.s32 v5, v46;
	_ =	sdelay $0x3  }
0xb1: {  	[tilespmem:v47+s14+$0x0] =	vst.idx.msk $0xffff, v4  }
0xb2: {  	v48 =	vld.idx.msk [tilespmem:v56+s11+$0x0], $0xffff;
	_ =	sdelay $0x4  }
0xb3: {  	v48 =	vadd.s32 v6, v48  }
0xb4: {  	v57 =	vadd.s32 v7, v46;
	_ =	sdelay $0x3  }
0xb5: {  	[tilespmem:v48+s14+$0x0] =	vst.idx.msk $0xffff, v4  }
0xb6: {  	v49 =	vld.idx.msk [tilespmem:v57+s11+$0x0], $0xffff;
	_ =	sdelay $0x4  }
0xb7: {  	v49 =	vadd.s32 v8, v49  }
0xb8: {  	v46 =	vadd.s32 v9, v46;
	_ =	sdelay $0x3  }
0xb9: {  	[tilespmem:v49+s14+$0x0] =	vst.idx.msk $0xffff, v4  }
0xba: {  	v46 =	vld.idx.msk [tilespmem:v46+s11+$0x0], $0xffff;
	_ =	sdelay $0x4  }
0xbb: {  	v46 =	vadd.s32 v10, v46  }
0xbc: {  	v46 =	vnsel vm0, $0x0, v46;
	_ =	sdelay $0x4  }
0xbd: {  	[tilespmem:v46+s14+$0x0] =	vst.idx.msk $0x3, v4  }
0xbe: {  	[hbm4b:s6+s11] =	stream.strided.scatter [tilespmem:s14], [sflag:$0x2], $0xC380, s13, s11, $0x38;
	[tilespmem:$0x1BB80] =	vst v63  }
0xbf: {  	_ =	swait.ge [sflag:s9], $0xC380  }
0xc0: {  	[sflag:s9] =	ssyncset.done $0x0  }
0xc1: {  	[sflag:s9] =	ssyncadd.s32 $0xFFFF3C80  }
0xc2: {  	[tilespmem:v43+s12+$0x0] =	vst.idx.msk $0xffff, v1  }
0xc3: {  	[tilespmem:v44+s12+$0x0] =	vst.idx.msk $0xffff, v1  }
0xc4: {  	[tilespmem:v45+s12+$0x0] =	vst.idx.msk $0xffff, v1  }
0xc5: {  	[tilespmem:v42+s12+$0x0] =	vst.idx.msk $0x3, v1  }
0xc6: {  	v42 =	vld.idx.msk [tilespmem:v16+s3+$0x0], $0xffff;
	_ =	sdelay $0x4  }
0xc7: {  	v42 =	vshll.u32 v42, $0x7  }
0xc8: {  	v58 =	vadd.s32 v3, v42;
	_ =	sdelay $0x4  }
0xc9: {  	v43 =	vld.idx.msk [tilespmem:v58+s11+$0x0], $0xffff;
	_ =	sdelay $0x4  }
0xca: {  	v43 =	vadd.s32 v0, v43  }
0xcb: {  	v59 =	vadd.s32 v5, v42;
	_ =	sdelay $0x3  }
0xcc: {  	[tilespmem:v43+s12+$0x0] =	vst.idx.msk $0xffff, v4  }
0xcd: {  	v44 =	vld.idx.msk [tilespmem:v59+s11+$0x0], $0xffff;
	_ =	sdelay $0x4  }
0xce: {  	v44 =	vadd.s32 v6, v44  }
0xcf: {  	v60 =	vadd.s32 v7, v42;
	_ =	sdelay $0x3  }
0xd0: {  	[tilespmem:v44+s12+$0x0] =	vst.idx.msk $0xffff, v4  }
0xd1: {  	v45 =	vld.idx.msk [tilespmem:v60+s11+$0x0], $0xffff;
	_ =	sdelay $0x4  }
0xd2: {  	v45 =	vadd.s32 v8, v45  }
0xd3: {  	v42 =	vadd.s32 v9, v42;
	_ =	sdelay $0x3  }
0xd4: {  	[tilespmem:v45+s12+$0x0] =	vst.idx.msk $0xffff, v4  }
0xd5: {  	v42 =	vld.idx.msk [tilespmem:v42+s11+$0x0], $0xffff;
	_ =	sdelay $0x4  }
0xd6: {  	v42 =	vadd.s32 v10, v42  }
0xd7: {  	v42 =	vnsel vm0, $0x0, v42;
	_ =	sdelay $0x4  }
0xd8: {  	[tilespmem:v42+s12+$0x0] =	vst.idx.msk $0x3, v4  }
0xd9: {  	[hbm4b:s7+s11] =	stream.strided.scatter [tilespmem:s12], [sflag:$0x1], $0xC380, s13, s11, $0x38;
	[tilespmem:$0x1BB80] =	vst v63  }
0xda: {  	_ =	swait.ge [sflag:s10], $0xC380  }
0xdb: {  	[sflag:s10] =	ssyncset.done $0x0  }
0xdc: {  	[sflag:s10] =	ssyncadd.s32 $0xFFFF3C80  }
0xdd: {  	[tilespmem:v47+s14+$0x0] =	vst.idx.msk $0xffff, v1  }
0xde: {  	[tilespmem:v48+s14+$0x0] =	vst.idx.msk $0xffff, v1  }
0xdf: {  	[tilespmem:v49+s14+$0x0] =	vst.idx.msk $0xffff, v1  }
0xe0: {  	[tilespmem:v46+s14+$0x0] =	vst.idx.msk $0x3, v1  }
0xe1: {  	v46 =	vld.idx.msk [tilespmem:v17+s3+$0x0], $0xffff;
	_ =	sdelay $0x4  }
0xe2: {  	v46 =	vshll.u32 v46, $0x7  }
0xe3: {  	v61 =	vadd.s32 v3, v46;
	_ =	sdelay $0x4  }
0xe4: {  	v47 =	vld.idx.msk [tilespmem:v61+s11+$0x0], $0xffff;
	_ =	sdelay $0x4  }
0xe5: {  	v47 =	vadd.s32 v0, v47  }
0xe6: {  	v62 =	vadd.s32 v5, v46;
	_ =	sdelay $0x3  }
0xe7: {  	[tilespmem:v47+s14+$0x0] =	vst.idx.msk $0xffff, v4  }
0xe8: {  	v48 =	vld.idx.msk [tilespmem:v62+s11+$0x0], $0xffff;
	_ =	sdelay $0x4  }
0xe9: {  	v48 =	vadd.s32 v6, v48  }
0xea: {  	v63 =	vadd.s32 v7, v46;
	_ =	sdelay $0x3  }
0xeb: {  	[tilespmem:v48+s14+$0x0] =	vst.idx.msk $0xffff, v4  }
0xec: {  	v49 =	vld.idx.msk [tilespmem:v63+s11+$0x0], $0xffff;
	_ =	sdelay $0x4  }
0xed: {  	v49 =	vadd.s32 v8, v49  }
0xee: {  	v46 =	vadd.s32 v9, v46;
	_ =	sdelay $0x3  }
0xef: {  	[tilespmem:v49+s14+$0x0] =	vst.idx.msk $0xffff, v4  }
0xf0: {  	v46 =	vld.idx.msk [tilespmem:v46+s11+$0x0], $0xffff;
	_ =	sdelay $0x4  }
0xf1: {  	v46 =	vadd.s32 v10, v46  }
0xf2: {  	v46 =	vnsel vm0, $0x0, v46;
	_ =	sdelay $0x4  }
0xf3: {  	[tilespmem:v46+s14+$0x0] =	vst.idx.msk $0x3, v4  }
0xf4: {  	[hbm4b:s8+s11] =	stream.strided.scatter [tilespmem:s14], [sflag:$0x2], $0xC380, s13, s11, $0x38;
	[tilespmem:$0x1BB80] =	vst v63  }
0xf5: {  	_ =	swait.ge [sflag:s9], $0xC380  }
0xf6: {  	[sflag:s9] =	ssyncset.done $0x0  }
0xf7: {  	[sflag:s9] =	ssyncadd.s32 $0xFFFF3C80  }
0xf8: {  	[tilespmem:v43+s12+$0x0] =	vst.idx.msk $0xffff, v1  }
0xf9: {  	[tilespmem:v44+s12+$0x0] =	vst.idx.msk $0xffff, v1  }
0xfa: {  	[tilespmem:v45+s12+$0x0] =	vst.idx.msk $0xffff, v1  }
0xfb: {  	[tilespmem:v42+s12+$0x0] =	vst.idx.msk $0x3, v1  }
0xfc: {  	v42 =	vld.idx.msk [tilespmem:v18+s3+$0x0], $0xffff;
	_ =	sdelay $0x4  }
0xfd: {  	v42 =	vshll.u32 v42, $0x7  }
0xfe: {  	v52 =	vadd.s32 v3, v42;
	_ =	sdelay $0x4  }
0xff: {  	v43 =	vld.idx.msk [tilespmem:v52+s11+$0x0], $0xffff;
	_ =	sdelay $0x4  }
0x100: {  	v43 =	vadd.s32 v0, v43  }
0x101: {  	v53 =	vadd.s32 v5, v42;
	_ =	sdelay $0x3  }
0x102: {  	[tilespmem:v43+s12+$0x0] =	vst.idx.msk $0xffff, v4  }
0x103: {  	v44 =	vld.idx.msk [tilespmem:v53+s11+$0x0], $0xffff;
	_ =	sdelay $0x4  }
0x104: {  	v44 =	vadd.s32 v6, v44  }
0x105: {  	v54 =	vadd.s32 v7, v42;
	_ =	sdelay $0x3  }
0x106: {  	[tilespmem:v44+s12+$0x0] =	vst.idx.msk $0xffff, v4  }
0x107: {  	v45 =	vld.idx.msk [tilespmem:v54+s11+$0x0], $0xffff;
	_ =	sdelay $0x4  }
0x108: {  	v45 =	vadd.s32 v8, v45  }
0x109: {  	v42 =	vadd.s32 v9, v42;
	_ =	sdelay $0x3  }
0x10a: {  	[tilespmem:v45+s12+$0x0] =	vst.idx.msk $0xffff, v4  }
0x10b: {  	v42 =	vld.idx.msk [tilespmem:v42+s11+$0x0], $0xffff;
	_ =	sdelay $0x4  }
0x10c: {  	v42 =	vadd.s32 v10, v42  }
0x10d: {  	v42 =	vnsel vm0, $0x0, v42;
	_ =	sdelay $0x4  }
0x10e: {  	s16 =	rddreg [dreg:$0x5];
	[tilespmem:v42+s12+$0x0] =	vst.idx.msk $0x3, v4  }
0x10f: {  	[hbm4b:s16+s11] =	stream.strided.scatter [tilespmem:s12], [sflag:$0x1], $0xC380, s13, s11, $0x38;
	[tilespmem:$0x1BB80] =	vst v63  }
0x110: {  	_ =	swait.ge [sflag:s10], $0xC380  }
0x111: {  	[sflag:s10] =	ssyncset.done $0x0  }
0x112: {  	[sflag:s10] =	ssyncadd.s32 $0xFFFF3C80  }
0x113: {  	[tilespmem:v47+s14+$0x0] =	vst.idx.msk $0xffff, v1  }
0x114: {  	[tilespmem:v48+s14+$0x0] =	vst.idx.msk $0xffff, v1  }
0x115: {  	[tilespmem:v49+s14+$0x0] =	vst.idx.msk $0xffff, v1  }
0x116: {  	[tilespmem:v46+s14+$0x0] =	vst.idx.msk $0x3, v1  }
0x117: {  	v46 =	vld.idx.msk [tilespmem:v19+s3+$0x0], $0xffff;
	_ =	sdelay $0x4  }
0x118: {  	v46 =	vshll.u32 v46, $0x7  }
0x119: {  	v55 =	vadd.s32 v3, v46;
	_ =	sdelay $0x4  }
0x11a: {  	v47 =	vld.idx.msk [tilespmem:v55+s11+$0x0], $0xffff;
	_ =	sdelay $0x4  }
0x11b: {  	v47 =	vadd.s32 v0, v47  }
0x11c: {  	v56 =	vadd.s32 v5, v46;
	_ =	sdelay $0x3  }
0x11d: {  	[tilespmem:v47+s14+$0x0] =	vst.idx.msk $0xffff, v4  }
0x11e: {  	v48 =	vld.idx.msk [tilespmem:v56+s11+$0x0], $0xffff;
	_ =	sdelay $0x4  }
0x11f: {  	v48 =	vadd.s32 v6, v48  }
0x120: {  	v57 =	vadd.s32 v7, v46;
	_ =	sdelay $0x3  }
0x121: {  	[tilespmem:v48+s14+$0x0] =	vst.idx.msk $0xffff, v4  }
0x122: {  	v49 =	vld.idx.msk [tilespmem:v57+s11+$0x0], $0xffff;
	_ =	sdelay $0x4  }
0x123: {  	v49 =	vadd.s32 v8, v49  }
0x124: {  	v46 =	vadd.s32 v9, v46;
	_ =	sdelay $0x3  }
0x125: {  	[tilespmem:v49+s14+$0x0] =	vst.idx.msk $0xffff, v4  }
0x126: {  	v46 =	vld.idx.msk [tilespmem:v46+s11+$0x0], $0xffff;
	_ =	sdelay $0x4  }
0x127: {  	v46 =	vadd.s32 v10, v46  }
0x128: {  	v46 =	vnsel vm0, $0x0, v46;
	_ =	sdelay $0x4  }
0x129: {  	s17 =	rddreg [dreg:$0x6];
	[tilespmem:v46+s14+$0x0] =	vst.idx.msk $0x3, v4  }
0x12a: {  	[hbm4b:s17+s11] =	stream.strided.scatter [tilespmem:s14], [sflag:$0x2], $0xC380, s13, s11, $0x38;
	[tilespmem:$0x1BB80] =	vst v63  }
0x12b: {  	_ =	swait.ge [sflag:s9], $0xC380  }
0x12c: {  	[sflag:s9] =	ssyncset.done $0x0  }
0x12d: {  	[sflag:s9] =	ssyncadd.s32 $0xFFFF3C80  }
0x12e: {  	[tilespmem:v43+s12+$0x0] =	vst.idx.msk $0xffff, v1  }
0x12f: {  	[tilespmem:v44+s12+$0x0] =	vst.idx.msk $0xffff, v1  }
0x130: {  	[tilespmem:v45+s12+$0x0] =	vst.idx.msk $0xffff, v1  }
0x131: {  	[tilespmem:v42+s12+$0x0] =	vst.idx.msk $0x3, v1  }
0x132: {  	v42 =	vld.idx.msk [tilespmem:v20+s3+$0x0], $0xffff;
	_ =	sdelay $0x4  }
0x133: {  	v42 =	vshll.u32 v42, $0x7  }
0x134: {  	v58 =	vadd.s32 v3, v42;
	_ =	sdelay $0x4  }
0x135: {  	v43 =	vld.idx.msk [tilespmem:v58+s11+$0x0], $0xffff;
	_ =	sdelay $0x4  }
0x136: {  	v43 =	vadd.s32 v0, v43  }
0x137: {  	v59 =	vadd.s32 v5, v42;
	_ =	sdelay $0x3  }
0x138: {  	[tilespmem:v43+s12+$0x0] =	vst.idx.msk $0xffff, v4  }
0x139: {  	v44 =	vld.idx.msk [tilespmem:v59+s11+$0x0], $0xffff;
	_ =	sdelay $0x4  }
0x13a: {  	v44 =	vadd.s32 v6, v44  }
0x13b: {  	v60 =	vadd.s32 v7, v42;
	_ =	sdelay $0x3  }
0x13c: {  	[tilespmem:v44+s12+$0x0] =	vst.idx.msk $0xffff, v4  }
0x13d: {  	v45 =	vld.idx.msk [tilespmem:v60+s11+$0x0], $0xffff;
	_ =	sdelay $0x4  }
0x13e: {  	v45 =	vadd.s32 v8, v45  }
0x13f: {  	v42 =	vadd.s32 v9, v42;
	_ =	sdelay $0x3  }
0x140: {  	[tilespmem:v45+s12+$0x0] =	vst.idx.msk $0xffff, v4  }
0x141: {  	v42 =	vld.idx.msk [tilespmem:v42+s11+$0x0], $0xffff;
	_ =	sdelay $0x4  }
0x142: {  	v42 =	vadd.s32 v10, v42  }
0x143: {  	v42 =	vnsel vm0, $0x0, v42;
	_ =	sdelay $0x4  }
0x144: {  	s18 =	rddreg [dreg:$0x7];
	[tilespmem:v42+s12+$0x0] =	vst.idx.msk $0x3, v4  }
0x145: {  	[hbm4b:s18+s11] =	stream.strided.scatter [tilespmem:s12], [sflag:$0x1], $0xC380, s13, s11, $0x38;
	[tilespmem:$0x1BB80] =	vst v63  }
0x146: {  	_ =	swait.ge [sflag:s10], $0xC380  }
0x147: {  	[sflag:s10] =	ssyncset.done $0x0  }
0x148: {  	[sflag:s10] =	ssyncadd.s32 $0xFFFF3C80  }
0x149: {  	[tilespmem:v47+s14+$0x0] =	vst.idx.msk $0xffff, v1  }
0x14a: {  	[tilespmem:v48+s14+$0x0] =	vst.idx.msk $0xffff, v1  }
0x14b: {  	[tilespmem:v49+s14+$0x0] =	vst.idx.msk $0xffff, v1  }
0x14c: {  	[tilespmem:v46+s14+$0x0] =	vst.idx.msk $0x3, v1  }
0x14d: {  	v46 =	vld.idx.msk [tilespmem:v21+s3+$0x0], $0xffff;
	_ =	sdelay $0x4  }
0x14e: {  	v46 =	vshll.u32 v46, $0x7  }
0x14f: {  	v61 =	vadd.s32 v3, v46;
	_ =	sdelay $0x4  }
0x150: {  	v47 =	vld.idx.msk [tilespmem:v61+s11+$0x0], $0xffff;
	_ =	sdelay $0x4  }
0x151: {  	v47 =	vadd.s32 v0, v47  }
0x152: {  	v62 =	vadd.s32 v5, v46;
	_ =	sdelay $0x3  }
0x153: {  	[tilespmem:v47+s14+$0x0] =	vst.idx.msk $0xffff, v4  }
0x154: {  	v48 =	vld.idx.msk [tilespmem:v62+s11+$0x0], $0xffff;
	_ =	sdelay $0x4  }
0x155: {  	v48 =	vadd.s32 v6, v48  }
0x156: {  	v63 =	vadd.s32 v7, v46;
	_ =	sdelay $0x3  }
0x157: {  	[tilespmem:v48+s14+$0x0] =	vst.idx.msk $0xffff, v4  }
0x158: {  	v49 =	vld.idx.msk [tilespmem:v63+s11+$0x0], $0xffff;
	_ =	sdelay $0x4  }
0x159: {  	v49 =	vadd.s32 v8, v49  }
0x15a: {  	v46 =	vadd.s32 v9, v46;
	_ =	sdelay $0x3  }
0x15b: {  	[tilespmem:v49+s14+$0x0] =	vst.idx.msk $0xffff, v4  }
0x15c: {  	v46 =	vld.idx.msk [tilespmem:v46+s11+$0x0], $0xffff;
	_ =	sdelay $0x4  }
0x15d: {  	v46 =	vadd.s32 v10, v46  }
0x15e: {  	v46 =	vnsel vm0, $0x0, v46;
	_ =	sdelay $0x4  }
0x15f: {  	s17 =	rddreg [dreg:$0x8];
	[tilespmem:v46+s14+$0x0] =	vst.idx.msk $0x3, v4  }
0x160: {  	[hbm4b:s17+s11] =	stream.strided.scatter [tilespmem:s14], [sflag:$0x2], $0xC380, s13, s11, $0x38;
	[tilespmem:$0x1BB80] =	vst v63  }
0x161: {  	_ =	swait.ge [sflag:s9], $0xC380  }
0x162: {  	[sflag:s9] =	ssyncset.done $0x0  }
0x163: {  	[sflag:s9] =	ssyncadd.s32 $0xFFFF3C80  }
0x164: {  	[tilespmem:v43+s12+$0x0] =	vst.idx.msk $0xffff, v1  }
0x165: {  	[tilespmem:v44+s12+$0x0] =	vst.idx.msk $0xffff, v1  }
0x166: {  	[tilespmem:v45+s12+$0x0] =	vst.idx.msk $0xffff, v1  }
0x167: {  	[tilespmem:v42+s12+$0x0] =	vst.idx.msk $0x3, v1  }
0x168: {  	v42 =	vld.idx.msk [tilespmem:v22+s3+$0x0], $0xffff;
	_ =	sdelay $0x4  }
0x169: {  	v42 =	vshll.u32 v42, $0x7  }
0x16a: {  	v52 =	vadd.s32 v3, v42;
	_ =	sdelay $0x4  }
0x16b: {  	v43 =	vld.idx.msk [tilespmem:v52+s11+$0x0], $0xffff;
	_ =	sdelay $0x4  }
0x16c: {  	v43 =	vadd.s32 v0, v43  }
0x16d: {  	v53 =	vadd.s32 v5, v42;
	_ =	sdelay $0x3  }
0x16e: {  	[tilespmem:v43+s12+$0x0] =	vst.idx.msk $0xffff, v4  }
0x16f: {  	v44 =	vld.idx.msk [tilespmem:v53+s11+$0x0], $0xffff;
	_ =	sdelay $0x4  }
0x170: {  	v44 =	vadd.s32 v6, v44  }
0x171: {  	v54 =	vadd.s32 v7, v42;
	_ =	sdelay $0x3  }
0x172: {  	[tilespmem:v44+s12+$0x0] =	vst.idx.msk $0xffff, v4  }
0x173: {  	v45 =	vld.idx.msk [tilespmem:v54+s11+$0x0], $0xffff;
	_ =	sdelay $0x4  }
0x174: {  	v45 =	vadd.s32 v8, v45  }
0x175: {  	v42 =	vadd.s32 v9, v42;
	_ =	sdelay $0x3  }
0x176: {  	[tilespmem:v45+s12+$0x0] =	vst.idx.msk $0xffff, v4  }
0x177: {  	v42 =	vld.idx.msk [tilespmem:v42+s11+$0x0], $0xffff;
	_ =	sdelay $0x4  }
0x178: {  	v42 =	vadd.s32 v10, v42  }
0x179: {  	v42 =	vnsel vm0, $0x0, v42;
	_ =	sdelay $0x4  }
0x17a: {  	s18 =	rddreg [dreg:$0x9];
	[tilespmem:v42+s12+$0x0] =	vst.idx.msk $0x3, v4  }
0x17b: {  	[hbm4b:s18+s11] =	stream.strided.scatter [tilespmem:s12], [sflag:$0x1], $0xC380, s13, s11, $0x38;
	[tilespmem:$0x1BB80] =	vst v63  }
0x17c: {  	_ =	swait.ge [sflag:s10], $0xC380  }
0x17d: {  	[sflag:s10] =	ssyncset.done $0x0  }
0x17e: {  	[sflag:s10] =	ssyncadd.s32 $0xFFFF3C80  }
0x17f: {  	[tilespmem:v47+s14+$0x0] =	vst.idx.msk $0xffff, v1  }
0x180: {  	[tilespmem:v48+s14+$0x0] =	vst.idx.msk $0xffff, v1  }
0x181: {  	[tilespmem:v49+s14+$0x0] =	vst.idx.msk $0xffff, v1  }
0x182: {  	[tilespmem:v46+s14+$0x0] =	vst.idx.msk $0x3, v1  }
0x183: {  	v46 =	vld.idx.msk [tilespmem:v23+s3+$0x0], $0xffff;
	_ =	sdelay $0x4  }
0x184: {  	v46 =	vshll.u32 v46, $0x7  }
0x185: {  	v55 =	vadd.s32 v3, v46;
	_ =	sdelay $0x4  }
0x186: {  	v47 =	vld.idx.msk [tilespmem:v55+s11+$0x0], $0xffff;
	_ =	sdelay $0x4  }
0x187: {  	v47 =	vadd.s32 v0, v47  }
0x188: {  	v56 =	vadd.s32 v5, v46;
	_ =	sdelay $0x3  }
0x189: {  	[tilespmem:v47+s14+$0x0] =	vst.idx.msk $0xffff, v4  }
0x18a: {  	v48 =	vld.idx.msk [tilespmem:v56+s11+$0x0], $0xffff;
	_ =	sdelay $0x4  }
0x18b: {  	v48 =	vadd.s32 v6, v48  }
0x18c: {  	v57 =	vadd.s32 v7, v46;
	_ =	sdelay $0x3  }
0x18d: {  	[tilespmem:v48+s14+$0x0] =	vst.idx.msk $0xffff, v4  }
0x18e: {  	v49 =	vld.idx.msk [tilespmem:v57+s11+$0x0], $0xffff;
	_ =	sdelay $0x4  }
0x18f: {  	v49 =	vadd.s32 v8, v49  }
0x190: {  	v46 =	vadd.s32 v9, v46;
	_ =	sdelay $0x3  }
0x191: {  	[tilespmem:v49+s14+$0x0] =	vst.idx.msk $0xffff, v4  }
0x192: {  	v46 =	vld.idx.msk [tilespmem:v46+s11+$0x0], $0xffff;
	_ =	sdelay $0x4  }
0x193: {  	v46 =	vadd.s32 v10, v46  }
0x194: {  	v46 =	vnsel vm0, $0x0, v46;
	_ =	sdelay $0x4  }
0x195: {  	s17 =	rddreg [dreg:$0xa];
	[tilespmem:v46+s14+$0x0] =	vst.idx.msk $0x3, v4  }
0x196: {  	[hbm4b:s17+s11] =	stream.strided.scatter [tilespmem:s14], [sflag:$0x2], $0xC380, s13, s11, $0x38;
	[tilespmem:$0x1BB80] =	vst v63  }
0x197: {  	_ =	swait.ge [sflag:s9], $0xC380  }
0x198: {  	[sflag:s9] =	ssyncset.done $0x0  }
0x199: {  	[sflag:s9] =	ssyncadd.s32 $0xFFFF3C80  }
0x19a: {  	[tilespmem:v43+s12+$0x0] =	vst.idx.msk $0xffff, v1  }
0x19b: {  	[tilespmem:v44+s12+$0x0] =	vst.idx.msk $0xffff, v1  }
0x19c: {  	[tilespmem:v45+s12+$0x0] =	vst.idx.msk $0xffff, v1  }
0x19d: {  	[tilespmem:v42+s12+$0x0] =	vst.idx.msk $0x3, v1  }
0x19e: {  	v42 =	vld.idx.msk [tilespmem:v24+s3+$0x0], $0xffff;
	_ =	sdelay $0x4  }
0x19f: {  	v42 =	vshll.u32 v42, $0x7  }
0x1a0: {  	v58 =	vadd.s32 v3, v42;
	_ =	sdelay $0x4  }
0x1a1: {  	v43 =	vld.idx.msk [tilespmem:v58+s11+$0x0], $0xffff;
	_ =	sdelay $0x4  }
0x1a2: {  	v43 =	vadd.s32 v0, v43  }
0x1a3: {  	v59 =	vadd.s32 v5, v42;
	_ =	sdelay $0x3  }
0x1a4: {  	[tilespmem:v43+s12+$0x0] =	vst.idx.msk $0xffff, v4  }
0x1a5: {  	v44 =	vld.idx.msk [tilespmem:v59+s11+$0x0], $0xffff;
	_ =	sdelay $0x4  }
0x1a6: {  	v44 =	vadd.s32 v6, v44  }
0x1a7: {  	v60 =	vadd.s32 v7, v42;
	_ =	sdelay $0x3  }
0x1a8: {  	[tilespmem:v44+s12+$0x0] =	vst.idx.msk $0xffff, v4  }
0x1a9: {  	v45 =	vld.idx.msk [tilespmem:v60+s11+$0x0], $0xffff;
	_ =	sdelay $0x4  }
0x1aa: {  	v45 =	vadd.s32 v8, v45  }
0x1ab: {  	v42 =	vadd.s32 v9, v42;
	_ =	sdelay $0x3  }
0x1ac: {  	[tilespmem:v45+s12+$0x0] =	vst.idx.msk $0xffff, v4  }
0x1ad: {  	v42 =	vld.idx.msk [tilespmem:v42+s11+$0x0], $0xffff;
	_ =	sdelay $0x4  }
0x1ae: {  	v42 =	vadd.s32 v10, v42  }
0x1af: {  	v42 =	vnsel vm0, $0x0, v42;
	_ =	sdelay $0x4  }
0x1b0: {  	s18 =	rddreg [dreg:$0xb];
	[tilespmem:v42+s12+$0x0] =	vst.idx.msk $0x3, v4  }
0x1b1: {  	[hbm4b:s18+s11] =	stream.strided.scatter [tilespmem:s12], [sflag:$0x1], $0xC380, s13, s11, $0x38;
	[tilespmem:$0x1BB80] =	vst v63  }
0x1b2: {  	_ =	swait.ge [sflag:s10], $0xC380  }
0x1b3: {  	[sflag:s10] =	ssyncset.done $0x0  }
0x1b4: {  	[sflag:s10] =	ssyncadd.s32 $0xFFFF3C80  }
0x1b5: {  	[tilespmem:v47+s14+$0x0] =	vst.idx.msk $0xffff, v1  }
0x1b6: {  	[tilespmem:v48+s14+$0x0] =	vst.idx.msk $0xffff, v1  }
0x1b7: {  	[tilespmem:v49+s14+$0x0] =	vst.idx.msk $0xffff, v1  }
0x1b8: {  	[tilespmem:v46+s14+$0x0] =	vst.idx.msk $0x3, v1  }
0x1b9: {  	v46 =	vld.idx.msk [tilespmem:v25+s3+$0x0], $0xffff;
	_ =	sdelay $0x4  }
0x1ba: {  	v46 =	vshll.u32 v46, $0x7  }
0x1bb: {  	v61 =	vadd.s32 v3, v46;
	_ =	sdelay $0x4  }
0x1bc: {  	v47 =	vld.idx.msk [tilespmem:v61+s11+$0x0], $0xffff;
	_ =	sdelay $0x4  }
0x1bd: {  	v47 =	vadd.s32 v0, v47  }
0x1be: {  	v62 =	vadd.s32 v5, v46;
	_ =	sdelay $0x3  }
0x1bf: {  	[tilespmem:v47+s14+$0x0] =	vst.idx.msk $0xffff, v4  }
0x1c0: {  	v48 =	vld.idx.msk [tilespmem:v62+s11+$0x0], $0xffff;
	_ =	sdelay $0x4  }
0x1c1: {  	v48 =	vadd.s32 v6, v48  }
0x1c2: {  	v63 =	vadd.s32 v7, v46;
	_ =	sdelay $0x3  }
0x1c3: {  	[tilespmem:v48+s14+$0x0] =	vst.idx.msk $0xffff, v4  }
0x1c4: {  	v49 =	vld.idx.msk [tilespmem:v63+s11+$0x0], $0xffff;
	_ =	sdelay $0x4  }
0x1c5: {  	v49 =	vadd.s32 v8, v49  }
0x1c6: {  	v46 =	vadd.s32 v9, v46;
	_ =	sdelay $0x3  }
0x1c7: {  	[tilespmem:v49+s14+$0x0] =	vst.idx.msk $0xffff, v4  }
0x1c8: {  	v46 =	vld.idx.msk [tilespmem:v46+s11+$0x0], $0xffff;
	_ =	sdelay $0x4  }
0x1c9: {  	v46 =	vadd.s32 v10, v46  }
0x1ca: {  	v46 =	vnsel vm0, $0x0, v46;
	_ =	sdelay $0x4  }
0x1cb: {  	s17 =	rddreg [dreg:$0xc];
	[tilespmem:v46+s14+$0x0] =	vst.idx.msk $0x3, v4  }
0x1cc: {  	[hbm4b:s17+s11] =	stream.strided.scatter [tilespmem:s14], [sflag:$0x2], $0xC380, s13, s11, $0x38;
	[tilespmem:$0x1BB80] =	vst v63  }
0x1cd: {  	_ =	swait.ge [sflag:s9], $0xC380  }
0x1ce: {  	[sflag:s9] =	ssyncset.done $0x0  }
0x1cf: {  	[sflag:s9] =	ssyncadd.s32 $0xFFFF3C80  }
0x1d0: {  	[tilespmem:v43+s12+$0x0] =	vst.idx.msk $0xffff, v1  }
0x1d1: {  	[tilespmem:v44+s12+$0x0] =	vst.idx.msk $0xffff, v1  }
0x1d2: {  	[tilespmem:v45+s12+$0x0] =	vst.idx.msk $0xffff, v1  }
0x1d3: {  	[tilespmem:v42+s12+$0x0] =	vst.idx.msk $0x3, v1  }
0x1d4: {  	v42 =	vld.idx.msk [tilespmem:v26+s3+$0x0], $0xffff;
	_ =	sdelay $0x4  }
0x1d5: {  	v42 =	vshll.u32 v42, $0x7  }
0x1d6: {  	v52 =	vadd.s32 v3, v42;
	_ =	sdelay $0x4  }
0x1d7: {  	v43 =	vld.idx.msk [tilespmem:v52+s11+$0x0], $0xffff;
	_ =	sdelay $0x4  }
0x1d8: {  	v43 =	vadd.s32 v0, v43  }
0x1d9: {  	v53 =	vadd.s32 v5, v42;
	_ =	sdelay $0x3  }
0x1da: {  	[tilespmem:v43+s12+$0x0] =	vst.idx.msk $0xffff, v4  }
0x1db: {  	v44 =	vld.idx.msk [tilespmem:v53+s11+$0x0], $0xffff;
	_ =	sdelay $0x4  }
0x1dc: {  	v44 =	vadd.s32 v6, v44  }
0x1dd: {  	v54 =	vadd.s32 v7, v42;
	_ =	sdelay $0x3  }
0x1de: {  	[tilespmem:v44+s12+$0x0] =	vst.idx.msk $0xffff, v4  }
0x1df: {  	v45 =	vld.idx.msk [tilespmem:v54+s11+$0x0], $0xffff;
	_ =	sdelay $0x4  }
0x1e0: {  	v45 =	vadd.s32 v8, v45  }
0x1e1: {  	v42 =	vadd.s32 v9, v42;
	_ =	sdelay $0x3  }
0x1e2: {  	[tilespmem:v45+s12+$0x0] =	vst.idx.msk $0xffff, v4  }
0x1e3: {  	v42 =	vld.idx.msk [tilespmem:v42+s11+$0x0], $0xffff;
	_ =	sdelay $0x4  }
0x1e4: {  	v42 =	vadd.s32 v10, v42  }
0x1e5: {  	v42 =	vnsel vm0, $0x0, v42;
	_ =	sdelay $0x4  }
0x1e6: {  	s18 =	rddreg [dreg:$0xd];
	[tilespmem:v42+s12+$0x0] =	vst.idx.msk $0x3, v4  }
0x1e7: {  	[hbm4b:s18+s11] =	stream.strided.scatter [tilespmem:s12], [sflag:$0x1], $0xC380, s13, s11, $0x38;
	[tilespmem:$0x1BB80] =	vst v63  }
0x1e8: {  	_ =	swait.ge [sflag:s10], $0xC380  }
0x1e9: {  	[sflag:s10] =	ssyncset.done $0x0  }
0x1ea: {  	[sflag:s10] =	ssyncadd.s32 $0xFFFF3C80  }
0x1eb: {  	[tilespmem:v47+s14+$0x0] =	vst.idx.msk $0xffff, v1  }
0x1ec: {  	[tilespmem:v48+s14+$0x0] =	vst.idx.msk $0xffff, v1  }
0x1ed: {  	[tilespmem:v49+s14+$0x0] =	vst.idx.msk $0xffff, v1  }
0x1ee: {  	[tilespmem:v46+s14+$0x0] =	vst.idx.msk $0x3, v1  }
0x1ef: {  	v46 =	vld.idx.msk [tilespmem:v27+s3+$0x0], $0xffff;
	_ =	sdelay $0x4  }
0x1f0: {  	v46 =	vshll.u32 v46, $0x7  }
0x1f1: {  	v55 =	vadd.s32 v3, v46;
	_ =	sdelay $0x4  }
0x1f2: {  	v47 =	vld.idx.msk [tilespmem:v55+s11+$0x0], $0xffff;
	_ =	sdelay $0x4  }
0x1f3: {  	v47 =	vadd.s32 v0, v47  }
0x1f4: {  	v56 =	vadd.s32 v5, v46;
	_ =	sdelay $0x3  }
0x1f5: {  	[tilespmem:v47+s14+$0x0] =	vst.idx.msk $0xffff, v4  }
0x1f6: {  	v48 =	vld.idx.msk [tilespmem:v56+s11+$0x0], $0xffff;
	_ =	sdelay $0x4  }
0x1f7: {  	v48 =	vadd.s32 v6, v48  }
0x1f8: {  	v57 =	vadd.s32 v7, v46;
	_ =	sdelay $0x3  }
0x1f9: {  	[tilespmem:v48+s14+$0x0] =	vst.idx.msk $0xffff, v4  }
0x1fa: {  	v49 =	vld.idx.msk [tilespmem:v57+s11+$0x0], $0xffff;
	_ =	sdelay $0x4  }
0x1fb: {  	v49 =	vadd.s32 v8, v49  }
0x1fc: {  	v46 =	vadd.s32 v9, v46;
	_ =	sdelay $0x3  }
0x1fd: {  	[tilespmem:v49+s14+$0x0] =	vst.idx.msk $0xffff, v4  }
0x1fe: {  	v46 =	vld.idx.msk [tilespmem:v46+s11+$0x0], $0xffff;
	_ =	sdelay $0x4  }
0x1ff: {  	v46 =	vadd.s32 v10, v46  }
0x200: {  	v46 =	vnsel vm0, $0x0, v46;
	_ =	sdelay $0x4  }
0x201: {  	s17 =	rddreg [dreg:$0xe];
	[tilespmem:v46+s14+$0x0] =	vst.idx.msk $0x3, v4  }
0x202: {  	[hbm4b:s17+s11] =	stream.strided.scatter [tilespmem:s14], [sflag:$0x2], $0xC380, s13, s11, $0x38;
	[tilespmem:$0x1BB80] =	vst v63  }
0x203: {  	_ =	swait.ge [sflag:s9], $0xC380  }
0x204: {  	[sflag:s9] =	ssyncset.done $0x0  }
0x205: {  	[sflag:s9] =	ssyncadd.s32 $0xFFFF3C80  }
0x206: {  	[tilespmem:v43+s12+$0x0] =	vst.idx.msk $0xffff, v1  }
0x207: {  	[tilespmem:v44+s12+$0x0] =	vst.idx.msk $0xffff, v1  }
0x208: {  	[tilespmem:v45+s12+$0x0] =	vst.idx.msk $0xffff, v1  }
0x209: {  	[tilespmem:v42+s12+$0x0] =	vst.idx.msk $0x3, v1  }
0x20a: {  	v42 =	vld.idx.msk [tilespmem:v28+s3+$0x0], $0xffff;
	_ =	sdelay $0x4  }
0x20b: {  	v42 =	vshll.u32 v42, $0x7  }
0x20c: {  	v58 =	vadd.s32 v3, v42;
	_ =	sdelay $0x4  }
0x20d: {  	v43 =	vld.idx.msk [tilespmem:v58+s11+$0x0], $0xffff;
	_ =	sdelay $0x4  }
0x20e: {  	v43 =	vadd.s32 v0, v43  }
0x20f: {  	v59 =	vadd.s32 v5, v42;
	_ =	sdelay $0x3  }
0x210: {  	[tilespmem:v43+s12+$0x0] =	vst.idx.msk $0xffff, v4  }
0x211: {  	v44 =	vld.idx.msk [tilespmem:v59+s11+$0x0], $0xffff;
	_ =	sdelay $0x4  }
0x212: {  	v44 =	vadd.s32 v6, v44  }
0x213: {  	v60 =	vadd.s32 v7, v42;
	_ =	sdelay $0x3  }
0x214: {  	[tilespmem:v44+s12+$0x0] =	vst.idx.msk $0xffff, v4  }
0x215: {  	v45 =	vld.idx.msk [tilespmem:v60+s11+$0x0], $0xffff;
	_ =	sdelay $0x4  }
0x216: {  	v45 =	vadd.s32 v8, v45  }
0x217: {  	v42 =	vadd.s32 v9, v42;
	_ =	sdelay $0x3  }
0x218: {  	[tilespmem:v45+s12+$0x0] =	vst.idx.msk $0xffff, v4  }
0x219: {  	v42 =	vld.idx.msk [tilespmem:v42+s11+$0x0], $0xffff;
	_ =	sdelay $0x4  }
0x21a: {  	v42 =	vadd.s32 v10, v42  }
0x21b: {  	v42 =	vnsel vm0, $0x0, v42;
	_ =	sdelay $0x4  }
0x21c: {  	s18 =	rddreg [dreg:$0xf];
	[tilespmem:v42+s12+$0x0] =	vst.idx.msk $0x3, v4  }
0x21d: {  	[hbm4b:s18+s11] =	stream.strided.scatter [tilespmem:s12], [sflag:$0x1], $0xC380, s13, s11, $0x38;
	[tilespmem:$0x1BB80] =	vst v63  }
0x21e: {  	_ =	swait.ge [sflag:s10], $0xC380  }
0x21f: {  	[sflag:s10] =	ssyncset.done $0x0  }
0x220: {  	[sflag:s10] =	ssyncadd.s32 $0xFFFF3C80  }
0x221: {  	[tilespmem:v47+s14+$0x0] =	vst.idx.msk $0xffff, v1  }
0x222: {  	[tilespmem:v48+s14+$0x0] =	vst.idx.msk $0xffff, v1  }
0x223: {  	[tilespmem:v49+s14+$0x0] =	vst.idx.msk $0xffff, v1  }
0x224: {  	[tilespmem:v46+s14+$0x0] =	vst.idx.msk $0x3, v1  }
0x225: {  	v46 =	vld.idx.msk [tilespmem:v29+s3+$0x0], $0xffff;
	_ =	sdelay $0x4  }
0x226: {  	v46 =	vshll.u32 v46, $0x7  }
0x227: {  	v61 =	vadd.s32 v3, v46;
	_ =	sdelay $0x4  }
0x228: {  	v47 =	vld.idx.msk [tilespmem:v61+s11+$0x0], $0xffff;
	_ =	sdelay $0x4  }
0x229: {  	v47 =	vadd.s32 v0, v47  }
0x22a: {  	v62 =	vadd.s32 v5, v46;
	_ =	sdelay $0x3  }
0x22b: {  	[tilespmem:v47+s14+$0x0] =	vst.idx.msk $0xffff, v4  }
0x22c: {  	v48 =	vld.idx.msk [tilespmem:v62+s11+$0x0], $0xffff;
	_ =	sdelay $0x4  }
0x22d: {  	v48 =	vadd.s32 v6, v48  }
0x22e: {  	v63 =	vadd.s32 v7, v46;
	_ =	sdelay $0x3  }
0x22f: {  	[tilespmem:v48+s14+$0x0] =	vst.idx.msk $0xffff, v4  }
0x230: {  	v49 =	vld.idx.msk [tilespmem:v63+s11+$0x0], $0xffff;
	_ =	sdelay $0x4  }
0x231: {  	v49 =	vadd.s32 v8, v49  }
0x232: {  	v46 =	vadd.s32 v9, v46;
	_ =	sdelay $0x3  }
0x233: {  	[tilespmem:v49+s14+$0x0] =	vst.idx.msk $0xffff, v4  }
0x234: {  	v46 =	vld.idx.msk [tilespmem:v46+s11+$0x0], $0xffff;
	_ =	sdelay $0x4  }
0x235: {  	v46 =	vadd.s32 v10, v46  }
0x236: {  	v46 =	vnsel vm0, $0x0, v46;
	_ =	sdelay $0x4  }
0x237: {  	s17 =	rddreg [dreg:$0x10];
	[tilespmem:v46+s14+$0x0] =	vst.idx.msk $0x3, v4  }
0x238: {  	[hbm4b:s17+s11] =	stream.strided.scatter [tilespmem:s14], [sflag:$0x2], $0xC380, s13, s11, $0x38;
	[tilespmem:$0x1BB80] =	vst v63  }
0x239: {  	_ =	swait.ge [sflag:s9], $0xC380  }
0x23a: {  	[sflag:s9] =	ssyncset.done $0x0  }
0x23b: {  	[sflag:s9] =	ssyncadd.s32 $0xFFFF3C80  }
0x23c: {  	[tilespmem:v43+s12+$0x0] =	vst.idx.msk $0xffff, v1  }
0x23d: {  	[tilespmem:v44+s12+$0x0] =	vst.idx.msk $0xffff, v1  }
0x23e: {  	[tilespmem:v45+s12+$0x0] =	vst.idx.msk $0xffff, v1  }
0x23f: {  	[tilespmem:v42+s12+$0x0] =	vst.idx.msk $0x3, v1  }
0x240: {  	v42 =	vld.idx.msk [tilespmem:v30+s3+$0x0], $0xffff;
	_ =	sdelay $0x4  }
0x241: {  	v42 =	vshll.u32 v42, $0x7  }
0x242: {  	v52 =	vadd.s32 v3, v42;
	_ =	sdelay $0x4  }
0x243: {  	v43 =	vld.idx.msk [tilespmem:v52+s11+$0x0], $0xffff;
	_ =	sdelay $0x4  }
0x244: {  	v43 =	vadd.s32 v0, v43  }
0x245: {  	v53 =	vadd.s32 v5, v42;
	_ =	sdelay $0x3  }
0x246: {  	[tilespmem:v43+s12+$0x0] =	vst.idx.msk $0xffff, v4  }
0x247: {  	v44 =	vld.idx.msk [tilespmem:v53+s11+$0x0], $0xffff;
	_ =	sdelay $0x4  }
0x248: {  	v44 =	vadd.s32 v6, v44  }
0x249: {  	v54 =	vadd.s32 v7, v42;
	_ =	sdelay $0x3  }
0x24a: {  	[tilespmem:v44+s12+$0x0] =	vst.idx.msk $0xffff, v4  }
0x24b: {  	v45 =	vld.idx.msk [tilespmem:v54+s11+$0x0], $0xffff;
	_ =	sdelay $0x4  }
0x24c: {  	v45 =	vadd.s32 v8, v45  }
0x24d: {  	v42 =	vadd.s32 v9, v42;
	_ =	sdelay $0x3  }
0x24e: {  	[tilespmem:v45+s12+$0x0] =	vst.idx.msk $0xffff, v4  }
0x24f: {  	v42 =	vld.idx.msk [tilespmem:v42+s11+$0x0], $0xffff;
	_ =	sdelay $0x4  }
0x250: {  	v42 =	vadd.s32 v10, v42  }
0x251: {  	v42 =	vnsel vm0, $0x0, v42;
	_ =	sdelay $0x4  }
0x252: {  	s18 =	rddreg [dreg:$0x11];
	[tilespmem:v42+s12+$0x0] =	vst.idx.msk $0x3, v4  }
0x253: {  	[hbm4b:s18+s11] =	stream.strided.scatter [tilespmem:s12], [sflag:$0x1], $0xC380, s13, s11, $0x38;
	[tilespmem:$0x1BB80] =	vst v63  }
0x254: {  	_ =	swait.ge [sflag:s10], $0xC380  }
0x255: {  	[sflag:s10] =	ssyncset.done $0x0  }
0x256: {  	[sflag:s10] =	ssyncadd.s32 $0xFFFF3C80  }
0x257: {  	[tilespmem:v47+s14+$0x0] =	vst.idx.msk $0xffff, v1  }
0x258: {  	[tilespmem:v48+s14+$0x0] =	vst.idx.msk $0xffff, v1  }
0x259: {  	[tilespmem:v49+s14+$0x0] =	vst.idx.msk $0xffff, v1  }
0x25a: {  	[tilespmem:v46+s14+$0x0] =	vst.idx.msk $0x3, v1  }
0x25b: {  	v46 =	vld.idx.msk [tilespmem:v31+s3+$0x0], $0xffff;
	_ =	sdelay $0x4  }
0x25c: {  	v46 =	vshll.u32 v46, $0x7  }
0x25d: {  	v55 =	vadd.s32 v3, v46;
	_ =	sdelay $0x4  }
0x25e: {  	v47 =	vld.idx.msk [tilespmem:v55+s11+$0x0], $0xffff;
	_ =	sdelay $0x4  }
0x25f: {  	v47 =	vadd.s32 v0, v47  }
0x260: {  	v56 =	vadd.s32 v5, v46;
	_ =	sdelay $0x3  }
0x261: {  	[tilespmem:v47+s14+$0x0] =	vst.idx.msk $0xffff, v4  }
0x262: {  	v48 =	vld.idx.msk [tilespmem:v56+s11+$0x0], $0xffff;
	_ =	sdelay $0x4  }
0x263: {  	v48 =	vadd.s32 v6, v48  }
0x264: {  	v57 =	vadd.s32 v7, v46;
	_ =	sdelay $0x3  }
0x265: {  	[tilespmem:v48+s14+$0x0] =	vst.idx.msk $0xffff, v4  }
0x266: {  	v49 =	vld.idx.msk [tilespmem:v57+s11+$0x0], $0xffff;
	_ =	sdelay $0x4  }
0x267: {  	v49 =	vadd.s32 v8, v49  }
0x268: {  	v46 =	vadd.s32 v9, v46;
	_ =	sdelay $0x3  }
0x269: {  	[tilespmem:v49+s14+$0x0] =	vst.idx.msk $0xffff, v4  }
0x26a: {  	v46 =	vld.idx.msk [tilespmem:v46+s11+$0x0], $0xffff;
	_ =	sdelay $0x4  }
0x26b: {  	v46 =	vadd.s32 v10, v46  }
0x26c: {  	v46 =	vnsel vm0, $0x0, v46;
	_ =	sdelay $0x4  }
0x26d: {  	[tilespmem:v46+s14+$0x0] =	vst.idx.msk $0x3, v4  }
0x26e: {  	[hbm4b:s19+s11] =	stream.strided.scatter [tilespmem:s14], [sflag:$0x2], $0xC380, s13, s11, $0x38;
	[tilespmem:$0x1BB80] =	vst v63  }
0x26f: {  	_ =	swait.ge [sflag:s9], $0xC380  }
0x270: {  	[sflag:s9] =	ssyncset.done $0x0  }
0x271: {  	[sflag:s9] =	ssyncadd.s32 $0xFFFF3C80  }
0x272: {  	[tilespmem:v43+s12+$0x0] =	vst.idx.msk $0xffff, v1  }
0x273: {  	[tilespmem:v44+s12+$0x0] =	vst.idx.msk $0xffff, v1  }
0x274: {  	[tilespmem:v45+s12+$0x0] =	vst.idx.msk $0xffff, v1  }
0x275: {  	[tilespmem:v42+s12+$0x0] =	vst.idx.msk $0x3, v1  }
0x276: {  	v42 =	vld.idx.msk [tilespmem:v32+s3+$0x0], $0xffff;
	_ =	sdelay $0x4  }
0x277: {  	v42 =	vshll.u32 v42, $0x7  }
0x278: {  	v58 =	vadd.s32 v3, v42;
	_ =	sdelay $0x4  }
0x279: {  	v43 =	vld.idx.msk [tilespmem:v58+s11+$0x0], $0xffff;
	_ =	sdelay $0x4  }
0x27a: {  	v43 =	vadd.s32 v0, v43  }
0x27b: {  	v59 =	vadd.s32 v5, v42;
	_ =	sdelay $0x3  }
0x27c: {  	[tilespmem:v43+s12+$0x0] =	vst.idx.msk $0xffff, v4  }
0x27d: {  	v44 =	vld.idx.msk [tilespmem:v59+s11+$0x0], $0xffff;
	_ =	sdelay $0x4  }
0x27e: {  	v44 =	vadd.s32 v6, v44  }
0x27f: {  	v60 =	vadd.s32 v7, v42;
	_ =	sdelay $0x3  }
0x280: {  	[tilespmem:v44+s12+$0x0] =	vst.idx.msk $0xffff, v4  }
0x281: {  	v45 =	vld.idx.msk [tilespmem:v60+s11+$0x0], $0xffff;
	_ =	sdelay $0x4  }
0x282: {  	v45 =	vadd.s32 v8, v45  }
0x283: {  	v42 =	vadd.s32 v9, v42;
	_ =	sdelay $0x3  }
0x284: {  	[tilespmem:v45+s12+$0x0] =	vst.idx.msk $0xffff, v4  }
0x285: {  	v42 =	vld.idx.msk [tilespmem:v42+s11+$0x0], $0xffff;
	_ =	sdelay $0x4  }
0x286: {  	v42 =	vadd.s32 v10, v42  }
0x287: {  	v42 =	vnsel vm0, $0x0, v42;
	_ =	sdelay $0x4  }
0x288: {  	[tilespmem:v42+s12+$0x0] =	vst.idx.msk $0x3, v4  }
0x289: {  	[hbm4b:s20+s11] =	stream.strided.scatter [tilespmem:s12], [sflag:$0x1], $0xC380, s13, s11, $0x38;
	[tilespmem:$0x1BB80] =	vst v63  }
0x28a: {  	_ =	swait.ge [sflag:s10], $0xC380  }
0x28b: {  	[sflag:s10] =	ssyncset.done $0x0  }
0x28c: {  	[sflag:s10] =	ssyncadd.s32 $0xFFFF3C80  }
0x28d: {  	[tilespmem:v47+s14+$0x0] =	vst.idx.msk $0xffff, v1  }
0x28e: {  	[tilespmem:v48+s14+$0x0] =	vst.idx.msk $0xffff, v1  }
0x28f: {  	[tilespmem:v49+s14+$0x0] =	vst.idx.msk $0xffff, v1  }
0x290: {  	[tilespmem:v46+s14+$0x0] =	vst.idx.msk $0x3, v1  }
0x291: {  	v46 =	vld.idx.msk [tilespmem:v33+s3+$0x0], $0xffff;
	_ =	sdelay $0x4  }
0x292: {  	v46 =	vshll.u32 v46, $0x7  }
0x293: {  	v61 =	vadd.s32 v3, v46;
	_ =	sdelay $0x4  }
0x294: {  	v47 =	vld.idx.msk [tilespmem:v61+s11+$0x0], $0xffff;
	_ =	sdelay $0x4  }
0x295: {  	v47 =	vadd.s32 v0, v47  }
0x296: {  	v62 =	vadd.s32 v5, v46;
	_ =	sdelay $0x3  }
0x297: {  	[tilespmem:v47+s14+$0x0] =	vst.idx.msk $0xffff, v4  }
0x298: {  	v48 =	vld.idx.msk [tilespmem:v62+s11+$0x0], $0xffff;
	_ =	sdelay $0x4  }
0x299: {  	v48 =	vadd.s32 v6, v48  }
0x29a: {  	v63 =	vadd.s32 v7, v46;
	_ =	sdelay $0x3  }
0x29b: {  	[tilespmem:v48+s14+$0x0] =	vst.idx.msk $0xffff, v4  }
0x29c: {  	v49 =	vld.idx.msk [tilespmem:v63+s11+$0x0], $0xffff;
	_ =	sdelay $0x4  }
0x29d: {  	v49 =	vadd.s32 v8, v49  }
0x29e: {  	v46 =	vadd.s32 v9, v46;
	_ =	sdelay $0x3  }
0x29f: {  	[tilespmem:v49+s14+$0x0] =	vst.idx.msk $0xffff, v4  }
0x2a0: {  	v46 =	vld.idx.msk [tilespmem:v46+s11+$0x0], $0xffff;
	_ =	sdelay $0x4  }
0x2a1: {  	v46 =	vadd.s32 v10, v46  }
0x2a2: {  	v46 =	vnsel vm0, $0x0, v46;
	_ =	sdelay $0x4  }
0x2a3: {  	[tilespmem:v46+s14+$0x0] =	vst.idx.msk $0x3, v4  }
0x2a4: {  	[hbm4b:s21+s11] =	stream.strided.scatter [tilespmem:s14], [sflag:$0x2], $0xC380, s13, s11, $0x38;
	[tilespmem:$0x1BB80] =	vst v63  }
0x2a5: {  	_ =	swait.ge [sflag:s9], $0xC380  }
0x2a6: {  	[sflag:s9] =	ssyncset.done $0x0  }
0x2a7: {  	[sflag:s9] =	ssyncadd.s32 $0xFFFF3C80  }
0x2a8: {  	[tilespmem:v43+s12+$0x0] =	vst.idx.msk $0xffff, v1  }
0x2a9: {  	[tilespmem:v44+s12+$0x0] =	vst.idx.msk $0xffff, v1  }
0x2aa: {  	[tilespmem:v45+s12+$0x0] =	vst.idx.msk $0xffff, v1  }
0x2ab: {  	[tilespmem:v42+s12+$0x0] =	vst.idx.msk $0x3, v1  }
0x2ac: {  	v42 =	vld.idx.msk [tilespmem:v34+s3+$0x0], $0xffff;
	_ =	sdelay $0x4  }
0x2ad: {  	v42 =	vshll.u32 v42, $0x7  }
0x2ae: {  	v52 =	vadd.s32 v3, v42;
	_ =	sdelay $0x4  }
0x2af: {  	v43 =	vld.idx.msk [tilespmem:v52+s11+$0x0], $0xffff;
	_ =	sdelay $0x4  }
0x2b0: {  	v43 =	vadd.s32 v0, v43  }
0x2b1: {  	v53 =	vadd.s32 v5, v42;
	_ =	sdelay $0x3  }
0x2b2: {  	[tilespmem:v43+s12+$0x0] =	vst.idx.msk $0xffff, v4  }
0x2b3: {  	v44 =	vld.idx.msk [tilespmem:v53+s11+$0x0], $0xffff;
	_ =	sdelay $0x4  }
0x2b4: {  	v44 =	vadd.s32 v6, v44  }
0x2b5: {  	v54 =	vadd.s32 v7, v42;
	_ =	sdelay $0x3  }
0x2b6: {  	[tilespmem:v44+s12+$0x0] =	vst.idx.msk $0xffff, v4  }
0x2b7: {  	v45 =	vld.idx.msk [tilespmem:v54+s11+$0x0], $0xffff;
	_ =	sdelay $0x4  }
0x2b8: {  	v45 =	vadd.s32 v8, v45  }
0x2b9: {  	v42 =	vadd.s32 v9, v42;
	_ =	sdelay $0x3  }
0x2ba: {  	[tilespmem:v45+s12+$0x0] =	vst.idx.msk $0xffff, v4  }
0x2bb: {  	v42 =	vld.idx.msk [tilespmem:v42+s11+$0x0], $0xffff;
	_ =	sdelay $0x4  }
0x2bc: {  	v42 =	vadd.s32 v10, v42  }
0x2bd: {  	v42 =	vnsel vm0, $0x0, v42;
	_ =	sdelay $0x4  }
0x2be: {  	[tilespmem:v42+s12+$0x0] =	vst.idx.msk $0x3, v4  }
0x2bf: {  	[hbm4b:s22+s11] =	stream.strided.scatter [tilespmem:s12], [sflag:$0x1], $0xC380, s13, s11, $0x38;
	[tilespmem:$0x1BB80] =	vst v63  }
0x2c0: {  	_ =	swait.ge [sflag:s10], $0xC380  }
0x2c1: {  	[sflag:s10] =	ssyncset.done $0x0  }
0x2c2: {  	[sflag:s10] =	ssyncadd.s32 $0xFFFF3C80  }
0x2c3: {  	[tilespmem:v47+s14+$0x0] =	vst.idx.msk $0xffff, v1  }
0x2c4: {  	[tilespmem:v48+s14+$0x0] =	vst.idx.msk $0xffff, v1  }
0x2c5: {  	[tilespmem:v49+s14+$0x0] =	vst.idx.msk $0xffff, v1  }
0x2c6: {  	[tilespmem:v46+s14+$0x0] =	vst.idx.msk $0x3, v1  }
0x2c7: {  	v46 =	vld.idx.msk [tilespmem:v35+s3+$0x0], $0xffff;
	_ =	sdelay $0x4  }
0x2c8: {  	v46 =	vshll.u32 v46, $0x7  }
0x2c9: {  	v55 =	vadd.s32 v3, v46;
	_ =	sdelay $0x4  }
0x2ca: {  	v47 =	vld.idx.msk [tilespmem:v55+s11+$0x0], $0xffff;
	_ =	sdelay $0x4  }
0x2cb: {  	v47 =	vadd.s32 v0, v47  }
0x2cc: {  	v56 =	vadd.s32 v5, v46;
	_ =	sdelay $0x3  }
0x2cd: {  	[tilespmem:v47+s14+$0x0] =	vst.idx.msk $0xffff, v4  }
0x2ce: {  	v48 =	vld.idx.msk [tilespmem:v56+s11+$0x0], $0xffff;
	_ =	sdelay $0x4  }
0x2cf: {  	v48 =	vadd.s32 v6, v48  }
0x2d0: {  	v57 =	vadd.s32 v7, v46;
	_ =	sdelay $0x3  }
0x2d1: {  	[tilespmem:v48+s14+$0x0] =	vst.idx.msk $0xffff, v4  }
0x2d2: {  	v49 =	vld.idx.msk [tilespmem:v57+s11+$0x0], $0xffff;
	_ =	sdelay $0x4  }
0x2d3: {  	v49 =	vadd.s32 v8, v49  }
0x2d4: {  	v46 =	vadd.s32 v9, v46;
	_ =	sdelay $0x3  }
0x2d5: {  	[tilespmem:v49+s14+$0x0] =	vst.idx.msk $0xffff, v4  }
0x2d6: {  	v46 =	vld.idx.msk [tilespmem:v46+s11+$0x0], $0xffff;
	_ =	sdelay $0x4  }
0x2d7: {  	v46 =	vadd.s32 v10, v46  }
0x2d8: {  	v46 =	vnsel vm0, $0x0, v46;
	_ =	sdelay $0x4  }
0x2d9: {  	[tilespmem:v46+s14+$0x0] =	vst.idx.msk $0x3, v4  }
0x2da: {  	[hbm4b:s23+s11] =	stream.strided.scatter [tilespmem:s14], [sflag:$0x2], $0xC380, s13, s11, $0x38;
	[tilespmem:$0x1BB80] =	vst v63  }
0x2db: {  	_ =	swait.ge [sflag:s9], $0xC380  }
0x2dc: {  	[sflag:s9] =	ssyncset.done $0x0  }
0x2dd: {  	[sflag:s9] =	ssyncadd.s32 $0xFFFF3C80  }
0x2de: {  	[tilespmem:v43+s12+$0x0] =	vst.idx.msk $0xffff, v1  }
0x2df: {  	[tilespmem:v44+s12+$0x0] =	vst.idx.msk $0xffff, v1  }
0x2e0: {  	[tilespmem:v45+s12+$0x0] =	vst.idx.msk $0xffff, v1  }
0x2e1: {  	[tilespmem:v42+s12+$0x0] =	vst.idx.msk $0x3, v1  }
0x2e2: {  	v42 =	vld.idx.msk [tilespmem:v36+s3+$0x0], $0xffff;
	_ =	sdelay $0x4  }
0x2e3: {  	v42 =	vshll.u32 v42, $0x7  }
0x2e4: {  	v58 =	vadd.s32 v3, v42;
	_ =	sdelay $0x4  }
0x2e5: {  	v43 =	vld.idx.msk [tilespmem:v58+s11+$0x0], $0xffff;
	_ =	sdelay $0x4  }
0x2e6: {  	v43 =	vadd.s32 v0, v43  }
0x2e7: {  	v59 =	vadd.s32 v5, v42;
	_ =	sdelay $0x3  }
0x2e8: {  	[tilespmem:v43+s12+$0x0] =	vst.idx.msk $0xffff, v4  }
0x2e9: {  	v44 =	vld.idx.msk [tilespmem:v59+s11+$0x0], $0xffff;
	_ =	sdelay $0x4  }
0x2ea: {  	v44 =	vadd.s32 v6, v44  }
0x2eb: {  	v60 =	vadd.s32 v7, v42;
	_ =	sdelay $0x3  }
0x2ec: {  	[tilespmem:v44+s12+$0x0] =	vst.idx.msk $0xffff, v4  }
0x2ed: {  	v45 =	vld.idx.msk [tilespmem:v60+s11+$0x0], $0xffff;
	_ =	sdelay $0x4  }
0x2ee: {  	v45 =	vadd.s32 v8, v45  }
0x2ef: {  	v42 =	vadd.s32 v9, v42;
	_ =	sdelay $0x3  }
0x2f0: {  	[tilespmem:v45+s12+$0x0] =	vst.idx.msk $0xffff, v4  }
0x2f1: {  	v42 =	vld.idx.msk [tilespmem:v42+s11+$0x0], $0xffff;
	_ =	sdelay $0x4  }
0x2f2: {  	v42 =	vadd.s32 v10, v42  }
0x2f3: {  	v42 =	vnsel vm0, $0x0, v42;
	_ =	sdelay $0x4  }
0x2f4: {  	[tilespmem:v42+s12+$0x0] =	vst.idx.msk $0x3, v4  }
0x2f5: {  	[hbm4b:s24+s11] =	stream.strided.scatter [tilespmem:s12], [sflag:$0x1], $0xC380, s13, s11, $0x38;
	[tilespmem:$0x1BB80] =	vst v63  }
0x2f6: {  	_ =	swait.ge [sflag:s10], $0xC380  }
0x2f7: {  	[sflag:s10] =	ssyncset.done $0x0  }
0x2f8: {  	[sflag:s10] =	ssyncadd.s32 $0xFFFF3C80  }
0x2f9: {  	[tilespmem:v47+s14+$0x0] =	vst.idx.msk $0xffff, v1  }
0x2fa: {  	[tilespmem:v48+s14+$0x0] =	vst.idx.msk $0xffff, v1  }
0x2fb: {  	[tilespmem:v49+s14+$0x0] =	vst.idx.msk $0xffff, v1  }
0x2fc: {  	[tilespmem:v46+s14+$0x0] =	vst.idx.msk $0x3, v1  }
0x2fd: {  	v46 =	vld.idx.msk [tilespmem:v37+s3+$0x0], $0xffff;
	_ =	sdelay $0x4  }
0x2fe: {  	v46 =	vshll.u32 v46, $0x7  }
0x2ff: {  	v61 =	vadd.s32 v3, v46;
	_ =	sdelay $0x4  }
0x300: {  	v47 =	vld.idx.msk [tilespmem:v61+s11+$0x0], $0xffff;
	_ =	sdelay $0x4  }
0x301: {  	v47 =	vadd.s32 v0, v47  }
0x302: {  	v62 =	vadd.s32 v5, v46;
	_ =	sdelay $0x3  }
0x303: {  	[tilespmem:v47+s14+$0x0] =	vst.idx.msk $0xffff, v4  }
0x304: {  	v48 =	vld.idx.msk [tilespmem:v62+s11+$0x0], $0xffff;
	_ =	sdelay $0x4  }
0x305: {  	v48 =	vadd.s32 v6, v48  }
0x306: {  	v63 =	vadd.s32 v7, v46;
	_ =	sdelay $0x3  }
0x307: {  	[tilespmem:v48+s14+$0x0] =	vst.idx.msk $0xffff, v4  }
0x308: {  	v49 =	vld.idx.msk [tilespmem:v63+s11+$0x0], $0xffff;
	_ =	sdelay $0x4  }
0x309: {  	v49 =	vadd.s32 v8, v49  }
0x30a: {  	v46 =	vadd.s32 v9, v46;
	_ =	sdelay $0x3  }
0x30b: {  	[tilespmem:v49+s14+$0x0] =	vst.idx.msk $0xffff, v4  }
0x30c: {  	v46 =	vld.idx.msk [tilespmem:v46+s11+$0x0], $0xffff;
	_ =	sdelay $0x4  }
0x30d: {  	v46 =	vadd.s32 v10, v46  }
0x30e: {  	v46 =	vnsel vm0, $0x0, v46;
	_ =	sdelay $0x4  }
0x30f: {  	[tilespmem:v46+s14+$0x0] =	vst.idx.msk $0x3, v4  }
0x310: {  	[hbm4b:s25+s11] =	stream.strided.scatter [tilespmem:s14], [sflag:$0x2], $0xC380, s13, s11, $0x38;
	[tilespmem:$0x1BB80] =	vst v63  }
0x311: {  	_ =	swait.ge [sflag:s9], $0xC380  }
0x312: {  	[sflag:s9] =	ssyncset.done $0x0  }
0x313: {  	[sflag:s9] =	ssyncadd.s32 $0xFFFF3C80  }
0x314: {  	[tilespmem:v43+s12+$0x0] =	vst.idx.msk $0xffff, v1  }
0x315: {  	[tilespmem:v44+s12+$0x0] =	vst.idx.msk $0xffff, v1  }
0x316: {  	[tilespmem:v45+s12+$0x0] =	vst.idx.msk $0xffff, v1  }
0x317: {  	[tilespmem:v42+s12+$0x0] =	vst.idx.msk $0x3, v1  }
0x318: {  	v42 =	vld.idx.msk [tilespmem:v38+s3+$0x0], $0xffff;
	_ =	sdelay $0x4  }
0x319: {  	v42 =	vshll.u32 v42, $0x7  }
0x31a: {  	v51 =	vadd.s32 v3, v42;
	_ =	sdelay $0x4  }
0x31b: {  	v43 =	vld.idx.msk [tilespmem:v51+s11+$0x0], $0xffff;
	_ =	sdelay $0x4  }
0x31c: {  	v43 =	vadd.s32 v0, v43  }
0x31d: {  	v52 =	vadd.s32 v5, v42;
	_ =	sdelay $0x3  }
0x31e: {  	[tilespmem:v43+s12+$0x0] =	vst.idx.msk $0xffff, v4  }
0x31f: {  	v44 =	vld.idx.msk [tilespmem:v52+s11+$0x0], $0xffff;
	_ =	sdelay $0x4  }
0x320: {  	v44 =	vadd.s32 v6, v44  }
0x321: {  	v53 =	vadd.s32 v7, v42;
	_ =	sdelay $0x3  }
0x322: {  	[tilespmem:v44+s12+$0x0] =	vst.idx.msk $0xffff, v4  }
0x323: {  	v45 =	vld.idx.msk [tilespmem:v53+s11+$0x0], $0xffff;
	_ =	sdelay $0x4  }
0x324: {  	v45 =	vadd.s32 v8, v45  }
0x325: {  	v42 =	vadd.s32 v9, v42;
	_ =	sdelay $0x3  }
0x326: {  	[tilespmem:v45+s12+$0x0] =	vst.idx.msk $0xffff, v4  }
0x327: {  	v42 =	vld.idx.msk [tilespmem:v42+s11+$0x0], $0xffff;
	_ =	sdelay $0x4  }
0x328: {  	v42 =	vadd.s32 v10, v42  }
0x329: {  	v42 =	vnsel vm0, $0x0, v42;
	_ =	sdelay $0x4  }
0x32a: {  	[tilespmem:v42+s12+$0x0] =	vst.idx.msk $0x3, v4  }
0x32b: {  	[hbm4b:s26+s11] =	stream.strided.scatter [tilespmem:s12], [sflag:$0x1], $0xC380, s13, s11, $0x38;
	[tilespmem:$0x1BB80] =	vst v63  }
0x32c: {  	_ =	swait.ge [sflag:s10], $0xC380  }
0x32d: {  	[sflag:s10] =	ssyncset.done $0x0  }
0x32e: {  	[sflag:s10] =	ssyncadd.s32 $0xFFFF3C80  }
0x32f: {  	[tilespmem:v47+s14+$0x0] =	vst.idx.msk $0xffff, v1  }
0x330: {  	[tilespmem:v48+s14+$0x0] =	vst.idx.msk $0xffff, v1  }
0x331: {  	[tilespmem:v49+s14+$0x0] =	vst.idx.msk $0xffff, v1  }
0x332: {  	[tilespmem:v46+s14+$0x0] =	vst.idx.msk $0x3, v1  }
0x333: {  	v46 =	vld.idx.msk [tilespmem:v39+s3+$0x0], $0xffff;
	_ =	sdelay $0x4  }
0x334: {  	v46 =	vshll.u32 v46, $0x7  }
0x335: {  	v54 =	vadd.s32 v3, v46;
	_ =	sdelay $0x4  }
0x336: {  	v47 =	vld.idx.msk [tilespmem:v54+s11+$0x0], $0xffff;
	_ =	sdelay $0x4  }
0x337: {  	v47 =	vadd.s32 v0, v47  }
0x338: {  	v55 =	vadd.s32 v5, v46;
	_ =	sdelay $0x3  }
0x339: {  	[tilespmem:v47+s14+$0x0] =	vst.idx.msk $0xffff, v4  }
0x33a: {  	v48 =	vld.idx.msk [tilespmem:v55+s11+$0x0], $0xffff;
	_ =	sdelay $0x4  }
0x33b: {  	v48 =	vadd.s32 v6, v48  }
0x33c: {  	v56 =	vadd.s32 v7, v46;
	_ =	sdelay $0x3  }
0x33d: {  	[tilespmem:v48+s14+$0x0] =	vst.idx.msk $0xffff, v4  }
0x33e: {  	v49 =	vld.idx.msk [tilespmem:v56+s11+$0x0], $0xffff;
	_ =	sdelay $0x4  }
0x33f: {  	v49 =	vadd.s32 v8, v49  }
0x340: {  	v46 =	vadd.s32 v9, v46;
	_ =	sdelay $0x3  }
0x341: {  	[tilespmem:v49+s14+$0x0] =	vst.idx.msk $0xffff, v4  }
0x342: {  	v46 =	vld.idx.msk [tilespmem:v46+s11+$0x0], $0xffff;
	_ =	sdelay $0x4  }
0x343: {  	v46 =	vadd.s32 v10, v46  }
0x344: {  	v46 =	vnsel vm0, $0x0, v46;
	_ =	sdelay $0x4  }
0x345: {  	[tilespmem:v46+s14+$0x0] =	vst.idx.msk $0x3, v4  }
0x346: {  	[hbm4b:s28+s11] =	stream.strided.scatter [tilespmem:s14], [sflag:$0x2], $0xC380, s13, s11, $0x38;
	[tilespmem:$0x1BB80] =	vst v63  }
0x347: {  	_ =	swait.ge [sflag:s9], $0xC380  }
0x348: {  	[sflag:s9] =	ssyncset.done $0x0  }
0x349: {  	[sflag:s9] =	ssyncadd.s32 $0xFFFF3C80  }
0x34a: {  	[tilespmem:v43+s12+$0x0] =	vst.idx.msk $0xffff, v1  }
0x34b: {  	[tilespmem:v44+s12+$0x0] =	vst.idx.msk $0xffff, v1  }
0x34c: {  	[tilespmem:v45+s12+$0x0] =	vst.idx.msk $0xffff, v1  }
0x34d: {  	[tilespmem:v42+s12+$0x0] =	vst.idx.msk $0x3, v1  }
0x34e: {  	v42 =	vld.idx.msk [tilespmem:v40+s3+$0x0], $0xffff;
	_ =	sdelay $0x4  }
0x34f: {  	v42 =	vshll.u32 v42, $0x7  }
0x350: {  	v57 =	vadd.s32 v3, v42;
	_ =	sdelay $0x4  }
0x351: {  	v43 =	vld.idx.msk [tilespmem:v57+s11+$0x0], $0xffff;
	_ =	sdelay $0x4  }
0x352: {  	v43 =	vadd.s32 v0, v43  }
0x353: {  	v58 =	vadd.s32 v5, v42;
	_ =	sdelay $0x3  }
0x354: {  	[tilespmem:v43+s12+$0x0] =	vst.idx.msk $0xffff, v4  }
0x355: {  	v43 =	vld.idx.msk [tilespmem:v58+s11+$0x0], $0xffff;
	_ =	sdelay $0x4  }
0x356: {  	v43 =	vadd.s32 v6, v43  }
0x357: {  	v59 =	vadd.s32 v7, v42;
	_ =	sdelay $0x3  }
0x358: {  	[tilespmem:v43+s12+$0x0] =	vst.idx.msk $0xffff, v4  }
0x359: {  	v43 =	vld.idx.msk [tilespmem:v59+s11+$0x0], $0xffff;
	_ =	sdelay $0x4  }
0x35a: {  	v43 =	vadd.s32 v8, v43  }
0x35b: {  	v42 =	vadd.s32 v9, v42;
	_ =	sdelay $0x3  }
0x35c: {  	[tilespmem:v43+s12+$0x0] =	vst.idx.msk $0xffff, v4  }
0x35d: {  	v42 =	vld.idx.msk [tilespmem:v42+s11+$0x0], $0xffff;
	_ =	sdelay $0x4  }
0x35e: {  	v42 =	vadd.s32 v10, v42  }
0x35f: {  	v42 =	vnsel vm0, $0x0, v42;
	_ =	sdelay $0x4  }
0x360: {  	[tilespmem:v42+s12+$0x0] =	vst.idx.msk $0x3, v4  }
0x361: {  	[hbm4b:s29+s11] =	stream.strided.scatter [tilespmem:s12], [sflag:$0x1], $0xC380, s13, s11, $0x38;
	[tilespmem:$0x1BB80] =	vst v63  }
0x362: {  	_ =	swait.ge [sflag:s10], $0xC380  }
0x363: {  	[sflag:s10] =	ssyncset.done $0x0  }
0x364: {  	[sflag:s10] =	ssyncadd.s32 $0xFFFF3C80  }
0x365: {  	[tilespmem:v47+s14+$0x0] =	vst.idx.msk $0xffff, v1  }
0x366: {  	[tilespmem:v48+s14+$0x0] =	vst.idx.msk $0xffff, v1  }
0x367: {  	[tilespmem:v49+s14+$0x0] =	vst.idx.msk $0xffff, v1  }
0x368: {  	[tilespmem:v46+s14+$0x0] =	vst.idx.msk $0x3, v1  }
0x369: {  	v60 =	vld.idx.msk [tilespmem:v41+s3+$0x0], $0xffff;
	_ =	sdelay $0x4  }
0x36a: {  	v42 =	vshll.u32 v60, $0x7  }
0x36b: {  	v61 =	vadd.s32 v3, v42;
	_ =	sdelay $0x4  }
0x36c: {  	v43 =	vld.idx.msk [tilespmem:v61+s11+$0x0], $0xffff;
	_ =	sdelay $0x4  }
0x36d: {  	v43 =	vadd.s32 v0, v43  }
0x36e: {  	v62 =	vadd.s32 v5, v42;
	_ =	sdelay $0x3  }
0x36f: {  	[tilespmem:v43+s14+$0x0] =	vst.idx.msk $0xffff, v4  }
0x370: {  	v43 =	vld.idx.msk [tilespmem:v62+s11+$0x0], $0xffff;
	_ =	sdelay $0x4  }
0x371: {  	v43 =	vadd.s32 v6, v43  }
0x372: {  	v63 =	vadd.s32 v7, v42;
	_ =	sdelay $0x3  }
0x373: {  	[tilespmem:v43+s14+$0x0] =	vst.idx.msk $0xffff, v4  }
0x374: {  	v43 =	vld.idx.msk [tilespmem:v63+s11+$0x0], $0xffff;
	_ =	sdelay $0x4  }
0x375: {  	v43 =	vadd.s32 v8, v43  }
0x376: {  	v42 =	vadd.s32 v9, v42;
	_ =	sdelay $0x3  }
0x377: {  	[tilespmem:v43+s14+$0x0] =	vst.idx.msk $0xffff, v4  }
0x378: {  	v42 =	vld.idx.msk [tilespmem:v42+s11+$0x0], $0xffff;
	_ =	sdelay $0x4  }
0x379: {  	v42 =	vadd.s32 v10, v42  }
0x37a: {  	v42 =	vnsel vm0, $0x0, v42;
	_ =	sdelay $0x4  }
0x37b: {  	s15 =	sadd.s32 $0x1, s15;
	[tilespmem:v42+s14+$0x0] =	vst.idx.msk $0x3, v4  }
0x37c: {  	[hbm4b:s30+s11] =	stream.strided.scatter [tilespmem:s14], [sflag:$0x2], $0xC380, s13, s11, $0x38;
	[tilespmem:$0x1BB80] =	vst v63  }
0x37d: {  	p0 =	sne.s32 s15, s31;
	_ =	swait.ge [sflag:s9], $0xC380  }
.Ltmp1:
0x37e: {  	[sflag:s9] =	ssyncset.done $0x0;
	(pc) =	sbr.rel @p0 .LBB2_1-.Ltmp1, $4  }
0x37f: {  	[sflag:s9] =	ssyncadd.s32 $0xFFFF3C80  }
0x380: {  	_ =	swait.ge [sflag:s10], $0xC380  }
0x381: {  	[sflag:s10] =	ssyncset.done $0x0  }
0x382: {  	[sflag:s10] =	ssyncadd.s32 $0xFFFF3C80  }
0x383: {  	_ =	sfence.sel $0x180000  }
0x384: {  	[bflag:$0x0] =	sbarrier.arrive $0xFFFF  }
0x385: {  	_ =	strace $0x90000047  }
0x386: {  	s0 =	stileid.u32;
	[bflag:$0x2] =	sbarrier.arrive $0xFFFF  }
0x387: {  	p0 =	sne.s32 s0, $0x0;
	s0 =	rddreg [dreg:$0x3]  }
0x388: {  	s0 =	sadd.s32 @!p0 $0x100000, s0  }
0x389: {  	[sflag:s0] =	ssyncadd.tile.s32 @!p0 $0x1;
	_ =	shalt  }
.Lfunc_end2:
_tile_overlayer_lowered:
.L_overlay_start_2:
0x38a: {  	(tag) =	ssettag $0x2  }
0x38b: {  	s0 =	rddreg [dreg:$0x0];
	s2 =	stileid.u32  }
0x38c: {  	s1 =	rddreg [dreg:$0x1];
	p0 =	sne.s32 s2, $0x0  }
0x38d: {  	s3 =	rddreg [dreg:$0x2];
	[bflag:$0x3] =	sbarrier.arrive $0xFFFF;
	s2 =	simm.s32 @!p0 $0x1C03  }
0x38e: {  	[timem:s3], [sflag:s2] =	dma.local @!p0 [hbm:s0], s1  }
0x38f: {  	s0 =	simm.s32 @!p0 $0x3  }
0x390: {  	_ =	swait.ge @!p0 [sflag:s0], s1  }
0x391: {  	s1 =	ssub.s32 @!p0 $0x0, s1;
	[sflag:s0] =	ssyncset.done @!p0 $0x0  }
0x392: {  	[sflag:s0] =	ssyncadd.s32 @!p0 s1  }
0x393: {  	[bflag:$0x3] =	sbarrier.arrive $0xFFFF  }
0x394: {  	_ =	shalt  }

// kernel: sparse-core-data-format-call.cloned.1.call-start
scs
called_computation_lowered:
.L_overlay_start_0:
0x0: {  	s2 =	sld [smem:$0x3FD9]  }
0x1: {  	s3 =	sld [smem:$0x3FFE];
	_ =	sdelay $0x1  }
0x2: {  	s1 =	srdreg.scid  }
0x3: {  	s0 =	sand.u32 $0x1, s1  }
0x4: {  	s15 =	sshll.u32 s0, $0xA;
	s2 =	sadd.s32 s3, s2  }
0x5: {  	s2 =	sadd.s32 s2, s15  }
0x6: {  	[smem:$0x3FC6] =	sst s2  }
0x7: {  	_ = 	snop  }
0x8: {  	s2 =	sld [smem:$0x3FD0];
	_ =	sdelay $0x2  }
0x9: {  	s16 =	simm.s32 $0xA;
	s4 =	simm.s32 $0x10  }
0xa: {  	[smem:s4], [sflag:s16] =	dma.local [hbm:s2], $0x1  }
0xb: {  	_ =	swait.eq [sflag:s16], $0x1  }
0xc: {  	[sflag:s16] =	ssyncset.done $0x0  }
0xd: {  	[sflag:s16] =	ssyncadd.s32 $0xFFFFFFFF  }
0xe: {  	s17 =	sld [smem:$0x10];
	(tm) =	ssettm $0x1  }
0xf: {  	s18 =	sld [smem:$0x3FFB];
	_ =	sdelay $0x3  }
0x10: {  	_ =	strace s18  }
0x11: {  	s3 =	sld [smem:$0x3FFC];
	_ =	sdelay $0x3  }
0x12: {  	_ =	strace s3  }
0x13: {  	s3 =	sld [smem:$0x3FFD];
	_ =	sdelay $0x3  }
0x14: {  	_ =	strace s3  }
0x15: {  	_ =	strace $0x8FFFFFFF  }
0x16: {  	s19 =	sld [smem:$0x3FDB];
	_ =	sdelay $0x1  }
0x17: {  	s20 =	simm.s32 $_scs_section_size  }
0x18: {  	s5 =	simm.s32 $_size__tile_overlayer_lowered;
	s6 =	simm.s32 $_tile_overlayer_lowered  }
0x19: {  	s23 =	simm.s32 $0x1BFF;
	s22 =	sshll.u32 s6, $0x1;
	s3 =	sadd.s32 s20, s19  }
0x1a: {  	s7 =	simm.s32 $0x0;
	s21 =	sshll.u32 s5, $0x1;
	s5 =	sadd.s32 s22, s3  }
0x1b: {  	[timem:s7], [sflag:s23] =	dma.local [hbm:s5], s21  }
0x1c: {  	_ =	swait.ge [sflag:s23], s21  }
0x1d: {  	s4 =	ssub.s32 $0x0, s21;
	[sflag:s23] =	ssyncset.done $0x0  }
0x1e: {  	[sflag:s23] =	ssyncadd.s32 s4;
	_ =	sdelay $0x1  }
0x1f: {  	s24 =	simm.s32 $0x1B8B  }
0x20: {  	_ =	swait.ge [sflag:s24], $0x1  }
0x21: {  	[sflag:s24] =	ssyncset.done $0x0  }
0x22: {  	s26 =	simm.s32 $0x1B8E;
	s25 =	sld [smem:$0x3FFE];
	[sflag:s24] =	ssyncadd.s32 $0xFFFFFFFF  }
0x23: {  	s27 =	simm.s32 $execute0_lowered;
	[smem:$0x3FD2] =	sst s26  }
0x24: {  	s5 =	sshll.u32 s27, $0x1;
	_ =	strace $0x80000049;
	[dreg:$0x1] =	wrdreg $0xFFFFFFFF  }
0x25: {  	s28 =	simm.s32 $_size_execute0_lowered;
	s3 =	sadd.s32 s3, s5;
	[dreg:$0x0] =	wrdreg $0x0  }
0x26: {  	s5 =	sshll.u32 s28, $0x1;
	[dreg:$0x2] =	wrdreg s3  }
0x27: {  	[dreg:$0x3] =	wrdreg s5  }
0x28: {  	[dreg:$0x4] =	wrdreg $0xC0  }
0x29: {  	_ =	task [dreg:s7], $0x5FFFF  }
0x2a: {  	[dreg:$0x1] =	wrdreg $0xFFFFFFFF  }
0x2b: {  	[dreg:$0x0] =	wrdreg $0x60  }
0x2c: {  	[dreg:$0x2] =	wrdreg s25  }
0x2d: {  	[dreg:$0x3] =	wrdreg s17  }
0x2e: {  	[dreg:$0x4] =	wrdreg $0x9  }
0x2f: {  	_ =	task.clear_ibuf [dreg:s7], $0x5FFFF;
	_ =	strace $0x90000049  }
0x30: {  	s29 =	simm.s32 $0x9;
	_ =	strace $0x8000004B  }
0x31: {  	_ =	swait.ge [sflag:s29], $0x1  }
0x32: {  	[sflag:s29] =	ssyncadd.s32 $0xFFFFFFFF  }
0x33: {  	_ =	strace $0x9000004B  }
0x34: {  	_ =	sfence  }
0x35: {  	s30 =	sld [smem:$0x0];
	_ =	sdelay $0x2  }
0x36: {  	s31 =	sshll.u32 s1, $0xD;
	s1 =	sshrl.u32 s1, $0x2  }
0x37: {  	s3 =	sand.u32 $0x4000, s31;
	s1 =	sadd.s32 s1, s30  }
0x38: {  	s0 =	sor.u32 s3, s0;
	s1 =	sshll.u32 s1, $0x11  }
0x39: {  	s0 =	sor.u32 s1, s0  }
0x3a: {  	s0 =	sadd.s32 $0x8F2B, s0  }
0x3b: {  	[sflag:s0] =	ssyncadd.remote.s32 $0x1  }
0x3c: {  	_ =	sfence.sel $0xFFFF  }
0x3d: {  	[dreg:$0x0] =	wrdreg $0xFFFFFFFF;
	(pc) =	sbr.abs _section_cstart, $3  }
0x3e: {  	[dreg:$0x1] =	wrdreg $0xFFFFFFFF  }
0x3f: {  	_ =	task.clear_ibuf [dreg:s7], $0x2FFFF;
	_ =	strace $0x9FFFFFFF  }
0x40: {  	(tm) =	ssettm $0x7FFFFFFF  }
0x41: {  	_ =	shalt  }
tec
execute0_lowered:
.L_overlay_start_1:
0x0: {  	(tag) =	ssettag $0x1  }
0x1: {  	s2 =	rddreg [dreg:$0x0]  }
0x2: {  	s3 =	rddreg [dreg:$0x1];
	s0 =	srdreg.scid;
	_ =	strace $0x8000004A  }
0x3: {  	s1 =	stileid.u32;
	s4 =	simm.s32 $0x1;
	s31 =	simm.s32 $0x2  }
0x4: {  	s16 =	simm.s32 $0x0;
	p0 =	por $0x0, $0x0;
	s6 =	simm.s32 $0x4000  }
0x5: {  	s18 =	simm.s32 $0x0;
	s17 =	simm.s32 $0x0;
	s19 =	simm.s32 $0x0  }
.Ltmp0:
0x6: {  	s7 =	simm.s32 $0x0;
	s8 =	simm.s32 $0x0;
	(pc) =	sbr.rel .LBB1_1-.Ltmp0, $4  }
0x7: {  	s10 =	simm.s32 $0x0;
	s11 =	simm.s32 $0x0;
	s0 =	sshll.u32 s0, $0x4  }
0x8: {  	s12 =	simm.s32 $0x0;
	s13 =	simm.s32 $0x0;
	s0 =	sand.u32 $0x10, s0  }
0x9: {  	s14 =	simm.s32 $0x0;
	[sflag:s4] =	ssyncpa.u1 $0x0;
	s5 =	sor.u32 s1, s0  }
0xa: {  	s9 =	simm.s32 $0x0;
	[sflag:s31] =	ssyncpa.u1 $0x0;
	s15 =	smov.u32 s5  }
.LBB1_7:
0xb: {  	p1 =	slt.u32 s9, $0x2;
	s0 =	smov.u32 s19  }
0xc: {  	s20 =	sadd.s32 $0x100, s12;
	s21 =	smov.u32 s13;
	p2 =	sgt.s32 @!p1 s19, $0x3F  }
0xd: {  	s22 =	smov.u32 s14;
	s1 =	sshra.s32 @!p1 s19, $0x1F;
	p2 =	por !p2, p1  }
0xe: {  	s23 =	smov.u32 s15;
	s1 =	sand.u32 @!p1 s1, s19;
	s0 =	simm.s32 @p2 $0x3F  }
0xf: {  	s9 =	sadd.s32 $0x1, s9;
	p3 =	sgt.s32 @!p1 s18, $0x2A;
	s0 =	ssub.s32 @!p1 s0, s1  }
0x10: {  	p0 =	por !p0, !p0;
	p3 =	por !p3, p1;
	s1 =	sadd.s32 @!p1 $0xFFFFFFC1, s0  }
0x11: {  	s19 =	sshra.s32 @!p1 s18, $0x1F;
	s0 =	ssub.s32 @!p1 $0x40, s0;
	p2 =	sgt.s32 @!p1 s1, $0x0  }
0x12: {  	s1 =	smov.u32 s18;
	s18 =	sand.u32 @!p1 s19, s18;
	s19 =	sshra.s32 @!p1 s17, $0x1F  }
0x13: {  	p2 =	por !p2, p1;
	s1 =	simm.s32 @p3 $0x2A;
	p3 =	sgt.s32 @!p1 s17, $0x8  }
0x14: {  	s1 =	ssub.s32 @!p1 s1, s18;
	p3 =	por !p3, p1;
	s18 =	smov.u32 s17  }
0x15: {  	s0 =	simm.s32 @!p2 $0x0;
	s17 =	sand.u32 @!p1 s19, s17;
	p2 =	sgt.s32 @!p1 s16, $0x300  }
0x16: {  	s18 =	simm.s32 @p3 $0x8;
	s19 =	sadd.s32 @!p1 $0xFFFFFFD6, s1;
	p2 =	por !p2, p1  }
0x17: {  	s17 =	ssub.s32 @!p1 s18, s17;
	p3 =	sgt.s32 @!p1 s19, $0x7;
	s19 =	smov.u32 s16  }
0x18: {  	s1 =	ssub.s32 @!p1 $0x32, s1;
	s18 =	sadd.s32 @!p1 $0xFFFFFFF8, s17;
	s19 =	simm.s32 @p2 $0x300  }
0x19: {  	p3 =	por !p3, p1;
	p2 =	sgt.s32 @!p1 s18, $0x7;
	s18 =	sshra.s32 @!p1 s16, $0x1F  }
0x1a: {  	s17 =	ssub.s32 @!p1 $0x10, s17;
	s16 =	sand.u32 @!p1 s18, s16;
	p2 =	por !p2, p1  }
0x1b: {  	s1 =	simm.s32 @!p3 $0x0;
	s16 =	ssub.s32 @!p1 s19, s16;
	s17 =	simm.s32 @!p2 $0x0  }
0x1c: {  	p3 =	sgt.s32 s20, $0x3E7;
	s18 =	sadd.s32 @!p1 $0xFFFFFD00, s16;
	s0 =	smul.u32 @!p1 s0, s17  }
0x1d: {  	s16 =	ssub.s32 @!p1 $0x400, s16;
	s17 =	sadd.s32 $0x8, s13;
	p2 =	sgt.s32 @!p1 s18, $0xFF  }
0x1e: {  	s21 =	smov.u32 @p3 s17;
	p2 =	por !p2, p1;
	s0 =	smul.u32 @!p1 s1, s0  }
0x1f: {  	s1 =	sadd.s32 $0x8, s14;
	s16 =	simm.s32 @!p2 $0x0;
	p2 =	sgt.s32 s21, $0x31  }
0x20: {  	s20 =	simm.s32 @p3 $0x0;
	s19 =	smov.u32 s11;
	s22 =	smov.u32 @p2 s1  }
0x21: {  	s11 =	smov.u32 s15;
	s1 =	sadd.s32 $0x20, s15;
	p3 =	sgt.s32 s22, $0xF  }
0x22: {  	s18 =	smov.u32 s8;
	s17 =	smov.u32 s10;
	s23 =	smov.u32 @p3 s1  }
0x23: {  	s8 =	smov.u32 s13;
	s21 =	simm.s32 @p2 $0x0;
	p2 =	sgt.s32 s23, $0x3F  }
0x24: {  	s0 =	smul.u32 @!p1 s16, s0;
	s23 =	smov.u32 @p2 s5;
	p2 =	sne.s32 s9, $0x72  }
.Ltmp1:
0x25: {  	s10 =	smov.u32 s14;
	s16 =	smov.u32 s7;
	(pc) =	sbr.rel @!p2 .LBB1_8-.Ltmp1, $4  }
0x26: {  	s7 =	smov.u32 s12;
	s0 =	sand.u32 @!p1 $0x3FFFFFFF, s0;
	s1 =	simm.s32 @!p1 $0x2  }
0x27: {  	s12 =	smov.u32 s20;
	s13 =	smov.u32 s21;
	_ =	swait.ge @!p1 [sflag:s1], s0  }
0x28: {  	s22 =	simm.s32 @p3 $0x0;
	s0 =	ssub.s32 @!p1 $0x0, s0;
	[sflag:s1] =	ssyncset.done @!p1 $0x0  }
0x29: {  	s14 =	smov.u32 s22;
	[sflag:s1] =	ssyncadd.s32 @!p1 s0;
	s15 =	smov.u32 s23  }
.LBB1_1:
0x2a: {  	p1 =	sgt.u32 s9, $0x6F  }
0x2b: {  	s0 =	sshll.u32 @!p1 s13, $0xA  }
0x2c: {  	s1 =	sshll.u32 @!p1 s12, $0x3;
	s0 =	sand.u32 @!p1 $0xFFFFE000, s0  }
0x2d: {  	s0 =	sadd.s32 @!p1 s0, s1  }
0x2e: {  	s0 =	sshrl.u32 @!p1 s0, $0xA  }
0x2f: {  	s1 =	smulhi.u32 @!p1 $0x4924925, s0  }
0x30: {  	s20 =	sxor.u32 @!p1 $0xFFFFFFFF, s9;
	s21 =	sshll.u32 @!p1 s13, $0x7;
	s23 =	smul.u32 @!p1 $0x1C000, s15  }
0x31: {  	s22 =	sand.u32 @!p1 $0x78, s12;
	s21 =	sand.u32 @!p1 $0x380, s21;
	s1 =	smul.u32 @!p1 $0x38, s1  }
0x32: {  	s20 =	sshll.u32 @!p1 s20, $0xE;
	s21 =	sor.u32 @!p1 s22, s21;
	s22 =	smul.u32 @!p1 $0x1C00, s14  }
0x33: {  	s0 =	ssub.s32 @!p1 s0, s1;
	s1 =	sand.u32 @!p1 $0x4000, s20;
	s20 =	sadd.s32 @!p1 s2, s23  }
0x34: {  	s21 =	sshrl.u32 @!p1 s21, $0x3;
	s20 =	sadd.s32 @!p1 s22, s20;
	s22 =	sand.u32 @!p1 $0x7, s12  }
0x35: {  	s0 =	sshll.u32 @!p1 s0, $0x7;
	s20 =	sadd.s32 @!p1 s21, s20;
	s21 =	sshll.u32 @!p1 s22, $0x12  }
0x36: {  	s0 =	sadd.s32 @!p1 s0, s20;
	s20 =	sor.u32 @!p1 $0x800, s21;
	s21 =	simm.s32 @!p1 $0xE000  }
0x37: {  	[tilespmem:s1], [sflag:$0x1] =	stream.strided.gather @!p1 [hbm4b:s0+s20], $0x4000, s21, s20, $0x38;
	[tilespmem:$0x10000] =	vst v63  }
0x38: {  	p1 =	seq.s32 s9, $0x0  }
0x39: {  	p2 =	seq.s32 @!p1 s9, $0x71  }
0x3a: {  	p1 =	por p1, p2  }
.Ltmp2:
0x3b: {  	_ = 	snop;
	(pc) =	sbr.rel @p1 .LBB1_7-.Ltmp2, $1  }
0x3c: {  	_ =	sdelay $0x3  }
0x3d: {  	s0 =	simm.s32 $0x1;
	_ =	swait.ge [sflag:s4], $0x4000  }
0x3e: {  	s1 =	sshll.u32 s9, $0xE;
	s25 =	simm.s32 $0x0;
	p1 =	por $0x0, $0x0  }
0x3f: {  	s26 =	simm.s32 $0x0;
	s27 =	simm.s32 $0x0;
	s0 =	simm.s32 @!p0 $0x0  }
0x40: {  	[sflag:s4] =	ssyncset.done $0x0;
	s23 =	sand.u32 $0x4000, s1;
	s0 =	sshll.u32 s0, $0x10  }
0x41: {  	[sflag:s4] =	ssyncadd.s32 $0xFFFFC000;
	s20 =	sor.u32 $0x8000, s23;
	s0 =	sshrl.u32 s0, $0x2  }
0x42: {  	s21 =	sor.u32 $0x40, s0;
	s22 =	sor.u32 $0x8410, s0;
	s24 =	sadd.s32 $0x8400, s0  }
.LBB1_3:
0x43: {  	v1 =	vld [tilespmem:s21+$0xFFFFFFD0]  }
0x44: {  	v2 =	vld [tilespmem:s21+$0x430]  }
0x45: {  	s0 =	sshll.u32 s27, $0xB;
	v4 =	vld [tilespmem:s21+$0xFFFFFFE0]  }
0x46: {  	v7 =	vld [tilespmem:s21+$0xFFFFFFF0];
	v0 =	vmov s0  }
0x47: {  	v8 =	vld [tilespmem:s21+$0x0]  }
0x48: {  	v9 =	vld [tilespmem:s21+$0x10];
	s0 =	sand.u32 $0x300, s25  }
0x49: {  	s1 =	sand.u32 $0x80, s25;
	v10 =	vld [tilespmem:s21+$0x20];
	s0 =	sadd.s32 s0, s23  }
0x4a: {  	v11 =	vld [tilespmem:s21+$0x30];
	s0 =	sadd.s32 s1, s0;
	s1 =	simm.s32 $0x1;
	[tilespmem:s22+$0x60] =	vst v2  }
0x4b: {  	s1 =	simm.s32 @!p1 $0x0;
	[tilespmem:s22+$0xFFFFFC00] =	vst v1;
	v3 =	vld.idx.msk [tilespmem:v0+s0+$0x400 ss:$0x1], $0xffff;
	s0 =	sshll.u32 s26, $0x2  }
0x4c: {  	v6 =	vld [tilespmem:s21+$0x3D0];
	s1 =	sshll.u32 s1, $0x9;
	[tilespmem:s22+$0xFFFFFC10] =	vst v4;
	s0 =	sand.u32 $0xFFFFFC00, s0  }
0x4d: {  	v5 =	vld [tilespmem:s21+$0x3E0];
	[tilespmem:s22+$0xFFFFFC20] =	vst v7;
	s0 =	sor.u32 s1, s0  }
0x4e: {  	[tilespmem:s22+$0xFFFFFC30] =	vst v8;
	v4 =	vld [tilespmem:s21+$0x400];
	s0 =	sshrl.u32 s0, $0x2  }
0x4f: {  	[tilespmem:s22+$0xFFFFFC40] =	vst v9;
	v1 =	vld [tilespmem:s21+$0x410];
	s28 =	sadd.s32 s0, s24  }
0x50: {  	[tilespmem:s28+$0x0] =	vst v3;
	v3 =	vld [tilespmem:s21+$0x3F0]  }
0x51: {  	s31 =	simm.s32 $0x100;
	[tilespmem:s22+$0xFFFFFC50] =	vst v10;
	v2 =	vld [tilespmem:s21+$0x420];
	s0 =	simm.s32 $0x80  }
0x52: {  	s29 =	sadd.s32 $0x80, s21;
	s30 =	smov.u32 s22;
	v7 =	vld [tilespmem:s21+$0xFFFFFFC0];
	[tilespmem:s22+$0xFFFFFC60] =	vst v11;
	s1 =	sand.u32 $0x300, s0  }
.LBB1_4:
0x53: {  	p2 =	sne.s32 s31, $0x380;
	v8 =	vld [tilespmem:s29+$0xFFFFFFD0];
	s0 =	sand.u32 $0x80, s0;
	s1 =	sadd.s32 s1, s23;
	[tilespmem:s30+$0x0] =	vst v6  }
0x54: {  	s1 =	sadd.s32 s0, s1;
	v6 =	vld [tilespmem:s29+$0x430];
	[tilespmem:s30+$0x10] =	vst v5;
	s0 =	smov.u32 s31  }
0x55: {  	v5 =	vld.idx.msk [tilespmem:v0+s1+$0x400 ss:$0x1], $0xffff;
	[tilespmem:s30+$0x20] =	vst v3  }
0x56: {  	v3 =	vld [tilespmem:s29+$0xFFFFFFE0];
	[tilespmem:s30+$0x30] =	vst v4  }
0x57: {  	v4 =	vld [tilespmem:s29+$0xFFFFFFF0];
	[tilespmem:s30+$0xFFFFFBF0] =	vst v7  }
0x58: {  	v7 =	vld [tilespmem:s29+$0x0];
	[tilespmem:s30+$0x40] =	vst v1  }
0x59: {  	v1 =	vld [tilespmem:s29+$0x10];
	[tilespmem:s30+$0x50] =	vst v2;
	s30 =	sadd.s32 $0x800, s30  }
0x5a: {  	s28 =	sadd.s32 $0x800, s28;
	v2 =	vld [tilespmem:s29+$0x20];
	[tilespmem:s30+$0x60] =	vst v6  }
0x5b: {  	v9 =	vld [tilespmem:s29+$0x30];
	[tilespmem:s28+$0x0] =	vst v5  }
0x5c: {  	[tilespmem:s30+$0xFFFFFC00] =	vst v8;
	v6 =	vld [tilespmem:s29+$0x3D0]  }
0x5d: {  	[tilespmem:s30+$0xFFFFFC10] =	vst v3;
	v5 =	vld [tilespmem:s29+$0x3E0]  }
.Ltmp3:
0x5e: {  	[tilespmem:s30+$0xFFFFFC20] =	vst v4;
	v3 =	vld [tilespmem:s29+$0x3F0];
	(pc) =	sbr.rel @p2 .LBB1_4-.Ltmp3, $4  }
0x5f: {  	[tilespmem:s30+$0xFFFFFC30] =	vst v7;
	v4 =	vld [tilespmem:s29+$0x400]  }
0x60: {  	[tilespmem:s30+$0xFFFFFC40] =	vst v1;
	v1 =	vld [tilespmem:s29+$0x410]  }
0x61: {  	[tilespmem:s30+$0xFFFFFC50] =	vst v2;
	v2 =	vld [tilespmem:s29+$0x420]  }
0x62: {  	s31 =	sadd.s32 $0x80, s31;
	s1 =	sand.u32 $0x300, s0;
	v7 =	vld [tilespmem:s29+$0xFFFFFFC0];
	[tilespmem:s30+$0xFFFFFC60] =	vst v9;
	s29 =	sadd.s32 $0x80, s29  }
0x63: {  	[tilespmem:s30+$0x0] =	vst v6  }
0x64: {  	[tilespmem:s30+$0x10] =	vst v5  }
0x65: {  	v49 =	vld [tilespmem:s29+$0x430];
	[tilespmem:s30+$0x20] =	vst v3  }
0x66: {  	v50 =	vld [tilespmem:s29+$0xFFFFFFD0];
	[tilespmem:s30+$0x30] =	vst v4  }
0x67: {  	v51 =	vld [tilespmem:s29+$0xFFFFFFE0];
	[tilespmem:s30+$0x40] =	vst v1  }
0x68: {  	v52 =	vld [tilespmem:s29+$0xFFFFFFF0];
	[tilespmem:s30+$0x50] =	vst v2  }
0x69: {  	v53 =	vld [tilespmem:s29+$0x0];
	[tilespmem:s30+$0xFFFFFBF0] =	vst v7;
	s30 =	sadd.s32 $0x800, s30  }
0x6a: {  	v54 =	vld [tilespmem:s29+$0x10];
	[tilespmem:s30+$0x60] =	vst v49  }
0x6b: {  	v55 =	vld [tilespmem:s29+$0x20];
	[tilespmem:s30+$0xFFFFFC00] =	vst v50  }
0x6c: {  	v56 =	vld [tilespmem:s29+$0x30];
	[tilespmem:s30+$0xFFFFFC10] =	vst v51  }
0x6d: {  	v57 =	vld [tilespmem:s29+$0x3D0];
	[tilespmem:s30+$0xFFFFFC20] =	vst v52  }
0x6e: {  	v58 =	vld [tilespmem:s29+$0x3E0];
	[tilespmem:s30+$0xFFFFFC30] =	vst v53  }
0x6f: {  	v59 =	vld [tilespmem:s29+$0x3F0];
	[tilespmem:s30+$0xFFFFFC40] =	vst v54  }
0x70: {  	v60 =	vld [tilespmem:s29+$0x400];
	[tilespmem:s30+$0xFFFFFC50] =	vst v55  }
0x71: {  	v61 =	vld [tilespmem:s29+$0xFFFFFFC0];
	[tilespmem:s30+$0xFFFFFC60] =	vst v56  }
0x72: {  	s0 =	sand.u32 $0x80, s0;
	s1 =	sadd.s32 s1, s23;
	v62 =	vld [tilespmem:s29+$0x410];
	[tilespmem:s30+$0x0] =	vst v57  }
0x73: {  	v63 =	vld [tilespmem:s29+$0x420];
	s27 =	sadd.s32 $0x1, s27;
	s0 =	sadd.s32 s0, s1;
	[tilespmem:s30+$0x10] =	vst v58  }
0x74: {  	p2 =	sne.s32 s27, $0x8;
	v0 =	vld.idx.msk [tilespmem:v0+s0+$0x400 ss:$0x1], $0xffff;
	[tilespmem:s30+$0x20] =	vst v59  }
.Ltmp4:
0x75: {  	[tilespmem:s30+$0x30] =	vst v60;
	(pc) =	sbr.rel @p2 .LBB1_3-.Ltmp4, $4  }
0x76: {  	[tilespmem:s30+$0xFFFFFBF0] =	vst v61  }
0x77: {  	[tilespmem:s30+$0x40] =	vst v62  }
0x78: {  	s31 =	sadd.s32 $0x800, s28;
	s21 =	sadd.s32 $0x800, s21;
	[tilespmem:s30+$0x50] =	vst v63  }
0x79: {  	s26 =	sadd.s32 $0x80, s26;
	p1 =	por !p1, !p1;
	s22 =	sadd.s32 $0x80, s22;
	[tilespmem:s31+$0x0] =	vst v0  }
0x7a: {  	p1 =	sgt.s32 s11, $0x3F;
	s0 =	smov.u32 s11  }
0x7b: {  	s1 =	sshra.s32 s11, $0x1F;
	s21 =	sand.u32 $0x78, s7;
	s22 =	sshra.s32 s10, $0x1F  }
0x7c: {  	s23 =	sshll.u32 s10, $0x7;
	s0 =	simm.s32 @!p1 $0x3F;
	s1 =	sand.u32 s1, s11  }
0x7d: {  	s24 =	smov.u32 s8;
	s25 =	sshra.s32 s8, $0x1F;
	s0 =	ssub.s32 s0, s1  }
0x7e: {  	s30 =	sshra.s32 s7, $0x1F;
	s27 =	sshll.u32 s8, $0xB;
	s1 =	sadd.s32 $0xFFFFFFC1, s0  }
0x7f: {  	s22 =	sand.u32 s22, s10;
	s0 =	ssub.s32 $0x40, s0;
	p1 =	sgt.s32 s1, $0x0  }
0x80: {  	s1 =	smov.u32 s10;
	s0 =	simm.s32 @p1 $0x0;
	p1 =	sgt.s32 s10, $0x8  }
0x81: {  	s28 =	sand.u32 s25, s8;
	s25 =	smov.u32 s7;
	s1 =	simm.s32 @!p1 $0x8  }
0x82: {  	s31 =	sand.u32 $0x380, s23;
	p1 =	sgt.s32 s8, $0x2A;
	s1 =	ssub.s32 s1, s22  }
0x83: {  	s23 =	sand.u32 $0x400, s23;
	s24 =	simm.s32 @!p1 $0x2A;
	s29 =	sadd.s32 $0xFFFFFFF8, s1  }
0x84: {  	s22 =	ssub.s32 s24, s28;
	s1 =	ssub.s32 $0x10, s1;
	p1 =	sgt.s32 s29, $0x7  }
0x85: {  	s24 =	sadd.s32 $0xFFFFFFD6, s22;
	s1 =	simm.s32 @p1 $0x0;
	p1 =	sgt.s32 s7, $0x300  }
0x86: {  	s25 =	simm.s32 @!p1 $0x300;
	p1 =	sgt.s32 s24, $0x7;
	s24 =	sand.u32 s30, s7  }
0x87: {  	s26 =	sadd.s32 s7, s23;
	s22 =	ssub.s32 $0x32, s22;
	s24 =	ssub.s32 s25, s24  }
0x88: {  	s29 =	sand.u32 $0x7, s7;
	s0 =	smul.u32 s0, s1;
	s25 =	sadd.s32 $0xFFFFFD00, s24  }
0x89: {  	s22 =	simm.s32 @p1 $0x0;
	p1 =	sgt.s32 s25, $0xFF;
	s25 =	smul.u32 $0x19000, s11  }
0x8a: {  	s1 =	sor.u32 s31, s21;
	s0 =	smul.u32 s22, s0;
	s22 =	ssub.s32 $0x400, s24  }
.Ltmp5:
0x8b: {  	s22 =	simm.s32 @p1 $0x0;
	s28 =	sadd.s32 s3, s25;
	(pc) =	sbr.rel .LBB1_7-.Ltmp5, $4  }
0x8c: {  	s1 =	sshrl.u32 s1, $0x3;
	s0 =	smul.u32 s22, s0;
	s22 =	sadd.s32 s27, s28  }
0x8d: {  	s21 =	sand.u32 $0x780, s26;
	s30 =	sshll.u32 s29, $0x12;
	s1 =	sadd.s32 s1, s22  }
0x8e: {  	s31 =	sor.u32 $0x800, s30;
	s0 =	sand.u32 $0x3FFFFFFF, s0;
	s1 =	sadd.s32 s21, s1  }
0x8f: {  	[hbm4b:s1+s31] =	stream.strided.scatter [tilespmem:s20], [sflag:$0x2], s0, s6, s31, $0x38;
	[tilespmem:$0x10000] =	vst v63  }
.LBB1_8:
0x90: {  	_ =	sfence.sel $0x180000  }
0x91: {  	s0 =	simm.s32 $0x1;
	[bflag:$0x0] =	sbarrier.arrive $0xFFFF  }
0x92: {  	s30 =	simm.s32 $0x2;
	[sflag:s0] =	ssyncpa.u1 $0x1  }
0x93: {  	[sflag:s30] =	ssyncpa.u1 $0x1  }
0x94: {  	_ =	strace $0x9000004A  }
0x95: {  	s31 =	stileid.u32;
	[bflag:$0x2] =	sbarrier.arrive $0xFFFF  }
0x96: {  	p0 =	sne.s32 s31, $0x0;
	s0 =	rddreg [dreg:$0x2]  }
0x97: {  	s0 =	sadd.s32 @!p0 $0x100000, s0  }
0x98: {  	[sflag:s0] =	ssyncadd.tile.s32 @!p0 $0x1;
	_ =	shalt  }
.Lfunc_end1:
_tile_overlayer_lowered:
.L_overlay_start_2:
0x99: {  	(tag) =	ssettag $0x2  }
0x9a: {  	s0 =	rddreg [dreg:$0x0];
	s2 =	stileid.u32  }
0x9b: {  	s1 =	rddreg [dreg:$0x1];
	p0 =	sne.s32 s2, $0x0  }
0x9c: {  	s3 =	rddreg [dreg:$0x2];
	[bflag:$0x3] =	sbarrier.arrive $0xFFFF;
	s2 =	simm.s32 @!p0 $0x1C01  }
0x9d: {  	[timem:s3], [sflag:s2] =	dma.local @!p0 [hbm:s0], s1  }
0x9e: {  	s0 =	simm.s32 @!p0 $0x1  }
0x9f: {  	_ =	swait.ge @!p0 [sflag:s0], s1  }
0xa0: {  	s1 =	ssub.s32 @!p0 $0x0, s1;
	[sflag:s0] =	ssyncset.done @!p0 $0x0  }
0xa1: {  	[sflag:s0] =	ssyncadd.s32 @!p0 s1  }
0xa2: {  	[bflag:$0x3] =	sbarrier.arrive $0xFFFF  }
0xa3: {  	_ =	shalt  }

</sc_bundles>
